<compile_context>
chip_gen: v7x
topology: tpu7x:2x2x1
jax: 0.10.2.dev20260603
libtpu: 0.0.44.dev20260713+nightly
codegen_flags: <defaults>
</compile_context>

<pallas_src>
import functools

import jax
import jax.numpy as jnp
from jax import lax
from jax.experimental import pallas as pl
from jax.experimental.pallas import tpu as pltpu
from jax.experimental.pallas import tpu_sc as plsc

N_NODES = 10000
N_EDGES = 320000
HIDDEN = 64
D_OUT = 128

NUM_CORES = 2
NUM_SUBCORES = 16
LANES = 16
NUM_WORKERS = NUM_CORES * NUM_SUBCORES
EDGES_PER_WORKER = N_EDGES // NUM_WORKERS

MASKED_VALUE = 100000.0

_sc_mesh = plsc.VectorSubcoreMesh(core_axis_name="c", subcore_axis_name="s")


@functools.partial(
    pl.kernel,
    mesh=_sc_mesh,
    out_type=jax.ShapeDtypeStruct((N_EDGES,), jnp.float32),
    scratch_types=[
        pltpu.VMEM((N_NODES,), jnp.int32),
        pltpu.VMEM((EDGES_PER_WORKER,), jnp.int32),
        pltpu.VMEM((EDGES_PER_WORKER,), jnp.int32),
        pltpu.VMEM((EDGES_PER_WORKER,), jnp.float32),
    ],
    compiler_params=pltpu.CompilerParams(
        needs_layout_passes=False, use_tc_tiling_on_sc=False),
)
def _relpos_sc(ei_hbm, seg_hbm, x_hbm, seg_v, src_v, dst_v, x_v):
    wid = lax.axis_index("s") * NUM_CORES + lax.axis_index("c")
    base = wid * EDGES_PER_WORKER
    pltpu.sync_copy(seg_hbm, seg_v)
    pltpu.sync_copy(ei_hbm.at[0, pl.ds(base, EDGES_PER_WORKER)], src_v)
    pltpu.sync_copy(ei_hbm.at[1, pl.ds(base, EDGES_PER_WORKER)], dst_v)

    def body(i):
        sl = pl.ds(i * LANES, LANES)
        s = src_v[sl]
        d = dst_v[sl]
        seg_s = plsc.load_gather(seg_v, [s])
        seg_d = plsc.load_gather(seg_v, [d])
        rel = (s - d).astype(jnp.float32)
        x_v[sl] = jnp.where(seg_s == seg_d, rel, MASKED_VALUE)

    plsc.parallel_loop(0, EDGES_PER_WORKER // LANES, 1, unroll=16)(body)
    pltpu.sync_copy(x_v, x_hbm.at[pl.ds(base, EDGES_PER_WORKER)])


BLOCK_E = 16000
COL_ROWS = 128
COLS_PER_BLOCK = BLOCK_E // COL_ROWS


def _mlp_body(xt_ref, w1_ref, b1_ref, w2_ref, b2_ref, out_ref):
    w1 = w1_ref[...]
    b1 = b1_ref[...]
    w2 = w2_ref[...]
    b2 = b2_ref[...]
    for r in range(COLS_PER_BLOCK):
        col = xt_ref[0, :, r:r + 1]
        h = col * w1 + b1
        h = h * (1.0 / (1.0 + jnp.exp(-h)))
        out_ref[r * COL_ROWS:(r + 1) * COL_ROWS, :] = (
            jnp.dot(h, w2, preferred_element_type=jnp.float32) + b2
        )


def kernel(segment, edge_index, W1, b1, W2, b2):
    seg = segment.reshape(-1)
    x = _relpos_sc(edge_index, seg)
    xt = x.reshape(
        N_EDGES // BLOCK_E, COLS_PER_BLOCK, COL_ROWS).transpose(0, 2, 1)
    out = pl.pallas_call(
        _mlp_body,
        grid=(N_EDGES // BLOCK_E,),
        in_specs=[
            pl.BlockSpec((1, COL_ROWS, COLS_PER_BLOCK), lambda i: (i, 0, 0)),
            pl.BlockSpec((1, HIDDEN), lambda i: (0, 0)),
            pl.BlockSpec((1, HIDDEN), lambda i: (0, 0)),
            pl.BlockSpec((HIDDEN, D_OUT), lambda i: (0, 0)),
            pl.BlockSpec((1, D_OUT), lambda i: (0, 0)),
        ],
        out_specs=pl.BlockSpec((BLOCK_E, D_OUT), lambda i: (i, 0)),
        out_shape=jax.ShapeDtypeStruct((N_EDGES, D_OUT), jnp.float32),
        compiler_params=pltpu.CompilerParams(
            dimension_semantics=("arbitrary",),
        ),
    )(xt, W1, b1.reshape(1, HIDDEN), W2, b2.reshape(1, D_OUT))
    return out

# --- scband reference (transcript-rebuilt; emitter-appended) ---
"""Pipeline reference for scband-relative-position-encoding-9509057593776 (READ-ONLY COPY).

The authoritative reference and input builder live on the scoring server;
editing this copy changes nothing except your own understanding.
"""

import jax, jax.numpy as jnp
import numpy as np

N_NODES = 10000
N_EDGES = 320000
HIDDEN = 64
D_OUT = 128


def setup_inputs(seed: int = 0) -> dict:
    key = jax.random.key(seed)
    k1, k2, k3, k4, k5, k6 = jax.random.split(key, 6)
    segment = jax.random.randint(k1, (N_NODES, 1), 0, 16, dtype=jnp.int32)
    edge_index = jax.random.randint(k2, (2, N_EDGES), 0, N_NODES, dtype=jnp.int32)
    W1 = jax.random.normal(k3, (1, HIDDEN), dtype=jnp.float32) * (1.0 / np.sqrt(1.0))
    b1 = jnp.zeros((HIDDEN,), dtype=jnp.float32)
    W2 = jax.random.normal(k4, (HIDDEN, D_OUT), dtype=jnp.float32) * (1.0 / np.sqrt(HIDDEN))
    b2 = jnp.zeros((D_OUT,), dtype=jnp.float32)
    return {"segment": segment, "edge_index": edge_index, "W1": W1, "b1": b1, "W2": W2, "b2": b2}


def reference(segment, edge_index, W1, b1, W2, b2):
    # relative node-index position along the chain
    src = edge_index[0]
    dst = edge_index[1]
    relative_pos = (src - dst).astype(jnp.float32)
    # mask: both endpoints in the same segment (gather on segment ids)
    seg_src = jnp.take(segment, src, axis=0)  # [E, 1]
    seg_dst = jnp.take(segment, dst, axis=0)  # [E, 1]
    mask = (seg_src == seg_dst).astype(jnp.float32)  # [E, 1]
    relative_pos = mask * relative_pos.reshape(-1, 1) + (1.0 - mask) * 100000.0  # [E, 1]
    # radial encoding: scalar (1x0e) -> D_OUT scalars via MLP with SiLU
    h = relative_pos @ W1 + b1
    h = jax.nn.silu(h)
    output = h @ W2 + b2  # [E, D_OUT]
    return output

if __name__ == "__main__":
    import jax
    _d = setup_inputs()
    print(jax.jit(kernel)(*tuple(_d.values())))

</pallas_src>

<mosaic_0001>
#map = affine_map<(d0, d1) -> (0, 0)>
#map1 = affine_map<(d0, d1) -> (0)>
module attributes {stable_mosaic.version = 14 : i64} {
  func.func @_relpos_sc(%arg0: i32, %arg1: i32, %arg2: memref<2x320000xi32, #tpu.memory_space<hbm>>, %arg3: memref<10000xi32, #tpu.memory_space<hbm>>, %arg4: memref<320000xf32, #tpu.memory_space<hbm>>, %arg5: memref<10000xi32, #tpu.memory_space<vmem>>, %arg6: memref<10000xi32, #tpu.memory_space<vmem>>, %arg7: memref<10000xi32, #tpu.memory_space<vmem>>, %arg8: memref<10000xf32, #tpu.memory_space<vmem>>) attributes {dimension_semantics = [#tpu.dimension_semantics<core_parallel>, #tpu.dimension_semantics<subcore_parallel>], iteration_bounds = array<i64: 2, 16>, scalar_prefetch = 0 : i64, scratch_operands = 4 : i64, tpu.core_type = #tpu.core_type<sc_vector_subcore>, window_params = [{transform_indices = #map}, {transform_indices = #map1}, {transform_indices = #map1}]} {
    %mul3A = arith.constant 2 : i32
    %mul3A_0 = arith.muli %arg1, %mul3A : i32
    %add3A = arith.addi %mul3A_0, %arg0 : i32
    %mul3A_1 = arith.constant 10000 : i32
    %mul3A_2 = arith.muli %add3A, %mul3A_1 : i32
    "tpu.region"() ({
      %run_scoped3A_6 = tpu.sem_alloc : memref<!tpu.dma_semaphore, #tpu.memory_space<semaphore_mem>>
      tpu.enqueue_dma source(%arg3 : memref<10000xi32, #tpu.memory_space<hbm>>) target(%arg5 : memref<10000xi32, #tpu.memory_space<vmem>>) target_semaphore(%run_scoped3A_6 : memref<!tpu.dma_semaphore, #tpu.memory_space<semaphore_mem>>)
      tpu.wait_dma2 semaphore(%run_scoped3A_6 : memref<!tpu.dma_semaphore, #tpu.memory_space<semaphore_mem>>) src(%arg3 : memref<10000xi32, #tpu.memory_space<hbm>>) dst(%arg5 : memref<10000xi32, #tpu.memory_space<vmem>>)
      tpu.yield
    }) : () -> ()
    %run_scoped3A = arith.constant 0 : i32
    "tpu.region"() ({
      %run_scoped3A_6 = tpu.sem_alloc : memref<!tpu.dma_semaphore, #tpu.memory_space<semaphore_mem>>
      %dma_start3A = tpu.memref_slice %arg2[%run_scoped3A, %mul3A_2] : memref<2x320000xi32, #tpu.memory_space<hbm>> -> memref<1x10000xi32, #tpu.memory_space<hbm>>
      %dma_start3A_7 = tpu.memref_squeeze %dma_start3A : memref<1x10000xi32, #tpu.memory_space<hbm>> -> memref<10000xi32, #tpu.memory_space<hbm>>
      %dma_start3A_8 = tpu.memref_slice %arg2[%run_scoped3A, %mul3A_2] : memref<2x320000xi32, #tpu.memory_space<hbm>> -> memref<1x10000xi32, #tpu.memory_space<hbm>>
      %dma_start3A_9 = tpu.memref_squeeze %dma_start3A_8 : memref<1x10000xi32, #tpu.memory_space<hbm>> -> memref<10000xi32, #tpu.memory_space<hbm>>
      tpu.enqueue_dma source(%dma_start3A_9 : memref<10000xi32, #tpu.memory_space<hbm>>) target(%arg6 : memref<10000xi32, #tpu.memory_space<vmem>>) target_semaphore(%run_scoped3A_6 : memref<!tpu.dma_semaphore, #tpu.memory_space<semaphore_mem>>)
      %dma_wait3A = tpu.memref_slice %arg2[%run_scoped3A, %mul3A_2] : memref<2x320000xi32, #tpu.memory_space<hbm>> -> memref<1x10000xi32, #tpu.memory_space<hbm>>
      %dma_wait3A_10 = tpu.memref_squeeze %dma_wait3A : memref<1x10000xi32, #tpu.memory_space<hbm>> -> memref<10000xi32, #tpu.memory_space<hbm>>
      %dma_wait3A_11 = tpu.memref_slice %arg2[%run_scoped3A, %mul3A_2] : memref<2x320000xi32, #tpu.memory_space<hbm>> -> memref<1x10000xi32, #tpu.memory_space<hbm>>
      %dma_wait3A_12 = tpu.memref_squeeze %dma_wait3A_11 : memref<1x10000xi32, #tpu.memory_space<hbm>> -> memref<10000xi32, #tpu.memory_space<hbm>>
      tpu.wait_dma2 semaphore(%run_scoped3A_6 : memref<!tpu.dma_semaphore, #tpu.memory_space<semaphore_mem>>) src(%dma_wait3A_12 : memref<10000xi32, #tpu.memory_space<hbm>>) dst(%arg6 : memref<10000xi32, #tpu.memory_space<vmem>>)
      tpu.yield
    }) : () -> ()
    %run_scoped3A_3 = arith.constant 1 : i32
    "tpu.region"() ({
      %run_scoped3A_6 = tpu.sem_alloc : memref<!tpu.dma_semaphore, #tpu.memory_space<semaphore_mem>>
      %dma_start3A = tpu.memref_slice %arg2[%run_scoped3A_3, %mul3A_2] : memref<2x320000xi32, #tpu.memory_space<hbm>> -> memref<1x10000xi32, #tpu.memory_space<hbm>>
      %dma_start3A_7 = tpu.memref_squeeze %dma_start3A : memref<1x10000xi32, #tpu.memory_space<hbm>> -> memref<10000xi32, #tpu.memory_space<hbm>>
      %dma_start3A_8 = tpu.memref_slice %arg2[%run_scoped3A_3, %mul3A_2] : memref<2x320000xi32, #tpu.memory_space<hbm>> -> memref<1x10000xi32, #tpu.memory_space<hbm>>
      %dma_start3A_9 = tpu.memref_squeeze %dma_start3A_8 : memref<1x10000xi32, #tpu.memory_space<hbm>> -> memref<10000xi32, #tpu.memory_space<hbm>>
      tpu.enqueue_dma source(%dma_start3A_9 : memref<10000xi32, #tpu.memory_space<hbm>>) target(%arg7 : memref<10000xi32, #tpu.memory_space<vmem>>) target_semaphore(%run_scoped3A_6 : memref<!tpu.dma_semaphore, #tpu.memory_space<semaphore_mem>>)
      %dma_wait3A = tpu.memref_slice %arg2[%run_scoped3A_3, %mul3A_2] : memref<2x320000xi32, #tpu.memory_space<hbm>> -> memref<1x10000xi32, #tpu.memory_space<hbm>>
      %dma_wait3A_10 = tpu.memref_squeeze %dma_wait3A : memref<1x10000xi32, #tpu.memory_space<hbm>> -> memref<10000xi32, #tpu.memory_space<hbm>>
      %dma_wait3A_11 = tpu.memref_slice %arg2[%run_scoped3A_3, %mul3A_2] : memref<2x320000xi32, #tpu.memory_space<hbm>> -> memref<1x10000xi32, #tpu.memory_space<hbm>>
      %dma_wait3A_12 = tpu.memref_squeeze %dma_wait3A_11 : memref<1x10000xi32, #tpu.memory_space<hbm>> -> memref<10000xi32, #tpu.memory_space<hbm>>
      tpu.wait_dma2 semaphore(%run_scoped3A_6 : memref<!tpu.dma_semaphore, #tpu.memory_space<semaphore_mem>>) src(%dma_wait3A_12 : memref<10000xi32, #tpu.memory_space<hbm>>) dst(%arg7 : memref<10000xi32, #tpu.memory_space<vmem>>)
      tpu.yield
    }) : () -> ()
    %parallel_loop3A = arith.constant 0 : i32
    %parallel_loop3A_4 = arith.constant 625 : i32
    %parallel_loop3A_5 = arith.constant 1 : i32
    scf.for %parallel_loop3A_6 = %parallel_loop3A to %parallel_loop3A_4 step %parallel_loop3A_5  : i32 {
      %parallel_loop3A_7 = arith.constant 16 : i32
      %parallel_loop3A_8 = arith.muli %parallel_loop3A_6, %parallel_loop3A_7 : i32
      %parallel_loop3A_9 = arith.index_cast %parallel_loop3A_8 : i32 to index
      %parallel_loop3A_10 = tpu.vector_load %arg6[%parallel_loop3A_9] {strides = array<i32>} : memref<10000xi32, #tpu.memory_space<vmem>>, vector<16xi32>,
      %parallel_loop3A_11 = arith.index_cast %parallel_loop3A_8 : i32 to index
      %parallel_loop3A_12 = tpu.vector_load %arg7[%parallel_loop3A_11] {strides = array<i32>} : memref<10000xi32, #tpu.memory_space<vmem>>, vector<16xi32>,
      %parallel_loop3A_13 = tpu.vector_load_idx %arg5[%parallel_loop3A_10] : memref<10000xi32, #tpu.memory_space<vmem>>[vector<16xi32>], vector<16xi32>,
      %parallel_loop3A_14 = tpu.vector_load_idx %arg5[%parallel_loop3A_12] : memref<10000xi32, #tpu.memory_space<vmem>>[vector<16xi32>], vector<16xi32>,
      %parallel_loop3A_15 = arith.subi %parallel_loop3A_10, %parallel_loop3A_12 : vector<16xi32>
      %parallel_loop3A_16 = arith.sitofp %parallel_loop3A_15 : vector<16xi32> to vector<16xf32>
      %parallel_loop3A_17 = arith.cmpi eq, %parallel_loop3A_13, %parallel_loop3A_14 : vector<16xi32>
      %parallel_loop3A_18 = arith.constant 1.000000e+05 : f32
      %parallel_loop3A_19 = vector.broadcast %parallel_loop3A_18 : f32 to vector<16xf32>
      %parallel_loop3A_20 = arith.select %parallel_loop3A_17, %parallel_loop3A_16, %parallel_loop3A_19 : vector<16xi1>, vector<16xf32>
      %parallel_loop3A_21 = arith.index_cast %parallel_loop3A_8 : i32 to index
      %parallel_loop3A_22 = tpu.vector_load %arg8[%parallel_loop3A_21] {strides = array<i32>} : memref<10000xf32, #tpu.memory_space<vmem>>, vector<16xf32>,
      tpu.vector_store %arg8[%parallel_loop3A_21], %parallel_loop3A_20 {strides = array<i32>} : memref<10000xf32, #tpu.memory_space<vmem>>, vector<16xf32>,
    } {sc.loop_unroll_factor = 16 : i64, sc.parallel_access}
    "tpu.region"() ({
      %run_scoped3A_6 = tpu.sem_alloc : memref<!tpu.dma_semaphore, #tpu.memory_space<semaphore_mem>>
      %dma_start3A = tpu.memref_slice %arg4[%mul3A_2] : memref<320000xf32, #tpu.memory_space<hbm>> -> memref<10000xf32, #tpu.memory_space<hbm>>
      %dma_start3A_7 = tpu.memref_slice %arg4[%mul3A_2] : memref<320000xf32, #tpu.memory_space<hbm>> -> memref<10000xf32, #tpu.memory_space<hbm>>
      tpu.enqueue_dma source(%arg8 : memref<10000xf32, #tpu.memory_space<vmem>>) target(%dma_start3A_7 : memref<10000xf32, #tpu.memory_space<hbm>>) target_semaphore(%run_scoped3A_6 : memref<!tpu.dma_semaphore, #tpu.memory_space<semaphore_mem>>)
      %dma_wait3A = tpu.memref_slice %arg4[%mul3A_2] : memref<320000xf32, #tpu.memory_space<hbm>> -> memref<10000xf32, #tpu.memory_space<hbm>>
      %dma_wait3A_8 = tpu.memref_slice %arg4[%mul3A_2] : memref<320000xf32, #tpu.memory_space<hbm>> -> memref<10000xf32, #tpu.memory_space<hbm>>
      tpu.wait_dma2 semaphore(%run_scoped3A_6 : memref<!tpu.dma_semaphore, #tpu.memory_space<semaphore_mem>>) src(%arg8 : memref<10000xf32, #tpu.memory_space<vmem>>) dst(%dma_wait3A_8 : memref<10000xf32, #tpu.memory_space<hbm>>)
      tpu.yield
    }) : () -> ()
    return
  }
}

module attributes {stable_mosaic.version = 14 : i64} {
  func.func @_mlp_body(%arg0: i32, %arg1: memref<1x128x125xf32, #tpu.memory_space<vmem>>, %arg2: memref<1x64xf32, #tpu.memory_space<vmem>>, %arg3: memref<1x64xf32, #tpu.memory_space<vmem>>, %arg4: memref<64x128xf32, #tpu.memory_space<vmem>>, %arg5: memref<1x128xf32, #tpu.memory_space<vmem>>, %arg6: memref<16000x128xf32, #tpu.memory_space<vmem>>) attributes {dimension_semantics = [#tpu.dimension_semantics<arbitrary>], iteration_bounds = array<i64: 20>, scalar_prefetch = 0 : i64, scratch_operands = 0 : i64, tpu.core_type = #tpu.core_type<tc>, window_params = [{transform_indices = @transform_0, window_bounds = array<i64: 1, 128, 125>}, {pipeline_mode = #tpu.pipeline_mode<synchronous>, transform_indices = @transform_1, window_bounds = array<i64: 1, 64>}, {pipeline_mode = #tpu.pipeline_mode<synchronous>, transform_indices = @transform_2, window_bounds = array<i64: 1, 64>}, {pipeline_mode = #tpu.pipeline_mode<synchronous>, transform_indices = @transform_3, window_bounds = array<i64: 64, 128>}, {pipeline_mode = #tpu.pipeline_mode<synchronous>, transform_indices = @transform_4, window_bounds = array<i64: 1, 128>}, {transform_indices = @transform_5, window_bounds = array<i64: 16000, 128>}]} {
    %get3A = arith.constant 0 : index
    %get3A_0 = arith.constant 0 : index
    %get3A_1 = vector.load %arg2[%get3A, %get3A_0] : memref<1x64xf32, #tpu.memory_space<vmem>>, vector<1x64xf32>
    %get3A_2 = arith.constant 0 : index
    %get3A_3 = arith.constant 0 : index
    %get3A_4 = vector.load %arg3[%get3A_2, %get3A_3] : memref<1x64xf32, #tpu.memory_space<vmem>>, vector<1x64xf32>
    %get3A_5 = arith.constant 0 : index
    %get3A_6 = arith.constant 0 : index
    %get3A_7 = vector.load %arg4[%get3A_5, %get3A_6] : memref<64x128xf32, #tpu.memory_space<vmem>>, vector<64x128xf32>
    %get3A_8 = arith.constant 0 : index
    %get3A_9 = arith.constant 0 : index
    %get3A_10 = vector.load %arg5[%get3A_8, %get3A_9] : memref<1x128xf32, #tpu.memory_space<vmem>>, vector<1x128xf32>
    %get3A_11 = arith.constant 0 : index
    %get3A_12 = arith.constant 0 : index
    %get3A_13 = arith.constant 0 : index
    %get3A_14 = vector.load %arg1[%get3A_11, %get3A_12, %get3A_13] : memref<1x128x125xf32, #tpu.memory_space<vmem>>, vector<1x128x1xf32>
    %get3A_15 = vector.shape_cast %get3A_14 : vector<1x128x1xf32> to vector<128x1xf32>
    %mul3A = vector.broadcast %get3A_15 : vector<128x1xf32> to vector<128x64xf32>
    %mul3A_16 = vector.broadcast %get3A_1 : vector<1x64xf32> to vector<128x64xf32>
    %mul3A_17 = arith.mulf %mul3A, %mul3A_16 : vector<128x64xf32>
    %add3A = vector.broadcast %get3A_4 : vector<1x64xf32> to vector<128x64xf32>
    %add3A_18 = arith.addf %mul3A_17, %add3A : vector<128x64xf32>
    %neg3A = arith.constant 0.000000e+00 : f32
    %neg3A_19 = vector.broadcast %neg3A : f32 to vector<128x64xf32>
    %neg3A_20 = arith.subf %neg3A_19, %add3A_18 : vector<128x64xf32>
    %exp3A = math.exp %neg3A_20 : vector<128x64xf32>
    %add3A_21 = arith.constant 1.000000e+00 : f32
    %add3A_22 = vector.broadcast %add3A_21 : f32 to vector<128x64xf32>
    %add3A_23 = arith.addf %add3A_22, %exp3A : vector<128x64xf32>
    %div3A = arith.constant 1.000000e+00 : f32
    %div3A_24 = vector.broadcast %div3A : f32 to vector<128x64xf32>
    %div3A_25 = arith.divf %div3A_24, %add3A_23 : vector<128x64xf32>
    %mul3A_26 = arith.mulf %add3A_18, %div3A_25 : vector<128x64xf32>
    %dot_general3A = arith.constant dense<0.000000e+00> : vector<128x128xf32>
    %dot_general3A_27 = tpu.matmul %mul3A_26, %get3A_7, %dot_general3A {dimension_numbers = #tpu.dot_dimension_numbers<[1], [0], [0], [1], [0, 0, 1, 1], [], []>, transpose_lhs_hint = false} : vector<128x64xf32>, vector<64x128xf32>, vector<128x128xf32> -> vector<128x128xf32>
    %add3A_28 = vector.broadcast %get3A_10 : vector<1x128xf32> to vector<128x128xf32>
    %add3A_29 = arith.addf %dot_general3A_27, %add3A_28 : vector<128x128xf32>
    %swap3A = arith.constant 0 : index
    %swap3A_30 = arith.constant 0 : index
    %swap3A_31 = vector.load %arg6[%swap3A, %swap3A_30] : memref<16000x128xf32, #tpu.memory_space<vmem>>, vector<128x128xf32>
    tpu.vector_store %arg6[%swap3A, %swap3A_30], %add3A_29 {strides = array<i32>} : memref<16000x128xf32, #tpu.memory_space<vmem>>, vector<128x128xf32>,
    %get3A_32 = arith.constant 0 : index
    %get3A_33 = arith.constant 0 : index
    %get3A_34 = arith.constant 1 : index
    %get3A_35 = vector.load %arg1[%get3A_32, %get3A_33, %get3A_34] : memref<1x128x125xf32, #tpu.memory_space<vmem>>, vector<1x128x1xf32>
    %get3A_36 = vector.shape_cast %get3A_35 : vector<1x128x1xf32> to vector<128x1xf32>
    %mul3A_37 = vector.broadcast %get3A_36 : vector<128x1xf32> to vector<128x64xf32>
    %mul3A_38 = vector.broadcast %get3A_1 : vector<1x64xf32> to vector<128x64xf32>
    %mul3A_39 = arith.mulf %mul3A_37, %mul3A_38 : vector<128x64xf32>
    %add3A_40 = vector.broadcast %get3A_4 : vector<1x64xf32> to vector<128x64xf32>
    %add3A_41 = arith.addf %mul3A_39, %add3A_40 : vector<128x64xf32>
    %neg3A_42 = arith.constant 0.000000e+00 : f32
    %neg3A_43 = vector.broadcast %neg3A_42 : f32 to vector<128x64xf32>
    %neg3A_44 = arith.subf %neg3A_43, %add3A_41 : vector<128x64xf32>
    %exp3A_45 = math.exp %neg3A_44 : vector<128x64xf32>
    %add3A_46 = arith.constant 1.000000e+00 : f32
    %add3A_47 = vector.broadcast %add3A_46 : f32 to vector<128x64xf32>
    %add3A_48 = arith.addf %add3A_47, %exp3A_45 : vector<128x64xf32>
    %div3A_49 = arith.constant 1.000000e+00 : f32
    %div3A_50 = vector.broadcast %div3A_49 : f32 to vector<128x64xf32>
    %div3A_51 = arith.divf %div3A_50, %add3A_48 : vector<128x64xf32>
    %mul3A_52 = arith.mulf %add3A_41, %div3A_51 : vector<128x64xf32>
    %dot_general3A_53 = arith.constant dense<0.000000e+00> : vector<128x128xf32>
    %dot_general3A_54 = tpu.matmul %mul3A_52, %get3A_7, %dot_general3A_53 {dimension_numbers = #tpu.dot_dimension_numbers<[1], [0], [0], [1], [0, 0, 1, 1], [], []>, transpose_lhs_hint = false} : vector<128x64xf32>, vector<64x128xf32>, vector<128x128xf32> -> vector<128x128xf32>
    %add3A_55 = vector.broadcast %get3A_10 : vector<1x128xf32> to vector<128x128xf32>
    %add3A_56 = arith.addf %dot_general3A_54, %add3A_55 : vector<128x128xf32>
    %swap3A_57 = arith.constant 128 : index
    %swap3A_58 = arith.constant 0 : index
    %swap3A_59 = vector.load %arg6[%swap3A_57, %swap3A_58] : memref<16000x128xf32, #tpu.memory_space<vmem>>, vector<128x128xf32>
    tpu.vector_store %arg6[%swap3A_57, %swap3A_58], %add3A_56 {strides = array<i32>} : memref<16000x128xf32, #tpu.memory_space<vmem>>, vector<128x128xf32>,
    %get3A_60 = arith.constant 0 : index
    %get3A_61 = arith.constant 0 : index
    %get3A_62 = arith.constant 2 : index
    %get3A_63 = vector.load %arg1[%get3A_60, %get3A_61, %get3A_62] : memref<1x128x125xf32, #tpu.memory_space<vmem>>, vector<1x128x1xf32>
    %get3A_64 = vector.shape_cast %get3A_63 : vector<1x128x1xf32> to vector<128x1xf32>
    %mul3A_65 = vector.broadcast %get3A_64 : vector<128x1xf32> to vector<128x64xf32>
    %mul3A_66 = vector.broadcast %get3A_1 : vector<1x64xf32> to vector<128x64xf32>
    %mul3A_67 = arith.mulf %mul3A_65, %mul3A_66 : vector<128x64xf32>
    %add3A_68 = vector.broadcast %get3A_4 : vector<1x64xf32> to vector<128x64xf32>
    %add3A_69 = arith.addf %mul3A_67, %add3A_68 : vector<128x64xf32>
    %neg3A_70 = arith.constant 0.000000e+00 : f32
    %neg3A_71 = vector.broadcast %neg3A_70 : f32 to vector<128x64xf32>
    %neg3A_72 = arith.subf %neg3A_71, %add3A_69 : vector<128x64xf32>
    %exp3A_73 = math.exp %neg3A_72 : vector<128x64xf32>
    %add3A_74 = arith.constant 1.000000e+00 : f32
    %add3A_75 = vector.broadcast %add3A_74 : f32 to vector<128x64xf32>
    %add3A_76 = arith.addf %add3A_75, %exp3A_73 : vector<128x64xf32>
    %div3A_77 = arith.constant 1.000000e+00 : f32
    %div3A_78 = vector.broadcast %div3A_77 : f32 to vector<128x64xf32>
    %div3A_79 = arith.divf %div3A_78, %add3A_76 : vector<128x64xf32>
    %mul3A_80 = arith.mulf %add3A_69, %div3A_79 : vector<128x64xf32>
    %dot_general3A_81 = arith.constant dense<0.000000e+00> : vector<128x128xf32>
    %dot_general3A_82 = tpu.matmul %mul3A_80, %get3A_7, %dot_general3A_81 {dimension_numbers = #tpu.dot_dimension_numbers<[1], [0], [0], [1], [0, 0, 1, 1], [], []>, transpose_lhs_hint = false} : vector<128x64xf32>, vector<64x128xf32>, vector<128x128xf32> -> vector<128x128xf32>
    %add3A_83 = vector.broadcast %get3A_10 : vector<1x128xf32> to vector<128x128xf32>
    %add3A_84 = arith.addf %dot_general3A_82, %add3A_83 : vector<128x128xf32>
    %swap3A_85 = arith.constant 256 : index
    %swap3A_86 = arith.constant 0 : index
    %swap3A_87 = vector.load %arg6[%swap3A_85, %swap3A_86] : memref<16000x128xf32, #tpu.memory_space<vmem>>, vector<128x128xf32>
    tpu.vector_store %arg6[%swap3A_85, %swap3A_86], %add3A_84 {strides = array<i32>} : memref<16000x128xf32, #tpu.memory_space<vmem>>, vector<128x128xf32>,
    %get3A_88 = arith.constant 0 : index
    %get3A_89 = arith.constant 0 : index
    %get3A_90 = arith.constant 3 : index
    %get3A_91 = vector.load %arg1[%get3A_88, %get3A_89, %get3A_90] : memref<1x128x125xf32, #tpu.memory_space<vmem>>, vector<1x128x1xf32>
    %get3A_92 = vector.shape_cast %get3A_91 : vector<1x128x1xf32> to vector<128x1xf32>
    %mul3A_93 = vector.broadcast %get3A_92 : vector<128x1xf32> to vector<128x64xf32>
    %mul3A_94 = vector.broadcast %get3A_1 : vector<1x64xf32> to vector<128x64xf32>
    %mul3A_95 = arith.mulf %mul3A_93, %mul3A_94 : vector<128x64xf32>
    %add3A_96 = vector.broadcast %get3A_4 : vector<1x64xf32> to vector<128x64xf32>
    %add3A_97 = arith.addf %mul3A_95, %add3A_96 : vector<128x64xf32>
    %neg3A_98 = arith.constant 0.000000e+00 : f32
    %neg3A_99 = vector.broadcast %neg3A_98 : f32 to vector<128x64xf32>
    %neg3A_100 = arith.subf %neg3A_99, %add3A_97 : vector<128x64xf32>
    %exp3A_101 = math.exp %neg3A_100 : vector<128x64xf32>
    %add3A_102 = arith.constant 1.000000e+00 : f32
    %add3A_103 = vector.broadcast %add3A_102 : f32 to vector<128x64xf32>
    %add3A_104 = arith.addf %add3A_103, %exp3A_101 : vector<128x64xf32>
    %div3A_105 = arith.constant 1.000000e+00 : f32
    %div3A_106 = vector.broadcast %div3A_105 : f32 to vector<128x64xf32>
    %div3A_107 = arith.divf %div3A_106, %add3A_104 : vector<128x64xf32>
    %mul3A_108 = arith.mulf %add3A_97, %div3A_107 : vector<128x64xf32>
    %dot_general3A_109 = arith.constant dense<0.000000e+00> : vector<128x128xf32>
    %dot_general3A_110 = tpu.matmul %mul3A_108, %get3A_7, %dot_general3A_109 {dimension_numbers = #tpu.dot_dimension_numbers<[1], [0], [0], [1], [0, 0, 1, 1], [], []>, transpose_lhs_hint = false} : vector<128x64xf32>, vector<64x128xf32>, vector<128x128xf32> -> vector<128x128xf32>
    %add3A_111 = vector.broadcast %get3A_10 : vector<1x128xf32> to vector<128x128xf32>
    %add3A_112 = arith.addf %dot_general3A_110, %add3A_111 : vector<128x128xf32>
    %swap3A_113 = arith.constant 384 : index
    %swap3A_114 = arith.constant 0 : index
    %swap3A_115 = vector.load %arg6[%swap3A_113, %swap3A_114] : memref<16000x128xf32, #tpu.memory_space<vmem>>, vector<128x128xf32>
    tpu.vector_store %arg6[%swap3A_113, %swap3A_114], %add3A_112 {strides = array<i32>} : memref<16000x128xf32, #tpu.memory_space<vmem>>, vector<128x128xf32>,
    %get3A_116 = arith.constant 0 : index
    %get3A_117 = arith.constant 0 : index
    %get3A_118 = arith.constant 4 : index
    %get3A_119 = vector.load %arg1[%get3A_116, %get3A_117, %get3A_118] : memref<1x128x125xf32, #tpu.memory_space<vmem>>, vector<1x128x1xf32>
    %get3A_120 = vector.shape_cast %get3A_119 : vector<1x128x1xf32> to vector<128x1xf32>
    %mul3A_121 = vector.broadcast %get3A_120 : vector<128x1xf32> to vector<128x64xf32>
    %mul3A_122 = vector.broadcast %get3A_1 : vector<1x64xf32> to vector<128x64xf32>
    %mul3A_123 = arith.mulf %mul3A_121, %mul3A_122 : vector<128x64xf32>
    %add3A_124 = vector.broadcast %get3A_4 : vector<1x64xf32> to vector<128x64xf32>
    %add3A_125 = arith.addf %mul3A_123, %add3A_124 : vector<128x64xf32>
    %neg3A_126 = arith.constant 0.000000e+00 : f32
    %neg3A_127 = vector.broadcast %neg3A_126 : f32 to vector<128x64xf32>
    %neg3A_128 = arith.subf %neg3A_127, %add3A_125 : vector<128x64xf32>
    %exp3A_129 = math.exp %neg3A_128 : vector<128x64xf32>
    %add3A_130 = arith.constant 1.000000e+00 : f32
    %add3A_131 = vector.broadcast %add3A_130 : f32 to vector<128x64xf32>
    %add3A_132 = arith.addf %add3A_131, %exp3A_129 : vector<128x64xf32>
    %div3A_133 = arith.constant 1.000000e+00 : f32
    %div3A_134 = vector.broadcast %div3A_133 : f32 to vector<128x64xf32>
    %div3A_135 = arith.divf %div3A_134, %add3A_132 : vector<128x64xf32>
    %mul3A_136 = arith.mulf %add3A_125, %div3A_135 : vector<128x64xf32>
    %dot_general3A_137 = arith.constant dense<0.000000e+00> : vector<128x128xf32>
    %dot_general3A_138 = tpu.matmul %mul3A_136, %get3A_7, %dot_general3A_137 {dimension_numbers = #tpu.dot_dimension_numbers<[1], [0], [0], [1], [0, 0, 1, 1], [], []>, transpose_lhs_hint = false} : vector<128x64xf32>, vector<64x128xf32>, vector<128x128xf32> -> vector<128x128xf32>
    %add3A_139 = vector.broadcast %get3A_10 : vector<1x128xf32> to vector<128x128xf32>
    %add3A_140 = arith.addf %dot_general3A_138, %add3A_139 : vector<128x128xf32>
    %swap3A_141 = arith.constant 512 : index
    %swap3A_142 = arith.constant 0 : index
    %swap3A_143 = vector.load %arg6[%swap3A_141, %swap3A_142] : memref<16000x128xf32, #tpu.memory_space<vmem>>, vector<128x128xf32>
    tpu.vector_store %arg6[%swap3A_141, %swap3A_142], %add3A_140 {strides = array<i32>} : memref<16000x128xf32, #tpu.memory_space<vmem>>, vector<128x128xf32>,
    %get3A_144 = arith.constant 0 : index
    %get3A_145 = arith.constant 0 : index
    %get3A_146 = arith.constant 5 : index
    %get3A_147 = vector.load %arg1[%get3A_144, %get3A_145, %get3A_146] : memref<1x128x125xf32, #tpu.memory_space<vmem>>, vector<1x128x1xf32>
    %get3A_148 = vector.shape_cast %get3A_147 : vector<1x128x1xf32> to vector<128x1xf32>
    %mul3A_149 = vector.broadcast %get3A_148 : vector<128x1xf32> to vector<128x64xf32>
    %mul3A_150 = vector.broadcast %get3A_1 : vector<1x64xf32> to vector<128x64xf32>
    %mul3A_151 = arith.mulf %mul3A_149, %mul3A_150 : vector<128x64xf32>
    %add3A_152 = vector.broadcast %get3A_4 : vector<1x64xf32> to vector<128x64xf32>
    %add3A_153 = arith.addf %mul3A_151, %add3A_152 : vector<128x64xf32>
    %neg3A_154 = arith.constant 0.000000e+00 : f32
    %neg3A_155 = vector.broadcast %neg3A_154 : f32 to vector<128x64xf32>
    %neg3A_156 = arith.subf %neg3A_155, %add3A_153 : vector<128x64xf32>
    %exp3A_157 = math.exp %neg3A_156 : vector<128x64xf32>
    %add3A_158 = arith.constant 1.000000e+00 : f32
    %add3A_159 = vector.broadcast %add3A_158 : f32 to vector<128x64xf32>
    %add3A_160 = arith.addf %add3A_159, %exp3A_157 : vector<128x64xf32>
    %div3A_161 = arith.constant 1.000000e+00 : f32
    %div3A_162 = vector.broadcast %div3A_161 : f32 to vector<128x64xf32>
    %div3A_163 = arith.divf %div3A_162, %add3A_160 : vector<128x64xf32>
    %mul3A_164 = arith.mulf %add3A_153, %div3A_163 : vector<128x64xf32>
    %dot_general3A_165 = arith.constant dense<0.000000e+00> : vector<128x128xf32>
    %dot_general3A_166 = tpu.matmul %mul3A_164, %get3A_7, %dot_general3A_165 {dimension_numbers = #tpu.dot_dimension_numbers<[1], [0], [0], [1], [0, 0, 1, 1], [], []>, transpose_lhs_hint = false} : vector<128x64xf32>, vector<64x128xf32>, vector<128x128xf32> -> vector<128x128xf32>
    %add3A_167 = vector.broadcast %get3A_10 : vector<1x128xf32> to vector<128x128xf32>
    %add3A_168 = arith.addf %dot_general3A_166, %add3A_167 : vector<128x128xf32>
    %swap3A_169 = arith.constant 640 : index
    %swap3A_170 = arith.constant 0 : index
    %swap3A_171 = vector.load %arg6[%swap3A_169, %swap3A_170] : memref<16000x128xf32, #tpu.memory_space<vmem>>, vector<128x128xf32>
    tpu.vector_store %arg6[%swap3A_169, %swap3A_170], %add3A_168 {strides = array<i32>} : memref<16000x128xf32, #tpu.memory_space<vmem>>, vector<128x128xf32>,
    %get3A_172 = arith.constant 0 : index
    %get3A_173 = arith.constant 0 : index
    %get3A_174 = arith.constant 6 : index
    %get3A_175 = vector.load %arg1[%get3A_172, %get3A_173, %get3A_174] : memref<1x128x125xf32, #tpu.memory_space<vmem>>, vector<1x128x1xf32>
    %get3A_176 = vector.shape_cast %get3A_175 : vector<1x128x1xf32> to vector<128x1xf32>
    %mul3A_177 = vector.broadcast %get3A_176 : vector<128x1xf32> to vector<128x64xf32>
    %mul3A_178 = vector.broadcast %get3A_1 : vector<1x64xf32> to vector<128x64xf32>
    %mul3A_179 = arith.mulf %mul3A_177, %mul3A_178 : vector<128x64xf32>
    %add3A_180 = vector.broadcast %get3A_4 : vector<1x64xf32> to vector<128x64xf32>
    %add3A_181 = arith.addf %mul3A_179, %add3A_180 : vector<128x64xf32>
    %neg3A_182 = arith.constant 0.000000e+00 : f32
    %neg3A_183 = vector.broadcast %neg3A_182 : f32 to vector<128x64xf32>
    %neg3A_184 = arith.subf %neg3A_183, %add3A_181 : vector<128x64xf32>
    %exp3A_185 = math.exp %neg3A_184 : vector<128x64xf32>
    %add3A_186 = arith.constant 1.000000e+00 : f32
    %add3A_187 = vector.broadcast %add3A_186 : f32 to vector<128x64xf32>
    %add3A_188 = arith.addf %add3A_187, %exp3A_185 : vector<128x64xf32>
    %div3A_189 = arith.constant 1.000000e+00 : f32
    %div3A_190 = vector.broadcast %div3A_189 : f32 to vector<128x64xf32>
    %div3A_191 = arith.divf %div3A_190, %add3A_188 : vector<128x64xf32>
    %mul3A_192 = arith.mulf %add3A_181, %div3A_191 : vector<128x64xf32>
    %dot_general3A_193 = arith.constant dense<0.000000e+00> : vector<128x128xf32>
    %dot_general3A_194 = tpu.matmul %mul3A_192, %get3A_7, %dot_general3A_193 {dimension_numbers = #tpu.dot_dimension_numbers<[1], [0], [0], [1], [0, 0, 1, 1], [], []>, transpose_lhs_hint = false} : vector<128x64xf32>, vector<64x128xf32>, vector<128x128xf32> -> vector<128x128xf32>
    %add3A_195 = vector.broadcast %get3A_10 : vector<1x128xf32> to vector<128x128xf32>
    %add3A_196 = arith.addf %dot_general3A_194, %add3A_195 : vector<128x128xf32>
    %swap3A_197 = arith.constant 768 : index
    %swap3A_198 = arith.constant 0 : index
    %swap3A_199 = vector.load %arg6[%swap3A_197, %swap3A_198] : memref<16000x128xf32, #tpu.memory_space<vmem>>, vector<128x128xf32>
    tpu.vector_store %arg6[%swap3A_197, %swap3A_198], %add3A_196 {strides = array<i32>} : memref<16000x128xf32, #tpu.memory_space<vmem>>, vector<128x128xf32>,
    %get3A_200 = arith.constant 0 : index
    %get3A_201 = arith.constant 0 : index
    %get3A_202 = arith.constant 7 : index
    %get3A_203 = vector.load %arg1[%get3A_200, %get3A_201, %get3A_202] : memref<1x128x125xf32, #tpu.memory_space<vmem>>, vector<1x128x1xf32>
    %get3A_204 = vector.shape_cast %get3A_203 : vector<1x128x1xf32> to vector<128x1xf32>
    %mul3A_205 = vector.broadcast %get3A_204 : vector<128x1xf32> to vector<128x64xf32>
    %mul3A_206 = vector.broadcast %get3A_1 : vector<1x64xf32> to vector<128x64xf32>
    %mul3A_207 = arith.mulf %mul3A_205, %mul3A_206 : vector<128x64xf32>
    %add3A_208 = vector.broadcast %get3A_4 : vector<1x64xf32> to vector<128x64xf32>
    %add3A_209 = arith.addf %mul3A_207, %add3A_208 : vector<128x64xf32>
    %neg3A_210 = arith.constant 0.000000e+00 : f32
    %neg3A_211 = vector.broadcast %neg3A_210 : f32 to vector<128x64xf32>
    %neg3A_212 = arith.subf %neg3A_211, %add3A_209 : vector<128x64xf32>
    %exp3A_213 = math.exp %neg3A_212 : vector<128x64xf32>
    %add3A_214 = arith.constant 1.000000e+00 : f32
    %add3A_215 = vector.broadcast %add3A_214 : f32 to vector<128x64xf32>
    %add3A_216 = arith.addf %add3A_215, %exp3A_213 : vector<128x64xf32>
    %div3A_217 = arith.constant 1.000000e+00 : f32
    %div3A_218 = vector.broadcast %div3A_217 : f32 to vector<128x64xf32>
    %div3A_219 = arith.divf %div3A_218, %add3A_216 : vector<128x64xf32>
    %mul3A_220 = arith.mulf %add3A_209, %div3A_219 : vector<128x64xf32>
    %dot_general3A_221 = arith.constant dense<0.000000e+00> : vector<128x128xf32>
    %dot_general3A_222 = tpu.matmul %mul3A_220, %get3A_7, %dot_general3A_221 {dimension_numbers = #tpu.dot_dimension_numbers<[1], [0], [0], [1], [0, 0, 1, 1], [], []>, transpose_lhs_hint = false} : vector<128x64xf32>, vector<64x128xf32>, vector<128x128xf32> -> vector<128x128xf32>
    %add3A_223 = vector.broadcast %get3A_10 : vector<1x128xf32> to vector<128x128xf32>
    %add3A_224 = arith.addf %dot_general3A_222, %add3A_223 : vector<128x128xf32>
    %swap3A_225 = arith.constant 896 : index
    %swap3A_226 = arith.constant 0 : index
    %swap3A_227 = vector.load %arg6[%swap3A_225, %swap3A_226] : memref<16000x128xf32, #tpu.memory_space<vmem>>, vector<128x128xf32>
    tpu.vector_store %arg6[%swap3A_225, %swap3A_226], %add3A_224 {strides = array<i32>} : memref<16000x128xf32, #tpu.memory_space<vmem>>, vector<128x128xf32>,
    %get3A_228 = arith.constant 0 : index
    %get3A_229 = arith.constant 0 : index
    %get3A_230 = arith.constant 8 : index
    %get3A_231 = vector.load %arg1[%get3A_228, %get3A_229, %get3A_230] : memref<1x128x125xf32, #tpu.memory_space<vmem>>, vector<1x128x1xf32>
    %get3A_232 = vector.shape_cast %get3A_231 : vector<1x128x1xf32> to vector<128x1xf32>
    %mul3A_233 = vector.broadcast %get3A_232 : vector<128x1xf32> to vector<128x64xf32>
    %mul3A_234 = vector.broadcast %get3A_1 : vector<1x64xf32> to vector<128x64xf32>
    %mul3A_235 = arith.mulf %mul3A_233, %mul3A_234 : vector<128x64xf32>
    %add3A_236 = vector.broadcast %get3A_4 : vector<1x64xf32> to vector<128x64xf32>
    %add3A_237 = arith.addf %mul3A_235, %add3A_236 : vector<128x64xf32>
    %neg3A_238 = arith.constant 0.000000e+00 : f32
    %neg3A_239 = vector.broadcast %neg3A_238 : f32 to vector<128x64xf32>
    %neg3A_240 = arith.subf %neg3A_239, %add3A_237 : vector<128x64xf32>
    %exp3A_241 = math.exp %neg3A_240 : vector<128x64xf32>
    %add3A_242 = arith.constant 1.000000e+00 : f32
    %add3A_243 = vector.broadcast %add3A_242 : f32 to vector<128x64xf32>
    %add3A_244 = arith.addf %add3A_243, %exp3A_241 : vector<128x64xf32>
    %div3A_245 = arith.constant 1.000000e+00 : f32
    %div3A_246 = vector.broadcast %div3A_245 : f32 to vector<128x64xf32>
    %div3A_247 = arith.divf %div3A_246, %add3A_244 : vector<128x64xf32>
    %mul3A_248 = arith.mulf %add3A_237, %div3A_247 : vector<128x64xf32>
    %dot_general3A_249 = arith.constant dense<0.000000e+00> : vector<128x128xf32>
    %dot_general3A_250 = tpu.matmul %mul3A_248, %get3A_7, %dot_general3A_249 {dimension_numbers = #tpu.dot_dimension_numbers<[1], [0], [0], [1], [0, 0, 1, 1], [], []>, transpose_lhs_hint = false} : vector<128x64xf32>, vector<64x128xf32>, vector<128x128xf32> -> vector<128x128xf32>
    %add3A_251 = vector.broadcast %get3A_10 : vector<1x128xf32> to vector<128x128xf32>
    %add3A_252 = arith.addf %dot_general3A_250, %add3A_251 : vector<128x128xf32>
    %swap3A_253 = arith.constant 1024 : index
    %swap3A_254 = arith.constant 0 : index
    %swap3A_255 = vector.load %arg6[%swap3A_253, %swap3A_254] : memref<16000x128xf32, #tpu.memory_space<vmem>>, vector<128x128xf32>
    tpu.vector_store %arg6[%swap3A_253, %swap3A_254], %add3A_252 {strides = array<i32>} : memref<16000x128xf32, #tpu.memory_space<vmem>>, vector<128x128xf32>,
    %get3A_256 = arith.constant 0 : index
    %get3A_257 = arith.constant 0 : index
    %get3A_258 = arith.constant 9 : index
    %get3A_259 = vector.load %arg1[%get3A_256, %get3A_257, %get3A_258] : memref<1x128x125xf32, #tpu.memory_space<vmem>>, vector<1x128x1xf32>
    %get3A_260 = vector.shape_cast %get3A_259 : vector<1x128x1xf32> to vector<128x1xf32>
    %mul3A_261 = vector.broadcast %get3A_260 : vector<128x1xf32> to vector<128x64xf32>
    %mul3A_262 = vector.broadcast %get3A_1 : vector<1x64xf32> to vector<128x64xf32>
    %mul3A_263 = arith.mulf %mul3A_261, %mul3A_262 : vector<128x64xf32>
    %add3A_264 = vector.broadcast %get3A_4 : vector<1x64xf32> to vector<128x64xf32>
    %add3A_265 = arith.addf %mul3A_263, %add3A_264 : vector<128x64xf32>
    %neg3A_266 = arith.constant 0.000000e+00 : f32
    %neg3A_267 = vector.broadcast %neg3A_266 : f32 to vector<128x64xf32>
    %neg3A_268 = arith.subf %neg3A_267, %add3A_265 : vector<128x64xf32>
    %exp3A_269 = math.exp %neg3A_268 : vector<128x64xf32>
    %add3A_270 = arith.constant 1.000000e+00 : f32
    %add3A_271 = vector.broadcast %add3A_270 : f32 to vector<128x64xf32>
    %add3A_272 = arith.addf %add3A_271, %exp3A_269 : vector<128x64xf32>
    %div3A_273 = arith.constant 1.000000e+00 : f32
    %div3A_274 = vector.broadcast %div3A_273 : f32 to vector<128x64xf32>
    %div3A_275 = arith.divf %div3A_274, %add3A_272 : vector<128x64xf32>
    %mul3A_276 = arith.mulf %add3A_265, %div3A_275 : vector<128x64xf32>
    %dot_general3A_277 = arith.constant dense<0.000000e+00> : vector<128x128xf32>
    %dot_general3A_278 = tpu.matmul %mul3A_276, %get3A_7, %dot_general3A_277 {dimension_numbers = #tpu.dot_dimension_numbers<[1], [0], [0], [1], [0, 0, 1, 1], [], []>, transpose_lhs_hint = false} : vector<128x64xf32>, vector<64x128xf32>, vector<128x128xf32> -> vector<128x128xf32>
    %add3A_279 = vector.broadcast %get3A_10 : vector<1x128xf32> to vector<128x128xf32>
    %add3A_280 = arith.addf %dot_general3A_278, %add3A_279 : vector<128x128xf32>
    %swap3A_281 = arith.constant 1152 : index
    %swap3A_282 = arith.constant 0 : index
    %swap3A_283 = vector.load %arg6[%swap3A_281, %swap3A_282] : memref<16000x128xf32, #tpu.memory_space<vmem>>, vector<128x128xf32>
    tpu.vector_store %arg6[%swap3A_281, %swap3A_282], %add3A_280 {strides = array<i32>} : memref<16000x128xf32, #tpu.memory_space<vmem>>, vector<128x128xf32>,
    %get3A_284 = arith.constant 0 : index
    %get3A_285 = arith.constant 0 : index
    %get3A_286 = arith.constant 10 : index
    %get3A_287 = vector.load %arg1[%get3A_284, %get3A_285, %get3A_286] : memref<1x128x125xf32, #tpu.memory_space<vmem>>, vector<1x128x1xf32>
    %get3A_288 = vector.shape_cast %get3A_287 : vector<1x128x1xf32> to vector<128x1xf32>
    %mul3A_289 = vector.broadcast %get3A_288 : vector<128x1xf32> to vector<128x64xf32>
    %mul3A_290 = vector.broadcast %get3A_1 : vector<1x64xf32> to vector<128x64xf32>
    %mul3A_291 = arith.mulf %mul3A_289, %mul3A_290 : vector<128x64xf32>
    %add3A_292 = vector.broadcast %get3A_4 : vector<1x64xf32> to vector<128x64xf32>
    %add3A_293 = arith.addf %mul3A_291, %add3A_292 : vector<128x64xf32>
    %neg3A_294 = arith.constant 0.000000e+00 : f32
    %neg3A_295 = vector.broadcast %neg3A_294 : f32 to vector<128x64xf32>
    %neg3A_296 = arith.subf %neg3A_295, %add3A_293 : vector<128x64xf32>
    %exp3A_297 = math.exp %neg3A_296 : vector<128x64xf32>
    %add3A_298 = arith.constant 1.000000e+00 : f32
    %add3A_299 = vector.broadcast %add3A_298 : f32 to vector<128x64xf32>
    %add3A_300 = arith.addf %add3A_299, %exp3A_297 : vector<128x64xf32>
    %div3A_301 = arith.constant 1.000000e+00 : f32
    %div3A_302 = vector.broadcast %div3A_301 : f32 to vector<128x64xf32>
    %div3A_303 = arith.divf %div3A_302, %add3A_300 : vector<128x64xf32>
    %mul3A_304 = arith.mulf %add3A_293, %div3A_303 : vector<128x64xf32>
    %dot_general3A_305 = arith.constant dense<0.000000e+00> : vector<128x128xf32>
    %dot_general3A_306 = tpu.matmul %mul3A_304, %get3A_7, %dot_general3A_305 {dimension_numbers = #tpu.dot_dimension_numbers<[1], [0], [0], [1], [0, 0, 1, 1], [], []>, transpose_lhs_hint = false} : vector<128x64xf32>, vector<64x128xf32>, vector<128x128xf32> -> vector<128x128xf32>
    %add3A_307 = vector.broadcast %get3A_10 : vector<1x128xf32> to vector<128x128xf32>
    %add3A_308 = arith.addf %dot_general3A_306, %add3A_307 : vector<128x128xf32>
    %swap3A_309 = arith.constant 1280 : index
    %swap3A_310 = arith.constant 0 : index
    %swap3A_311 = vector.load %arg6[%swap3A_309, %swap3A_310] : memref<16000x128xf32, #tpu.memory_space<vmem>>, vector<128x128xf32>
    tpu.vector_store %arg6[%swap3A_309, %swap3A_310], %add3A_308 {strides = array<i32>} : memref<16000x128xf32, #tpu.memory_space<vmem>>, vector<128x128xf32>,
    %get3A_312 = arith.constant 0 : index
    %get3A_313 = arith.constant 0 : index
    %get3A_314 = arith.constant 11 : index
    %get3A_315 = vector.load %arg1[%get3A_312, %get3A_313, %get3A_314] : memref<1x128x125xf32, #tpu.memory_space<vmem>>, vector<1x128x1xf32>
    %get3A_316 = vector.shape_cast %get3A_315 : vector<1x128x1xf32> to vector<128x1xf32>
    %mul3A_317 = vector.broadcast %get3A_316 : vector<128x1xf32> to vector<128x64xf32>
    %mul3A_318 = vector.broadcast %get3A_1 : vector<1x64xf32> to vector<128x64xf32>
    %mul3A_319 = arith.mulf %mul3A_317, %mul3A_318 : vector<128x64xf32>
    %add3A_320 = vector.broadcast %get3A_4 : vector<1x64xf32> to vector<128x64xf32>
    %add3A_321 = arith.addf %mul3A_319, %add3A_320 : vector<128x64xf32>
    %neg3A_322 = arith.constant 0.000000e+00 : f32
    %neg3A_323 = vector.broadcast %neg3A_322 : f32 to vector<128x64xf32>
    %neg3A_324 = arith.subf %neg3A_323, %add3A_321 : vector<128x64xf32>
    %exp3A_325 = math.exp %neg3A_324 : vector<128x64xf32>
    %add3A_326 = arith.constant 1.000000e+00 : f32
    %add3A_327 = vector.broadcast %add3A_326 : f32 to vector<128x64xf32>
    %add3A_328 = arith.addf %add3A_327, %exp3A_325 : vector<128x64xf32>
    %div3A_329 = arith.constant 1.000000e+00 : f32
    %div3A_330 = vector.broadcast %div3A_329 : f32 to vector<128x64xf32>
    %div3A_331 = arith.divf %div3A_330, %add3A_328 : vector<128x64xf32>
    %mul3A_332 = arith.mulf %add3A_321, %div3A_331 : vector<128x64xf32>
    %dot_general3A_333 = arith.constant dense<0.000000e+00> : vector<128x128xf32>
    %dot_general3A_334 = tpu.matmul %mul3A_332, %get3A_7, %dot_general3A_333 {dimension_numbers = #tpu.dot_dimension_numbers<[1], [0], [0], [1], [0, 0, 1, 1], [], []>, transpose_lhs_hint = false} : vector<128x64xf32>, vector<64x128xf32>, vector<128x128xf32> -> vector<128x128xf32>
    %add3A_335 = vector.broadcast %get3A_10 : vector<1x128xf32> to vector<128x128xf32>
    %add3A_336 = arith.addf %dot_general3A_334, %add3A_335 : vector<128x128xf32>
    %swap3A_337 = arith.constant 1408 : index
    %swap3A_338 = arith.constant 0 : index
    %swap3A_339 = vector.load %arg6[%swap3A_337, %swap3A_338] : memref<16000x128xf32, #tpu.memory_space<vmem>>, vector<128x128xf32>
    tpu.vector_store %arg6[%swap3A_337, %swap3A_338], %add3A_336 {strides = array<i32>} : memref<16000x128xf32, #tpu.memory_space<vmem>>, vector<128x128xf32>,
    %get3A_340 = arith.constant 0 : index
    %get3A_341 = arith.constant 0 : index
    %get3A_342 = arith.constant 12 : index
    %get3A_343 = vector.load %arg1[%get3A_340, %get3A_341, %get3A_342] : memref<1x128x125xf32, #tpu.memory_space<vmem>>, vector<1x128x1xf32>
    %get3A_344 = vector.shape_cast %get3A_343 : vector<1x128x1xf32> to vector<128x1xf32>
    %mul3A_345 = vector.broadcast %get3A_344 : vector<128x1xf32> to vector<128x64xf32>
    %mul3A_346 = vector.broadcast %get3A_1 : vector<1x64xf32> to vector<128x64xf32>
    %mul3A_347 = arith.mulf %mul3A_345, %mul3A_346 : vector<128x64xf32>
    %add3A_348 = vector.broadcast %get3A_4 : vector<1x64xf32> to vector<128x64xf32>
    %add3A_349 = arith.addf %mul3A_347, %add3A_348 : vector<128x64xf32>
    %neg3A_350 = arith.constant 0.000000e+00 : f32
    %neg3A_351 = vector.broadcast %neg3A_350 : f32 to vector<128x64xf32>
    %neg3A_352 = arith.subf %neg3A_351, %add3A_349 : vector<128x64xf32>
    %exp3A_353 = math.exp %neg3A_352 : vector<128x64xf32>
    %add3A_354 = arith.constant 1.000000e+00 : f32
    %add3A_355 = vector.broadcast %add3A_354 : f32 to vector<128x64xf32>
    %add3A_356 = arith.addf %add3A_355, %exp3A_353 : vector<128x64xf32>
    %div3A_357 = arith.constant 1.000000e+00 : f32
    %div3A_358 = vector.broadcast %div3A_357 : f32 to vector<128x64xf32>
    %div3A_359 = arith.divf %div3A_358, %add3A_356 : vector<128x64xf32>
    %mul3A_360 = arith.mulf %add3A_349, %div3A_359 : vector<128x64xf32>
    %dot_general3A_361 = arith.constant dense<0.000000e+00> : vector<128x128xf32>
    %dot_general3A_362 = tpu.matmul %mul3A_360, %get3A_7, %dot_general3A_361 {dimension_numbers = #tpu.dot_dimension_numbers<[1], [0], [0], [1], [0, 0, 1, 1], [], []>, transpose_lhs_hint = false} : vector<128x64xf32>, vector<64x128xf32>, vector<128x128xf32> -> vector<128x128xf32>
    %add3A_363 = vector.broadcast %get3A_10 : vector<1x128xf32> to vector<128x128xf32>
    %add3A_364 = arith.addf %dot_general3A_362, %add3A_363 : vector<128x128xf32>
    %swap3A_365 = arith.constant 1536 : index
    %swap3A_366 = arith.constant 0 : index
    %swap3A_367 = vector.load %arg6[%swap3A_365, %swap3A_366] : memref<16000x128xf32, #tpu.memory_space<vmem>>, vector<128x128xf32>
    tpu.vector_store %arg6[%swap3A_365, %swap3A_366], %add3A_364 {strides = array<i32>} : memref<16000x128xf32, #tpu.memory_space<vmem>>, vector<128x128xf32>,
    %get3A_368 = arith.constant 0 : index
    %get3A_369 = arith.constant 0 : index
    %get3A_370 = arith.constant 13 : index
    %get3A_371 = vector.load %arg1[%get3A_368, %get3A_369, %get3A_370] : memref<1x128x125xf32, #tpu.memory_space<vmem>>, vector<1x128x1xf32>
    %get3A_372 = vector.shape_cast %get3A_371 : vector<1x128x1xf32> to vector<128x1xf32>
    %mul3A_373 = vector.broadcast %get3A_372 : vector<128x1xf32> to vector<128x64xf32>
    %mul3A_374 = vector.broadcast %get3A_1 : vector<1x64xf32> to vector<128x64xf32>
    %mul3A_375 = arith.mulf %mul3A_373, %mul3A_374 : vector<128x64xf32>
    %add3A_376 = vector.broadcast %get3A_4 : vector<1x64xf32> to vector<128x64xf32>
    %add3A_377 = arith.addf %mul3A_375, %add3A_376 : vector<128x64xf32>
    %neg3A_378 = arith.constant 0.000000e+00 : f32
    %neg3A_379 = vector.broadcast %neg3A_378 : f32 to vector<128x64xf32>
    %neg3A_380 = arith.subf %neg3A_379, %add3A_377 : vector<128x64xf32>
    %exp3A_381 = math.exp %neg3A_380 : vector<128x64xf32>
    %add3A_382 = arith.constant 1.000000e+00 : f32
    %add3A_383 = vector.broadcast %add3A_382 : f32 to vector<128x64xf32>
    %add3A_384 = arith.addf %add3A_383, %exp3A_381 : vector<128x64xf32>
    %div3A_385 = arith.constant 1.000000e+00 : f32
    %div3A_386 = vector.broadcast %div3A_385 : f32 to vector<128x64xf32>
    %div3A_387 = arith.divf %div3A_386, %add3A_384 : vector<128x64xf32>
    %mul3A_388 = arith.mulf %add3A_377, %div3A_387 : vector<128x64xf32>
    %dot_general3A_389 = arith.constant dense<0.000000e+00> : vector<128x128xf32>
    %dot_general3A_390 = tpu.matmul %mul3A_388, %get3A_7, %dot_general3A_389 {dimension_numbers = #tpu.dot_dimension_numbers<[1], [0], [0], [1], [0, 0, 1, 1], [], []>, transpose_lhs_hint = false} : vector<128x64xf32>, vector<64x128xf32>, vector<128x128xf32> -> vector<128x128xf32>
    %add3A_391 = vector.broadcast %get3A_10 : vector<1x128xf32> to vector<128x128xf32>
    %add3A_392 = arith.addf %dot_general3A_390, %add3A_391 : vector<128x128xf32>
    %swap3A_393 = arith.constant 1664 : index
    %swap3A_394 = arith.constant 0 : index
    %swap3A_395 = vector.load %arg6[%swap3A_393, %swap3A_394] : memref<16000x128xf32, #tpu.memory_space<vmem>>, vector<128x128xf32>
    tpu.vector_store %arg6[%swap3A_393, %swap3A_394], %add3A_392 {strides = array<i32>} : memref<16000x128xf32, #tpu.memory_space<vmem>>, vector<128x128xf32>,
    %get3A_396 = arith.constant 0 : index
    %get3A_397 = arith.constant 0 : index
    %get3A_398 = arith.constant 14 : index
    %get3A_399 = vector.load %arg1[%get3A_396, %get3A_397, %get3A_398] : memref<1x128x125xf32, #tpu.memory_space<vmem>>, vector<1x128x1xf32>
    %get3A_400 = vector.shape_cast %get3A_399 : vector<1x128x1xf32> to vector<128x1xf32>
    %mul3A_401 = vector.broadcast %get3A_400 : vector<128x1xf32> to vector<128x64xf32>
    %mul3A_402 = vector.broadcast %get3A_1 : vector<1x64xf32> to vector<128x64xf32>
    %mul3A_403 = arith.mulf %mul3A_401, %mul3A_402 : vector<128x64xf32>
    %add3A_404 = vector.broadcast %get3A_4 : vector<1x64xf32> to vector<128x64xf32>
    %add3A_405 = arith.addf %mul3A_403, %add3A_404 : vector<128x64xf32>
    %neg3A_406 = arith.constant 0.000000e+00 : f32
    %neg3A_407 = vector.broadcast %neg3A_406 : f32 to vector<128x64xf32>
    %neg3A_408 = arith.subf %neg3A_407, %add3A_405 : vector<128x64xf32>
    %exp3A_409 = math.exp %neg3A_408 : vector<128x64xf32>
    %add3A_410 = arith.constant 1.000000e+00 : f32
    %add3A_411 = vector.broadcast %add3A_410 : f32 to vector<128x64xf32>
    %add3A_412 = arith.addf %add3A_411, %exp3A_409 : vector<128x64xf32>
    %div3A_413 = arith.constant 1.000000e+00 : f32
    %div3A_414 = vector.broadcast %div3A_413 : f32 to vector<128x64xf32>
    %div3A_415 = arith.divf %div3A_414, %add3A_412 : vector<128x64xf32>
    %mul3A_416 = arith.mulf %add3A_405, %div3A_415 : vector<128x64xf32>
    %dot_general3A_417 = arith.constant dense<0.000000e+00> : vector<128x128xf32>
    %dot_general3A_418 = tpu.matmul %mul3A_416, %get3A_7, %dot_general3A_417 {dimension_numbers = #tpu.dot_dimension_numbers<[1], [0], [0], [1], [0, 0, 1, 1], [], []>, transpose_lhs_hint = false} : vector<128x64xf32>, vector<64x128xf32>, vector<128x128xf32> -> vector<128x128xf32>
    %add3A_419 = vector.broadcast %get3A_10 : vector<1x128xf32> to vector<128x128xf32>
    %add3A_420 = arith.addf %dot_general3A_418, %add3A_419 : vector<128x128xf32>
    %swap3A_421 = arith.constant 1792 : index
    %swap3A_422 = arith.constant 0 : index
    %swap3A_423 = vector.load %arg6[%swap3A_421, %swap3A_422] : memref<16000x128xf32, #tpu.memory_space<vmem>>, vector<128x128xf32>
    tpu.vector_store %arg6[%swap3A_421, %swap3A_422], %add3A_420 {strides = array<i32>} : memref<16000x128xf32, #tpu.memory_space<vmem>>, vector<128x128xf32>,
    %get3A_424 = arith.constant 0 : index
    %get3A_425 = arith.constant 0 : index
    %get3A_426 = arith.constant 15 : index
    %get3A_427 = vector.load %arg1[%get3A_424, %get3A_425, %get3A_426] : memref<1x128x125xf32, #tpu.memory_space<vmem>>, vector<1x128x1xf32>
    %get3A_428 = vector.shape_cast %get3A_427 : vector<1x128x1xf32> to vector<128x1xf32>
    %mul3A_429 = vector.broadcast %get3A_428 : vector<128x1xf32> to vector<128x64xf32>
    %mul3A_430 = vector.broadcast %get3A_1 : vector<1x64xf32> to vector<128x64xf32>
    %mul3A_431 = arith.mulf %mul3A_429, %mul3A_430 : vector<128x64xf32>
    %add3A_432 = vector.broadcast %get3A_4 : vector<1x64xf32> to vector<128x64xf32>
    %add3A_433 = arith.addf %mul3A_431, %add3A_432 : vector<128x64xf32>
    %neg3A_434 = arith.constant 0.000000e+00 : f32
    %neg3A_435 = vector.broadcast %neg3A_434 : f32 to vector<128x64xf32>
    %neg3A_436 = arith.subf %neg3A_435, %add3A_433 : vector<128x64xf32>
    %exp3A_437 = math.exp %neg3A_436 : vector<128x64xf32>
    %add3A_438 = arith.constant 1.000000e+00 : f32
    %add3A_439 = vector.broadcast %add3A_438 : f32 to vector<128x64xf32>
    %add3A_440 = arith.addf %add3A_439, %exp3A_437 : vector<128x64xf32>
    %div3A_441 = arith.constant 1.000000e+00 : f32
    %div3A_442 = vector.broadcast %div3A_441 : f32 to vector<128x64xf32>
    %div3A_443 = arith.divf %div3A_442, %add3A_440 : vector<128x64xf32>
    %mul3A_444 = arith.mulf %add3A_433, %div3A_443 : vector<128x64xf32>
    %dot_general3A_445 = arith.constant dense<0.000000e+00> : vector<128x128xf32>
    %dot_general3A_446 = tpu.matmul %mul3A_444, %get3A_7, %dot_general3A_445 {dimension_numbers = #tpu.dot_dimension_numbers<[1], [0], [0], [1], [0, 0, 1, 1], [], []>, transpose_lhs_hint = false} : vector<128x64xf32>, vector<64x128xf32>, vector<128x128xf32> -> vector<128x128xf32>
    %add3A_447 = vector.broadcast %get3A_10 : vector<1x128xf32> to vector<128x128xf32>
    %add3A_448 = arith.addf %dot_general3A_446, %add3A_447 : vector<128x128xf32>
    %swap3A_449 = arith.constant 1920 : index
    %swap3A_450 = arith.constant 0 : index
    %swap3A_451 = vector.load %arg6[%swap3A_449, %swap3A_450] : memref<16000x128xf32, #tpu.memory_space<vmem>>, vector<128x128xf32>
    tpu.vector_store %arg6[%swap3A_449, %swap3A_450], %add3A_448 {strides = array<i32>} : memref<16000x128xf32, #tpu.memory_space<vmem>>, vector<128x128xf32>,
    %get3A_452 = arith.constant 0 : index
    %get3A_453 = arith.constant 0 : index
    %get3A_454 = arith.constant 16 : index
    %get3A_455 = vector.load %arg1[%get3A_452, %get3A_453, %get3A_454] : memref<1x128x125xf32, #tpu.memory_space<vmem>>, vector<1x128x1xf32>
    %get3A_456 = vector.shape_cast %get3A_455 : vector<1x128x1xf32> to vector<128x1xf32>
    %mul3A_457 = vector.broadcast %get3A_456 : vector<128x1xf32> to vector<128x64xf32>
    %mul3A_458 = vector.broadcast %get3A_1 : vector<1x64xf32> to vector<128x64xf32>
    %mul3A_459 = arith.mulf %mul3A_457, %mul3A_458 : vector<128x64xf32>
    %add3A_460 = vector.broadcast %get3A_4 : vector<1x64xf32> to vector<128x64xf32>
    %add3A_461 = arith.addf %mul3A_459, %add3A_460 : vector<128x64xf32>
    %neg3A_462 = arith.constant 0.000000e+00 : f32
    %neg3A_463 = vector.broadcast %neg3A_462 : f32 to vector<128x64xf32>
    %neg3A_464 = arith.subf %neg3A_463, %add3A_461 : vector<128x64xf32>
    %exp3A_465 = math.exp %neg3A_464 : vector<128x64xf32>
    %add3A_466 = arith.constant 1.000000e+00 : f32
    %add3A_467 = vector.broadcast %add3A_466 : f32 to vector<128x64xf32>
    %add3A_468 = arith.addf %add3A_467, %exp3A_465 : vector<128x64xf32>
    %div3A_469 = arith.constant 1.000000e+00 : f32
    %div3A_470 = vector.broadcast %div3A_469 : f32 to vector<128x64xf32>
    %div3A_471 = arith.divf %div3A_470, %add3A_468 : vector<128x64xf32>
    %mul3A_472 = arith.mulf %add3A_461, %div3A_471 : vector<128x64xf32>
    %dot_general3A_473 = arith.constant dense<0.000000e+00> : vector<128x128xf32>
    %dot_general3A_474 = tpu.matmul %mul3A_472, %get3A_7, %dot_general3A_473 {dimension_numbers = #tpu.dot_dimension_numbers<[1], [0], [0], [1], [0, 0, 1, 1], [], []>, transpose_lhs_hint = false} : vector<128x64xf32>, vector<64x128xf32>, vector<128x128xf32> -> vector<128x128xf32>
    %add3A_475 = vector.broadcast %get3A_10 : vector<1x128xf32> to vector<128x128xf32>
    %add3A_476 = arith.addf %dot_general3A_474, %add3A_475 : vector<128x128xf32>
    %swap3A_477 = arith.constant 2048 : index
    %swap3A_478 = arith.constant 0 : index
    %swap3A_479 = vector.load %arg6[%swap3A_477, %swap3A_478] : memref<16000x128xf32, #tpu.memory_space<vmem>>, vector<128x128xf32>
    tpu.vector_store %arg6[%swap3A_477, %swap3A_478], %add3A_476 {strides = array<i32>} : memref<16000x128xf32, #tpu.memory_space<vmem>>, vector<128x128xf32>,
    %get3A_480 = arith.constant 0 : index
    %get3A_481 = arith.constant 0 : index
    %get3A_482 = arith.constant 17 : index
    %get3A_483 = vector.load %arg1[%get3A_480, %get3A_481, %get3A_482] : memref<1x128x125xf32, #tpu.memory_space<vmem>>, vector<1x128x1xf32>
    %get3A_484 = vector.shape_cast %get3A_483 : vector<1x128x1xf32> to vector<128x1xf32>
    %mul3A_485 = vector.broadcast %get3A_484 : vector<128x1xf32> to vector<128x64xf32>
    %mul3A_486 = vector.broadcast %get3A_1 : vector<1x64xf32> to vector<128x64xf32>
    %mul3A_487 = arith.mulf %mul3A_485, %mul3A_486 : vector<128x64xf32>
    %add3A_488 = vector.broadcast %get3A_4 : vector<1x64xf32> to vector<128x64xf32>
    %add3A_489 = arith.addf %mul3A_487, %add3A_488 : vector<128x64xf32>
    %neg3A_490 = arith.constant 0.000000e+00 : f32
    %neg3A_491 = vector.broadcast %neg3A_490 : f32 to vector<128x64xf32>
    %neg3A_492 = arith.subf %neg3A_491, %add3A_489 : vector<128x64xf32>
    %exp3A_493 = math.exp %neg3A_492 : vector<128x64xf32>
    %add3A_494 = arith.constant 1.000000e+00 : f32
    %add3A_495 = vector.broadcast %add3A_494 : f32 to vector<128x64xf32>
    %add3A_496 = arith.addf %add3A_495, %exp3A_493 : vector<128x64xf32>
    %div3A_497 = arith.constant 1.000000e+00 : f32
    %div3A_498 = vector.broadcast %div3A_497 : f32 to vector<128x64xf32>
    %div3A_499 = arith.divf %div3A_498, %add3A_496 : vector<128x64xf32>
    %mul3A_500 = arith.mulf %add3A_489, %div3A_499 : vector<128x64xf32>
    %dot_general3A_501 = arith.constant dense<0.000000e+00> : vector<128x128xf32>
    %dot_general3A_502 = tpu.matmul %mul3A_500, %get3A_7, %dot_general3A_501 {dimension_numbers = #tpu.dot_dimension_numbers<[1], [0], [0], [1], [0, 0, 1, 1], [], []>, transpose_lhs_hint = false} : vector<128x64xf32>, vector<64x128xf32>, vector<128x128xf32> -> vector<128x128xf32>
    %add3A_503 = vector.broadcast %get3A_10 : vector<1x128xf32> to vector<128x128xf32>
    %add3A_504 = arith.addf %dot_general3A_502, %add3A_503 : vector<128x128xf32>
    %swap3A_505 = arith.constant 2176 : index
    %swap3A_506 = arith.constant 0 : index
    %swap3A_507 = vector.load %arg6[%swap3A_505, %swap3A_506] : memref<16000x128xf32, #tpu.memory_space<vmem>>, vector<128x128xf32>
    tpu.vector_store %arg6[%swap3A_505, %swap3A_506], %add3A_504 {strides = array<i32>} : memref<16000x128xf32, #tpu.memory_space<vmem>>, vector<128x128xf32>,
    %get3A_508 = arith.constant 0 : index
    %get3A_509 = arith.constant 0 : index
    %get3A_510 = arith.constant 18 : index
    %get3A_511 = vector.load %arg1[%get3A_508, %get3A_509, %get3A_510] : memref<1x128x125xf32, #tpu.memory_space<vmem>>, vector<1x128x1xf32>
    %get3A_512 = vector.shape_cast %get3A_511 : vector<1x128x1xf32> to vector<128x1xf32>
    %mul3A_513 = vector.broadcast %get3A_512 : vector<128x1xf32> to vector<128x64xf32>
    %mul3A_514 = vector.broadcast %get3A_1 : vector<1x64xf32> to vector<128x64xf32>
    %mul3A_515 = arith.mulf %mul3A_513, %mul3A_514 : vector<128x64xf32>
    %add3A_516 = vector.broadcast %get3A_4 : vector<1x64xf32> to vector<128x64xf32>
    %add3A_517 = arith.addf %mul3A_515, %add3A_516 : vector<128x64xf32>
    %neg3A_518 = arith.constant 0.000000e+00 : f32
    %neg3A_519 = vector.broadcast %neg3A_518 : f32 to vector<128x64xf32>
    %neg3A_520 = arith.subf %neg3A_519, %add3A_517 : vector<128x64xf32>
    %exp3A_521 = math.exp %neg3A_520 : vector<128x64xf32>
    %add3A_522 = arith.constant 1.000000e+00 : f32
    %add3A_523 = vector.broadcast %add3A_522 : f32 to vector<128x64xf32>
    %add3A_524 = arith.addf %add3A_523, %exp3A_521 : vector<128x64xf32>
    %div3A_525 = arith.constant 1.000000e+00 : f32
    %div3A_526 = vector.broadcast %div3A_525 : f32 to vector<128x64xf32>
    %div3A_527 = arith.divf %div3A_526, %add3A_524 : vector<128x64xf32>
    %mul3A_528 = arith.mulf %add3A_517, %div3A_527 : vector<128x64xf32>
    %dot_general3A_529 = arith.constant dense<0.000000e+00> : vector<128x128xf32>
    %dot_general3A_530 = tpu.matmul %mul3A_528, %get3A_7, %dot_general3A_529 {dimension_numbers = #tpu.dot_dimension_numbers<[1], [0], [0], [1], [0, 0, 1, 1], [], []>, transpose_lhs_hint = false} : vector<128x64xf32>, vector<64x128xf32>, vector<128x128xf32> -> vector<128x128xf32>
    %add3A_531 = vector.broadcast %get3A_10 : vector<1x128xf32> to vector<128x128xf32>
    %add3A_532 = arith.addf %dot_general3A_530, %add3A_531 : vector<128x128xf32>
    %swap3A_533 = arith.constant 2304 : index
    %swap3A_534 = arith.constant 0 : index
    %swap3A_535 = vector.load %arg6[%swap3A_533, %swap3A_534] : memref<16000x128xf32, #tpu.memory_space<vmem>>, vector<128x128xf32>
    tpu.vector_store %arg6[%swap3A_533, %swap3A_534], %add3A_532 {strides = array<i32>} : memref<16000x128xf32, #tpu.memory_space<vmem>>, vector<128x128xf32>,
    %get3A_536 = arith.constant 0 : index
    %get3A_537 = arith.constant 0 : index
    %get3A_538 = arith.constant 19 : index
    %get3A_539 = vector.load %arg1[%get3A_536, %get3A_537, %get3A_538] : memref<1x128x125xf32, #tpu.memory_space<vmem>>, vector<1x128x1xf32>
    %get3A_540 = vector.shape_cast %get3A_539 : vector<1x128x1xf32> to vector<128x1xf32>
    %mul3A_541 = vector.broadcast %get3A_540 : vector<128x1xf32> to vector<128x64xf32>
    %mul3A_542 = vector.broadcast %get3A_1 : vector<1x64xf32> to vector<128x64xf32>
    %mul3A_543 = arith.mulf %mul3A_541, %mul3A_542 : vector<128x64xf32>
    %add3A_544 = vector.broadcast %get3A_4 : vector<1x64xf32> to vector<128x64xf32>
    %add3A_545 = arith.addf %mul3A_543, %add3A_544 : vector<128x64xf32>
    %neg3A_546 = arith.constant 0.000000e+00 : f32
    %neg3A_547 = vector.broadcast %neg3A_546 : f32 to vector<128x64xf32>
    %neg3A_548 = arith.subf %neg3A_547, %add3A_545 : vector<128x64xf32>
    %exp3A_549 = math.exp %neg3A_548 : vector<128x64xf32>
    %add3A_550 = arith.constant 1.000000e+00 : f32
    %add3A_551 = vector.broadcast %add3A_550 : f32 to vector<128x64xf32>
    %add3A_552 = arith.addf %add3A_551, %exp3A_549 : vector<128x64xf32>
    %div3A_553 = arith.constant 1.000000e+00 : f32
    %div3A_554 = vector.broadcast %div3A_553 : f32 to vector<128x64xf32>
    %div3A_555 = arith.divf %div3A_554, %add3A_552 : vector<128x64xf32>
    %mul3A_556 = arith.mulf %add3A_545, %div3A_555 : vector<128x64xf32>
    %dot_general3A_557 = arith.constant dense<0.000000e+00> : vector<128x128xf32>
    %dot_general3A_558 = tpu.matmul %mul3A_556, %get3A_7, %dot_general3A_557 {dimension_numbers = #tpu.dot_dimension_numbers<[1], [0], [0], [1], [0, 0, 1, 1], [], []>, transpose_lhs_hint = false} : vector<128x64xf32>, vector<64x128xf32>, vector<128x128xf32> -> vector<128x128xf32>
    %add3A_559 = vector.broadcast %get3A_10 : vector<1x128xf32> to vector<128x128xf32>
    %add3A_560 = arith.addf %dot_general3A_558, %add3A_559 : vector<128x128xf32>
    %swap3A_561 = arith.constant 2432 : index
    %swap3A_562 = arith.constant 0 : index
    %swap3A_563 = vector.load %arg6[%swap3A_561, %swap3A_562] : memref<16000x128xf32, #tpu.memory_space<vmem>>, vector<128x128xf32>
    tpu.vector_store %arg6[%swap3A_561, %swap3A_562], %add3A_560 {strides = array<i32>} : memref<16000x128xf32, #tpu.memory_space<vmem>>, vector<128x128xf32>,
    %get3A_564 = arith.constant 0 : index
    %get3A_565 = arith.constant 0 : index
    %get3A_566 = arith.constant 20 : index
    %get3A_567 = vector.load %arg1[%get3A_564, %get3A_565, %get3A_566] : memref<1x128x125xf32, #tpu.memory_space<vmem>>, vector<1x128x1xf32>
    %get3A_568 = vector.shape_cast %get3A_567 : vector<1x128x1xf32> to vector<128x1xf32>
    %mul3A_569 = vector.broadcast %get3A_568 : vector<128x1xf32> to vector<128x64xf32>
    %mul3A_570 = vector.broadcast %get3A_1 : vector<1x64xf32> to vector<128x64xf32>
    %mul3A_571 = arith.mulf %mul3A_569, %mul3A_570 : vector<128x64xf32>
    %add3A_572 = vector.broadcast %get3A_4 : vector<1x64xf32> to vector<128x64xf32>
    %add3A_573 = arith.addf %mul3A_571, %add3A_572 : vector<128x64xf32>
    %neg3A_574 = arith.constant 0.000000e+00 : f32
    %neg3A_575 = vector.broadcast %neg3A_574 : f32 to vector<128x64xf32>
    %neg3A_576 = arith.subf %neg3A_575, %add3A_573 : vector<128x64xf32>
    %exp3A_577 = math.exp %neg3A_576 : vector<128x64xf32>
    %add3A_578 = arith.constant 1.000000e+00 : f32
    %add3A_579 = vector.broadcast %add3A_578 : f32 to vector<128x64xf32>
    %add3A_580 = arith.addf %add3A_579, %exp3A_577 : vector<128x64xf32>
    %div3A_581 = arith.constant 1.000000e+00 : f32
    %div3A_582 = vector.broadcast %div3A_581 : f32 to vector<128x64xf32>
    %div3A_583 = arith.divf %div3A_582, %add3A_580 : vector<128x64xf32>
    %mul3A_584 = arith.mulf %add3A_573, %div3A_583 : vector<128x64xf32>
    %dot_general3A_585 = arith.constant dense<0.000000e+00> : vector<128x128xf32>
    %dot_general3A_586 = tpu.matmul %mul3A_584, %get3A_7, %dot_general3A_585 {dimension_numbers = #tpu.dot_dimension_numbers<[1], [0], [0], [1], [0, 0, 1, 1], [], []>, transpose_lhs_hint = false} : vector<128x64xf32>, vector<64x128xf32>, vector<128x128xf32> -> vector<128x128xf32>
    %add3A_587 = vector.broadcast %get3A_10 : vector<1x128xf32> to vector<128x128xf32>
    %add3A_588 = arith.addf %dot_general3A_586, %add3A_587 : vector<128x128xf32>
    %swap3A_589 = arith.constant 2560 : index
    %swap3A_590 = arith.constant 0 : index
    %swap3A_591 = vector.load %arg6[%swap3A_589, %swap3A_590] : memref<16000x128xf32, #tpu.memory_space<vmem>>, vector<128x128xf32>
    tpu.vector_store %arg6[%swap3A_589, %swap3A_590], %add3A_588 {strides = array<i32>} : memref<16000x128xf32, #tpu.memory_space<vmem>>, vector<128x128xf32>,
    %get3A_592 = arith.constant 0 : index
    %get3A_593 = arith.constant 0 : index
    %get3A_594 = arith.constant 21 : index
    %get3A_595 = vector.load %arg1[%get3A_592, %get3A_593, %get3A_594] : memref<1x128x125xf32, #tpu.memory_space<vmem>>, vector<1x128x1xf32>
    %get3A_596 = vector.shape_cast %get3A_595 : vector<1x128x1xf32> to vector<128x1xf32>
    %mul3A_597 = vector.broadcast %get3A_596 : vector<128x1xf32> to vector<128x64xf32>
    %mul3A_598 = vector.broadcast %get3A_1 : vector<1x64xf32> to vector<128x64xf32>
    %mul3A_599 = arith.mulf %mul3A_597, %mul3A_598 : vector<128x64xf32>
    %add3A_600 = vector.broadcast %get3A_4 : vector<1x64xf32> to vector<128x64xf32>
    %add3A_601 = arith.addf %mul3A_599, %add3A_600 : vector<128x64xf32>
    %neg3A_602 = arith.constant 0.000000e+00 : f32
    %neg3A_603 = vector.broadcast %neg3A_602 : f32 to vector<128x64xf32>
    %neg3A_604 = arith.subf %neg3A_603, %add3A_601 : vector<128x64xf32>
    %exp3A_605 = math.exp %neg3A_604 : vector<128x64xf32>
    %add3A_606 = arith.constant 1.000000e+00 : f32
    %add3A_607 = vector.broadcast %add3A_606 : f32 to vector<128x64xf32>
    %add3A_608 = arith.addf %add3A_607, %exp3A_605 : vector<128x64xf32>
    %div3A_609 = arith.constant 1.000000e+00 : f32
    %div3A_610 = vector.broadcast %div3A_609 : f32 to vector<128x64xf32>
    %div3A_611 = arith.divf %div3A_610, %add3A_608 : vector<128x64xf32>
    %mul3A_612 = arith.mulf %add3A_601, %div3A_611 : vector<128x64xf32>
    %dot_general3A_613 = arith.constant dense<0.000000e+00> : vector<128x128xf32>
    %dot_general3A_614 = tpu.matmul %mul3A_612, %get3A_7, %dot_general3A_613 {dimension_numbers = #tpu.dot_dimension_numbers<[1], [0], [0], [1], [0, 0, 1, 1], [], []>, transpose_lhs_hint = false} : vector<128x64xf32>, vector<64x128xf32>, vector<128x128xf32> -> vector<128x128xf32>
    %add3A_615 = vector.broadcast %get3A_10 : vector<1x128xf32> to vector<128x128xf32>
    %add3A_616 = arith.addf %dot_general3A_614, %add3A_615 : vector<128x128xf32>
    %swap3A_617 = arith.constant 2688 : index
    %swap3A_618 = arith.constant 0 : index
    %swap3A_619 = vector.load %arg6[%swap3A_617, %swap3A_618] : memref<16000x128xf32, #tpu.memory_space<vmem>>, vector<128x128xf32>
    tpu.vector_store %arg6[%swap3A_617, %swap3A_618], %add3A_616 {strides = array<i32>} : memref<16000x128xf32, #tpu.memory_space<vmem>>, vector<128x128xf32>,
    %get3A_620 = arith.constant 0 : index
    %get3A_621 = arith.constant 0 : index
    %get3A_622 = arith.constant 22 : index
    %get3A_623 = vector.load %arg1[%get3A_620, %get3A_621, %get3A_622] : memref<1x128x125xf32, #tpu.memory_space<vmem>>, vector<1x128x1xf32>
    %get3A_624 = vector.shape_cast %get3A_623 : vector<1x128x1xf32> to vector<128x1xf32>
    %mul3A_625 = vector.broadcast %get3A_624 : vector<128x1xf32> to vector<128x64xf32>
    %mul3A_626 = vector.broadcast %get3A_1 : vector<1x64xf32> to vector<128x64xf32>
    %mul3A_627 = arith.mulf %mul3A_625, %mul3A_626 : vector<128x64xf32>
    %add3A_628 = vector.broadcast %get3A_4 : vector<1x64xf32> to vector<128x64xf32>
    %add3A_629 = arith.addf %mul3A_627, %add3A_628 : vector<128x64xf32>
    %neg3A_630 = arith.constant 0.000000e+00 : f32
    %neg3A_631 = vector.broadcast %neg3A_630 : f32 to vector<128x64xf32>
    %neg3A_632 = arith.subf %neg3A_631, %add3A_629 : vector<128x64xf32>
    %exp3A_633 = math.exp %neg3A_632 : vector<128x64xf32>
    %add3A_634 = arith.constant 1.000000e+00 : f32
    %add3A_635 = vector.broadcast %add3A_634 : f32 to vector<128x64xf32>
    %add3A_636 = arith.addf %add3A_635, %exp3A_633 : vector<128x64xf32>
    %div3A_637 = arith.constant 1.000000e+00 : f32
    %div3A_638 = vector.broadcast %div3A_637 : f32 to vector<128x64xf32>
    %div3A_639 = arith.divf %div3A_638, %add3A_636 : vector<128x64xf32>
    %mul3A_640 = arith.mulf %add3A_629, %div3A_639 : vector<128x64xf32>
    %dot_general3A_641 = arith.constant dense<0.000000e+00> : vector<128x128xf32>
    %dot_general3A_642 = tpu.matmul %mul3A_640, %get3A_7, %dot_general3A_641 {dimension_numbers = #tpu.dot_dimension_numbers<[1], [0], [0], [1], [0, 0, 1, 1], [], []>, transpose_lhs_hint = false} : vector<128x64xf32>, vector<64x128xf32>, vector<128x128xf32> -> vector<128x128xf32>
    %add3A_643 = vector.broadcast %get3A_10 : vector<1x128xf32> to vector<128x128xf32>
    %add3A_644 = arith.addf %dot_general3A_642, %add3A_643 : vector<128x128xf32>
    %swap3A_645 = arith.constant 2816 : index
    %swap3A_646 = arith.constant 0 : index
    %swap3A_647 = vector.load %arg6[%swap3A_645, %swap3A_646] : memref<16000x128xf32, #tpu.memory_space<vmem>>, vector<128x128xf32>
    tpu.vector_store %arg6[%swap3A_645, %swap3A_646], %add3A_644 {strides = array<i32>} : memref<16000x128xf32, #tpu.memory_space<vmem>>, vector<128x128xf32>,
    %get3A_648 = arith.constant 0 : index
    %get3A_649 = arith.constant 0 : index
    %get3A_650 = arith.constant 23 : index
    %get3A_651 = vector.load %arg1[%get3A_648, %get3A_649, %get3A_650] : memref<1x128x125xf32, #tpu.memory_space<vmem>>, vector<1x128x1xf32>
    %get3A_652 = vector.shape_cast %get3A_651 : vector<1x128x1xf32> to vector<128x1xf32>
    %mul3A_653 = vector.broadcast %get3A_652 : vector<128x1xf32> to vector<128x64xf32>
    %mul3A_654 = vector.broadcast %get3A_1 : vector<1x64xf32> to vector<128x64xf32>
    %mul3A_655 = arith.mulf %mul3A_653, %mul3A_654 : vector<128x64xf32>
    %add3A_656 = vector.broadcast %get3A_4 : vector<1x64xf32> to vector<128x64xf32>
    %add3A_657 = arith.addf %mul3A_655, %add3A_656 : vector<128x64xf32>
    %neg3A_658 = arith.constant 0.000000e+00 : f32
    %neg3A_659 = vector.broadcast %neg3A_658 : f32 to vector<128x64xf32>
    %neg3A_660 = arith.subf %neg3A_659, %add3A_657 : vector<128x64xf32>
    %exp3A_661 = math.exp %neg3A_660 : vector<128x64xf32>
    %add3A_662 = arith.constant 1.000000e+00 : f32
    %add3A_663 = vector.broadcast %add3A_662 : f32 to vector<128x64xf32>
    %add3A_664 = arith.addf %add3A_663, %exp3A_661 : vector<128x64xf32>
    %div3A_665 = arith.constant 1.000000e+00 : f32
    %div3A_666 = vector.broadcast %div3A_665 : f32 to vector<128x64xf32>
    %div3A_667 = arith.divf %div3A_666, %add3A_664 : vector<128x64xf32>
    %mul3A_668 = arith.mulf %add3A_657, %div3A_667 : vector<128x64xf32>
    %dot_general3A_669 = arith.constant dense<0.000000e+00> : vector<128x128xf32>
    %dot_general3A_670 = tpu.matmul %mul3A_668, %get3A_7, %dot_general3A_669 {dimension_numbers = #tpu.dot_dimension_numbers<[1], [0], [0], [1], [0, 0, 1, 1], [], []>, transpose_lhs_hint = false} : vector<128x64xf32>, vector<64x128xf32>, vector<128x128xf32> -> vector<128x128xf32>
    %add3A_671 = vector.broadcast %get3A_10 : vector<1x128xf32> to vector<128x128xf32>
    %add3A_672 = arith.addf %dot_general3A_670, %add3A_671 : vector<128x128xf32>
    %swap3A_673 = arith.constant 2944 : index
    %swap3A_674 = arith.constant 0 : index
    %swap3A_675 = vector.load %arg6[%swap3A_673, %swap3A_674] : memref<16000x128xf32, #tpu.memory_space<vmem>>, vector<128x128xf32>
    tpu.vector_store %arg6[%swap3A_673, %swap3A_674], %add3A_672 {strides = array<i32>} : memref<16000x128xf32, #tpu.memory_space<vmem>>, vector<128x128xf32>,
    %get3A_676 = arith.constant 0 : index
    %get3A_677 = arith.constant 0 : index
    %get3A_678 = arith.constant 24 : index
    %get3A_679 = vector.load %arg1[%get3A_676, %get3A_677, %get3A_678] : memref<1x128x125xf32, #tpu.memory_space<vmem>>, vector<1x128x1xf32>
    %get3A_680 = vector.shape_cast %get3A_679 : vector<1x128x1xf32> to vector<128x1xf32>
    %mul3A_681 = vector.broadcast %get3A_680 : vector<128x1xf32> to vector<128x64xf32>
    %mul3A_682 = vector.broadcast %get3A_1 : vector<1x64xf32> to vector<128x64xf32>
    %mul3A_683 = arith.mulf %mul3A_681, %mul3A_682 : vector<128x64xf32>
    %add3A_684 = vector.broadcast %get3A_4 : vector<1x64xf32> to vector<128x64xf32>
    %add3A_685 = arith.addf %mul3A_683, %add3A_684 : vector<128x64xf32>
    %neg3A_686 = arith.constant 0.000000e+00 : f32
    %neg3A_687 = vector.broadcast %neg3A_686 : f32 to vector<128x64xf32>
    %neg3A_688 = arith.subf %neg3A_687, %add3A_685 : vector<128x64xf32>
    %exp3A_689 = math.exp %neg3A_688 : vector<128x64xf32>
    %add3A_690 = arith.constant 1.000000e+00 : f32
    %add3A_691 = vector.broadcast %add3A_690 : f32 to vector<128x64xf32>
    %add3A_692 = arith.addf %add3A_691, %exp3A_689 : vector<128x64xf32>
    %div3A_693 = arith.constant 1.000000e+00 : f32
    %div3A_694 = vector.broadcast %div3A_693 : f32 to vector<128x64xf32>
    %div3A_695 = arith.divf %div3A_694, %add3A_692 : vector<128x64xf32>
    %mul3A_696 = arith.mulf %add3A_685, %div3A_695 : vector<128x64xf32>
    %dot_general3A_697 = arith.constant dense<0.000000e+00> : vector<128x128xf32>
    %dot_general3A_698 = tpu.matmul %mul3A_696, %get3A_7, %dot_general3A_697 {dimension_numbers = #tpu.dot_dimension_numbers<[1], [0], [0], [1], [0, 0, 1, 1], [], []>, transpose_lhs_hint = false} : vector<128x64xf32>, vector<64x128xf32>, vector<128x128xf32> -> vector<128x128xf32>
    %add3A_699 = vector.broadcast %get3A_10 : vector<1x128xf32> to vector<128x128xf32>
    %add3A_700 = arith.addf %dot_general3A_698, %add3A_699 : vector<128x128xf32>
    %swap3A_701 = arith.constant 3072 : index
    %swap3A_702 = arith.constant 0 : index
    %swap3A_703 = vector.load %arg6[%swap3A_701, %swap3A_702] : memref<16000x128xf32, #tpu.memory_space<vmem>>, vector<128x128xf32>
    tpu.vector_store %arg6[%swap3A_701, %swap3A_702], %add3A_700 {strides = array<i32>} : memref<16000x128xf32, #tpu.memory_space<vmem>>, vector<128x128xf32>,
    %get3A_704 = arith.constant 0 : index
    %get3A_705 = arith.constant 0 : index
    %get3A_706 = arith.constant 25 : index
    %get3A_707 = vector.load %arg1[%get3A_704, %get3A_705, %get3A_706] : memref<1x128x125xf32, #tpu.memory_space<vmem>>, vector<1x128x1xf32>
    %get3A_708 = vector.shape_cast %get3A_707 : vector<1x128x1xf32> to vector<128x1xf32>
    %mul3A_709 = vector.broadcast %get3A_708 : vector<128x1xf32> to vector<128x64xf32>
    %mul3A_710 = vector.broadcast %get3A_1 : vector<1x64xf32> to vector<128x64xf32>
    %mul3A_711 = arith.mulf %mul3A_709, %mul3A_710 : vector<128x64xf32>
    %add3A_712 = vector.broadcast %get3A_4 : vector<1x64xf32> to vector<128x64xf32>
    %add3A_713 = arith.addf %mul3A_711, %add3A_712 : vector<128x64xf32>
    %neg3A_714 = arith.constant 0.000000e+00 : f32
    %neg3A_715 = vector.broadcast %neg3A_714 : f32 to vector<128x64xf32>
    %neg3A_716 = arith.subf %neg3A_715, %add3A_713 : vector<128x64xf32>
    %exp3A_717 = math.exp %neg3A_716 : vector<128x64xf32>
    %add3A_718 = arith.constant 1.000000e+00 : f32
    %add3A_719 = vector.broadcast %add3A_718 : f32 to vector<128x64xf32>
    %add3A_720 = arith.addf %add3A_719, %exp3A_717 : vector<128x64xf32>
    %div3A_721 = arith.constant 1.000000e+00 : f32
    %div3A_722 = vector.broadcast %div3A_721 : f32 to vector<128x64xf32>
    %div3A_723 = arith.divf %div3A_722, %add3A_720 : vector<128x64xf32>
    %mul3A_724 = arith.mulf %add3A_713, %div3A_723 : vector<128x64xf32>
    %dot_general3A_725 = arith.constant dense<0.000000e+00> : vector<128x128xf32>
    %dot_general3A_726 = tpu.matmul %mul3A_724, %get3A_7, %dot_general3A_725 {dimension_numbers = #tpu.dot_dimension_numbers<[1], [0], [0], [1], [0, 0, 1, 1], [], []>, transpose_lhs_hint = false} : vector<128x64xf32>, vector<64x128xf32>, vector<128x128xf32> -> vector<128x128xf32>
    %add3A_727 = vector.broadcast %get3A_10 : vector<1x128xf32> to vector<128x128xf32>
    %add3A_728 = arith.addf %dot_general3A_726, %add3A_727 : vector<128x128xf32>
    %swap3A_729 = arith.constant 3200 : index
    %swap3A_730 = arith.constant 0 : index
    %swap3A_731 = vector.load %arg6[%swap3A_729, %swap3A_730] : memref<16000x128xf32, #tpu.memory_space<vmem>>, vector<128x128xf32>
    tpu.vector_store %arg6[%swap3A_729, %swap3A_730], %add3A_728 {strides = array<i32>} : memref<16000x128xf32, #tpu.memory_space<vmem>>, vector<128x128xf32>,
    %get3A_732 = arith.constant 0 : index
    %get3A_733 = arith.constant 0 : index
    %get3A_734 = arith.constant 26 : index
    %get3A_735 = vector.load %arg1[%get3A_732, %get3A_733, %get3A_734] : memref<1x128x125xf32, #tpu.memory_space<vmem>>, vector<1x128x1xf32>
    %get3A_736 = vector.shape_cast %get3A_735 : vector<1x128x1xf32> to vector<128x1xf32>
    %mul3A_737 = vector.broadcast %get3A_736 : vector<128x1xf32> to vector<128x64xf32>
    %mul3A_738 = vector.broadcast %get3A_1 : vector<1x64xf32> to vector<128x64xf32>
    %mul3A_739 = arith.mulf %mul3A_737, %mul3A_738 : vector<128x64xf32>
    %add3A_740 = vector.broadcast %get3A_4 : vector<1x64xf32> to vector<128x64xf32>
    %add3A_741 = arith.addf %mul3A_739, %add3A_740 : vector<128x64xf32>
    %neg3A_742 = arith.constant 0.000000e+00 : f32
    %neg3A_743 = vector.broadcast %neg3A_742 : f32 to vector<128x64xf32>
    %neg3A_744 = arith.subf %neg3A_743, %add3A_741 : vector<128x64xf32>
    %exp3A_745 = math.exp %neg3A_744 : vector<128x64xf32>
    %add3A_746 = arith.constant 1.000000e+00 : f32
    %add3A_747 = vector.broadcast %add3A_746 : f32 to vector<128x64xf32>
    %add3A_748 = arith.addf %add3A_747, %exp3A_745 : vector<128x64xf32>
    %div3A_749 = arith.constant 1.000000e+00 : f32
    %div3A_750 = vector.broadcast %div3A_749 : f32 to vector<128x64xf32>
    %div3A_751 = arith.divf %div3A_750, %add3A_748 : vector<128x64xf32>
    %mul3A_752 = arith.mulf %add3A_741, %div3A_751 : vector<128x64xf32>
    %dot_general3A_753 = arith.constant dense<0.000000e+00> : vector<128x128xf32>
    %dot_general3A_754 = tpu.matmul %mul3A_752, %get3A_7, %dot_general3A_753 {dimension_numbers = #tpu.dot_dimension_numbers<[1], [0], [0], [1], [0, 0, 1, 1], [], []>, transpose_lhs_hint = false} : vector<128x64xf32>, vector<64x128xf32>, vector<128x128xf32> -> vector<128x128xf32>
    %add3A_755 = vector.broadcast %get3A_10 : vector<1x128xf32> to vector<128x128xf32>
    %add3A_756 = arith.addf %dot_general3A_754, %add3A_755 : vector<128x128xf32>
    %swap3A_757 = arith.constant 3328 : index
    %swap3A_758 = arith.constant 0 : index
    %swap3A_759 = vector.load %arg6[%swap3A_757, %swap3A_758] : memref<16000x128xf32, #tpu.memory_space<vmem>>, vector<128x128xf32>
    tpu.vector_store %arg6[%swap3A_757, %swap3A_758], %add3A_756 {strides = array<i32>} : memref<16000x128xf32, #tpu.memory_space<vmem>>, vector<128x128xf32>,
    %get3A_760 = arith.constant 0 : index
    %get3A_761 = arith.constant 0 : index
    %get3A_762 = arith.constant 27 : index
    %get3A_763 = vector.load %arg1[%get3A_760, %get3A_761, %get3A_762] : memref<1x128x125xf32, #tpu.memory_space<vmem>>, vector<1x128x1xf32>
    %get3A_764 = vector.shape_cast %get3A_763 : vector<1x128x1xf32> to vector<128x1xf32>
    %mul3A_765 = vector.broadcast %get3A_764 : vector<128x1xf32> to vector<128x64xf32>
    %mul3A_766 = vector.broadcast %get3A_1 : vector<1x64xf32> to vector<128x64xf32>
    %mul3A_767 = arith.mulf %mul3A_765, %mul3A_766 : vector<128x64xf32>
    %add3A_768 = vector.broadcast %get3A_4 : vector<1x64xf32> to vector<128x64xf32>
    %add3A_769 = arith.addf %mul3A_767, %add3A_768 : vector<128x64xf32>
    %neg3A_770 = arith.constant 0.000000e+00 : f32
    %neg3A_771 = vector.broadcast %neg3A_770 : f32 to vector<128x64xf32>
    %neg3A_772 = arith.subf %neg3A_771, %add3A_769 : vector<128x64xf32>
    %exp3A_773 = math.exp %neg3A_772 : vector<128x64xf32>
    %add3A_774 = arith.constant 1.000000e+00 : f32
    %add3A_775 = vector.broadcast %add3A_774 : f32 to vector<128x64xf32>
    %add3A_776 = arith.addf %add3A_775, %exp3A_773 : vector<128x64xf32>
    %div3A_777 = arith.constant 1.000000e+00 : f32
    %div3A_778 = vector.broadcast %div3A_777 : f32 to vector<128x64xf32>
    %div3A_779 = arith.divf %div3A_778, %add3A_776 : vector<128x64xf32>
    %mul3A_780 = arith.mulf %add3A_769, %div3A_779 : vector<128x64xf32>
    %dot_general3A_781 = arith.constant dense<0.000000e+00> : vector<128x128xf32>
    %dot_general3A_782 = tpu.matmul %mul3A_780, %get3A_7, %dot_general3A_781 {dimension_numbers = #tpu.dot_dimension_numbers<[1], [0], [0], [1], [0, 0, 1, 1], [], []>, transpose_lhs_hint = false} : vector<128x64xf32>, vector<64x128xf32>, vector<128x128xf32> -> vector<128x128xf32>
    %add3A_783 = vector.broadcast %get3A_10 : vector<1x128xf32> to vector<128x128xf32>
    %add3A_784 = arith.addf %dot_general3A_782, %add3A_783 : vector<128x128xf32>
    %swap3A_785 = arith.constant 3456 : index
    %swap3A_786 = arith.constant 0 : index
    %swap3A_787 = vector.load %arg6[%swap3A_785, %swap3A_786] : memref<16000x128xf32, #tpu.memory_space<vmem>>, vector<128x128xf32>
    tpu.vector_store %arg6[%swap3A_785, %swap3A_786], %add3A_784 {strides = array<i32>} : memref<16000x128xf32, #tpu.memory_space<vmem>>, vector<128x128xf32>,
    %get3A_788 = arith.constant 0 : index
    %get3A_789 = arith.constant 0 : index
    %get3A_790 = arith.constant 28 : index
    %get3A_791 = vector.load %arg1[%get3A_788, %get3A_789, %get3A_790] : memref<1x128x125xf32, #tpu.memory_space<vmem>>, vector<1x128x1xf32>
    %get3A_792 = vector.shape_cast %get3A_791 : vector<1x128x1xf32> to vector<128x1xf32>
    %mul3A_793 = vector.broadcast %get3A_792 : vector<128x1xf32> to vector<128x64xf32>
    %mul3A_794 = vector.broadcast %get3A_1 : vector<1x64xf32> to vector<128x64xf32>
    %mul3A_795 = arith.mulf %mul3A_793, %mul3A_794 : vector<128x64xf32>
    %add3A_796 = vector.broadcast %get3A_4 : vector<1x64xf32> to vector<128x64xf32>
    %add3A_797 = arith.addf %mul3A_795, %add3A_796 : vector<128x64xf32>
    %neg3A_798 = arith.constant 0.000000e+00 : f32
    %neg3A_799 = vector.broadcast %neg3A_798 : f32 to vector<128x64xf32>
    %neg3A_800 = arith.subf %neg3A_799, %add3A_797 : vector<128x64xf32>
    %exp3A_801 = math.exp %neg3A_800 : vector<128x64xf32>
    %add3A_802 = arith.constant 1.000000e+00 : f32
    %add3A_803 = vector.broadcast %add3A_802 : f32 to vector<128x64xf32>
    %add3A_804 = arith.addf %add3A_803, %exp3A_801 : vector<128x64xf32>
    %div3A_805 = arith.constant 1.000000e+00 : f32
    %div3A_806 = vector.broadcast %div3A_805 : f32 to vector<128x64xf32>
    %div3A_807 = arith.divf %div3A_806, %add3A_804 : vector<128x64xf32>
    %mul3A_808 = arith.mulf %add3A_797, %div3A_807 : vector<128x64xf32>
    %dot_general3A_809 = arith.constant dense<0.000000e+00> : vector<128x128xf32>
    %dot_general3A_810 = tpu.matmul %mul3A_808, %get3A_7, %dot_general3A_809 {dimension_numbers = #tpu.dot_dimension_numbers<[1], [0], [0], [1], [0, 0, 1, 1], [], []>, transpose_lhs_hint = false} : vector<128x64xf32>, vector<64x128xf32>, vector<128x128xf32> -> vector<128x128xf32>
    %add3A_811 = vector.broadcast %get3A_10 : vector<1x128xf32> to vector<128x128xf32>
    %add3A_812 = arith.addf %dot_general3A_810, %add3A_811 : vector<128x128xf32>
    %swap3A_813 = arith.constant 3584 : index
    %swap3A_814 = arith.constant 0 : index
    %swap3A_815 = vector.load %arg6[%swap3A_813, %swap3A_814] : memref<16000x128xf32, #tpu.memory_space<vmem>>, vector<128x128xf32>
    tpu.vector_store %arg6[%swap3A_813, %swap3A_814], %add3A_812 {strides = array<i32>} : memref<16000x128xf32, #tpu.memory_space<vmem>>, vector<128x128xf32>,
    %get3A_816 = arith.constant 0 : index
    %get3A_817 = arith.constant 0 : index
    %get3A_818 = arith.constant 29 : index
    %get3A_819 = vector.load %arg1[%get3A_816, %get3A_817, %get3A_818] : memref<1x128x125xf32, #tpu.memory_space<vmem>>, vector<1x128x1xf32>
    %get3A_820 = vector.shape_cast %get3A_819 : vector<1x128x1xf32> to vector<128x1xf32>
    %mul3A_821 = vector.broadcast %get3A_820 : vector<128x1xf32> to vector<128x64xf32>
    %mul3A_822 = vector.broadcast %get3A_1 : vector<1x64xf32> to vector<128x64xf32>
    %mul3A_823 = arith.mulf %mul3A_821, %mul3A_822 : vector<128x64xf32>
    %add3A_824 = vector.broadcast %get3A_4 : vector<1x64xf32> to vector<128x64xf32>
    %add3A_825 = arith.addf %mul3A_823, %add3A_824 : vector<128x64xf32>
    %neg3A_826 = arith.constant 0.000000e+00 : f32
    %neg3A_827 = vector.broadcast %neg3A_826 : f32 to vector<128x64xf32>
    %neg3A_828 = arith.subf %neg3A_827, %add3A_825 : vector<128x64xf32>
    %exp3A_829 = math.exp %neg3A_828 : vector<128x64xf32>
    %add3A_830 = arith.constant 1.000000e+00 : f32
    %add3A_831 = vector.broadcast %add3A_830 : f32 to vector<128x64xf32>
    %add3A_832 = arith.addf %add3A_831, %exp3A_829 : vector<128x64xf32>
    %div3A_833 = arith.constant 1.000000e+00 : f32
    %div3A_834 = vector.broadcast %div3A_833 : f32 to vector<128x64xf32>
    %div3A_835 = arith.divf %div3A_834, %add3A_832 : vector<128x64xf32>
    %mul3A_836 = arith.mulf %add3A_825, %div3A_835 : vector<128x64xf32>
    %dot_general3A_837 = arith.constant dense<0.000000e+00> : vector<128x128xf32>
    %dot_general3A_838 = tpu.matmul %mul3A_836, %get3A_7, %dot_general3A_837 {dimension_numbers = #tpu.dot_dimension_numbers<[1], [0], [0], [1], [0, 0, 1, 1], [], []>, transpose_lhs_hint = false} : vector<128x64xf32>, vector<64x128xf32>, vector<128x128xf32> -> vector<128x128xf32>
    %add3A_839 = vector.broadcast %get3A_10 : vector<1x128xf32> to vector<128x128xf32>
    %add3A_840 = arith.addf %dot_general3A_838, %add3A_839 : vector<128x128xf32>
    %swap3A_841 = arith.constant 3712 : index
    %swap3A_842 = arith.constant 0 : index
    %swap3A_843 = vector.load %arg6[%swap3A_841, %swap3A_842] : memref<16000x128xf32, #tpu.memory_space<vmem>>, vector<128x128xf32>
    tpu.vector_store %arg6[%swap3A_841, %swap3A_842], %add3A_840 {strides = array<i32>} : memref<16000x128xf32, #tpu.memory_space<vmem>>, vector<128x128xf32>,
    %get3A_844 = arith.constant 0 : index
    %get3A_845 = arith.constant 0 : index
    %get3A_846 = arith.constant 30 : index
    %get3A_847 = vector.load %arg1[%get3A_844, %get3A_845, %get3A_846] : memref<1x128x125xf32, #tpu.memory_space<vmem>>, vector<1x128x1xf32>
    %get3A_848 = vector.shape_cast %get3A_847 : vector<1x128x1xf32> to vector<128x1xf32>
    %mul3A_849 = vector.broadcast %get3A_848 : vector<128x1xf32> to vector<128x64xf32>
    %mul3A_850 = vector.broadcast %get3A_1 : vector<1x64xf32> to vector<128x64xf32>
    %mul3A_851 = arith.mulf %mul3A_849, %mul3A_850 : vector<128x64xf32>
    %add3A_852 = vector.broadcast %get3A_4 : vector<1x64xf32> to vector<128x64xf32>
    %add3A_853 = arith.addf %mul3A_851, %add3A_852 : vector<128x64xf32>
    %neg3A_854 = arith.constant 0.000000e+00 : f32
    %neg3A_855 = vector.broadcast %neg3A_854 : f32 to vector<128x64xf32>
    %neg3A_856 = arith.subf %neg3A_855, %add3A_853 : vector<128x64xf32>
    %exp3A_857 = math.exp %neg3A_856 : vector<128x64xf32>
    %add3A_858 = arith.constant 1.000000e+00 : f32
    %add3A_859 = vector.broadcast %add3A_858 : f32 to vector<128x64xf32>
    %add3A_860 = arith.addf %add3A_859, %exp3A_857 : vector<128x64xf32>
    %div3A_861 = arith.constant 1.000000e+00 : f32
    %div3A_862 = vector.broadcast %div3A_861 : f32 to vector<128x64xf32>
    %div3A_863 = arith.divf %div3A_862, %add3A_860 : vector<128x64xf32>
    %mul3A_864 = arith.mulf %add3A_853, %div3A_863 : vector<128x64xf32>
    %dot_general3A_865 = arith.constant dense<0.000000e+00> : vector<128x128xf32>
    %dot_general3A_866 = tpu.matmul %mul3A_864, %get3A_7, %dot_general3A_865 {dimension_numbers = #tpu.dot_dimension_numbers<[1], [0], [0], [1], [0, 0, 1, 1], [], []>, transpose_lhs_hint = false} : vector<128x64xf32>, vector<64x128xf32>, vector<128x128xf32> -> vector<128x128xf32>
    %add3A_867 = vector.broadcast %get3A_10 : vector<1x128xf32> to vector<128x128xf32>
    %add3A_868 = arith.addf %dot_general3A_866, %add3A_867 : vector<128x128xf32>
    %swap3A_869 = arith.constant 3840 : index
    %swap3A_870 = arith.constant 0 : index
    %swap3A_871 = vector.load %arg6[%swap3A_869, %swap3A_870] : memref<16000x128xf32, #tpu.memory_space<vmem>>, vector<128x128xf32>
    tpu.vector_store %arg6[%swap3A_869, %swap3A_870], %add3A_868 {strides = array<i32>} : memref<16000x128xf32, #tpu.memory_space<vmem>>, vector<128x128xf32>,
    %get3A_872 = arith.constant 0 : index
    %get3A_873 = arith.constant 0 : index
    %get3A_874 = arith.constant 31 : index
    %get3A_875 = vector.load %arg1[%get3A_872, %get3A_873, %get3A_874] : memref<1x128x125xf32, #tpu.memory_space<vmem>>, vector<1x128x1xf32>
    %get3A_876 = vector.shape_cast %get3A_875 : vector<1x128x1xf32> to vector<128x1xf32>
    %mul3A_877 = vector.broadcast %get3A_876 : vector<128x1xf32> to vector<128x64xf32>
    %mul3A_878 = vector.broadcast %get3A_1 : vector<1x64xf32> to vector<128x64xf32>
    %mul3A_879 = arith.mulf %mul3A_877, %mul3A_878 : vector<128x64xf32>
    %add3A_880 = vector.broadcast %get3A_4 : vector<1x64xf32> to vector<128x64xf32>
    %add3A_881 = arith.addf %mul3A_879, %add3A_880 : vector<128x64xf32>
    %neg3A_882 = arith.constant 0.000000e+00 : f32
    %neg3A_883 = vector.broadcast %neg3A_882 : f32 to vector<128x64xf32>
    %neg3A_884 = arith.subf %neg3A_883, %add3A_881 : vector<128x64xf32>
    %exp3A_885 = math.exp %neg3A_884 : vector<128x64xf32>
    %add3A_886 = arith.constant 1.000000e+00 : f32
    %add3A_887 = vector.broadcast %add3A_886 : f32 to vector<128x64xf32>
    %add3A_888 = arith.addf %add3A_887, %exp3A_885 : vector<128x64xf32>
    %div3A_889 = arith.constant 1.000000e+00 : f32
    %div3A_890 = vector.broadcast %div3A_889 : f32 to vector<128x64xf32>
    %div3A_891 = arith.divf %div3A_890, %add3A_888 : vector<128x64xf32>
    %mul3A_892 = arith.mulf %add3A_881, %div3A_891 : vector<128x64xf32>
    %dot_general3A_893 = arith.constant dense<0.000000e+00> : vector<128x128xf32>
    %dot_general3A_894 = tpu.matmul %mul3A_892, %get3A_7, %dot_general3A_893 {dimension_numbers = #tpu.dot_dimension_numbers<[1], [0], [0], [1], [0, 0, 1, 1], [], []>, transpose_lhs_hint = false} : vector<128x64xf32>, vector<64x128xf32>, vector<128x128xf32> -> vector<128x128xf32>
    %add3A_895 = vector.broadcast %get3A_10 : vector<1x128xf32> to vector<128x128xf32>
    %add3A_896 = arith.addf %dot_general3A_894, %add3A_895 : vector<128x128xf32>
    %swap3A_897 = arith.constant 3968 : index
    %swap3A_898 = arith.constant 0 : index
    %swap3A_899 = vector.load %arg6[%swap3A_897, %swap3A_898] : memref<16000x128xf32, #tpu.memory_space<vmem>>, vector<128x128xf32>
    tpu.vector_store %arg6[%swap3A_897, %swap3A_898], %add3A_896 {strides = array<i32>} : memref<16000x128xf32, #tpu.memory_space<vmem>>, vector<128x128xf32>,
    %get3A_900 = arith.constant 0 : index
    %get3A_901 = arith.constant 0 : index
    %get3A_902 = arith.constant 32 : index
    %get3A_903 = vector.load %arg1[%get3A_900, %get3A_901, %get3A_902] : memref<1x128x125xf32, #tpu.memory_space<vmem>>, vector<1x128x1xf32>
    %get3A_904 = vector.shape_cast %get3A_903 : vector<1x128x1xf32> to vector<128x1xf32>
    %mul3A_905 = vector.broadcast %get3A_904 : vector<128x1xf32> to vector<128x64xf32>
    %mul3A_906 = vector.broadcast %get3A_1 : vector<1x64xf32> to vector<128x64xf32>
    %mul3A_907 = arith.mulf %mul3A_905, %mul3A_906 : vector<128x64xf32>
    %add3A_908 = vector.broadcast %get3A_4 : vector<1x64xf32> to vector<128x64xf32>
    %add3A_909 = arith.addf %mul3A_907, %add3A_908 : vector<128x64xf32>
    %neg3A_910 = arith.constant 0.000000e+00 : f32
    %neg3A_911 = vector.broadcast %neg3A_910 : f32 to vector<128x64xf32>
    %neg3A_912 = arith.subf %neg3A_911, %add3A_909 : vector<128x64xf32>
    %exp3A_913 = math.exp %neg3A_912 : vector<128x64xf32>
    %add3A_914 = arith.constant 1.000000e+00 : f32
    %add3A_915 = vector.broadcast %add3A_914 : f32 to vector<128x64xf32>
    %add3A_916 = arith.addf %add3A_915, %exp3A_913 : vector<128x64xf32>
    %div3A_917 = arith.constant 1.000000e+00 : f32
    %div3A_918 = vector.broadcast %div3A_917 : f32 to vector<128x64xf32>
    %div3A_919 = arith.divf %div3A_918, %add3A_916 : vector<128x64xf32>
    %mul3A_920 = arith.mulf %add3A_909, %div3A_919 : vector<128x64xf32>
    %dot_general3A_921 = arith.constant dense<0.000000e+00> : vector<128x128xf32>
    %dot_general3A_922 = tpu.matmul %mul3A_920, %get3A_7, %dot_general3A_921 {dimension_numbers = #tpu.dot_dimension_numbers<[1], [0], [0], [1], [0, 0, 1, 1], [], []>, transpose_lhs_hint = false} : vector<128x64xf32>, vector<64x128xf32>, vector<128x128xf32> -> vector<128x128xf32>
    %add3A_923 = vector.broadcast %get3A_10 : vector<1x128xf32> to vector<128x128xf32>
    %add3A_924 = arith.addf %dot_general3A_922, %add3A_923 : vector<128x128xf32>
    %swap3A_925 = arith.constant 4096 : index
    %swap3A_926 = arith.constant 0 : index
    %swap3A_927 = vector.load %arg6[%swap3A_925, %swap3A_926] : memref<16000x128xf32, #tpu.memory_space<vmem>>, vector<128x128xf32>
    tpu.vector_store %arg6[%swap3A_925, %swap3A_926], %add3A_924 {strides = array<i32>} : memref<16000x128xf32, #tpu.memory_space<vmem>>, vector<128x128xf32>,
    %get3A_928 = arith.constant 0 : index
    %get3A_929 = arith.constant 0 : index
    %get3A_930 = arith.constant 33 : index
    %get3A_931 = vector.load %arg1[%get3A_928, %get3A_929, %get3A_930] : memref<1x128x125xf32, #tpu.memory_space<vmem>>, vector<1x128x1xf32>
    %get3A_932 = vector.shape_cast %get3A_931 : vector<1x128x1xf32> to vector<128x1xf32>
    %mul3A_933 = vector.broadcast %get3A_932 : vector<128x1xf32> to vector<128x64xf32>
    %mul3A_934 = vector.broadcast %get3A_1 : vector<1x64xf32> to vector<128x64xf32>
    %mul3A_935 = arith.mulf %mul3A_933, %mul3A_934 : vector<128x64xf32>
    %add3A_936 = vector.broadcast %get3A_4 : vector<1x64xf32> to vector<128x64xf32>
    %add3A_937 = arith.addf %mul3A_935, %add3A_936 : vector<128x64xf32>
    %neg3A_938 = arith.constant 0.000000e+00 : f32
    %neg3A_939 = vector.broadcast %neg3A_938 : f32 to vector<128x64xf32>
    %neg3A_940 = arith.subf %neg3A_939, %add3A_937 : vector<128x64xf32>
    %exp3A_941 = math.exp %neg3A_940 : vector<128x64xf32>
    %add3A_942 = arith.constant 1.000000e+00 : f32
    %add3A_943 = vector.broadcast %add3A_942 : f32 to vector<128x64xf32>
    %add3A_944 = arith.addf %add3A_943, %exp3A_941 : vector<128x64xf32>
    %div3A_945 = arith.constant 1.000000e+00 : f32
    %div3A_946 = vector.broadcast %div3A_945 : f32 to vector<128x64xf32>
    %div3A_947 = arith.divf %div3A_946, %add3A_944 : vector<128x64xf32>
    %mul3A_948 = arith.mulf %add3A_937, %div3A_947 : vector<128x64xf32>
    %dot_general3A_949 = arith.constant dense<0.000000e+00> : vector<128x128xf32>
    %dot_general3A_950 = tpu.matmul %mul3A_948, %get3A_7, %dot_general3A_949 {dimension_numbers = #tpu.dot_dimension_numbers<[1], [0], [0], [1], [0, 0, 1, 1], [], []>, transpose_lhs_hint = false} : vector<128x64xf32>, vector<64x128xf32>, vector<128x128xf32> -> vector<128x128xf32>
    %add3A_951 = vector.broadcast %get3A_10 : vector<1x128xf32> to vector<128x128xf32>
    %add3A_952 = arith.addf %dot_general3A_950, %add3A_951 : vector<128x128xf32>
    %swap3A_953 = arith.constant 4224 : index
    %swap3A_954 = arith.constant 0 : index
    %swap3A_955 = vector.load %arg6[%swap3A_953, %swap3A_954] : memref<16000x128xf32, #tpu.memory_space<vmem>>, vector<128x128xf32>
    tpu.vector_store %arg6[%swap3A_953, %swap3A_954], %add3A_952 {strides = array<i32>} : memref<16000x128xf32, #tpu.memory_space<vmem>>, vector<128x128xf32>,
    %get3A_956 = arith.constant 0 : index
    %get3A_957 = arith.constant 0 : index
    %get3A_958 = arith.constant 34 : index
    %get3A_959 = vector.load %arg1[%get3A_956, %get3A_957, %get3A_958] : memref<1x128x125xf32, #tpu.memory_space<vmem>>, vector<1x128x1xf32>
    %get3A_960 = vector.shape_cast %get3A_959 : vector<1x128x1xf32> to vector<128x1xf32>
    %mul3A_961 = vector.broadcast %get3A_960 : vector<128x1xf32> to vector<128x64xf32>
    %mul3A_962 = vector.broadcast %get3A_1 : vector<1x64xf32> to vector<128x64xf32>
    %mul3A_963 = arith.mulf %mul3A_961, %mul3A_962 : vector<128x64xf32>
    %add3A_964 = vector.broadcast %get3A_4 : vector<1x64xf32> to vector<128x64xf32>
    %add3A_965 = arith.addf %mul3A_963, %add3A_964 : vector<128x64xf32>
    %neg3A_966 = arith.constant 0.000000e+00 : f32
    %neg3A_967 = vector.broadcast %neg3A_966 : f32 to vector<128x64xf32>
    %neg3A_968 = arith.subf %neg3A_967, %add3A_965 : vector<128x64xf32>
    %exp3A_969 = math.exp %neg3A_968 : vector<128x64xf32>
    %add3A_970 = arith.constant 1.000000e+00 : f32
    %add3A_971 = vector.broadcast %add3A_970 : f32 to vector<128x64xf32>
    %add3A_972 = arith.addf %add3A_971, %exp3A_969 : vector<128x64xf32>
    %div3A_973 = arith.constant 1.000000e+00 : f32
    %div3A_974 = vector.broadcast %div3A_973 : f32 to vector<128x64xf32>
    %div3A_975 = arith.divf %div3A_974, %add3A_972 : vector<128x64xf32>
    %mul3A_976 = arith.mulf %add3A_965, %div3A_975 : vector<128x64xf32>
    %dot_general3A_977 = arith.constant dense<0.000000e+00> : vector<128x128xf32>
    %dot_general3A_978 = tpu.matmul %mul3A_976, %get3A_7, %dot_general3A_977 {dimension_numbers = #tpu.dot_dimension_numbers<[1], [0], [0], [1], [0, 0, 1, 1], [], []>, transpose_lhs_hint = false} : vector<128x64xf32>, vector<64x128xf32>, vector<128x128xf32> -> vector<128x128xf32>
    %add3A_979 = vector.broadcast %get3A_10 : vector<1x128xf32> to vector<128x128xf32>
    %add3A_980 = arith.addf %dot_general3A_978, %add3A_979 : vector<128x128xf32>
    %swap3A_981 = arith.constant 4352 : index
    %swap3A_982 = arith.constant 0 : index
    %swap3A_983 = vector.load %arg6[%swap3A_981, %swap3A_982] : memref<16000x128xf32, #tpu.memory_space<vmem>>, vector<128x128xf32>
    tpu.vector_store %arg6[%swap3A_981, %swap3A_982], %add3A_980 {strides = array<i32>} : memref<16000x128xf32, #tpu.memory_space<vmem>>, vector<128x128xf32>,
    %get3A_984 = arith.constant 0 : index
    %get3A_985 = arith.constant 0 : index
    %get3A_986 = arith.constant 35 : index
    %get3A_987 = vector.load %arg1[%get3A_984, %get3A_985, %get3A_986] : memref<1x128x125xf32, #tpu.memory_space<vmem>>, vector<1x128x1xf32>
    %get3A_988 = vector.shape_cast %get3A_987 : vector<1x128x1xf32> to vector<128x1xf32>
    %mul3A_989 = vector.broadcast %get3A_988 : vector<128x1xf32> to vector<128x64xf32>
    %mul3A_990 = vector.broadcast %get3A_1 : vector<1x64xf32> to vector<128x64xf32>
    %mul3A_991 = arith.mulf %mul3A_989, %mul3A_990 : vector<128x64xf32>
    %add3A_992 = vector.broadcast %get3A_4 : vector<1x64xf32> to vector<128x64xf32>
    %add3A_993 = arith.addf %mul3A_991, %add3A_992 : vector<128x64xf32>
    %neg3A_994 = arith.constant 0.000000e+00 : f32
    %neg3A_995 = vector.broadcast %neg3A_994 : f32 to vector<128x64xf32>
    %neg3A_996 = arith.subf %neg3A_995, %add3A_993 : vector<128x64xf32>
    %exp3A_997 = math.exp %neg3A_996 : vector<128x64xf32>
    %add3A_998 = arith.constant 1.000000e+00 : f32
    %add3A_999 = vector.broadcast %add3A_998 : f32 to vector<128x64xf32>
    %add3A_1000 = arith.addf %add3A_999, %exp3A_997 : vector<128x64xf32>
    %div3A_1001 = arith.constant 1.000000e+00 : f32
    %div3A_1002 = vector.broadcast %div3A_1001 : f32 to vector<128x64xf32>
    %div3A_1003 = arith.divf %div3A_1002, %add3A_1000 : vector<128x64xf32>
    %mul3A_1004 = arith.mulf %add3A_993, %div3A_1003 : vector<128x64xf32>
    %dot_general3A_1005 = arith.constant dense<0.000000e+00> : vector<128x128xf32>
    %dot_general3A_1006 = tpu.matmul %mul3A_1004, %get3A_7, %dot_general3A_1005 {dimension_numbers = #tpu.dot_dimension_numbers<[1], [0], [0], [1], [0, 0, 1, 1], [], []>, transpose_lhs_hint = false} : vector<128x64xf32>, vector<64x128xf32>, vector<128x128xf32> -> vector<128x128xf32>
    %add3A_1007 = vector.broadcast %get3A_10 : vector<1x128xf32> to vector<128x128xf32>
    %add3A_1008 = arith.addf %dot_general3A_1006, %add3A_1007 : vector<128x128xf32>
    %swap3A_1009 = arith.constant 4480 : index
    %swap3A_1010 = arith.constant 0 : index
    %swap3A_1011 = vector.load %arg6[%swap3A_1009, %swap3A_1010] : memref<16000x128xf32, #tpu.memory_space<vmem>>, vector<128x128xf32>
    tpu.vector_store %arg6[%swap3A_1009, %swap3A_1010], %add3A_1008 {strides = array<i32>} : memref<16000x128xf32, #tpu.memory_space<vmem>>, vector<128x128xf32>,
    %get3A_1012 = arith.constant 0 : index
    %get3A_1013 = arith.constant 0 : index
    %get3A_1014 = arith.constant 36 : index
    %get3A_1015 = vector.load %arg1[%get3A_1012, %get3A_1013, %get3A_1014] : memref<1x128x125xf32, #tpu.memory_space<vmem>>, vector<1x128x1xf32>
    %get3A_1016 = vector.shape_cast %get3A_1015 : vector<1x128x1xf32> to vector<128x1xf32>
    %mul3A_1017 = vector.broadcast %get3A_1016 : vector<128x1xf32> to vector<128x64xf32>
    %mul3A_1018 = vector.broadcast %get3A_1 : vector<1x64xf32> to vector<128x64xf32>
    %mul3A_1019 = arith.mulf %mul3A_1017, %mul3A_1018 : vector<128x64xf32>
    %add3A_1020 = vector.broadcast %get3A_4 : vector<1x64xf32> to vector<128x64xf32>
    %add3A_1021 = arith.addf %mul3A_1019, %add3A_1020 : vector<128x64xf32>
    %neg3A_1022 = arith.constant 0.000000e+00 : f32
    %neg3A_1023 = vector.broadcast %neg3A_1022 : f32 to vector<128x64xf32>
    %neg3A_1024 = arith.subf %neg3A_1023, %add3A_1021 : vector<128x64xf32>
    %exp3A_1025 = math.exp %neg3A_1024 : vector<128x64xf32>
    %add3A_1026 = arith.constant 1.000000e+00 : f32
    %add3A_1027 = vector.broadcast %add3A_1026 : f32 to vector<128x64xf32>
    %add3A_1028 = arith.addf %add3A_1027, %exp3A_1025 : vector<128x64xf32>
    %div3A_1029 = arith.constant 1.000000e+00 : f32
    %div3A_1030 = vector.broadcast %div3A_1029 : f32 to vector<128x64xf32>
    %div3A_1031 = arith.divf %div3A_1030, %add3A_1028 : vector<128x64xf32>
    %mul3A_1032 = arith.mulf %add3A_1021, %div3A_1031 : vector<128x64xf32>
    %dot_general3A_1033 = arith.constant dense<0.000000e+00> : vector<128x128xf32>
    %dot_general3A_1034 = tpu.matmul %mul3A_1032, %get3A_7, %dot_general3A_1033 {dimension_numbers = #tpu.dot_dimension_numbers<[1], [0], [0], [1], [0, 0, 1, 1], [], []>, transpose_lhs_hint = false} : vector<128x64xf32>, vector<64x128xf32>, vector<128x128xf32> -> vector<128x128xf32>
    %add3A_1035 = vector.broadcast %get3A_10 : vector<1x128xf32> to vector<128x128xf32>
    %add3A_1036 = arith.addf %dot_general3A_1034, %add3A_1035 : vector<128x128xf32>
    %swap3A_1037 = arith.constant 4608 : index
    %swap3A_1038 = arith.constant 0 : index
    %swap3A_1039 = vector.load %arg6[%swap3A_1037, %swap3A_1038] : memref<16000x128xf32, #tpu.memory_space<vmem>>, vector<128x128xf32>
    tpu.vector_store %arg6[%swap3A_1037, %swap3A_1038], %add3A_1036 {strides = array<i32>} : memref<16000x128xf32, #tpu.memory_space<vmem>>, vector<128x128xf32>,
    %get3A_1040 = arith.constant 0 : index
    %get3A_1041 = arith.constant 0 : index
    %get3A_1042 = arith.constant 37 : index
    %get3A_1043 = vector.load %arg1[%get3A_1040, %get3A_1041, %get3A_1042] : memref<1x128x125xf32, #tpu.memory_space<vmem>>, vector<1x128x1xf32>
    %get3A_1044 = vector.shape_cast %get3A_1043 : vector<1x128x1xf32> to vector<128x1xf32>
    %mul3A_1045 = vector.broadcast %get3A_1044 : vector<128x1xf32> to vector<128x64xf32>
    %mul3A_1046 = vector.broadcast %get3A_1 : vector<1x64xf32> to vector<128x64xf32>
    %mul3A_1047 = arith.mulf %mul3A_1045, %mul3A_1046 : vector<128x64xf32>
    %add3A_1048 = vector.broadcast %get3A_4 : vector<1x64xf32> to vector<128x64xf32>
    %add3A_1049 = arith.addf %mul3A_1047, %add3A_1048 : vector<128x64xf32>
    %neg3A_1050 = arith.constant 0.000000e+00 : f32
    %neg3A_1051 = vector.broadcast %neg3A_1050 : f32 to vector<128x64xf32>
    %neg3A_1052 = arith.subf %neg3A_1051, %add3A_1049 : vector<128x64xf32>
    %exp3A_1053 = math.exp %neg3A_1052 : vector<128x64xf32>
    %add3A_1054 = arith.constant 1.000000e+00 : f32
    %add3A_1055 = vector.broadcast %add3A_1054 : f32 to vector<128x64xf32>
    %add3A_1056 = arith.addf %add3A_1055, %exp3A_1053 : vector<128x64xf32>
    %div3A_1057 = arith.constant 1.000000e+00 : f32
    %div3A_1058 = vector.broadcast %div3A_1057 : f32 to vector<128x64xf32>
    %div3A_1059 = arith.divf %div3A_1058, %add3A_1056 : vector<128x64xf32>
    %mul3A_1060 = arith.mulf %add3A_1049, %div3A_1059 : vector<128x64xf32>
    %dot_general3A_1061 = arith.constant dense<0.000000e+00> : vector<128x128xf32>
    %dot_general3A_1062 = tpu.matmul %mul3A_1060, %get3A_7, %dot_general3A_1061 {dimension_numbers = #tpu.dot_dimension_numbers<[1], [0], [0], [1], [0, 0, 1, 1], [], []>, transpose_lhs_hint = false} : vector<128x64xf32>, vector<64x128xf32>, vector<128x128xf32> -> vector<128x128xf32>
    %add3A_1063 = vector.broadcast %get3A_10 : vector<1x128xf32> to vector<128x128xf32>
    %add3A_1064 = arith.addf %dot_general3A_1062, %add3A_1063 : vector<128x128xf32>
    %swap3A_1065 = arith.constant 4736 : index
    %swap3A_1066 = arith.constant 0 : index
    %swap3A_1067 = vector.load %arg6[%swap3A_1065, %swap3A_1066] : memref<16000x128xf32, #tpu.memory_space<vmem>>, vector<128x128xf32>
    tpu.vector_store %arg6[%swap3A_1065, %swap3A_1066], %add3A_1064 {strides = array<i32>} : memref<16000x128xf32, #tpu.memory_space<vmem>>, vector<128x128xf32>,
    %get3A_1068 = arith.constant 0 : index
    %get3A_1069 = arith.constant 0 : index
    %get3A_1070 = arith.constant 38 : index
    %get3A_1071 = vector.load %arg1[%get3A_1068, %get3A_1069, %get3A_1070] : memref<1x128x125xf32, #tpu.memory_space<vmem>>, vector<1x128x1xf32>
    %get3A_1072 = vector.shape_cast %get3A_1071 : vector<1x128x1xf32> to vector<128x1xf32>
    %mul3A_1073 = vector.broadcast %get3A_1072 : vector<128x1xf32> to vector<128x64xf32>
    %mul3A_1074 = vector.broadcast %get3A_1 : vector<1x64xf32> to vector<128x64xf32>
    %mul3A_1075 = arith.mulf %mul3A_1073, %mul3A_1074 : vector<128x64xf32>
    %add3A_1076 = vector.broadcast %get3A_4 : vector<1x64xf32> to vector<128x64xf32>
    %add3A_1077 = arith.addf %mul3A_1075, %add3A_1076 : vector<128x64xf32>
    %neg3A_1078 = arith.constant 0.000000e+00 : f32
    %neg3A_1079 = vector.broadcast %neg3A_1078 : f32 to vector<128x64xf32>
    %neg3A_1080 = arith.subf %neg3A_1079, %add3A_1077 : vector<128x64xf32>
    %exp3A_1081 = math.exp %neg3A_1080 : vector<128x64xf32>
    %add3A_1082 = arith.constant 1.000000e+00 : f32
    %add3A_1083 = vector.broadcast %add3A_1082 : f32 to vector<128x64xf32>
    %add3A_1084 = arith.addf %add3A_1083, %exp3A_1081 : vector<128x64xf32>
    %div3A_1085 = arith.constant 1.000000e+00 : f32
    %div3A_1086 = vector.broadcast %div3A_1085 : f32 to vector<128x64xf32>
    %div3A_1087 = arith.divf %div3A_1086, %add3A_1084 : vector<128x64xf32>
    %mul3A_1088 = arith.mulf %add3A_1077, %div3A_1087 : vector<128x64xf32>
    %dot_general3A_1089 = arith.constant dense<0.000000e+00> : vector<128x128xf32>
    %dot_general3A_1090 = tpu.matmul %mul3A_1088, %get3A_7, %dot_general3A_1089 {dimension_numbers = #tpu.dot_dimension_numbers<[1], [0], [0], [1], [0, 0, 1, 1], [], []>, transpose_lhs_hint = false} : vector<128x64xf32>, vector<64x128xf32>, vector<128x128xf32> -> vector<128x128xf32>
    %add3A_1091 = vector.broadcast %get3A_10 : vector<1x128xf32> to vector<128x128xf32>
    %add3A_1092 = arith.addf %dot_general3A_1090, %add3A_1091 : vector<128x128xf32>
    %swap3A_1093 = arith.constant 4864 : index
    %swap3A_1094 = arith.constant 0 : index
    %swap3A_1095 = vector.load %arg6[%swap3A_1093, %swap3A_1094] : memref<16000x128xf32, #tpu.memory_space<vmem>>, vector<128x128xf32>
    tpu.vector_store %arg6[%swap3A_1093, %swap3A_1094], %add3A_1092 {strides = array<i32>} : memref<16000x128xf32, #tpu.memory_space<vmem>>, vector<128x128xf32>,
    %get3A_1096 = arith.constant 0 : index
    %get3A_1097 = arith.constant 0 : index
    %get3A_1098 = arith.constant 39 : index
    %get3A_1099 = vector.load %arg1[%get3A_1096, %get3A_1097, %get3A_1098] : memref<1x128x125xf32, #tpu.memory_space<vmem>>, vector<1x128x1xf32>
    %get3A_1100 = vector.shape_cast %get3A_1099 : vector<1x128x1xf32> to vector<128x1xf32>
    %mul3A_1101 = vector.broadcast %get3A_1100 : vector<128x1xf32> to vector<128x64xf32>
    %mul3A_1102 = vector.broadcast %get3A_1 : vector<1x64xf32> to vector<128x64xf32>
    %mul3A_1103 = arith.mulf %mul3A_1101, %mul3A_1102 : vector<128x64xf32>
    %add3A_1104 = vector.broadcast %get3A_4 : vector<1x64xf32> to vector<128x64xf32>
    %add3A_1105 = arith.addf %mul3A_1103, %add3A_1104 : vector<128x64xf32>
    %neg3A_1106 = arith.constant 0.000000e+00 : f32
    %neg3A_1107 = vector.broadcast %neg3A_1106 : f32 to vector<128x64xf32>
    %neg3A_1108 = arith.subf %neg3A_1107, %add3A_1105 : vector<128x64xf32>
    %exp3A_1109 = math.exp %neg3A_1108 : vector<128x64xf32>
    %add3A_1110 = arith.constant 1.000000e+00 : f32
    %add3A_1111 = vector.broadcast %add3A_1110 : f32 to vector<128x64xf32>
    %add3A_1112 = arith.addf %add3A_1111, %exp3A_1109 : vector<128x64xf32>
    %div3A_1113 = arith.constant 1.000000e+00 : f32
    %div3A_1114 = vector.broadcast %div3A_1113 : f32 to vector<128x64xf32>
    %div3A_1115 = arith.divf %div3A_1114, %add3A_1112 : vector<128x64xf32>
    %mul3A_1116 = arith.mulf %add3A_1105, %div3A_1115 : vector<128x64xf32>
    %dot_general3A_1117 = arith.constant dense<0.000000e+00> : vector<128x128xf32>
    %dot_general3A_1118 = tpu.matmul %mul3A_1116, %get3A_7, %dot_general3A_1117 {dimension_numbers = #tpu.dot_dimension_numbers<[1], [0], [0], [1], [0, 0, 1, 1], [], []>, transpose_lhs_hint = false} : vector<128x64xf32>, vector<64x128xf32>, vector<128x128xf32> -> vector<128x128xf32>
    %add3A_1119 = vector.broadcast %get3A_10 : vector<1x128xf32> to vector<128x128xf32>
    %add3A_1120 = arith.addf %dot_general3A_1118, %add3A_1119 : vector<128x128xf32>
    %swap3A_1121 = arith.constant 4992 : index
    %swap3A_1122 = arith.constant 0 : index
    %swap3A_1123 = vector.load %arg6[%swap3A_1121, %swap3A_1122] : memref<16000x128xf32, #tpu.memory_space<vmem>>, vector<128x128xf32>
    tpu.vector_store %arg6[%swap3A_1121, %swap3A_1122], %add3A_1120 {strides = array<i32>} : memref<16000x128xf32, #tpu.memory_space<vmem>>, vector<128x128xf32>,
    %get3A_1124 = arith.constant 0 : index
    %get3A_1125 = arith.constant 0 : index
    %get3A_1126 = arith.constant 40 : index
    %get3A_1127 = vector.load %arg1[%get3A_1124, %get3A_1125, %get3A_1126] : memref<1x128x125xf32, #tpu.memory_space<vmem>>, vector<1x128x1xf32>
    %get3A_1128 = vector.shape_cast %get3A_1127 : vector<1x128x1xf32> to vector<128x1xf32>
    %mul3A_1129 = vector.broadcast %get3A_1128 : vector<128x1xf32> to vector<128x64xf32>
    %mul3A_1130 = vector.broadcast %get3A_1 : vector<1x64xf32> to vector<128x64xf32>
    %mul3A_1131 = arith.mulf %mul3A_1129, %mul3A_1130 : vector<128x64xf32>
    %add3A_1132 = vector.broadcast %get3A_4 : vector<1x64xf32> to vector<128x64xf32>
    %add3A_1133 = arith.addf %mul3A_1131, %add3A_1132 : vector<128x64xf32>
    %neg3A_1134 = arith.constant 0.000000e+00 : f32
    %neg3A_1135 = vector.broadcast %neg3A_1134 : f32 to vector<128x64xf32>
    %neg3A_1136 = arith.subf %neg3A_1135, %add3A_1133 : vector<128x64xf32>
    %exp3A_1137 = math.exp %neg3A_1136 : vector<128x64xf32>
    %add3A_1138 = arith.constant 1.000000e+00 : f32
    %add3A_1139 = vector.broadcast %add3A_1138 : f32 to vector<128x64xf32>
    %add3A_1140 = arith.addf %add3A_1139, %exp3A_1137 : vector<128x64xf32>
    %div3A_1141 = arith.constant 1.000000e+00 : f32
    %div3A_1142 = vector.broadcast %div3A_1141 : f32 to vector<128x64xf32>
    %div3A_1143 = arith.divf %div3A_1142, %add3A_1140 : vector<128x64xf32>
    %mul3A_1144 = arith.mulf %add3A_1133, %div3A_1143 : vector<128x64xf32>
    %dot_general3A_1145 = arith.constant dense<0.000000e+00> : vector<128x128xf32>
    %dot_general3A_1146 = tpu.matmul %mul3A_1144, %get3A_7, %dot_general3A_1145 {dimension_numbers = #tpu.dot_dimension_numbers<[1], [0], [0], [1], [0, 0, 1, 1], [], []>, transpose_lhs_hint = false} : vector<128x64xf32>, vector<64x128xf32>, vector<128x128xf32> -> vector<128x128xf32>
    %add3A_1147 = vector.broadcast %get3A_10 : vector<1x128xf32> to vector<128x128xf32>
    %add3A_1148 = arith.addf %dot_general3A_1146, %add3A_1147 : vector<128x128xf32>
    %swap3A_1149 = arith.constant 5120 : index
    %swap3A_1150 = arith.constant 0 : index
    %swap3A_1151 = vector.load %arg6[%swap3A_1149, %swap3A_1150] : memref<16000x128xf32, #tpu.memory_space<vmem>>, vector<128x128xf32>
    tpu.vector_store %arg6[%swap3A_1149, %swap3A_1150], %add3A_1148 {strides = array<i32>} : memref<16000x128xf32, #tpu.memory_space<vmem>>, vector<128x128xf32>,
    %get3A_1152 = arith.constant 0 : index
    %get3A_1153 = arith.constant 0 : index
    %get3A_1154 = arith.constant 41 : index
    %get3A_1155 = vector.load %arg1[%get3A_1152, %get3A_1153, %get3A_1154] : memref<1x128x125xf32, #tpu.memory_space<vmem>>, vector<1x128x1xf32>
    %get3A_1156 = vector.shape_cast %get3A_1155 : vector<1x128x1xf32> to vector<128x1xf32>
    %mul3A_1157 = vector.broadcast %get3A_1156 : vector<128x1xf32> to vector<128x64xf32>
    %mul3A_1158 = vector.broadcast %get3A_1 : vector<1x64xf32> to vector<128x64xf32>
    %mul3A_1159 = arith.mulf %mul3A_1157, %mul3A_1158 : vector<128x64xf32>
    %add3A_1160 = vector.broadcast %get3A_4 : vector<1x64xf32> to vector<128x64xf32>
    %add3A_1161 = arith.addf %mul3A_1159, %add3A_1160 : vector<128x64xf32>
    %neg3A_1162 = arith.constant 0.000000e+00 : f32
    %neg3A_1163 = vector.broadcast %neg3A_1162 : f32 to vector<128x64xf32>
    %neg3A_1164 = arith.subf %neg3A_1163, %add3A_1161 : vector<128x64xf32>
    %exp3A_1165 = math.exp %neg3A_1164 : vector<128x64xf32>
    %add3A_1166 = arith.constant 1.000000e+00 : f32
    %add3A_1167 = vector.broadcast %add3A_1166 : f32 to vector<128x64xf32>
    %add3A_1168 = arith.addf %add3A_1167, %exp3A_1165 : vector<128x64xf32>
    %div3A_1169 = arith.constant 1.000000e+00 : f32
    %div3A_1170 = vector.broadcast %div3A_1169 : f32 to vector<128x64xf32>
    %div3A_1171 = arith.divf %div3A_1170, %add3A_1168 : vector<128x64xf32>
    %mul3A_1172 = arith.mulf %add3A_1161, %div3A_1171 : vector<128x64xf32>
    %dot_general3A_1173 = arith.constant dense<0.000000e+00> : vector<128x128xf32>
    %dot_general3A_1174 = tpu.matmul %mul3A_1172, %get3A_7, %dot_general3A_1173 {dimension_numbers = #tpu.dot_dimension_numbers<[1], [0], [0], [1], [0, 0, 1, 1], [], []>, transpose_lhs_hint = false} : vector<128x64xf32>, vector<64x128xf32>, vector<128x128xf32> -> vector<128x128xf32>
    %add3A_1175 = vector.broadcast %get3A_10 : vector<1x128xf32> to vector<128x128xf32>
    %add3A_1176 = arith.addf %dot_general3A_1174, %add3A_1175 : vector<128x128xf32>
    %swap3A_1177 = arith.constant 5248 : index
    %swap3A_1178 = arith.constant 0 : index
    %swap3A_1179 = vector.load %arg6[%swap3A_1177, %swap3A_1178] : memref<16000x128xf32, #tpu.memory_space<vmem>>, vector<128x128xf32>
    tpu.vector_store %arg6[%swap3A_1177, %swap3A_1178], %add3A_1176 {strides = array<i32>} : memref<16000x128xf32, #tpu.memory_space<vmem>>, vector<128x128xf32>,
    %get3A_1180 = arith.constant 0 : index
    %get3A_1181 = arith.constant 0 : index
    %get3A_1182 = arith.constant 42 : index
    %get3A_1183 = vector.load %arg1[%get3A_1180, %get3A_1181, %get3A_1182] : memref<1x128x125xf32, #tpu.memory_space<vmem>>, vector<1x128x1xf32>
    %get3A_1184 = vector.shape_cast %get3A_1183 : vector<1x128x1xf32> to vector<128x1xf32>
    %mul3A_1185 = vector.broadcast %get3A_1184 : vector<128x1xf32> to vector<128x64xf32>
    %mul3A_1186 = vector.broadcast %get3A_1 : vector<1x64xf32> to vector<128x64xf32>
    %mul3A_1187 = arith.mulf %mul3A_1185, %mul3A_1186 : vector<128x64xf32>
    %add3A_1188 = vector.broadcast %get3A_4 : vector<1x64xf32> to vector<128x64xf32>
    %add3A_1189 = arith.addf %mul3A_1187, %add3A_1188 : vector<128x64xf32>
    %neg3A_1190 = arith.constant 0.000000e+00 : f32
    %neg3A_1191 = vector.broadcast %neg3A_1190 : f32 to vector<128x64xf32>
    %neg3A_1192 = arith.subf %neg3A_1191, %add3A_1189 : vector<128x64xf32>
    %exp3A_1193 = math.exp %neg3A_1192 : vector<128x64xf32>
    %add3A_1194 = arith.constant 1.000000e+00 : f32
    %add3A_1195 = vector.broadcast %add3A_1194 : f32 to vector<128x64xf32>
    %add3A_1196 = arith.addf %add3A_1195, %exp3A_1193 : vector<128x64xf32>
    %div3A_1197 = arith.constant 1.000000e+00 : f32
    %div3A_1198 = vector.broadcast %div3A_1197 : f32 to vector<128x64xf32>
    %div3A_1199 = arith.divf %div3A_1198, %add3A_1196 : vector<128x64xf32>
    %mul3A_1200 = arith.mulf %add3A_1189, %div3A_1199 : vector<128x64xf32>
    %dot_general3A_1201 = arith.constant dense<0.000000e+00> : vector<128x128xf32>
    %dot_general3A_1202 = tpu.matmul %mul3A_1200, %get3A_7, %dot_general3A_1201 {dimension_numbers = #tpu.dot_dimension_numbers<[1], [0], [0], [1], [0, 0, 1, 1], [], []>, transpose_lhs_hint = false} : vector<128x64xf32>, vector<64x128xf32>, vector<128x128xf32> -> vector<128x128xf32>
    %add3A_1203 = vector.broadcast %get3A_10 : vector<1x128xf32> to vector<128x128xf32>
    %add3A_1204 = arith.addf %dot_general3A_1202, %add3A_1203 : vector<128x128xf32>
    %swap3A_1205 = arith.constant 5376 : index
    %swap3A_1206 = arith.constant 0 : index
    %swap3A_1207 = vector.load %arg6[%swap3A_1205, %swap3A_1206] : memref<16000x128xf32, #tpu.memory_space<vmem>>, vector<128x128xf32>
    tpu.vector_store %arg6[%swap3A_1205, %swap3A_1206], %add3A_1204 {strides = array<i32>} : memref<16000x128xf32, #tpu.memory_space<vmem>>, vector<128x128xf32>,
    %get3A_1208 = arith.constant 0 : index
    %get3A_1209 = arith.constant 0 : index
    %get3A_1210 = arith.constant 43 : index
    %get3A_1211 = vector.load %arg1[%get3A_1208, %get3A_1209, %get3A_1210] : memref<1x128x125xf32, #tpu.memory_space<vmem>>, vector<1x128x1xf32>
    %get3A_1212 = vector.shape_cast %get3A_1211 : vector<1x128x1xf32> to vector<128x1xf32>
    %mul3A_1213 = vector.broadcast %get3A_1212 : vector<128x1xf32> to vector<128x64xf32>
    %mul3A_1214 = vector.broadcast %get3A_1 : vector<1x64xf32> to vector<128x64xf32>
    %mul3A_1215 = arith.mulf %mul3A_1213, %mul3A_1214 : vector<128x64xf32>
    %add3A_1216 = vector.broadcast %get3A_4 : vector<1x64xf32> to vector<128x64xf32>
    %add3A_1217 = arith.addf %mul3A_1215, %add3A_1216 : vector<128x64xf32>
    %neg3A_1218 = arith.constant 0.000000e+00 : f32
    %neg3A_1219 = vector.broadcast %neg3A_1218 : f32 to vector<128x64xf32>
    %neg3A_1220 = arith.subf %neg3A_1219, %add3A_1217 : vector<128x64xf32>
    %exp3A_1221 = math.exp %neg3A_1220 : vector<128x64xf32>
    %add3A_1222 = arith.constant 1.000000e+00 : f32
    %add3A_1223 = vector.broadcast %add3A_1222 : f32 to vector<128x64xf32>
    %add3A_1224 = arith.addf %add3A_1223, %exp3A_1221 : vector<128x64xf32>
    %div3A_1225 = arith.constant 1.000000e+00 : f32
    %div3A_1226 = vector.broadcast %div3A_1225 : f32 to vector<128x64xf32>
    %div3A_1227 = arith.divf %div3A_1226, %add3A_1224 : vector<128x64xf32>
    %mul3A_1228 = arith.mulf %add3A_1217, %div3A_1227 : vector<128x64xf32>
    %dot_general3A_1229 = arith.constant dense<0.000000e+00> : vector<128x128xf32>
    %dot_general3A_1230 = tpu.matmul %mul3A_1228, %get3A_7, %dot_general3A_1229 {dimension_numbers = #tpu.dot_dimension_numbers<[1], [0], [0], [1], [0, 0, 1, 1], [], []>, transpose_lhs_hint = false} : vector<128x64xf32>, vector<64x128xf32>, vector<128x128xf32> -> vector<128x128xf32>
    %add3A_1231 = vector.broadcast %get3A_10 : vector<1x128xf32> to vector<128x128xf32>
    %add3A_1232 = arith.addf %dot_general3A_1230, %add3A_1231 : vector<128x128xf32>
    %swap3A_1233 = arith.constant 5504 : index
    %swap3A_1234 = arith.constant 0 : index
    %swap3A_1235 = vector.load %arg6[%swap3A_1233, %swap3A_1234] : memref<16000x128xf32, #tpu.memory_space<vmem>>, vector<128x128xf32>
    tpu.vector_store %arg6[%swap3A_1233, %swap3A_1234], %add3A_1232 {strides = array<i32>} : memref<16000x128xf32, #tpu.memory_space<vmem>>, vector<128x128xf32>,
    %get3A_1236 = arith.constant 0 : index
    %get3A_1237 = arith.constant 0 : index
    %get3A_1238 = arith.constant 44 : index
    %get3A_1239 = vector.load %arg1[%get3A_1236, %get3A_1237, %get3A_1238] : memref<1x128x125xf32, #tpu.memory_space<vmem>>, vector<1x128x1xf32>
    %get3A_1240 = vector.shape_cast %get3A_1239 : vector<1x128x1xf32> to vector<128x1xf32>
    %mul3A_1241 = vector.broadcast %get3A_1240 : vector<128x1xf32> to vector<128x64xf32>
    %mul3A_1242 = vector.broadcast %get3A_1 : vector<1x64xf32> to vector<128x64xf32>
    %mul3A_1243 = arith.mulf %mul3A_1241, %mul3A_1242 : vector<128x64xf32>
    %add3A_1244 = vector.broadcast %get3A_4 : vector<1x64xf32> to vector<128x64xf32>
    %add3A_1245 = arith.addf %mul3A_1243, %add3A_1244 : vector<128x64xf32>
    %neg3A_1246 = arith.constant 0.000000e+00 : f32
    %neg3A_1247 = vector.broadcast %neg3A_1246 : f32 to vector<128x64xf32>
    %neg3A_1248 = arith.subf %neg3A_1247, %add3A_1245 : vector<128x64xf32>
    %exp3A_1249 = math.exp %neg3A_1248 : vector<128x64xf32>
    %add3A_1250 = arith.constant 1.000000e+00 : f32
    %add3A_1251 = vector.broadcast %add3A_1250 : f32 to vector<128x64xf32>
    %add3A_1252 = arith.addf %add3A_1251, %exp3A_1249 : vector<128x64xf32>
    %div3A_1253 = arith.constant 1.000000e+00 : f32
    %div3A_1254 = vector.broadcast %div3A_1253 : f32 to vector<128x64xf32>
    %div3A_1255 = arith.divf %div3A_1254, %add3A_1252 : vector<128x64xf32>
    %mul3A_1256 = arith.mulf %add3A_1245, %div3A_1255 : vector<128x64xf32>
    %dot_general3A_1257 = arith.constant dense<0.000000e+00> : vector<128x128xf32>
    %dot_general3A_1258 = tpu.matmul %mul3A_1256, %get3A_7, %dot_general3A_1257 {dimension_numbers = #tpu.dot_dimension_numbers<[1], [0], [0], [1], [0, 0, 1, 1], [], []>, transpose_lhs_hint = false} : vector<128x64xf32>, vector<64x128xf32>, vector<128x128xf32> -> vector<128x128xf32>
    %add3A_1259 = vector.broadcast %get3A_10 : vector<1x128xf32> to vector<128x128xf32>
    %add3A_1260 = arith.addf %dot_general3A_1258, %add3A_1259 : vector<128x128xf32>
    %swap3A_1261 = arith.constant 5632 : index
    %swap3A_1262 = arith.constant 0 : index
    %swap3A_1263 = vector.load %arg6[%swap3A_1261, %swap3A_1262] : memref<16000x128xf32, #tpu.memory_space<vmem>>, vector<128x128xf32>
    tpu.vector_store %arg6[%swap3A_1261, %swap3A_1262], %add3A_1260 {strides = array<i32>} : memref<16000x128xf32, #tpu.memory_space<vmem>>, vector<128x128xf32>,
    %get3A_1264 = arith.constant 0 : index
    %get3A_1265 = arith.constant 0 : index
    %get3A_1266 = arith.constant 45 : index
    %get3A_1267 = vector.load %arg1[%get3A_1264, %get3A_1265, %get3A_1266] : memref<1x128x125xf32, #tpu.memory_space<vmem>>, vector<1x128x1xf32>
    %get3A_1268 = vector.shape_cast %get3A_1267 : vector<1x128x1xf32> to vector<128x1xf32>
    %mul3A_1269 = vector.broadcast %get3A_1268 : vector<128x1xf32> to vector<128x64xf32>
    %mul3A_1270 = vector.broadcast %get3A_1 : vector<1x64xf32> to vector<128x64xf32>
    %mul3A_1271 = arith.mulf %mul3A_1269, %mul3A_1270 : vector<128x64xf32>
    %add3A_1272 = vector.broadcast %get3A_4 : vector<1x64xf32> to vector<128x64xf32>
    %add3A_1273 = arith.addf %mul3A_1271, %add3A_1272 : vector<128x64xf32>
    %neg3A_1274 = arith.constant 0.000000e+00 : f32
    %neg3A_1275 = vector.broadcast %neg3A_1274 : f32 to vector<128x64xf32>
    %neg3A_1276 = arith.subf %neg3A_1275, %add3A_1273 : vector<128x64xf32>
    %exp3A_1277 = math.exp %neg3A_1276 : vector<128x64xf32>
    %add3A_1278 = arith.constant 1.000000e+00 : f32
    %add3A_1279 = vector.broadcast %add3A_1278 : f32 to vector<128x64xf32>
    %add3A_1280 = arith.addf %add3A_1279, %exp3A_1277 : vector<128x64xf32>
    %div3A_1281 = arith.constant 1.000000e+00 : f32
    %div3A_1282 = vector.broadcast %div3A_1281 : f32 to vector<128x64xf32>
    %div3A_1283 = arith.divf %div3A_1282, %add3A_1280 : vector<128x64xf32>
    %mul3A_1284 = arith.mulf %add3A_1273, %div3A_1283 : vector<128x64xf32>
    %dot_general3A_1285 = arith.constant dense<0.000000e+00> : vector<128x128xf32>
    %dot_general3A_1286 = tpu.matmul %mul3A_1284, %get3A_7, %dot_general3A_1285 {dimension_numbers = #tpu.dot_dimension_numbers<[1], [0], [0], [1], [0, 0, 1, 1], [], []>, transpose_lhs_hint = false} : vector<128x64xf32>, vector<64x128xf32>, vector<128x128xf32> -> vector<128x128xf32>
    %add3A_1287 = vector.broadcast %get3A_10 : vector<1x128xf32> to vector<128x128xf32>
    %add3A_1288 = arith.addf %dot_general3A_1286, %add3A_1287 : vector<128x128xf32>
    %swap3A_1289 = arith.constant 5760 : index
    %swap3A_1290 = arith.constant 0 : index
    %swap3A_1291 = vector.load %arg6[%swap3A_1289, %swap3A_1290] : memref<16000x128xf32, #tpu.memory_space<vmem>>, vector<128x128xf32>
    tpu.vector_store %arg6[%swap3A_1289, %swap3A_1290], %add3A_1288 {strides = array<i32>} : memref<16000x128xf32, #tpu.memory_space<vmem>>, vector<128x128xf32>,
    %get3A_1292 = arith.constant 0 : index
    %get3A_1293 = arith.constant 0 : index
    %get3A_1294 = arith.constant 46 : index
    %get3A_1295 = vector.load %arg1[%get3A_1292, %get3A_1293, %get3A_1294] : memref<1x128x125xf32, #tpu.memory_space<vmem>>, vector<1x128x1xf32>
    %get3A_1296 = vector.shape_cast %get3A_1295 : vector<1x128x1xf32> to vector<128x1xf32>
    %mul3A_1297 = vector.broadcast %get3A_1296 : vector<128x1xf32> to vector<128x64xf32>
    %mul3A_1298 = vector.broadcast %get3A_1 : vector<1x64xf32> to vector<128x64xf32>
    %mul3A_1299 = arith.mulf %mul3A_1297, %mul3A_1298 : vector<128x64xf32>
    %add3A_1300 = vector.broadcast %get3A_4 : vector<1x64xf32> to vector<128x64xf32>
    %add3A_1301 = arith.addf %mul3A_1299, %add3A_1300 : vector<128x64xf32>
    %neg3A_1302 = arith.constant 0.000000e+00 : f32
    %neg3A_1303 = vector.broadcast %neg3A_1302 : f32 to vector<128x64xf32>
    %neg3A_1304 = arith.subf %neg3A_1303, %add3A_1301 : vector<128x64xf32>
    %exp3A_1305 = math.exp %neg3A_1304 : vector<128x64xf32>
    %add3A_1306 = arith.constant 1.000000e+00 : f32
    %add3A_1307 = vector.broadcast %add3A_1306 : f32 to vector<128x64xf32>
    %add3A_1308 = arith.addf %add3A_1307, %exp3A_1305 : vector<128x64xf32>
    %div3A_1309 = arith.constant 1.000000e+00 : f32
    %div3A_1310 = vector.broadcast %div3A_1309 : f32 to vector<128x64xf32>
    %div3A_1311 = arith.divf %div3A_1310, %add3A_1308 : vector<128x64xf32>
    %mul3A_1312 = arith.mulf %add3A_1301, %div3A_1311 : vector<128x64xf32>
    %dot_general3A_1313 = arith.constant dense<0.000000e+00> : vector<128x128xf32>
    %dot_general3A_1314 = tpu.matmul %mul3A_1312, %get3A_7, %dot_general3A_1313 {dimension_numbers = #tpu.dot_dimension_numbers<[1], [0], [0], [1], [0, 0, 1, 1], [], []>, transpose_lhs_hint = false} : vector<128x64xf32>, vector<64x128xf32>, vector<128x128xf32> -> vector<128x128xf32>
    %add3A_1315 = vector.broadcast %get3A_10 : vector<1x128xf32> to vector<128x128xf32>
    %add3A_1316 = arith.addf %dot_general3A_1314, %add3A_1315 : vector<128x128xf32>
    %swap3A_1317 = arith.constant 5888 : index
    %swap3A_1318 = arith.constant 0 : index
    %swap3A_1319 = vector.load %arg6[%swap3A_1317, %swap3A_1318] : memref<16000x128xf32, #tpu.memory_space<vmem>>, vector<128x128xf32>
    tpu.vector_store %arg6[%swap3A_1317, %swap3A_1318], %add3A_1316 {strides = array<i32>} : memref<16000x128xf32, #tpu.memory_space<vmem>>, vector<128x128xf32>,
    %get3A_1320 = arith.constant 0 : index
    %get3A_1321 = arith.constant 0 : index
    %get3A_1322 = arith.constant 47 : index
    %get3A_1323 = vector.load %arg1[%get3A_1320, %get3A_1321, %get3A_1322] : memref<1x128x125xf32, #tpu.memory_space<vmem>>, vector<1x128x1xf32>
    %get3A_1324 = vector.shape_cast %get3A_1323 : vector<1x128x1xf32> to vector<128x1xf32>
    %mul3A_1325 = vector.broadcast %get3A_1324 : vector<128x1xf32> to vector<128x64xf32>
    %mul3A_1326 = vector.broadcast %get3A_1 : vector<1x64xf32> to vector<128x64xf32>
    %mul3A_1327 = arith.mulf %mul3A_1325, %mul3A_1326 : vector<128x64xf32>
    %add3A_1328 = vector.broadcast %get3A_4 : vector<1x64xf32> to vector<128x64xf32>
    %add3A_1329 = arith.addf %mul3A_1327, %add3A_1328 : vector<128x64xf32>
    %neg3A_1330 = arith.constant 0.000000e+00 : f32
    %neg3A_1331 = vector.broadcast %neg3A_1330 : f32 to vector<128x64xf32>
    %neg3A_1332 = arith.subf %neg3A_1331, %add3A_1329 : vector<128x64xf32>
    %exp3A_1333 = math.exp %neg3A_1332 : vector<128x64xf32>
    %add3A_1334 = arith.constant 1.000000e+00 : f32
    %add3A_1335 = vector.broadcast %add3A_1334 : f32 to vector<128x64xf32>
    %add3A_1336 = arith.addf %add3A_1335, %exp3A_1333 : vector<128x64xf32>
    %div3A_1337 = arith.constant 1.000000e+00 : f32
    %div3A_1338 = vector.broadcast %div3A_1337 : f32 to vector<128x64xf32>
    %div3A_1339 = arith.divf %div3A_1338, %add3A_1336 : vector<128x64xf32>
    %mul3A_1340 = arith.mulf %add3A_1329, %div3A_1339 : vector<128x64xf32>
    %dot_general3A_1341 = arith.constant dense<0.000000e+00> : vector<128x128xf32>
    %dot_general3A_1342 = tpu.matmul %mul3A_1340, %get3A_7, %dot_general3A_1341 {dimension_numbers = #tpu.dot_dimension_numbers<[1], [0], [0], [1], [0, 0, 1, 1], [], []>, transpose_lhs_hint = false} : vector<128x64xf32>, vector<64x128xf32>, vector<128x128xf32> -> vector<128x128xf32>
    %add3A_1343 = vector.broadcast %get3A_10 : vector<1x128xf32> to vector<128x128xf32>
    %add3A_1344 = arith.addf %dot_general3A_1342, %add3A_1343 : vector<128x128xf32>
    %swap3A_1345 = arith.constant 6016 : index
    %swap3A_1346 = arith.constant 0 : index
    %swap3A_1347 = vector.load %arg6[%swap3A_1345, %swap3A_1346] : memref<16000x128xf32, #tpu.memory_space<vmem>>, vector<128x128xf32>
    tpu.vector_store %arg6[%swap3A_1345, %swap3A_1346], %add3A_1344 {strides = array<i32>} : memref<16000x128xf32, #tpu.memory_space<vmem>>, vector<128x128xf32>,
    %get3A_1348 = arith.constant 0 : index
    %get3A_1349 = arith.constant 0 : index
    %get3A_1350 = arith.constant 48 : index
    %get3A_1351 = vector.load %arg1[%get3A_1348, %get3A_1349, %get3A_1350] : memref<1x128x125xf32, #tpu.memory_space<vmem>>, vector<1x128x1xf32>
    %get3A_1352 = vector.shape_cast %get3A_1351 : vector<1x128x1xf32> to vector<128x1xf32>
    %mul3A_1353 = vector.broadcast %get3A_1352 : vector<128x1xf32> to vector<128x64xf32>
    %mul3A_1354 = vector.broadcast %get3A_1 : vector<1x64xf32> to vector<128x64xf32>
    %mul3A_1355 = arith.mulf %mul3A_1353, %mul3A_1354 : vector<128x64xf32>
    %add3A_1356 = vector.broadcast %get3A_4 : vector<1x64xf32> to vector<128x64xf32>
    %add3A_1357 = arith.addf %mul3A_1355, %add3A_1356 : vector<128x64xf32>
    %neg3A_1358 = arith.constant 0.000000e+00 : f32
    %neg3A_1359 = vector.broadcast %neg3A_1358 : f32 to vector<128x64xf32>
    %neg3A_1360 = arith.subf %neg3A_1359, %add3A_1357 : vector<128x64xf32>
    %exp3A_1361 = math.exp %neg3A_1360 : vector<128x64xf32>
    %add3A_1362 = arith.constant 1.000000e+00 : f32
    %add3A_1363 = vector.broadcast %add3A_1362 : f32 to vector<128x64xf32>
    %add3A_1364 = arith.addf %add3A_1363, %exp3A_1361 : vector<128x64xf32>
    %div3A_1365 = arith.constant 1.000000e+00 : f32
    %div3A_1366 = vector.broadcast %div3A_1365 : f32 to vector<128x64xf32>
    %div3A_1367 = arith.divf %div3A_1366, %add3A_1364 : vector<128x64xf32>
    %mul3A_1368 = arith.mulf %add3A_1357, %div3A_1367 : vector<128x64xf32>
    %dot_general3A_1369 = arith.constant dense<0.000000e+00> : vector<128x128xf32>
    %dot_general3A_1370 = tpu.matmul %mul3A_1368, %get3A_7, %dot_general3A_1369 {dimension_numbers = #tpu.dot_dimension_numbers<[1], [0], [0], [1], [0, 0, 1, 1], [], []>, transpose_lhs_hint = false} : vector<128x64xf32>, vector<64x128xf32>, vector<128x128xf32> -> vector<128x128xf32>
    %add3A_1371 = vector.broadcast %get3A_10 : vector<1x128xf32> to vector<128x128xf32>
    %add3A_1372 = arith.addf %dot_general3A_1370, %add3A_1371 : vector<128x128xf32>
    %swap3A_1373 = arith.constant 6144 : index
    %swap3A_1374 = arith.constant 0 : index
    %swap3A_1375 = vector.load %arg6[%swap3A_1373, %swap3A_1374] : memref<16000x128xf32, #tpu.memory_space<vmem>>, vector<128x128xf32>
    tpu.vector_store %arg6[%swap3A_1373, %swap3A_1374], %add3A_1372 {strides = array<i32>} : memref<16000x128xf32, #tpu.memory_space<vmem>>, vector<128x128xf32>,
    %get3A_1376 = arith.constant 0 : index
    %get3A_1377 = arith.constant 0 : index
    %get3A_1378 = arith.constant 49 : index
    %get3A_1379 = vector.load %arg1[%get3A_1376, %get3A_1377, %get3A_1378] : memref<1x128x125xf32, #tpu.memory_space<vmem>>, vector<1x128x1xf32>
    %get3A_1380 = vector.shape_cast %get3A_1379 : vector<1x128x1xf32> to vector<128x1xf32>
    %mul3A_1381 = vector.broadcast %get3A_1380 : vector<128x1xf32> to vector<128x64xf32>
    %mul3A_1382 = vector.broadcast %get3A_1 : vector<1x64xf32> to vector<128x64xf32>
    %mul3A_1383 = arith.mulf %mul3A_1381, %mul3A_1382 : vector<128x64xf32>
    %add3A_1384 = vector.broadcast %get3A_4 : vector<1x64xf32> to vector<128x64xf32>
    %add3A_1385 = arith.addf %mul3A_1383, %add3A_1384 : vector<128x64xf32>
    %neg3A_1386 = arith.constant 0.000000e+00 : f32
    %neg3A_1387 = vector.broadcast %neg3A_1386 : f32 to vector<128x64xf32>
    %neg3A_1388 = arith.subf %neg3A_1387, %add3A_1385 : vector<128x64xf32>
    %exp3A_1389 = math.exp %neg3A_1388 : vector<128x64xf32>
    %add3A_1390 = arith.constant 1.000000e+00 : f32
    %add3A_1391 = vector.broadcast %add3A_1390 : f32 to vector<128x64xf32>
    %add3A_1392 = arith.addf %add3A_1391, %exp3A_1389 : vector<128x64xf32>
    %div3A_1393 = arith.constant 1.000000e+00 : f32
    %div3A_1394 = vector.broadcast %div3A_1393 : f32 to vector<128x64xf32>
    %div3A_1395 = arith.divf %div3A_1394, %add3A_1392 : vector<128x64xf32>
    %mul3A_1396 = arith.mulf %add3A_1385, %div3A_1395 : vector<128x64xf32>
    %dot_general3A_1397 = arith.constant dense<0.000000e+00> : vector<128x128xf32>
    %dot_general3A_1398 = tpu.matmul %mul3A_1396, %get3A_7, %dot_general3A_1397 {dimension_numbers = #tpu.dot_dimension_numbers<[1], [0], [0], [1], [0, 0, 1, 1], [], []>, transpose_lhs_hint = false} : vector<128x64xf32>, vector<64x128xf32>, vector<128x128xf32> -> vector<128x128xf32>
    %add3A_1399 = vector.broadcast %get3A_10 : vector<1x128xf32> to vector<128x128xf32>
    %add3A_1400 = arith.addf %dot_general3A_1398, %add3A_1399 : vector<128x128xf32>
    %swap3A_1401 = arith.constant 6272 : index
    %swap3A_1402 = arith.constant 0 : index
    %swap3A_1403 = vector.load %arg6[%swap3A_1401, %swap3A_1402] : memref<16000x128xf32, #tpu.memory_space<vmem>>, vector<128x128xf32>
    tpu.vector_store %arg6[%swap3A_1401, %swap3A_1402], %add3A_1400 {strides = array<i32>} : memref<16000x128xf32, #tpu.memory_space<vmem>>, vector<128x128xf32>,
    %get3A_1404 = arith.constant 0 : index
    %get3A_1405 = arith.constant 0 : index
    %get3A_1406 = arith.constant 50 : index
    %get3A_1407 = vector.load %arg1[%get3A_1404, %get3A_1405, %get3A_1406] : memref<1x128x125xf32, #tpu.memory_space<vmem>>, vector<1x128x1xf32>
    %get3A_1408 = vector.shape_cast %get3A_1407 : vector<1x128x1xf32> to vector<128x1xf32>
    %mul3A_1409 = vector.broadcast %get3A_1408 : vector<128x1xf32> to vector<128x64xf32>
    %mul3A_1410 = vector.broadcast %get3A_1 : vector<1x64xf32> to vector<128x64xf32>
    %mul3A_1411 = arith.mulf %mul3A_1409, %mul3A_1410 : vector<128x64xf32>
    %add3A_1412 = vector.broadcast %get3A_4 : vector<1x64xf32> to vector<128x64xf32>
    %add3A_1413 = arith.addf %mul3A_1411, %add3A_1412 : vector<128x64xf32>
    %neg3A_1414 = arith.constant 0.000000e+00 : f32
    %neg3A_1415 = vector.broadcast %neg3A_1414 : f32 to vector<128x64xf32>
    %neg3A_1416 = arith.subf %neg3A_1415, %add3A_1413 : vector<128x64xf32>
    %exp3A_1417 = math.exp %neg3A_1416 : vector<128x64xf32>
    %add3A_1418 = arith.constant 1.000000e+00 : f32
    %add3A_1419 = vector.broadcast %add3A_1418 : f32 to vector<128x64xf32>
    %add3A_1420 = arith.addf %add3A_1419, %exp3A_1417 : vector<128x64xf32>
    %div3A_1421 = arith.constant 1.000000e+00 : f32
    %div3A_1422 = vector.broadcast %div3A_1421 : f32 to vector<128x64xf32>
    %div3A_1423 = arith.divf %div3A_1422, %add3A_1420 : vector<128x64xf32>
    %mul3A_1424 = arith.mulf %add3A_1413, %div3A_1423 : vector<128x64xf32>
    %dot_general3A_1425 = arith.constant dense<0.000000e+00> : vector<128x128xf32>
    %dot_general3A_1426 = tpu.matmul %mul3A_1424, %get3A_7, %dot_general3A_1425 {dimension_numbers = #tpu.dot_dimension_numbers<[1], [0], [0], [1], [0, 0, 1, 1], [], []>, transpose_lhs_hint = false} : vector<128x64xf32>, vector<64x128xf32>, vector<128x128xf32> -> vector<128x128xf32>
    %add3A_1427 = vector.broadcast %get3A_10 : vector<1x128xf32> to vector<128x128xf32>
    %add3A_1428 = arith.addf %dot_general3A_1426, %add3A_1427 : vector<128x128xf32>
    %swap3A_1429 = arith.constant 6400 : index
    %swap3A_1430 = arith.constant 0 : index
    %swap3A_1431 = vector.load %arg6[%swap3A_1429, %swap3A_1430] : memref<16000x128xf32, #tpu.memory_space<vmem>>, vector<128x128xf32>
    tpu.vector_store %arg6[%swap3A_1429, %swap3A_1430], %add3A_1428 {strides = array<i32>} : memref<16000x128xf32, #tpu.memory_space<vmem>>, vector<128x128xf32>,
    %get3A_1432 = arith.constant 0 : index
    %get3A_1433 = arith.constant 0 : index
    %get3A_1434 = arith.constant 51 : index
    %get3A_1435 = vector.load %arg1[%get3A_1432, %get3A_1433, %get3A_1434] : memref<1x128x125xf32, #tpu.memory_space<vmem>>, vector<1x128x1xf32>
    %get3A_1436 = vector.shape_cast %get3A_1435 : vector<1x128x1xf32> to vector<128x1xf32>
    %mul3A_1437 = vector.broadcast %get3A_1436 : vector<128x1xf32> to vector<128x64xf32>
    %mul3A_1438 = vector.broadcast %get3A_1 : vector<1x64xf32> to vector<128x64xf32>
    %mul3A_1439 = arith.mulf %mul3A_1437, %mul3A_1438 : vector<128x64xf32>
    %add3A_1440 = vector.broadcast %get3A_4 : vector<1x64xf32> to vector<128x64xf32>
    %add3A_1441 = arith.addf %mul3A_1439, %add3A_1440 : vector<128x64xf32>
    %neg3A_1442 = arith.constant 0.000000e+00 : f32
    %neg3A_1443 = vector.broadcast %neg3A_1442 : f32 to vector<128x64xf32>
    %neg3A_1444 = arith.subf %neg3A_1443, %add3A_1441 : vector<128x64xf32>
    %exp3A_1445 = math.exp %neg3A_1444 : vector<128x64xf32>
    %add3A_1446 = arith.constant 1.000000e+00 : f32
    %add3A_1447 = vector.broadcast %add3A_1446 : f32 to vector<128x64xf32>
    %add3A_1448 = arith.addf %add3A_1447, %exp3A_1445 : vector<128x64xf32>
    %div3A_1449 = arith.constant 1.000000e+00 : f32
    %div3A_1450 = vector.broadcast %div3A_1449 : f32 to vector<128x64xf32>
    %div3A_1451 = arith.divf %div3A_1450, %add3A_1448 : vector<128x64xf32>
    %mul3A_1452 = arith.mulf %add3A_1441, %div3A_1451 : vector<128x64xf32>
    %dot_general3A_1453 = arith.constant dense<0.000000e+00> : vector<128x128xf32>
    %dot_general3A_1454 = tpu.matmul %mul3A_1452, %get3A_7, %dot_general3A_1453 {dimension_numbers = #tpu.dot_dimension_numbers<[1], [0], [0], [1], [0, 0, 1, 1], [], []>, transpose_lhs_hint = false} : vector<128x64xf32>, vector<64x128xf32>, vector<128x128xf32> -> vector<128x128xf32>
    %add3A_1455 = vector.broadcast %get3A_10 : vector<1x128xf32> to vector<128x128xf32>
    %add3A_1456 = arith.addf %dot_general3A_1454, %add3A_1455 : vector<128x128xf32>
    %swap3A_1457 = arith.constant 6528 : index
    %swap3A_1458 = arith.constant 0 : index
    %swap3A_1459 = vector.load %arg6[%swap3A_1457, %swap3A_1458] : memref<16000x128xf32, #tpu.memory_space<vmem>>, vector<128x128xf32>
    tpu.vector_store %arg6[%swap3A_1457, %swap3A_1458], %add3A_1456 {strides = array<i32>} : memref<16000x128xf32, #tpu.memory_space<vmem>>, vector<128x128xf32>,
    %get3A_1460 = arith.constant 0 : index
    %get3A_1461 = arith.constant 0 : index
    %get3A_1462 = arith.constant 52 : index
    %get3A_1463 = vector.load %arg1[%get3A_1460, %get3A_1461, %get3A_1462] : memref<1x128x125xf32, #tpu.memory_space<vmem>>, vector<1x128x1xf32>
    %get3A_1464 = vector.shape_cast %get3A_1463 : vector<1x128x1xf32> to vector<128x1xf32>
    %mul3A_1465 = vector.broadcast %get3A_1464 : vector<128x1xf32> to vector<128x64xf32>
    %mul3A_1466 = vector.broadcast %get3A_1 : vector<1x64xf32> to vector<128x64xf32>
    %mul3A_1467 = arith.mulf %mul3A_1465, %mul3A_1466 : vector<128x64xf32>
    %add3A_1468 = vector.broadcast %get3A_4 : vector<1x64xf32> to vector<128x64xf32>
    %add3A_1469 = arith.addf %mul3A_1467, %add3A_1468 : vector<128x64xf32>
    %neg3A_1470 = arith.constant 0.000000e+00 : f32
    %neg3A_1471 = vector.broadcast %neg3A_1470 : f32 to vector<128x64xf32>
    %neg3A_1472 = arith.subf %neg3A_1471, %add3A_1469 : vector<128x64xf32>
    %exp3A_1473 = math.exp %neg3A_1472 : vector<128x64xf32>
    %add3A_1474 = arith.constant 1.000000e+00 : f32
    %add3A_1475 = vector.broadcast %add3A_1474 : f32 to vector<128x64xf32>
    %add3A_1476 = arith.addf %add3A_1475, %exp3A_1473 : vector<128x64xf32>
    %div3A_1477 = arith.constant 1.000000e+00 : f32
    %div3A_1478 = vector.broadcast %div3A_1477 : f32 to vector<128x64xf32>
    %div3A_1479 = arith.divf %div3A_1478, %add3A_1476 : vector<128x64xf32>
    %mul3A_1480 = arith.mulf %add3A_1469, %div3A_1479 : vector<128x64xf32>
    %dot_general3A_1481 = arith.constant dense<0.000000e+00> : vector<128x128xf32>
    %dot_general3A_1482 = tpu.matmul %mul3A_1480, %get3A_7, %dot_general3A_1481 {dimension_numbers = #tpu.dot_dimension_numbers<[1], [0], [0], [1], [0, 0, 1, 1], [], []>, transpose_lhs_hint = false} : vector<128x64xf32>, vector<64x128xf32>, vector<128x128xf32> -> vector<128x128xf32>
    %add3A_1483 = vector.broadcast %get3A_10 : vector<1x128xf32> to vector<128x128xf32>
    %add3A_1484 = arith.addf %dot_general3A_1482, %add3A_1483 : vector<128x128xf32>
    %swap3A_1485 = arith.constant 6656 : index
    %swap3A_1486 = arith.constant 0 : index
    %swap3A_1487 = vector.load %arg6[%swap3A_1485, %swap3A_1486] : memref<16000x128xf32, #tpu.memory_space<vmem>>, vector<128x128xf32>
    tpu.vector_store %arg6[%swap3A_1485, %swap3A_1486], %add3A_1484 {strides = array<i32>} : memref<16000x128xf32, #tpu.memory_space<vmem>>, vector<128x128xf32>,
    %get3A_1488 = arith.constant 0 : index
    %get3A_1489 = arith.constant 0 : index
    %get3A_1490 = arith.constant 53 : index
    %get3A_1491 = vector.load %arg1[%get3A_1488, %get3A_1489, %get3A_1490] : memref<1x128x125xf32, #tpu.memory_space<vmem>>, vector<1x128x1xf32>
    %get3A_1492 = vector.shape_cast %get3A_1491 : vector<1x128x1xf32> to vector<128x1xf32>
    %mul3A_1493 = vector.broadcast %get3A_1492 : vector<128x1xf32> to vector<128x64xf32>
    %mul3A_1494 = vector.broadcast %get3A_1 : vector<1x64xf32> to vector<128x64xf32>
    %mul3A_1495 = arith.mulf %mul3A_1493, %mul3A_1494 : vector<128x64xf32>
    %add3A_1496 = vector.broadcast %get3A_4 : vector<1x64xf32> to vector<128x64xf32>
    %add3A_1497 = arith.addf %mul3A_1495, %add3A_1496 : vector<128x64xf32>
    %neg3A_1498 = arith.constant 0.000000e+00 : f32
    %neg3A_1499 = vector.broadcast %neg3A_1498 : f32 to vector<128x64xf32>
    %neg3A_1500 = arith.subf %neg3A_1499, %add3A_1497 : vector<128x64xf32>
    %exp3A_1501 = math.exp %neg3A_1500 : vector<128x64xf32>
    %add3A_1502 = arith.constant 1.000000e+00 : f32
    %add3A_1503 = vector.broadcast %add3A_1502 : f32 to vector<128x64xf32>
    %add3A_1504 = arith.addf %add3A_1503, %exp3A_1501 : vector<128x64xf32>
    %div3A_1505 = arith.constant 1.000000e+00 : f32
    %div3A_1506 = vector.broadcast %div3A_1505 : f32 to vector<128x64xf32>
    %div3A_1507 = arith.divf %div3A_1506, %add3A_1504 : vector<128x64xf32>
    %mul3A_1508 = arith.mulf %add3A_1497, %div3A_1507 : vector<128x64xf32>
    %dot_general3A_1509 = arith.constant dense<0.000000e+00> : vector<128x128xf32>
    %dot_general3A_1510 = tpu.matmul %mul3A_1508, %get3A_7, %dot_general3A_1509 {dimension_numbers = #tpu.dot_dimension_numbers<[1], [0], [0], [1], [0, 0, 1, 1], [], []>, transpose_lhs_hint = false} : vector<128x64xf32>, vector<64x128xf32>, vector<128x128xf32> -> vector<128x128xf32>
    %add3A_1511 = vector.broadcast %get3A_10 : vector<1x128xf32> to vector<128x128xf32>
    %add3A_1512 = arith.addf %dot_general3A_1510, %add3A_1511 : vector<128x128xf32>
    %swap3A_1513 = arith.constant 6784 : index
    %swap3A_1514 = arith.constant 0 : index
    %swap3A_1515 = vector.load %arg6[%swap3A_1513, %swap3A_1514] : memref<16000x128xf32, #tpu.memory_space<vmem>>, vector<128x128xf32>
    tpu.vector_store %arg6[%swap3A_1513, %swap3A_1514], %add3A_1512 {strides = array<i32>} : memref<16000x128xf32, #tpu.memory_space<vmem>>, vector<128x128xf32>,
    %get3A_1516 = arith.constant 0 : index
    %get3A_1517 = arith.constant 0 : index
    %get3A_1518 = arith.constant 54 : index
    %get3A_1519 = vector.load %arg1[%get3A_1516, %get3A_1517, %get3A_1518] : memref<1x128x125xf32, #tpu.memory_space<vmem>>, vector<1x128x1xf32>
    %get3A_1520 = vector.shape_cast %get3A_1519 : vector<1x128x1xf32> to vector<128x1xf32>
    %mul3A_1521 = vector.broadcast %get3A_1520 : vector<128x1xf32> to vector<128x64xf32>
    %mul3A_1522 = vector.broadcast %get3A_1 : vector<1x64xf32> to vector<128x64xf32>
    %mul3A_1523 = arith.mulf %mul3A_1521, %mul3A_1522 : vector<128x64xf32>
    %add3A_1524 = vector.broadcast %get3A_4 : vector<1x64xf32> to vector<128x64xf32>
    %add3A_1525 = arith.addf %mul3A_1523, %add3A_1524 : vector<128x64xf32>
    %neg3A_1526 = arith.constant 0.000000e+00 : f32
    %neg3A_1527 = vector.broadcast %neg3A_1526 : f32 to vector<128x64xf32>
    %neg3A_1528 = arith.subf %neg3A_1527, %add3A_1525 : vector<128x64xf32>
    %exp3A_1529 = math.exp %neg3A_1528 : vector<128x64xf32>
    %add3A_1530 = arith.constant 1.000000e+00 : f32
    %add3A_1531 = vector.broadcast %add3A_1530 : f32 to vector<128x64xf32>
    %add3A_1532 = arith.addf %add3A_1531, %exp3A_1529 : vector<128x64xf32>
    %div3A_1533 = arith.constant 1.000000e+00 : f32
    %div3A_1534 = vector.broadcast %div3A_1533 : f32 to vector<128x64xf32>
    %div3A_1535 = arith.divf %div3A_1534, %add3A_1532 : vector<128x64xf32>
    %mul3A_1536 = arith.mulf %add3A_1525, %div3A_1535 : vector<128x64xf32>
    %dot_general3A_1537 = arith.constant dense<0.000000e+00> : vector<128x128xf32>
    %dot_general3A_1538 = tpu.matmul %mul3A_1536, %get3A_7, %dot_general3A_1537 {dimension_numbers = #tpu.dot_dimension_numbers<[1], [0], [0], [1], [0, 0, 1, 1], [], []>, transpose_lhs_hint = false} : vector<128x64xf32>, vector<64x128xf32>, vector<128x128xf32> -> vector<128x128xf32>
    %add3A_1539 = vector.broadcast %get3A_10 : vector<1x128xf32> to vector<128x128xf32>
    %add3A_1540 = arith.addf %dot_general3A_1538, %add3A_1539 : vector<128x128xf32>
    %swap3A_1541 = arith.constant 6912 : index
    %swap3A_1542 = arith.constant 0 : index
    %swap3A_1543 = vector.load %arg6[%swap3A_1541, %swap3A_1542] : memref<16000x128xf32, #tpu.memory_space<vmem>>, vector<128x128xf32>
    tpu.vector_store %arg6[%swap3A_1541, %swap3A_1542], %add3A_1540 {strides = array<i32>} : memref<16000x128xf32, #tpu.memory_space<vmem>>, vector<128x128xf32>,
    %get3A_1544 = arith.constant 0 : index
    %get3A_1545 = arith.constant 0 : index
    %get3A_1546 = arith.constant 55 : index
    %get3A_1547 = vector.load %arg1[%get3A_1544, %get3A_1545, %get3A_1546] : memref<1x128x125xf32, #tpu.memory_space<vmem>>, vector<1x128x1xf32>
    %get3A_1548 = vector.shape_cast %get3A_1547 : vector<1x128x1xf32> to vector<128x1xf32>
    %mul3A_1549 = vector.broadcast %get3A_1548 : vector<128x1xf32> to vector<128x64xf32>
    %mul3A_1550 = vector.broadcast %get3A_1 : vector<1x64xf32> to vector<128x64xf32>
    %mul3A_1551 = arith.mulf %mul3A_1549, %mul3A_1550 : vector<128x64xf32>
    %add3A_1552 = vector.broadcast %get3A_4 : vector<1x64xf32> to vector<128x64xf32>
    %add3A_1553 = arith.addf %mul3A_1551, %add3A_1552 : vector<128x64xf32>
    %neg3A_1554 = arith.constant 0.000000e+00 : f32
    %neg3A_1555 = vector.broadcast %neg3A_1554 : f32 to vector<128x64xf32>
    %neg3A_1556 = arith.subf %neg3A_1555, %add3A_1553 : vector<128x64xf32>
    %exp3A_1557 = math.exp %neg3A_1556 : vector<128x64xf32>
    %add3A_1558 = arith.constant 1.000000e+00 : f32
    %add3A_1559 = vector.broadcast %add3A_1558 : f32 to vector<128x64xf32>
    %add3A_1560 = arith.addf %add3A_1559, %exp3A_1557 : vector<128x64xf32>
    %div3A_1561 = arith.constant 1.000000e+00 : f32
    %div3A_1562 = vector.broadcast %div3A_1561 : f32 to vector<128x64xf32>
    %div3A_1563 = arith.divf %div3A_1562, %add3A_1560 : vector<128x64xf32>
    %mul3A_1564 = arith.mulf %add3A_1553, %div3A_1563 : vector<128x64xf32>
    %dot_general3A_1565 = arith.constant dense<0.000000e+00> : vector<128x128xf32>
    %dot_general3A_1566 = tpu.matmul %mul3A_1564, %get3A_7, %dot_general3A_1565 {dimension_numbers = #tpu.dot_dimension_numbers<[1], [0], [0], [1], [0, 0, 1, 1], [], []>, transpose_lhs_hint = false} : vector<128x64xf32>, vector<64x128xf32>, vector<128x128xf32> -> vector<128x128xf32>
    %add3A_1567 = vector.broadcast %get3A_10 : vector<1x128xf32> to vector<128x128xf32>
    %add3A_1568 = arith.addf %dot_general3A_1566, %add3A_1567 : vector<128x128xf32>
    %swap3A_1569 = arith.constant 7040 : index
    %swap3A_1570 = arith.constant 0 : index
    %swap3A_1571 = vector.load %arg6[%swap3A_1569, %swap3A_1570] : memref<16000x128xf32, #tpu.memory_space<vmem>>, vector<128x128xf32>
    tpu.vector_store %arg6[%swap3A_1569, %swap3A_1570], %add3A_1568 {strides = array<i32>} : memref<16000x128xf32, #tpu.memory_space<vmem>>, vector<128x128xf32>,
    %get3A_1572 = arith.constant 0 : index
    %get3A_1573 = arith.constant 0 : index
    %get3A_1574 = arith.constant 56 : index
    %get3A_1575 = vector.load %arg1[%get3A_1572, %get3A_1573, %get3A_1574] : memref<1x128x125xf32, #tpu.memory_space<vmem>>, vector<1x128x1xf32>
    %get3A_1576 = vector.shape_cast %get3A_1575 : vector<1x128x1xf32> to vector<128x1xf32>
    %mul3A_1577 = vector.broadcast %get3A_1576 : vector<128x1xf32> to vector<128x64xf32>
    %mul3A_1578 = vector.broadcast %get3A_1 : vector<1x64xf32> to vector<128x64xf32>
    %mul3A_1579 = arith.mulf %mul3A_1577, %mul3A_1578 : vector<128x64xf32>
    %add3A_1580 = vector.broadcast %get3A_4 : vector<1x64xf32> to vector<128x64xf32>
    %add3A_1581 = arith.addf %mul3A_1579, %add3A_1580 : vector<128x64xf32>
    %neg3A_1582 = arith.constant 0.000000e+00 : f32
    %neg3A_1583 = vector.broadcast %neg3A_1582 : f32 to vector<128x64xf32>
    %neg3A_1584 = arith.subf %neg3A_1583, %add3A_1581 : vector<128x64xf32>
    %exp3A_1585 = math.exp %neg3A_1584 : vector<128x64xf32>
    %add3A_1586 = arith.constant 1.000000e+00 : f32
    %add3A_1587 = vector.broadcast %add3A_1586 : f32 to vector<128x64xf32>
    %add3A_1588 = arith.addf %add3A_1587, %exp3A_1585 : vector<128x64xf32>
    %div3A_1589 = arith.constant 1.000000e+00 : f32
    %div3A_1590 = vector.broadcast %div3A_1589 : f32 to vector<128x64xf32>
    %div3A_1591 = arith.divf %div3A_1590, %add3A_1588 : vector<128x64xf32>
    %mul3A_1592 = arith.mulf %add3A_1581, %div3A_1591 : vector<128x64xf32>
    %dot_general3A_1593 = arith.constant dense<0.000000e+00> : vector<128x128xf32>
    %dot_general3A_1594 = tpu.matmul %mul3A_1592, %get3A_7, %dot_general3A_1593 {dimension_numbers = #tpu.dot_dimension_numbers<[1], [0], [0], [1], [0, 0, 1, 1], [], []>, transpose_lhs_hint = false} : vector<128x64xf32>, vector<64x128xf32>, vector<128x128xf32> -> vector<128x128xf32>
    %add3A_1595 = vector.broadcast %get3A_10 : vector<1x128xf32> to vector<128x128xf32>
    %add3A_1596 = arith.addf %dot_general3A_1594, %add3A_1595 : vector<128x128xf32>
    %swap3A_1597 = arith.constant 7168 : index
    %swap3A_1598 = arith.constant 0 : index
    %swap3A_1599 = vector.load %arg6[%swap3A_1597, %swap3A_1598] : memref<16000x128xf32, #tpu.memory_space<vmem>>, vector<128x128xf32>
    tpu.vector_store %arg6[%swap3A_1597, %swap3A_1598], %add3A_1596 {strides = array<i32>} : memref<16000x128xf32, #tpu.memory_space<vmem>>, vector<128x128xf32>,
    %get3A_1600 = arith.constant 0 : index
    %get3A_1601 = arith.constant 0 : index
    %get3A_1602 = arith.constant 57 : index
    %get3A_1603 = vector.load %arg1[%get3A_1600, %get3A_1601, %get3A_1602] : memref<1x128x125xf32, #tpu.memory_space<vmem>>, vector<1x128x1xf32>
    %get3A_1604 = vector.shape_cast %get3A_1603 : vector<1x128x1xf32> to vector<128x1xf32>
    %mul3A_1605 = vector.broadcast %get3A_1604 : vector<128x1xf32> to vector<128x64xf32>
    %mul3A_1606 = vector.broadcast %get3A_1 : vector<1x64xf32> to vector<128x64xf32>
    %mul3A_1607 = arith.mulf %mul3A_1605, %mul3A_1606 : vector<128x64xf32>
    %add3A_1608 = vector.broadcast %get3A_4 : vector<1x64xf32> to vector<128x64xf32>
    %add3A_1609 = arith.addf %mul3A_1607, %add3A_1608 : vector<128x64xf32>
    %neg3A_1610 = arith.constant 0.000000e+00 : f32
    %neg3A_1611 = vector.broadcast %neg3A_1610 : f32 to vector<128x64xf32>
    %neg3A_1612 = arith.subf %neg3A_1611, %add3A_1609 : vector<128x64xf32>
    %exp3A_1613 = math.exp %neg3A_1612 : vector<128x64xf32>
    %add3A_1614 = arith.constant 1.000000e+00 : f32
    %add3A_1615 = vector.broadcast %add3A_1614 : f32 to vector<128x64xf32>
    %add3A_1616 = arith.addf %add3A_1615, %exp3A_1613 : vector<128x64xf32>
    %div3A_1617 = arith.constant 1.000000e+00 : f32
    %div3A_1618 = vector.broadcast %div3A_1617 : f32 to vector<128x64xf32>
    %div3A_1619 = arith.divf %div3A_1618, %add3A_1616 : vector<128x64xf32>
    %mul3A_1620 = arith.mulf %add3A_1609, %div3A_1619 : vector<128x64xf32>
    %dot_general3A_1621 = arith.constant dense<0.000000e+00> : vector<128x128xf32>
    %dot_general3A_1622 = tpu.matmul %mul3A_1620, %get3A_7, %dot_general3A_1621 {dimension_numbers = #tpu.dot_dimension_numbers<[1], [0], [0], [1], [0, 0, 1, 1], [], []>, transpose_lhs_hint = false} : vector<128x64xf32>, vector<64x128xf32>, vector<128x128xf32> -> vector<128x128xf32>
    %add3A_1623 = vector.broadcast %get3A_10 : vector<1x128xf32> to vector<128x128xf32>
    %add3A_1624 = arith.addf %dot_general3A_1622, %add3A_1623 : vector<128x128xf32>
    %swap3A_1625 = arith.constant 7296 : index
    %swap3A_1626 = arith.constant 0 : index
    %swap3A_1627 = vector.load %arg6[%swap3A_1625, %swap3A_1626] : memref<16000x128xf32, #tpu.memory_space<vmem>>, vector<128x128xf32>
    tpu.vector_store %arg6[%swap3A_1625, %swap3A_1626], %add3A_1624 {strides = array<i32>} : memref<16000x128xf32, #tpu.memory_space<vmem>>, vector<128x128xf32>,
    %get3A_1628 = arith.constant 0 : index
    %get3A_1629 = arith.constant 0 : index
    %get3A_1630 = arith.constant 58 : index
    %get3A_1631 = vector.load %arg1[%get3A_1628, %get3A_1629, %get3A_1630] : memref<1x128x125xf32, #tpu.memory_space<vmem>>, vector<1x128x1xf32>
    %get3A_1632 = vector.shape_cast %get3A_1631 : vector<1x128x1xf32> to vector<128x1xf32>
    %mul3A_1633 = vector.broadcast %get3A_1632 : vector<128x1xf32> to vector<128x64xf32>
    %mul3A_1634 = vector.broadcast %get3A_1 : vector<1x64xf32> to vector<128x64xf32>
    %mul3A_1635 = arith.mulf %mul3A_1633, %mul3A_1634 : vector<128x64xf32>
    %add3A_1636 = vector.broadcast %get3A_4 : vector<1x64xf32> to vector<128x64xf32>
    %add3A_1637 = arith.addf %mul3A_1635, %add3A_1636 : vector<128x64xf32>
    %neg3A_1638 = arith.constant 0.000000e+00 : f32
    %neg3A_1639 = vector.broadcast %neg3A_1638 : f32 to vector<128x64xf32>
    %neg3A_1640 = arith.subf %neg3A_1639, %add3A_1637 : vector<128x64xf32>
    %exp3A_1641 = math.exp %neg3A_1640 : vector<128x64xf32>
    %add3A_1642 = arith.constant 1.000000e+00 : f32
    %add3A_1643 = vector.broadcast %add3A_1642 : f32 to vector<128x64xf32>
    %add3A_1644 = arith.addf %add3A_1643, %exp3A_1641 : vector<128x64xf32>
    %div3A_1645 = arith.constant 1.000000e+00 : f32
    %div3A_1646 = vector.broadcast %div3A_1645 : f32 to vector<128x64xf32>
    %div3A_1647 = arith.divf %div3A_1646, %add3A_1644 : vector<128x64xf32>
    %mul3A_1648 = arith.mulf %add3A_1637, %div3A_1647 : vector<128x64xf32>
    %dot_general3A_1649 = arith.constant dense<0.000000e+00> : vector<128x128xf32>
    %dot_general3A_1650 = tpu.matmul %mul3A_1648, %get3A_7, %dot_general3A_1649 {dimension_numbers = #tpu.dot_dimension_numbers<[1], [0], [0], [1], [0, 0, 1, 1], [], []>, transpose_lhs_hint = false} : vector<128x64xf32>, vector<64x128xf32>, vector<128x128xf32> -> vector<128x128xf32>
    %add3A_1651 = vector.broadcast %get3A_10 : vector<1x128xf32> to vector<128x128xf32>
    %add3A_1652 = arith.addf %dot_general3A_1650, %add3A_1651 : vector<128x128xf32>
    %swap3A_1653 = arith.constant 7424 : index
    %swap3A_1654 = arith.constant 0 : index
    %swap3A_1655 = vector.load %arg6[%swap3A_1653, %swap3A_1654] : memref<16000x128xf32, #tpu.memory_space<vmem>>, vector<128x128xf32>
    tpu.vector_store %arg6[%swap3A_1653, %swap3A_1654], %add3A_1652 {strides = array<i32>} : memref<16000x128xf32, #tpu.memory_space<vmem>>, vector<128x128xf32>,
    %get3A_1656 = arith.constant 0 : index
    %get3A_1657 = arith.constant 0 : index
    %get3A_1658 = arith.constant 59 : index
    %get3A_1659 = vector.load %arg1[%get3A_1656, %get3A_1657, %get3A_1658] : memref<1x128x125xf32, #tpu.memory_space<vmem>>, vector<1x128x1xf32>
    %get3A_1660 = vector.shape_cast %get3A_1659 : vector<1x128x1xf32> to vector<128x1xf32>
    %mul3A_1661 = vector.broadcast %get3A_1660 : vector<128x1xf32> to vector<128x64xf32>
    %mul3A_1662 = vector.broadcast %get3A_1 : vector<1x64xf32> to vector<128x64xf32>
    %mul3A_1663 = arith.mulf %mul3A_1661, %mul3A_1662 : vector<128x64xf32>
    %add3A_1664 = vector.broadcast %get3A_4 : vector<1x64xf32> to vector<128x64xf32>
    %add3A_1665 = arith.addf %mul3A_1663, %add3A_1664 : vector<128x64xf32>
    %neg3A_1666 = arith.constant 0.000000e+00 : f32
    %neg3A_1667 = vector.broadcast %neg3A_1666 : f32 to vector<128x64xf32>
    %neg3A_1668 = arith.subf %neg3A_1667, %add3A_1665 : vector<128x64xf32>
    %exp3A_1669 = math.exp %neg3A_1668 : vector<128x64xf32>
    %add3A_1670 = arith.constant 1.000000e+00 : f32
    %add3A_1671 = vector.broadcast %add3A_1670 : f32 to vector<128x64xf32>
    %add3A_1672 = arith.addf %add3A_1671, %exp3A_1669 : vector<128x64xf32>
    %div3A_1673 = arith.constant 1.000000e+00 : f32
    %div3A_1674 = vector.broadcast %div3A_1673 : f32 to vector<128x64xf32>
    %div3A_1675 = arith.divf %div3A_1674, %add3A_1672 : vector<128x64xf32>
    %mul3A_1676 = arith.mulf %add3A_1665, %div3A_1675 : vector<128x64xf32>
    %dot_general3A_1677 = arith.constant dense<0.000000e+00> : vector<128x128xf32>
    %dot_general3A_1678 = tpu.matmul %mul3A_1676, %get3A_7, %dot_general3A_1677 {dimension_numbers = #tpu.dot_dimension_numbers<[1], [0], [0], [1], [0, 0, 1, 1], [], []>, transpose_lhs_hint = false} : vector<128x64xf32>, vector<64x128xf32>, vector<128x128xf32> -> vector<128x128xf32>
    %add3A_1679 = vector.broadcast %get3A_10 : vector<1x128xf32> to vector<128x128xf32>
    %add3A_1680 = arith.addf %dot_general3A_1678, %add3A_1679 : vector<128x128xf32>
    %swap3A_1681 = arith.constant 7552 : index
    %swap3A_1682 = arith.constant 0 : index
    %swap3A_1683 = vector.load %arg6[%swap3A_1681, %swap3A_1682] : memref<16000x128xf32, #tpu.memory_space<vmem>>, vector<128x128xf32>
    tpu.vector_store %arg6[%swap3A_1681, %swap3A_1682], %add3A_1680 {strides = array<i32>} : memref<16000x128xf32, #tpu.memory_space<vmem>>, vector<128x128xf32>,
    %get3A_1684 = arith.constant 0 : index
    %get3A_1685 = arith.constant 0 : index
    %get3A_1686 = arith.constant 60 : index
    %get3A_1687 = vector.load %arg1[%get3A_1684, %get3A_1685, %get3A_1686] : memref<1x128x125xf32, #tpu.memory_space<vmem>>, vector<1x128x1xf32>
    %get3A_1688 = vector.shape_cast %get3A_1687 : vector<1x128x1xf32> to vector<128x1xf32>
    %mul3A_1689 = vector.broadcast %get3A_1688 : vector<128x1xf32> to vector<128x64xf32>
    %mul3A_1690 = vector.broadcast %get3A_1 : vector<1x64xf32> to vector<128x64xf32>
    %mul3A_1691 = arith.mulf %mul3A_1689, %mul3A_1690 : vector<128x64xf32>
    %add3A_1692 = vector.broadcast %get3A_4 : vector<1x64xf32> to vector<128x64xf32>
    %add3A_1693 = arith.addf %mul3A_1691, %add3A_1692 : vector<128x64xf32>
    %neg3A_1694 = arith.constant 0.000000e+00 : f32
    %neg3A_1695 = vector.broadcast %neg3A_1694 : f32 to vector<128x64xf32>
    %neg3A_1696 = arith.subf %neg3A_1695, %add3A_1693 : vector<128x64xf32>
    %exp3A_1697 = math.exp %neg3A_1696 : vector<128x64xf32>
    %add3A_1698 = arith.constant 1.000000e+00 : f32
    %add3A_1699 = vector.broadcast %add3A_1698 : f32 to vector<128x64xf32>
    %add3A_1700 = arith.addf %add3A_1699, %exp3A_1697 : vector<128x64xf32>
    %div3A_1701 = arith.constant 1.000000e+00 : f32
    %div3A_1702 = vector.broadcast %div3A_1701 : f32 to vector<128x64xf32>
    %div3A_1703 = arith.divf %div3A_1702, %add3A_1700 : vector<128x64xf32>
    %mul3A_1704 = arith.mulf %add3A_1693, %div3A_1703 : vector<128x64xf32>
    %dot_general3A_1705 = arith.constant dense<0.000000e+00> : vector<128x128xf32>
    %dot_general3A_1706 = tpu.matmul %mul3A_1704, %get3A_7, %dot_general3A_1705 {dimension_numbers = #tpu.dot_dimension_numbers<[1], [0], [0], [1], [0, 0, 1, 1], [], []>, transpose_lhs_hint = false} : vector<128x64xf32>, vector<64x128xf32>, vector<128x128xf32> -> vector<128x128xf32>
    %add3A_1707 = vector.broadcast %get3A_10 : vector<1x128xf32> to vector<128x128xf32>
    %add3A_1708 = arith.addf %dot_general3A_1706, %add3A_1707 : vector<128x128xf32>
    %swap3A_1709 = arith.constant 7680 : index
    %swap3A_1710 = arith.constant 0 : index
    %swap3A_1711 = vector.load %arg6[%swap3A_1709, %swap3A_1710] : memref<16000x128xf32, #tpu.memory_space<vmem>>, vector<128x128xf32>
    tpu.vector_store %arg6[%swap3A_1709, %swap3A_1710], %add3A_1708 {strides = array<i32>} : memref<16000x128xf32, #tpu.memory_space<vmem>>, vector<128x128xf32>,
    %get3A_1712 = arith.constant 0 : index
    %get3A_1713 = arith.constant 0 : index
    %get3A_1714 = arith.constant 61 : index
    %get3A_1715 = vector.load %arg1[%get3A_1712, %get3A_1713, %get3A_1714] : memref<1x128x125xf32, #tpu.memory_space<vmem>>, vector<1x128x1xf32>
    %get3A_1716 = vector.shape_cast %get3A_1715 : vector<1x128x1xf32> to vector<128x1xf32>
    %mul3A_1717 = vector.broadcast %get3A_1716 : vector<128x1xf32> to vector<128x64xf32>
    %mul3A_1718 = vector.broadcast %get3A_1 : vector<1x64xf32> to vector<128x64xf32>
    %mul3A_1719 = arith.mulf %mul3A_1717, %mul3A_1718 : vector<128x64xf32>
    %add3A_1720 = vector.broadcast %get3A_4 : vector<1x64xf32> to vector<128x64xf32>
    %add3A_1721 = arith.addf %mul3A_1719, %add3A_1720 : vector<128x64xf32>
    %neg3A_1722 = arith.constant 0.000000e+00 : f32
    %neg3A_1723 = vector.broadcast %neg3A_1722 : f32 to vector<128x64xf32>
    %neg3A_1724 = arith.subf %neg3A_1723, %add3A_1721 : vector<128x64xf32>
    %exp3A_1725 = math.exp %neg3A_1724 : vector<128x64xf32>
    %add3A_1726 = arith.constant 1.000000e+00 : f32
    %add3A_1727 = vector.broadcast %add3A_1726 : f32 to vector<128x64xf32>
    %add3A_1728 = arith.addf %add3A_1727, %exp3A_1725 : vector<128x64xf32>
    %div3A_1729 = arith.constant 1.000000e+00 : f32
    %div3A_1730 = vector.broadcast %div3A_1729 : f32 to vector<128x64xf32>
    %div3A_1731 = arith.divf %div3A_1730, %add3A_1728 : vector<128x64xf32>
    %mul3A_1732 = arith.mulf %add3A_1721, %div3A_1731 : vector<128x64xf32>
    %dot_general3A_1733 = arith.constant dense<0.000000e+00> : vector<128x128xf32>
    %dot_general3A_1734 = tpu.matmul %mul3A_1732, %get3A_7, %dot_general3A_1733 {dimension_numbers = #tpu.dot_dimension_numbers<[1], [0], [0], [1], [0, 0, 1, 1], [], []>, transpose_lhs_hint = false} : vector<128x64xf32>, vector<64x128xf32>, vector<128x128xf32> -> vector<128x128xf32>
    %add3A_1735 = vector.broadcast %get3A_10 : vector<1x128xf32> to vector<128x128xf32>
    %add3A_1736 = arith.addf %dot_general3A_1734, %add3A_1735 : vector<128x128xf32>
    %swap3A_1737 = arith.constant 7808 : index
    %swap3A_1738 = arith.constant 0 : index
    %swap3A_1739 = vector.load %arg6[%swap3A_1737, %swap3A_1738] : memref<16000x128xf32, #tpu.memory_space<vmem>>, vector<128x128xf32>
    tpu.vector_store %arg6[%swap3A_1737, %swap3A_1738], %add3A_1736 {strides = array<i32>} : memref<16000x128xf32, #tpu.memory_space<vmem>>, vector<128x128xf32>,
    %get3A_1740 = arith.constant 0 : index
    %get3A_1741 = arith.constant 0 : index
    %get3A_1742 = arith.constant 62 : index
    %get3A_1743 = vector.load %arg1[%get3A_1740, %get3A_1741, %get3A_1742] : memref<1x128x125xf32, #tpu.memory_space<vmem>>, vector<1x128x1xf32>
    %get3A_1744 = vector.shape_cast %get3A_1743 : vector<1x128x1xf32> to vector<128x1xf32>
    %mul3A_1745 = vector.broadcast %get3A_1744 : vector<128x1xf32> to vector<128x64xf32>
    %mul3A_1746 = vector.broadcast %get3A_1 : vector<1x64xf32> to vector<128x64xf32>
    %mul3A_1747 = arith.mulf %mul3A_1745, %mul3A_1746 : vector<128x64xf32>
    %add3A_1748 = vector.broadcast %get3A_4 : vector<1x64xf32> to vector<128x64xf32>
    %add3A_1749 = arith.addf %mul3A_1747, %add3A_1748 : vector<128x64xf32>
    %neg3A_1750 = arith.constant 0.000000e+00 : f32
    %neg3A_1751 = vector.broadcast %neg3A_1750 : f32 to vector<128x64xf32>
    %neg3A_1752 = arith.subf %neg3A_1751, %add3A_1749 : vector<128x64xf32>
    %exp3A_1753 = math.exp %neg3A_1752 : vector<128x64xf32>
    %add3A_1754 = arith.constant 1.000000e+00 : f32
    %add3A_1755 = vector.broadcast %add3A_1754 : f32 to vector<128x64xf32>
    %add3A_1756 = arith.addf %add3A_1755, %exp3A_1753 : vector<128x64xf32>
    %div3A_1757 = arith.constant 1.000000e+00 : f32
    %div3A_1758 = vector.broadcast %div3A_1757 : f32 to vector<128x64xf32>
    %div3A_1759 = arith.divf %div3A_1758, %add3A_1756 : vector<128x64xf32>
    %mul3A_1760 = arith.mulf %add3A_1749, %div3A_1759 : vector<128x64xf32>
    %dot_general3A_1761 = arith.constant dense<0.000000e+00> : vector<128x128xf32>
    %dot_general3A_1762 = tpu.matmul %mul3A_1760, %get3A_7, %dot_general3A_1761 {dimension_numbers = #tpu.dot_dimension_numbers<[1], [0], [0], [1], [0, 0, 1, 1], [], []>, transpose_lhs_hint = false} : vector<128x64xf32>, vector<64x128xf32>, vector<128x128xf32> -> vector<128x128xf32>
    %add3A_1763 = vector.broadcast %get3A_10 : vector<1x128xf32> to vector<128x128xf32>
    %add3A_1764 = arith.addf %dot_general3A_1762, %add3A_1763 : vector<128x128xf32>
    %swap3A_1765 = arith.constant 7936 : index
    %swap3A_1766 = arith.constant 0 : index
    %swap3A_1767 = vector.load %arg6[%swap3A_1765, %swap3A_1766] : memref<16000x128xf32, #tpu.memory_space<vmem>>, vector<128x128xf32>
    tpu.vector_store %arg6[%swap3A_1765, %swap3A_1766], %add3A_1764 {strides = array<i32>} : memref<16000x128xf32, #tpu.memory_space<vmem>>, vector<128x128xf32>,
    %get3A_1768 = arith.constant 0 : index
    %get3A_1769 = arith.constant 0 : index
    %get3A_1770 = arith.constant 63 : index
    %get3A_1771 = vector.load %arg1[%get3A_1768, %get3A_1769, %get3A_1770] : memref<1x128x125xf32, #tpu.memory_space<vmem>>, vector<1x128x1xf32>
    %get3A_1772 = vector.shape_cast %get3A_1771 : vector<1x128x1xf32> to vector<128x1xf32>
    %mul3A_1773 = vector.broadcast %get3A_1772 : vector<128x1xf32> to vector<128x64xf32>
    %mul3A_1774 = vector.broadcast %get3A_1 : vector<1x64xf32> to vector<128x64xf32>
    %mul3A_1775 = arith.mulf %mul3A_1773, %mul3A_1774 : vector<128x64xf32>
    %add3A_1776 = vector.broadcast %get3A_4 : vector<1x64xf32> to vector<128x64xf32>
    %add3A_1777 = arith.addf %mul3A_1775, %add3A_1776 : vector<128x64xf32>
    %neg3A_1778 = arith.constant 0.000000e+00 : f32
    %neg3A_1779 = vector.broadcast %neg3A_1778 : f32 to vector<128x64xf32>
    %neg3A_1780 = arith.subf %neg3A_1779, %add3A_1777 : vector<128x64xf32>
    %exp3A_1781 = math.exp %neg3A_1780 : vector<128x64xf32>
    %add3A_1782 = arith.constant 1.000000e+00 : f32
    %add3A_1783 = vector.broadcast %add3A_1782 : f32 to vector<128x64xf32>
    %add3A_1784 = arith.addf %add3A_1783, %exp3A_1781 : vector<128x64xf32>
    %div3A_1785 = arith.constant 1.000000e+00 : f32
    %div3A_1786 = vector.broadcast %div3A_1785 : f32 to vector<128x64xf32>
    %div3A_1787 = arith.divf %div3A_1786, %add3A_1784 : vector<128x64xf32>
    %mul3A_1788 = arith.mulf %add3A_1777, %div3A_1787 : vector<128x64xf32>
    %dot_general3A_1789 = arith.constant dense<0.000000e+00> : vector<128x128xf32>
    %dot_general3A_1790 = tpu.matmul %mul3A_1788, %get3A_7, %dot_general3A_1789 {dimension_numbers = #tpu.dot_dimension_numbers<[1], [0], [0], [1], [0, 0, 1, 1], [], []>, transpose_lhs_hint = false} : vector<128x64xf32>, vector<64x128xf32>, vector<128x128xf32> -> vector<128x128xf32>
    %add3A_1791 = vector.broadcast %get3A_10 : vector<1x128xf32> to vector<128x128xf32>
    %add3A_1792 = arith.addf %dot_general3A_1790, %add3A_1791 : vector<128x128xf32>
    %swap3A_1793 = arith.constant 8064 : index
    %swap3A_1794 = arith.constant 0 : index
    %swap3A_1795 = vector.load %arg6[%swap3A_1793, %swap3A_1794] : memref<16000x128xf32, #tpu.memory_space<vmem>>, vector<128x128xf32>
    tpu.vector_store %arg6[%swap3A_1793, %swap3A_1794], %add3A_1792 {strides = array<i32>} : memref<16000x128xf32, #tpu.memory_space<vmem>>, vector<128x128xf32>,
    %get3A_1796 = arith.constant 0 : index
    %get3A_1797 = arith.constant 0 : index
    %get3A_1798 = arith.constant 64 : index
    %get3A_1799 = vector.load %arg1[%get3A_1796, %get3A_1797, %get3A_1798] : memref<1x128x125xf32, #tpu.memory_space<vmem>>, vector<1x128x1xf32>
    %get3A_1800 = vector.shape_cast %get3A_1799 : vector<1x128x1xf32> to vector<128x1xf32>
    %mul3A_1801 = vector.broadcast %get3A_1800 : vector<128x1xf32> to vector<128x64xf32>
    %mul3A_1802 = vector.broadcast %get3A_1 : vector<1x64xf32> to vector<128x64xf32>
    %mul3A_1803 = arith.mulf %mul3A_1801, %mul3A_1802 : vector<128x64xf32>
    %add3A_1804 = vector.broadcast %get3A_4 : vector<1x64xf32> to vector<128x64xf32>
    %add3A_1805 = arith.addf %mul3A_1803, %add3A_1804 : vector<128x64xf32>
    %neg3A_1806 = arith.constant 0.000000e+00 : f32
    %neg3A_1807 = vector.broadcast %neg3A_1806 : f32 to vector<128x64xf32>
    %neg3A_1808 = arith.subf %neg3A_1807, %add3A_1805 : vector<128x64xf32>
    %exp3A_1809 = math.exp %neg3A_1808 : vector<128x64xf32>
    %add3A_1810 = arith.constant 1.000000e+00 : f32
    %add3A_1811 = vector.broadcast %add3A_1810 : f32 to vector<128x64xf32>
    %add3A_1812 = arith.addf %add3A_1811, %exp3A_1809 : vector<128x64xf32>
    %div3A_1813 = arith.constant 1.000000e+00 : f32
    %div3A_1814 = vector.broadcast %div3A_1813 : f32 to vector<128x64xf32>
    %div3A_1815 = arith.divf %div3A_1814, %add3A_1812 : vector<128x64xf32>
    %mul3A_1816 = arith.mulf %add3A_1805, %div3A_1815 : vector<128x64xf32>
    %dot_general3A_1817 = arith.constant dense<0.000000e+00> : vector<128x128xf32>
    %dot_general3A_1818 = tpu.matmul %mul3A_1816, %get3A_7, %dot_general3A_1817 {dimension_numbers = #tpu.dot_dimension_numbers<[1], [0], [0], [1], [0, 0, 1, 1], [], []>, transpose_lhs_hint = false} : vector<128x64xf32>, vector<64x128xf32>, vector<128x128xf32> -> vector<128x128xf32>
    %add3A_1819 = vector.broadcast %get3A_10 : vector<1x128xf32> to vector<128x128xf32>
    %add3A_1820 = arith.addf %dot_general3A_1818, %add3A_1819 : vector<128x128xf32>
    %swap3A_1821 = arith.constant 8192 : index
    %swap3A_1822 = arith.constant 0 : index
    %swap3A_1823 = vector.load %arg6[%swap3A_1821, %swap3A_1822] : memref<16000x128xf32, #tpu.memory_space<vmem>>, vector<128x128xf32>
    tpu.vector_store %arg6[%swap3A_1821, %swap3A_1822], %add3A_1820 {strides = array<i32>} : memref<16000x128xf32, #tpu.memory_space<vmem>>, vector<128x128xf32>,
    %get3A_1824 = arith.constant 0 : index
    %get3A_1825 = arith.constant 0 : index
    %get3A_1826 = arith.constant 65 : index
    %get3A_1827 = vector.load %arg1[%get3A_1824, %get3A_1825, %get3A_1826] : memref<1x128x125xf32, #tpu.memory_space<vmem>>, vector<1x128x1xf32>
    %get3A_1828 = vector.shape_cast %get3A_1827 : vector<1x128x1xf32> to vector<128x1xf32>
    %mul3A_1829 = vector.broadcast %get3A_1828 : vector<128x1xf32> to vector<128x64xf32>
    %mul3A_1830 = vector.broadcast %get3A_1 : vector<1x64xf32> to vector<128x64xf32>
    %mul3A_1831 = arith.mulf %mul3A_1829, %mul3A_1830 : vector<128x64xf32>
    %add3A_1832 = vector.broadcast %get3A_4 : vector<1x64xf32> to vector<128x64xf32>
    %add3A_1833 = arith.addf %mul3A_1831, %add3A_1832 : vector<128x64xf32>
    %neg3A_1834 = arith.constant 0.000000e+00 : f32
    %neg3A_1835 = vector.broadcast %neg3A_1834 : f32 to vector<128x64xf32>
    %neg3A_1836 = arith.subf %neg3A_1835, %add3A_1833 : vector<128x64xf32>
    %exp3A_1837 = math.exp %neg3A_1836 : vector<128x64xf32>
    %add3A_1838 = arith.constant 1.000000e+00 : f32
    %add3A_1839 = vector.broadcast %add3A_1838 : f32 to vector<128x64xf32>
    %add3A_1840 = arith.addf %add3A_1839, %exp3A_1837 : vector<128x64xf32>
    %div3A_1841 = arith.constant 1.000000e+00 : f32
    %div3A_1842 = vector.broadcast %div3A_1841 : f32 to vector<128x64xf32>
    %div3A_1843 = arith.divf %div3A_1842, %add3A_1840 : vector<128x64xf32>
    %mul3A_1844 = arith.mulf %add3A_1833, %div3A_1843 : vector<128x64xf32>
    %dot_general3A_1845 = arith.constant dense<0.000000e+00> : vector<128x128xf32>
    %dot_general3A_1846 = tpu.matmul %mul3A_1844, %get3A_7, %dot_general3A_1845 {dimension_numbers = #tpu.dot_dimension_numbers<[1], [0], [0], [1], [0, 0, 1, 1], [], []>, transpose_lhs_hint = false} : vector<128x64xf32>, vector<64x128xf32>, vector<128x128xf32> -> vector<128x128xf32>
    %add3A_1847 = vector.broadcast %get3A_10 : vector<1x128xf32> to vector<128x128xf32>
    %add3A_1848 = arith.addf %dot_general3A_1846, %add3A_1847 : vector<128x128xf32>
    %swap3A_1849 = arith.constant 8320 : index
    %swap3A_1850 = arith.constant 0 : index
    %swap3A_1851 = vector.load %arg6[%swap3A_1849, %swap3A_1850] : memref<16000x128xf32, #tpu.memory_space<vmem>>, vector<128x128xf32>
    tpu.vector_store %arg6[%swap3A_1849, %swap3A_1850], %add3A_1848 {strides = array<i32>} : memref<16000x128xf32, #tpu.memory_space<vmem>>, vector<128x128xf32>,
    %get3A_1852 = arith.constant 0 : index
    %get3A_1853 = arith.constant 0 : index
    %get3A_1854 = arith.constant 66 : index
    %get3A_1855 = vector.load %arg1[%get3A_1852, %get3A_1853, %get3A_1854] : memref<1x128x125xf32, #tpu.memory_space<vmem>>, vector<1x128x1xf32>
    %get3A_1856 = vector.shape_cast %get3A_1855 : vector<1x128x1xf32> to vector<128x1xf32>
    %mul3A_1857 = vector.broadcast %get3A_1856 : vector<128x1xf32> to vector<128x64xf32>
    %mul3A_1858 = vector.broadcast %get3A_1 : vector<1x64xf32> to vector<128x64xf32>
    %mul3A_1859 = arith.mulf %mul3A_1857, %mul3A_1858 : vector<128x64xf32>
    %add3A_1860 = vector.broadcast %get3A_4 : vector<1x64xf32> to vector<128x64xf32>
    %add3A_1861 = arith.addf %mul3A_1859, %add3A_1860 : vector<128x64xf32>
    %neg3A_1862 = arith.constant 0.000000e+00 : f32
    %neg3A_1863 = vector.broadcast %neg3A_1862 : f32 to vector<128x64xf32>
    %neg3A_1864 = arith.subf %neg3A_1863, %add3A_1861 : vector<128x64xf32>
    %exp3A_1865 = math.exp %neg3A_1864 : vector<128x64xf32>
    %add3A_1866 = arith.constant 1.000000e+00 : f32
    %add3A_1867 = vector.broadcast %add3A_1866 : f32 to vector<128x64xf32>
    %add3A_1868 = arith.addf %add3A_1867, %exp3A_1865 : vector<128x64xf32>
    %div3A_1869 = arith.constant 1.000000e+00 : f32
    %div3A_1870 = vector.broadcast %div3A_1869 : f32 to vector<128x64xf32>
    %div3A_1871 = arith.divf %div3A_1870, %add3A_1868 : vector<128x64xf32>
    %mul3A_1872 = arith.mulf %add3A_1861, %div3A_1871 : vector<128x64xf32>
    %dot_general3A_1873 = arith.constant dense<0.000000e+00> : vector<128x128xf32>
    %dot_general3A_1874 = tpu.matmul %mul3A_1872, %get3A_7, %dot_general3A_1873 {dimension_numbers = #tpu.dot_dimension_numbers<[1], [0], [0], [1], [0, 0, 1, 1], [], []>, transpose_lhs_hint = false} : vector<128x64xf32>, vector<64x128xf32>, vector<128x128xf32> -> vector<128x128xf32>
    %add3A_1875 = vector.broadcast %get3A_10 : vector<1x128xf32> to vector<128x128xf32>
    %add3A_1876 = arith.addf %dot_general3A_1874, %add3A_1875 : vector<128x128xf32>
    %swap3A_1877 = arith.constant 8448 : index
    %swap3A_1878 = arith.constant 0 : index
    %swap3A_1879 = vector.load %arg6[%swap3A_1877, %swap3A_1878] : memref<16000x128xf32, #tpu.memory_space<vmem>>, vector<128x128xf32>
    tpu.vector_store %arg6[%swap3A_1877, %swap3A_1878], %add3A_1876 {strides = array<i32>} : memref<16000x128xf32, #tpu.memory_space<vmem>>, vector<128x128xf32>,
    %get3A_1880 = arith.constant 0 : index
    %get3A_1881 = arith.constant 0 : index
    %get3A_1882 = arith.constant 67 : index
    %get3A_1883 = vector.load %arg1[%get3A_1880, %get3A_1881, %get3A_1882] : memref<1x128x125xf32, #tpu.memory_space<vmem>>, vector<1x128x1xf32>
    %get3A_1884 = vector.shape_cast %get3A_1883 : vector<1x128x1xf32> to vector<128x1xf32>
    %mul3A_1885 = vector.broadcast %get3A_1884 : vector<128x1xf32> to vector<128x64xf32>
    %mul3A_1886 = vector.broadcast %get3A_1 : vector<1x64xf32> to vector<128x64xf32>
    %mul3A_1887 = arith.mulf %mul3A_1885, %mul3A_1886 : vector<128x64xf32>
    %add3A_1888 = vector.broadcast %get3A_4 : vector<1x64xf32> to vector<128x64xf32>
    %add3A_1889 = arith.addf %mul3A_1887, %add3A_1888 : vector<128x64xf32>
    %neg3A_1890 = arith.constant 0.000000e+00 : f32
    %neg3A_1891 = vector.broadcast %neg3A_1890 : f32 to vector<128x64xf32>
    %neg3A_1892 = arith.subf %neg3A_1891, %add3A_1889 : vector<128x64xf32>
    %exp3A_1893 = math.exp %neg3A_1892 : vector<128x64xf32>
    %add3A_1894 = arith.constant 1.000000e+00 : f32
    %add3A_1895 = vector.broadcast %add3A_1894 : f32 to vector<128x64xf32>
    %add3A_1896 = arith.addf %add3A_1895, %exp3A_1893 : vector<128x64xf32>
    %div3A_1897 = arith.constant 1.000000e+00 : f32
    %div3A_1898 = vector.broadcast %div3A_1897 : f32 to vector<128x64xf32>
    %div3A_1899 = arith.divf %div3A_1898, %add3A_1896 : vector<128x64xf32>
    %mul3A_1900 = arith.mulf %add3A_1889, %div3A_1899 : vector<128x64xf32>
    %dot_general3A_1901 = arith.constant dense<0.000000e+00> : vector<128x128xf32>
    %dot_general3A_1902 = tpu.matmul %mul3A_1900, %get3A_7, %dot_general3A_1901 {dimension_numbers = #tpu.dot_dimension_numbers<[1], [0], [0], [1], [0, 0, 1, 1], [], []>, transpose_lhs_hint = false} : vector<128x64xf32>, vector<64x128xf32>, vector<128x128xf32> -> vector<128x128xf32>
    %add3A_1903 = vector.broadcast %get3A_10 : vector<1x128xf32> to vector<128x128xf32>
    %add3A_1904 = arith.addf %dot_general3A_1902, %add3A_1903 : vector<128x128xf32>
    %swap3A_1905 = arith.constant 8576 : index
    %swap3A_1906 = arith.constant 0 : index
    %swap3A_1907 = vector.load %arg6[%swap3A_1905, %swap3A_1906] : memref<16000x128xf32, #tpu.memory_space<vmem>>, vector<128x128xf32>
    tpu.vector_store %arg6[%swap3A_1905, %swap3A_1906], %add3A_1904 {strides = array<i32>} : memref<16000x128xf32, #tpu.memory_space<vmem>>, vector<128x128xf32>,
    %get3A_1908 = arith.constant 0 : index
    %get3A_1909 = arith.constant 0 : index
    %get3A_1910 = arith.constant 68 : index
    %get3A_1911 = vector.load %arg1[%get3A_1908, %get3A_1909, %get3A_1910] : memref<1x128x125xf32, #tpu.memory_space<vmem>>, vector<1x128x1xf32>
    %get3A_1912 = vector.shape_cast %get3A_1911 : vector<1x128x1xf32> to vector<128x1xf32>
    %mul3A_1913 = vector.broadcast %get3A_1912 : vector<128x1xf32> to vector<128x64xf32>
    %mul3A_1914 = vector.broadcast %get3A_1 : vector<1x64xf32> to vector<128x64xf32>
    %mul3A_1915 = arith.mulf %mul3A_1913, %mul3A_1914 : vector<128x64xf32>
    %add3A_1916 = vector.broadcast %get3A_4 : vector<1x64xf32> to vector<128x64xf32>
    %add3A_1917 = arith.addf %mul3A_1915, %add3A_1916 : vector<128x64xf32>
    %neg3A_1918 = arith.constant 0.000000e+00 : f32
    %neg3A_1919 = vector.broadcast %neg3A_1918 : f32 to vector<128x64xf32>
    %neg3A_1920 = arith.subf %neg3A_1919, %add3A_1917 : vector<128x64xf32>
    %exp3A_1921 = math.exp %neg3A_1920 : vector<128x64xf32>
    %add3A_1922 = arith.constant 1.000000e+00 : f32
    %add3A_1923 = vector.broadcast %add3A_1922 : f32 to vector<128x64xf32>
    %add3A_1924 = arith.addf %add3A_1923, %exp3A_1921 : vector<128x64xf32>
    %div3A_1925 = arith.constant 1.000000e+00 : f32
    %div3A_1926 = vector.broadcast %div3A_1925 : f32 to vector<128x64xf32>
    %div3A_1927 = arith.divf %div3A_1926, %add3A_1924 : vector<128x64xf32>
    %mul3A_1928 = arith.mulf %add3A_1917, %div3A_1927 : vector<128x64xf32>
    %dot_general3A_1929 = arith.constant dense<0.000000e+00> : vector<128x128xf32>
    %dot_general3A_1930 = tpu.matmul %mul3A_1928, %get3A_7, %dot_general3A_1929 {dimension_numbers = #tpu.dot_dimension_numbers<[1], [0], [0], [1], [0, 0, 1, 1], [], []>, transpose_lhs_hint = false} : vector<128x64xf32>, vector<64x128xf32>, vector<128x128xf32> -> vector<128x128xf32>
    %add3A_1931 = vector.broadcast %get3A_10 : vector<1x128xf32> to vector<128x128xf32>
    %add3A_1932 = arith.addf %dot_general3A_1930, %add3A_1931 : vector<128x128xf32>
    %swap3A_1933 = arith.constant 8704 : index
    %swap3A_1934 = arith.constant 0 : index
    %swap3A_1935 = vector.load %arg6[%swap3A_1933, %swap3A_1934] : memref<16000x128xf32, #tpu.memory_space<vmem>>, vector<128x128xf32>
    tpu.vector_store %arg6[%swap3A_1933, %swap3A_1934], %add3A_1932 {strides = array<i32>} : memref<16000x128xf32, #tpu.memory_space<vmem>>, vector<128x128xf32>,
    %get3A_1936 = arith.constant 0 : index
    %get3A_1937 = arith.constant 0 : index
    %get3A_1938 = arith.constant 69 : index
    %get3A_1939 = vector.load %arg1[%get3A_1936, %get3A_1937, %get3A_1938] : memref<1x128x125xf32, #tpu.memory_space<vmem>>, vector<1x128x1xf32>
    %get3A_1940 = vector.shape_cast %get3A_1939 : vector<1x128x1xf32> to vector<128x1xf32>
    %mul3A_1941 = vector.broadcast %get3A_1940 : vector<128x1xf32> to vector<128x64xf32>
    %mul3A_1942 = vector.broadcast %get3A_1 : vector<1x64xf32> to vector<128x64xf32>
    %mul3A_1943 = arith.mulf %mul3A_1941, %mul3A_1942 : vector<128x64xf32>
    %add3A_1944 = vector.broadcast %get3A_4 : vector<1x64xf32> to vector<128x64xf32>
    %add3A_1945 = arith.addf %mul3A_1943, %add3A_1944 : vector<128x64xf32>
    %neg3A_1946 = arith.constant 0.000000e+00 : f32
    %neg3A_1947 = vector.broadcast %neg3A_1946 : f32 to vector<128x64xf32>
    %neg3A_1948 = arith.subf %neg3A_1947, %add3A_1945 : vector<128x64xf32>
    %exp3A_1949 = math.exp %neg3A_1948 : vector<128x64xf32>
    %add3A_1950 = arith.constant 1.000000e+00 : f32
    %add3A_1951 = vector.broadcast %add3A_1950 : f32 to vector<128x64xf32>
    %add3A_1952 = arith.addf %add3A_1951, %exp3A_1949 : vector<128x64xf32>
    %div3A_1953 = arith.constant 1.000000e+00 : f32
    %div3A_1954 = vector.broadcast %div3A_1953 : f32 to vector<128x64xf32>
    %div3A_1955 = arith.divf %div3A_1954, %add3A_1952 : vector<128x64xf32>
    %mul3A_1956 = arith.mulf %add3A_1945, %div3A_1955 : vector<128x64xf32>
    %dot_general3A_1957 = arith.constant dense<0.000000e+00> : vector<128x128xf32>
    %dot_general3A_1958 = tpu.matmul %mul3A_1956, %get3A_7, %dot_general3A_1957 {dimension_numbers = #tpu.dot_dimension_numbers<[1], [0], [0], [1], [0, 0, 1, 1], [], []>, transpose_lhs_hint = false} : vector<128x64xf32>, vector<64x128xf32>, vector<128x128xf32> -> vector<128x128xf32>
    %add3A_1959 = vector.broadcast %get3A_10 : vector<1x128xf32> to vector<128x128xf32>
    %add3A_1960 = arith.addf %dot_general3A_1958, %add3A_1959 : vector<128x128xf32>
    %swap3A_1961 = arith.constant 8832 : index
    %swap3A_1962 = arith.constant 0 : index
    %swap3A_1963 = vector.load %arg6[%swap3A_1961, %swap3A_1962] : memref<16000x128xf32, #tpu.memory_space<vmem>>, vector<128x128xf32>
    tpu.vector_store %arg6[%swap3A_1961, %swap3A_1962], %add3A_1960 {strides = array<i32>} : memref<16000x128xf32, #tpu.memory_space<vmem>>, vector<128x128xf32>,
    %get3A_1964 = arith.constant 0 : index
    %get3A_1965 = arith.constant 0 : index
    %get3A_1966 = arith.constant 70 : index
    %get3A_1967 = vector.load %arg1[%get3A_1964, %get3A_1965, %get3A_1966] : memref<1x128x125xf32, #tpu.memory_space<vmem>>, vector<1x128x1xf32>
    %get3A_1968 = vector.shape_cast %get3A_1967 : vector<1x128x1xf32> to vector<128x1xf32>
    %mul3A_1969 = vector.broadcast %get3A_1968 : vector<128x1xf32> to vector<128x64xf32>
    %mul3A_1970 = vector.broadcast %get3A_1 : vector<1x64xf32> to vector<128x64xf32>
    %mul3A_1971 = arith.mulf %mul3A_1969, %mul3A_1970 : vector<128x64xf32>
    %add3A_1972 = vector.broadcast %get3A_4 : vector<1x64xf32> to vector<128x64xf32>
    %add3A_1973 = arith.addf %mul3A_1971, %add3A_1972 : vector<128x64xf32>
    %neg3A_1974 = arith.constant 0.000000e+00 : f32
    %neg3A_1975 = vector.broadcast %neg3A_1974 : f32 to vector<128x64xf32>
    %neg3A_1976 = arith.subf %neg3A_1975, %add3A_1973 : vector<128x64xf32>
    %exp3A_1977 = math.exp %neg3A_1976 : vector<128x64xf32>
    %add3A_1978 = arith.constant 1.000000e+00 : f32
    %add3A_1979 = vector.broadcast %add3A_1978 : f32 to vector<128x64xf32>
    %add3A_1980 = arith.addf %add3A_1979, %exp3A_1977 : vector<128x64xf32>
    %div3A_1981 = arith.constant 1.000000e+00 : f32
    %div3A_1982 = vector.broadcast %div3A_1981 : f32 to vector<128x64xf32>
    %div3A_1983 = arith.divf %div3A_1982, %add3A_1980 : vector<128x64xf32>
    %mul3A_1984 = arith.mulf %add3A_1973, %div3A_1983 : vector<128x64xf32>
    %dot_general3A_1985 = arith.constant dense<0.000000e+00> : vector<128x128xf32>
    %dot_general3A_1986 = tpu.matmul %mul3A_1984, %get3A_7, %dot_general3A_1985 {dimension_numbers = #tpu.dot_dimension_numbers<[1], [0], [0], [1], [0, 0, 1, 1], [], []>, transpose_lhs_hint = false} : vector<128x64xf32>, vector<64x128xf32>, vector<128x128xf32> -> vector<128x128xf32>
    %add3A_1987 = vector.broadcast %get3A_10 : vector<1x128xf32> to vector<128x128xf32>
    %add3A_1988 = arith.addf %dot_general3A_1986, %add3A_1987 : vector<128x128xf32>
    %swap3A_1989 = arith.constant 8960 : index
    %swap3A_1990 = arith.constant 0 : index
    %swap3A_1991 = vector.load %arg6[%swap3A_1989, %swap3A_1990] : memref<16000x128xf32, #tpu.memory_space<vmem>>, vector<128x128xf32>
    tpu.vector_store %arg6[%swap3A_1989, %swap3A_1990], %add3A_1988 {strides = array<i32>} : memref<16000x128xf32, #tpu.memory_space<vmem>>, vector<128x128xf32>,
    %get3A_1992 = arith.constant 0 : index
    %get3A_1993 = arith.constant 0 : index
    %get3A_1994 = arith.constant 71 : index
    %get3A_1995 = vector.load %arg1[%get3A_1992, %get3A_1993, %get3A_1994] : memref<1x128x125xf32, #tpu.memory_space<vmem>>, vector<1x128x1xf32>
    %get3A_1996 = vector.shape_cast %get3A_1995 : vector<1x128x1xf32> to vector<128x1xf32>
    %mul3A_1997 = vector.broadcast %get3A_1996 : vector<128x1xf32> to vector<128x64xf32>
    %mul3A_1998 = vector.broadcast %get3A_1 : vector<1x64xf32> to vector<128x64xf32>
    %mul3A_1999 = arith.mulf %mul3A_1997, %mul3A_1998 : vector<128x64xf32>
    %add3A_2000 = vector.broadcast %get3A_4 : vector<1x64xf32> to vector<128x64xf32>
    %add3A_2001 = arith.addf %mul3A_1999, %add3A_2000 : vector<128x64xf32>
    %neg3A_2002 = arith.constant 0.000000e+00 : f32
    %neg3A_2003 = vector.broadcast %neg3A_2002 : f32 to vector<128x64xf32>
    %neg3A_2004 = arith.subf %neg3A_2003, %add3A_2001 : vector<128x64xf32>
    %exp3A_2005 = math.exp %neg3A_2004 : vector<128x64xf32>
    %add3A_2006 = arith.constant 1.000000e+00 : f32
    %add3A_2007 = vector.broadcast %add3A_2006 : f32 to vector<128x64xf32>
    %add3A_2008 = arith.addf %add3A_2007, %exp3A_2005 : vector<128x64xf32>
    %div3A_2009 = arith.constant 1.000000e+00 : f32
    %div3A_2010 = vector.broadcast %div3A_2009 : f32 to vector<128x64xf32>
    %div3A_2011 = arith.divf %div3A_2010, %add3A_2008 : vector<128x64xf32>
    %mul3A_2012 = arith.mulf %add3A_2001, %div3A_2011 : vector<128x64xf32>
    %dot_general3A_2013 = arith.constant dense<0.000000e+00> : vector<128x128xf32>
    %dot_general3A_2014 = tpu.matmul %mul3A_2012, %get3A_7, %dot_general3A_2013 {dimension_numbers = #tpu.dot_dimension_numbers<[1], [0], [0], [1], [0, 0, 1, 1], [], []>, transpose_lhs_hint = false} : vector<128x64xf32>, vector<64x128xf32>, vector<128x128xf32> -> vector<128x128xf32>
    %add3A_2015 = vector.broadcast %get3A_10 : vector<1x128xf32> to vector<128x128xf32>
    %add3A_2016 = arith.addf %dot_general3A_2014, %add3A_2015 : vector<128x128xf32>
    %swap3A_2017 = arith.constant 9088 : index
    %swap3A_2018 = arith.constant 0 : index
    %swap3A_2019 = vector.load %arg6[%swap3A_2017, %swap3A_2018] : memref<16000x128xf32, #tpu.memory_space<vmem>>, vector<128x128xf32>
    tpu.vector_store %arg6[%swap3A_2017, %swap3A_2018], %add3A_2016 {strides = array<i32>} : memref<16000x128xf32, #tpu.memory_space<vmem>>, vector<128x128xf32>,
    %get3A_2020 = arith.constant 0 : index
    %get3A_2021 = arith.constant 0 : index
    %get3A_2022 = arith.constant 72 : index
    %get3A_2023 = vector.load %arg1[%get3A_2020, %get3A_2021, %get3A_2022] : memref<1x128x125xf32, #tpu.memory_space<vmem>>, vector<1x128x1xf32>
    %get3A_2024 = vector.shape_cast %get3A_2023 : vector<1x128x1xf32> to vector<128x1xf32>
    %mul3A_2025 = vector.broadcast %get3A_2024 : vector<128x1xf32> to vector<128x64xf32>
    %mul3A_2026 = vector.broadcast %get3A_1 : vector<1x64xf32> to vector<128x64xf32>
    %mul3A_2027 = arith.mulf %mul3A_2025, %mul3A_2026 : vector<128x64xf32>
    %add3A_2028 = vector.broadcast %get3A_4 : vector<1x64xf32> to vector<128x64xf32>
    %add3A_2029 = arith.addf %mul3A_2027, %add3A_2028 : vector<128x64xf32>
    %neg3A_2030 = arith.constant 0.000000e+00 : f32
    %neg3A_2031 = vector.broadcast %neg3A_2030 : f32 to vector<128x64xf32>
    %neg3A_2032 = arith.subf %neg3A_2031, %add3A_2029 : vector<128x64xf32>
    %exp3A_2033 = math.exp %neg3A_2032 : vector<128x64xf32>
    %add3A_2034 = arith.constant 1.000000e+00 : f32
    %add3A_2035 = vector.broadcast %add3A_2034 : f32 to vector<128x64xf32>
    %add3A_2036 = arith.addf %add3A_2035, %exp3A_2033 : vector<128x64xf32>
    %div3A_2037 = arith.constant 1.000000e+00 : f32
    %div3A_2038 = vector.broadcast %div3A_2037 : f32 to vector<128x64xf32>
    %div3A_2039 = arith.divf %div3A_2038, %add3A_2036 : vector<128x64xf32>
    %mul3A_2040 = arith.mulf %add3A_2029, %div3A_2039 : vector<128x64xf32>
    %dot_general3A_2041 = arith.constant dense<0.000000e+00> : vector<128x128xf32>
    %dot_general3A_2042 = tpu.matmul %mul3A_2040, %get3A_7, %dot_general3A_2041 {dimension_numbers = #tpu.dot_dimension_numbers<[1], [0], [0], [1], [0, 0, 1, 1], [], []>, transpose_lhs_hint = false} : vector<128x64xf32>, vector<64x128xf32>, vector<128x128xf32> -> vector<128x128xf32>
    %add3A_2043 = vector.broadcast %get3A_10 : vector<1x128xf32> to vector<128x128xf32>
    %add3A_2044 = arith.addf %dot_general3A_2042, %add3A_2043 : vector<128x128xf32>
    %swap3A_2045 = arith.constant 9216 : index
    %swap3A_2046 = arith.constant 0 : index
    %swap3A_2047 = vector.load %arg6[%swap3A_2045, %swap3A_2046] : memref<16000x128xf32, #tpu.memory_space<vmem>>, vector<128x128xf32>
    tpu.vector_store %arg6[%swap3A_2045, %swap3A_2046], %add3A_2044 {strides = array<i32>} : memref<16000x128xf32, #tpu.memory_space<vmem>>, vector<128x128xf32>,
    %get3A_2048 = arith.constant 0 : index
    %get3A_2049 = arith.constant 0 : index
    %get3A_2050 = arith.constant 73 : index
    %get3A_2051 = vector.load %arg1[%get3A_2048, %get3A_2049, %get3A_2050] : memref<1x128x125xf32, #tpu.memory_space<vmem>>, vector<1x128x1xf32>
    %get3A_2052 = vector.shape_cast %get3A_2051 : vector<1x128x1xf32> to vector<128x1xf32>
    %mul3A_2053 = vector.broadcast %get3A_2052 : vector<128x1xf32> to vector<128x64xf32>
    %mul3A_2054 = vector.broadcast %get3A_1 : vector<1x64xf32> to vector<128x64xf32>
    %mul3A_2055 = arith.mulf %mul3A_2053, %mul3A_2054 : vector<128x64xf32>
    %add3A_2056 = vector.broadcast %get3A_4 : vector<1x64xf32> to vector<128x64xf32>
    %add3A_2057 = arith.addf %mul3A_2055, %add3A_2056 : vector<128x64xf32>
    %neg3A_2058 = arith.constant 0.000000e+00 : f32
    %neg3A_2059 = vector.broadcast %neg3A_2058 : f32 to vector<128x64xf32>
    %neg3A_2060 = arith.subf %neg3A_2059, %add3A_2057 : vector<128x64xf32>
    %exp3A_2061 = math.exp %neg3A_2060 : vector<128x64xf32>
    %add3A_2062 = arith.constant 1.000000e+00 : f32
    %add3A_2063 = vector.broadcast %add3A_2062 : f32 to vector<128x64xf32>
    %add3A_2064 = arith.addf %add3A_2063, %exp3A_2061 : vector<128x64xf32>
    %div3A_2065 = arith.constant 1.000000e+00 : f32
    %div3A_2066 = vector.broadcast %div3A_2065 : f32 to vector<128x64xf32>
    %div3A_2067 = arith.divf %div3A_2066, %add3A_2064 : vector<128x64xf32>
    %mul3A_2068 = arith.mulf %add3A_2057, %div3A_2067 : vector<128x64xf32>
    %dot_general3A_2069 = arith.constant dense<0.000000e+00> : vector<128x128xf32>
    %dot_general3A_2070 = tpu.matmul %mul3A_2068, %get3A_7, %dot_general3A_2069 {dimension_numbers = #tpu.dot_dimension_numbers<[1], [0], [0], [1], [0, 0, 1, 1], [], []>, transpose_lhs_hint = false} : vector<128x64xf32>, vector<64x128xf32>, vector<128x128xf32> -> vector<128x128xf32>
    %add3A_2071 = vector.broadcast %get3A_10 : vector<1x128xf32> to vector<128x128xf32>
    %add3A_2072 = arith.addf %dot_general3A_2070, %add3A_2071 : vector<128x128xf32>
    %swap3A_2073 = arith.constant 9344 : index
    %swap3A_2074 = arith.constant 0 : index
    %swap3A_2075 = vector.load %arg6[%swap3A_2073, %swap3A_2074] : memref<16000x128xf32, #tpu.memory_space<vmem>>, vector<128x128xf32>
    tpu.vector_store %arg6[%swap3A_2073, %swap3A_2074], %add3A_2072 {strides = array<i32>} : memref<16000x128xf32, #tpu.memory_space<vmem>>, vector<128x128xf32>,
    %get3A_2076 = arith.constant 0 : index
    %get3A_2077 = arith.constant 0 : index
    %get3A_2078 = arith.constant 74 : index
    %get3A_2079 = vector.load %arg1[%get3A_2076, %get3A_2077, %get3A_2078] : memref<1x128x125xf32, #tpu.memory_space<vmem>>, vector<1x128x1xf32>
    %get3A_2080 = vector.shape_cast %get3A_2079 : vector<1x128x1xf32> to vector<128x1xf32>
    %mul3A_2081 = vector.broadcast %get3A_2080 : vector<128x1xf32> to vector<128x64xf32>
    %mul3A_2082 = vector.broadcast %get3A_1 : vector<1x64xf32> to vector<128x64xf32>
    %mul3A_2083 = arith.mulf %mul3A_2081, %mul3A_2082 : vector<128x64xf32>
    %add3A_2084 = vector.broadcast %get3A_4 : vector<1x64xf32> to vector<128x64xf32>
    %add3A_2085 = arith.addf %mul3A_2083, %add3A_2084 : vector<128x64xf32>
    %neg3A_2086 = arith.constant 0.000000e+00 : f32
    %neg3A_2087 = vector.broadcast %neg3A_2086 : f32 to vector<128x64xf32>
    %neg3A_2088 = arith.subf %neg3A_2087, %add3A_2085 : vector<128x64xf32>
    %exp3A_2089 = math.exp %neg3A_2088 : vector<128x64xf32>
    %add3A_2090 = arith.constant 1.000000e+00 : f32
    %add3A_2091 = vector.broadcast %add3A_2090 : f32 to vector<128x64xf32>
    %add3A_2092 = arith.addf %add3A_2091, %exp3A_2089 : vector<128x64xf32>
    %div3A_2093 = arith.constant 1.000000e+00 : f32
    %div3A_2094 = vector.broadcast %div3A_2093 : f32 to vector<128x64xf32>
    %div3A_2095 = arith.divf %div3A_2094, %add3A_2092 : vector<128x64xf32>
    %mul3A_2096 = arith.mulf %add3A_2085, %div3A_2095 : vector<128x64xf32>
    %dot_general3A_2097 = arith.constant dense<0.000000e+00> : vector<128x128xf32>
    %dot_general3A_2098 = tpu.matmul %mul3A_2096, %get3A_7, %dot_general3A_2097 {dimension_numbers = #tpu.dot_dimension_numbers<[1], [0], [0], [1], [0, 0, 1, 1], [], []>, transpose_lhs_hint = false} : vector<128x64xf32>, vector<64x128xf32>, vector<128x128xf32> -> vector<128x128xf32>
    %add3A_2099 = vector.broadcast %get3A_10 : vector<1x128xf32> to vector<128x128xf32>
    %add3A_2100 = arith.addf %dot_general3A_2098, %add3A_2099 : vector<128x128xf32>
    %swap3A_2101 = arith.constant 9472 : index
    %swap3A_2102 = arith.constant 0 : index
    %swap3A_2103 = vector.load %arg6[%swap3A_2101, %swap3A_2102] : memref<16000x128xf32, #tpu.memory_space<vmem>>, vector<128x128xf32>
    tpu.vector_store %arg6[%swap3A_2101, %swap3A_2102], %add3A_2100 {strides = array<i32>} : memref<16000x128xf32, #tpu.memory_space<vmem>>, vector<128x128xf32>,
    %get3A_2104 = arith.constant 0 : index
    %get3A_2105 = arith.constant 0 : index
    %get3A_2106 = arith.constant 75 : index
    %get3A_2107 = vector.load %arg1[%get3A_2104, %get3A_2105, %get3A_2106] : memref<1x128x125xf32, #tpu.memory_space<vmem>>, vector<1x128x1xf32>
    %get3A_2108 = vector.shape_cast %get3A_2107 : vector<1x128x1xf32> to vector<128x1xf32>
    %mul3A_2109 = vector.broadcast %get3A_2108 : vector<128x1xf32> to vector<128x64xf32>
    %mul3A_2110 = vector.broadcast %get3A_1 : vector<1x64xf32> to vector<128x64xf32>
    %mul3A_2111 = arith.mulf %mul3A_2109, %mul3A_2110 : vector<128x64xf32>
    %add3A_2112 = vector.broadcast %get3A_4 : vector<1x64xf32> to vector<128x64xf32>
    %add3A_2113 = arith.addf %mul3A_2111, %add3A_2112 : vector<128x64xf32>
    %neg3A_2114 = arith.constant 0.000000e+00 : f32
    %neg3A_2115 = vector.broadcast %neg3A_2114 : f32 to vector<128x64xf32>
    %neg3A_2116 = arith.subf %neg3A_2115, %add3A_2113 : vector<128x64xf32>
    %exp3A_2117 = math.exp %neg3A_2116 : vector<128x64xf32>
    %add3A_2118 = arith.constant 1.000000e+00 : f32
    %add3A_2119 = vector.broadcast %add3A_2118 : f32 to vector<128x64xf32>
    %add3A_2120 = arith.addf %add3A_2119, %exp3A_2117 : vector<128x64xf32>
    %div3A_2121 = arith.constant 1.000000e+00 : f32
    %div3A_2122 = vector.broadcast %div3A_2121 : f32 to vector<128x64xf32>
    %div3A_2123 = arith.divf %div3A_2122, %add3A_2120 : vector<128x64xf32>
    %mul3A_2124 = arith.mulf %add3A_2113, %div3A_2123 : vector<128x64xf32>
    %dot_general3A_2125 = arith.constant dense<0.000000e+00> : vector<128x128xf32>
    %dot_general3A_2126 = tpu.matmul %mul3A_2124, %get3A_7, %dot_general3A_2125 {dimension_numbers = #tpu.dot_dimension_numbers<[1], [0], [0], [1], [0, 0, 1, 1], [], []>, transpose_lhs_hint = false} : vector<128x64xf32>, vector<64x128xf32>, vector<128x128xf32> -> vector<128x128xf32>
    %add3A_2127 = vector.broadcast %get3A_10 : vector<1x128xf32> to vector<128x128xf32>
    %add3A_2128 = arith.addf %dot_general3A_2126, %add3A_2127 : vector<128x128xf32>
    %swap3A_2129 = arith.constant 9600 : index
    %swap3A_2130 = arith.constant 0 : index
    %swap3A_2131 = vector.load %arg6[%swap3A_2129, %swap3A_2130] : memref<16000x128xf32, #tpu.memory_space<vmem>>, vector<128x128xf32>
    tpu.vector_store %arg6[%swap3A_2129, %swap3A_2130], %add3A_2128 {strides = array<i32>} : memref<16000x128xf32, #tpu.memory_space<vmem>>, vector<128x128xf32>,
    %get3A_2132 = arith.constant 0 : index
    %get3A_2133 = arith.constant 0 : index
    %get3A_2134 = arith.constant 76 : index
    %get3A_2135 = vector.load %arg1[%get3A_2132, %get3A_2133, %get3A_2134] : memref<1x128x125xf32, #tpu.memory_space<vmem>>, vector<1x128x1xf32>
    %get3A_2136 = vector.shape_cast %get3A_2135 : vector<1x128x1xf32> to vector<128x1xf32>
    %mul3A_2137 = vector.broadcast %get3A_2136 : vector<128x1xf32> to vector<128x64xf32>
    %mul3A_2138 = vector.broadcast %get3A_1 : vector<1x64xf32> to vector<128x64xf32>
    %mul3A_2139 = arith.mulf %mul3A_2137, %mul3A_2138 : vector<128x64xf32>
    %add3A_2140 = vector.broadcast %get3A_4 : vector<1x64xf32> to vector<128x64xf32>
    %add3A_2141 = arith.addf %mul3A_2139, %add3A_2140 : vector<128x64xf32>
    %neg3A_2142 = arith.constant 0.000000e+00 : f32
    %neg3A_2143 = vector.broadcast %neg3A_2142 : f32 to vector<128x64xf32>
    %neg3A_2144 = arith.subf %neg3A_2143, %add3A_2141 : vector<128x64xf32>
    %exp3A_2145 = math.exp %neg3A_2144 : vector<128x64xf32>
    %add3A_2146 = arith.constant 1.000000e+00 : f32
    %add3A_2147 = vector.broadcast %add3A_2146 : f32 to vector<128x64xf32>
    %add3A_2148 = arith.addf %add3A_2147, %exp3A_2145 : vector<128x64xf32>
    %div3A_2149 = arith.constant 1.000000e+00 : f32
    %div3A_2150 = vector.broadcast %div3A_2149 : f32 to vector<128x64xf32>
    %div3A_2151 = arith.divf %div3A_2150, %add3A_2148 : vector<128x64xf32>
    %mul3A_2152 = arith.mulf %add3A_2141, %div3A_2151 : vector<128x64xf32>
    %dot_general3A_2153 = arith.constant dense<0.000000e+00> : vector<128x128xf32>
    %dot_general3A_2154 = tpu.matmul %mul3A_2152, %get3A_7, %dot_general3A_2153 {dimension_numbers = #tpu.dot_dimension_numbers<[1], [0], [0], [1], [0, 0, 1, 1], [], []>, transpose_lhs_hint = false} : vector<128x64xf32>, vector<64x128xf32>, vector<128x128xf32> -> vector<128x128xf32>
    %add3A_2155 = vector.broadcast %get3A_10 : vector<1x128xf32> to vector<128x128xf32>
    %add3A_2156 = arith.addf %dot_general3A_2154, %add3A_2155 : vector<128x128xf32>
    %swap3A_2157 = arith.constant 9728 : index
    %swap3A_2158 = arith.constant 0 : index
    %swap3A_2159 = vector.load %arg6[%swap3A_2157, %swap3A_2158] : memref<16000x128xf32, #tpu.memory_space<vmem>>, vector<128x128xf32>
    tpu.vector_store %arg6[%swap3A_2157, %swap3A_2158], %add3A_2156 {strides = array<i32>} : memref<16000x128xf32, #tpu.memory_space<vmem>>, vector<128x128xf32>,
    %get3A_2160 = arith.constant 0 : index
    %get3A_2161 = arith.constant 0 : index
    %get3A_2162 = arith.constant 77 : index
    %get3A_2163 = vector.load %arg1[%get3A_2160, %get3A_2161, %get3A_2162] : memref<1x128x125xf32, #tpu.memory_space<vmem>>, vector<1x128x1xf32>
    %get3A_2164 = vector.shape_cast %get3A_2163 : vector<1x128x1xf32> to vector<128x1xf32>
    %mul3A_2165 = vector.broadcast %get3A_2164 : vector<128x1xf32> to vector<128x64xf32>
    %mul3A_2166 = vector.broadcast %get3A_1 : vector<1x64xf32> to vector<128x64xf32>
    %mul3A_2167 = arith.mulf %mul3A_2165, %mul3A_2166 : vector<128x64xf32>
    %add3A_2168 = vector.broadcast %get3A_4 : vector<1x64xf32> to vector<128x64xf32>
    %add3A_2169 = arith.addf %mul3A_2167, %add3A_2168 : vector<128x64xf32>
    %neg3A_2170 = arith.constant 0.000000e+00 : f32
    %neg3A_2171 = vector.broadcast %neg3A_2170 : f32 to vector<128x64xf32>
    %neg3A_2172 = arith.subf %neg3A_2171, %add3A_2169 : vector<128x64xf32>
    %exp3A_2173 = math.exp %neg3A_2172 : vector<128x64xf32>
    %add3A_2174 = arith.constant 1.000000e+00 : f32
    %add3A_2175 = vector.broadcast %add3A_2174 : f32 to vector<128x64xf32>
    %add3A_2176 = arith.addf %add3A_2175, %exp3A_2173 : vector<128x64xf32>
    %div3A_2177 = arith.constant 1.000000e+00 : f32
    %div3A_2178 = vector.broadcast %div3A_2177 : f32 to vector<128x64xf32>
    %div3A_2179 = arith.divf %div3A_2178, %add3A_2176 : vector<128x64xf32>
    %mul3A_2180 = arith.mulf %add3A_2169, %div3A_2179 : vector<128x64xf32>
    %dot_general3A_2181 = arith.constant dense<0.000000e+00> : vector<128x128xf32>
    %dot_general3A_2182 = tpu.matmul %mul3A_2180, %get3A_7, %dot_general3A_2181 {dimension_numbers = #tpu.dot_dimension_numbers<[1], [0], [0], [1], [0, 0, 1, 1], [], []>, transpose_lhs_hint = false} : vector<128x64xf32>, vector<64x128xf32>, vector<128x128xf32> -> vector<128x128xf32>
    %add3A_2183 = vector.broadcast %get3A_10 : vector<1x128xf32> to vector<128x128xf32>
    %add3A_2184 = arith.addf %dot_general3A_2182, %add3A_2183 : vector<128x128xf32>
    %swap3A_2185 = arith.constant 9856 : index
    %swap3A_2186 = arith.constant 0 : index
    %swap3A_2187 = vector.load %arg6[%swap3A_2185, %swap3A_2186] : memref<16000x128xf32, #tpu.memory_space<vmem>>, vector<128x128xf32>
    tpu.vector_store %arg6[%swap3A_2185, %swap3A_2186], %add3A_2184 {strides = array<i32>} : memref<16000x128xf32, #tpu.memory_space<vmem>>, vector<128x128xf32>,
    %get3A_2188 = arith.constant 0 : index
    %get3A_2189 = arith.constant 0 : index
    %get3A_2190 = arith.constant 78 : index
    %get3A_2191 = vector.load %arg1[%get3A_2188, %get3A_2189, %get3A_2190] : memref<1x128x125xf32, #tpu.memory_space<vmem>>, vector<1x128x1xf32>
    %get3A_2192 = vector.shape_cast %get3A_2191 : vector<1x128x1xf32> to vector<128x1xf32>
    %mul3A_2193 = vector.broadcast %get3A_2192 : vector<128x1xf32> to vector<128x64xf32>
    %mul3A_2194 = vector.broadcast %get3A_1 : vector<1x64xf32> to vector<128x64xf32>
    %mul3A_2195 = arith.mulf %mul3A_2193, %mul3A_2194 : vector<128x64xf32>
    %add3A_2196 = vector.broadcast %get3A_4 : vector<1x64xf32> to vector<128x64xf32>
    %add3A_2197 = arith.addf %mul3A_2195, %add3A_2196 : vector<128x64xf32>
    %neg3A_2198 = arith.constant 0.000000e+00 : f32
    %neg3A_2199 = vector.broadcast %neg3A_2198 : f32 to vector<128x64xf32>
    %neg3A_2200 = arith.subf %neg3A_2199, %add3A_2197 : vector<128x64xf32>
    %exp3A_2201 = math.exp %neg3A_2200 : vector<128x64xf32>
    %add3A_2202 = arith.constant 1.000000e+00 : f32
    %add3A_2203 = vector.broadcast %add3A_2202 : f32 to vector<128x64xf32>
    %add3A_2204 = arith.addf %add3A_2203, %exp3A_2201 : vector<128x64xf32>
    %div3A_2205 = arith.constant 1.000000e+00 : f32
    %div3A_2206 = vector.broadcast %div3A_2205 : f32 to vector<128x64xf32>
    %div3A_2207 = arith.divf %div3A_2206, %add3A_2204 : vector<128x64xf32>
    %mul3A_2208 = arith.mulf %add3A_2197, %div3A_2207 : vector<128x64xf32>
    %dot_general3A_2209 = arith.constant dense<0.000000e+00> : vector<128x128xf32>
    %dot_general3A_2210 = tpu.matmul %mul3A_2208, %get3A_7, %dot_general3A_2209 {dimension_numbers = #tpu.dot_dimension_numbers<[1], [0], [0], [1], [0, 0, 1, 1], [], []>, transpose_lhs_hint = false} : vector<128x64xf32>, vector<64x128xf32>, vector<128x128xf32> -> vector<128x128xf32>
    %add3A_2211 = vector.broadcast %get3A_10 : vector<1x128xf32> to vector<128x128xf32>
    %add3A_2212 = arith.addf %dot_general3A_2210, %add3A_2211 : vector<128x128xf32>
    %swap3A_2213 = arith.constant 9984 : index
    %swap3A_2214 = arith.constant 0 : index
    %swap3A_2215 = vector.load %arg6[%swap3A_2213, %swap3A_2214] : memref<16000x128xf32, #tpu.memory_space<vmem>>, vector<128x128xf32>
    tpu.vector_store %arg6[%swap3A_2213, %swap3A_2214], %add3A_2212 {strides = array<i32>} : memref<16000x128xf32, #tpu.memory_space<vmem>>, vector<128x128xf32>,
    %get3A_2216 = arith.constant 0 : index
    %get3A_2217 = arith.constant 0 : index
    %get3A_2218 = arith.constant 79 : index
    %get3A_2219 = vector.load %arg1[%get3A_2216, %get3A_2217, %get3A_2218] : memref<1x128x125xf32, #tpu.memory_space<vmem>>, vector<1x128x1xf32>
    %get3A_2220 = vector.shape_cast %get3A_2219 : vector<1x128x1xf32> to vector<128x1xf32>
    %mul3A_2221 = vector.broadcast %get3A_2220 : vector<128x1xf32> to vector<128x64xf32>
    %mul3A_2222 = vector.broadcast %get3A_1 : vector<1x64xf32> to vector<128x64xf32>
    %mul3A_2223 = arith.mulf %mul3A_2221, %mul3A_2222 : vector<128x64xf32>
    %add3A_2224 = vector.broadcast %get3A_4 : vector<1x64xf32> to vector<128x64xf32>
    %add3A_2225 = arith.addf %mul3A_2223, %add3A_2224 : vector<128x64xf32>
    %neg3A_2226 = arith.constant 0.000000e+00 : f32
    %neg3A_2227 = vector.broadcast %neg3A_2226 : f32 to vector<128x64xf32>
    %neg3A_2228 = arith.subf %neg3A_2227, %add3A_2225 : vector<128x64xf32>
    %exp3A_2229 = math.exp %neg3A_2228 : vector<128x64xf32>
    %add3A_2230 = arith.constant 1.000000e+00 : f32
    %add3A_2231 = vector.broadcast %add3A_2230 : f32 to vector<128x64xf32>
    %add3A_2232 = arith.addf %add3A_2231, %exp3A_2229 : vector<128x64xf32>
    %div3A_2233 = arith.constant 1.000000e+00 : f32
    %div3A_2234 = vector.broadcast %div3A_2233 : f32 to vector<128x64xf32>
    %div3A_2235 = arith.divf %div3A_2234, %add3A_2232 : vector<128x64xf32>
    %mul3A_2236 = arith.mulf %add3A_2225, %div3A_2235 : vector<128x64xf32>
    %dot_general3A_2237 = arith.constant dense<0.000000e+00> : vector<128x128xf32>
    %dot_general3A_2238 = tpu.matmul %mul3A_2236, %get3A_7, %dot_general3A_2237 {dimension_numbers = #tpu.dot_dimension_numbers<[1], [0], [0], [1], [0, 0, 1, 1], [], []>, transpose_lhs_hint = false} : vector<128x64xf32>, vector<64x128xf32>, vector<128x128xf32> -> vector<128x128xf32>
    %add3A_2239 = vector.broadcast %get3A_10 : vector<1x128xf32> to vector<128x128xf32>
    %add3A_2240 = arith.addf %dot_general3A_2238, %add3A_2239 : vector<128x128xf32>
    %swap3A_2241 = arith.constant 10112 : index
    %swap3A_2242 = arith.constant 0 : index
    %swap3A_2243 = vector.load %arg6[%swap3A_2241, %swap3A_2242] : memref<16000x128xf32, #tpu.memory_space<vmem>>, vector<128x128xf32>
    tpu.vector_store %arg6[%swap3A_2241, %swap3A_2242], %add3A_2240 {strides = array<i32>} : memref<16000x128xf32, #tpu.memory_space<vmem>>, vector<128x128xf32>,
    %get3A_2244 = arith.constant 0 : index
    %get3A_2245 = arith.constant 0 : index
    %get3A_2246 = arith.constant 80 : index
    %get3A_2247 = vector.load %arg1[%get3A_2244, %get3A_2245, %get3A_2246] : memref<1x128x125xf32, #tpu.memory_space<vmem>>, vector<1x128x1xf32>
    %get3A_2248 = vector.shape_cast %get3A_2247 : vector<1x128x1xf32> to vector<128x1xf32>
    %mul3A_2249 = vector.broadcast %get3A_2248 : vector<128x1xf32> to vector<128x64xf32>
    %mul3A_2250 = vector.broadcast %get3A_1 : vector<1x64xf32> to vector<128x64xf32>
    %mul3A_2251 = arith.mulf %mul3A_2249, %mul3A_2250 : vector<128x64xf32>
    %add3A_2252 = vector.broadcast %get3A_4 : vector<1x64xf32> to vector<128x64xf32>
    %add3A_2253 = arith.addf %mul3A_2251, %add3A_2252 : vector<128x64xf32>
    %neg3A_2254 = arith.constant 0.000000e+00 : f32
    %neg3A_2255 = vector.broadcast %neg3A_2254 : f32 to vector<128x64xf32>
    %neg3A_2256 = arith.subf %neg3A_2255, %add3A_2253 : vector<128x64xf32>
    %exp3A_2257 = math.exp %neg3A_2256 : vector<128x64xf32>
    %add3A_2258 = arith.constant 1.000000e+00 : f32
    %add3A_2259 = vector.broadcast %add3A_2258 : f32 to vector<128x64xf32>
    %add3A_2260 = arith.addf %add3A_2259, %exp3A_2257 : vector<128x64xf32>
    %div3A_2261 = arith.constant 1.000000e+00 : f32
    %div3A_2262 = vector.broadcast %div3A_2261 : f32 to vector<128x64xf32>
    %div3A_2263 = arith.divf %div3A_2262, %add3A_2260 : vector<128x64xf32>
    %mul3A_2264 = arith.mulf %add3A_2253, %div3A_2263 : vector<128x64xf32>
    %dot_general3A_2265 = arith.constant dense<0.000000e+00> : vector<128x128xf32>
    %dot_general3A_2266 = tpu.matmul %mul3A_2264, %get3A_7, %dot_general3A_2265 {dimension_numbers = #tpu.dot_dimension_numbers<[1], [0], [0], [1], [0, 0, 1, 1], [], []>, transpose_lhs_hint = false} : vector<128x64xf32>, vector<64x128xf32>, vector<128x128xf32> -> vector<128x128xf32>
    %add3A_2267 = vector.broadcast %get3A_10 : vector<1x128xf32> to vector<128x128xf32>
    %add3A_2268 = arith.addf %dot_general3A_2266, %add3A_2267 : vector<128x128xf32>
    %swap3A_2269 = arith.constant 10240 : index
    %swap3A_2270 = arith.constant 0 : index
    %swap3A_2271 = vector.load %arg6[%swap3A_2269, %swap3A_2270] : memref<16000x128xf32, #tpu.memory_space<vmem>>, vector<128x128xf32>
    tpu.vector_store %arg6[%swap3A_2269, %swap3A_2270], %add3A_2268 {strides = array<i32>} : memref<16000x128xf32, #tpu.memory_space<vmem>>, vector<128x128xf32>,
    %get3A_2272 = arith.constant 0 : index
    %get3A_2273 = arith.constant 0 : index
    %get3A_2274 = arith.constant 81 : index
    %get3A_2275 = vector.load %arg1[%get3A_2272, %get3A_2273, %get3A_2274] : memref<1x128x125xf32, #tpu.memory_space<vmem>>, vector<1x128x1xf32>
    %get3A_2276 = vector.shape_cast %get3A_2275 : vector<1x128x1xf32> to vector<128x1xf32>
    %mul3A_2277 = vector.broadcast %get3A_2276 : vector<128x1xf32> to vector<128x64xf32>
    %mul3A_2278 = vector.broadcast %get3A_1 : vector<1x64xf32> to vector<128x64xf32>
    %mul3A_2279 = arith.mulf %mul3A_2277, %mul3A_2278 : vector<128x64xf32>
    %add3A_2280 = vector.broadcast %get3A_4 : vector<1x64xf32> to vector<128x64xf32>
    %add3A_2281 = arith.addf %mul3A_2279, %add3A_2280 : vector<128x64xf32>
    %neg3A_2282 = arith.constant 0.000000e+00 : f32
    %neg3A_2283 = vector.broadcast %neg3A_2282 : f32 to vector<128x64xf32>
    %neg3A_2284 = arith.subf %neg3A_2283, %add3A_2281 : vector<128x64xf32>
    %exp3A_2285 = math.exp %neg3A_2284 : vector<128x64xf32>
    %add3A_2286 = arith.constant 1.000000e+00 : f32
    %add3A_2287 = vector.broadcast %add3A_2286 : f32 to vector<128x64xf32>
    %add3A_2288 = arith.addf %add3A_2287, %exp3A_2285 : vector<128x64xf32>
    %div3A_2289 = arith.constant 1.000000e+00 : f32
    %div3A_2290 = vector.broadcast %div3A_2289 : f32 to vector<128x64xf32>
    %div3A_2291 = arith.divf %div3A_2290, %add3A_2288 : vector<128x64xf32>
    %mul3A_2292 = arith.mulf %add3A_2281, %div3A_2291 : vector<128x64xf32>
    %dot_general3A_2293 = arith.constant dense<0.000000e+00> : vector<128x128xf32>
    %dot_general3A_2294 = tpu.matmul %mul3A_2292, %get3A_7, %dot_general3A_2293 {dimension_numbers = #tpu.dot_dimension_numbers<[1], [0], [0], [1], [0, 0, 1, 1], [], []>, transpose_lhs_hint = false} : vector<128x64xf32>, vector<64x128xf32>, vector<128x128xf32> -> vector<128x128xf32>
    %add3A_2295 = vector.broadcast %get3A_10 : vector<1x128xf32> to vector<128x128xf32>
    %add3A_2296 = arith.addf %dot_general3A_2294, %add3A_2295 : vector<128x128xf32>
    %swap3A_2297 = arith.constant 10368 : index
    %swap3A_2298 = arith.constant 0 : index
    %swap3A_2299 = vector.load %arg6[%swap3A_2297, %swap3A_2298] : memref<16000x128xf32, #tpu.memory_space<vmem>>, vector<128x128xf32>
    tpu.vector_store %arg6[%swap3A_2297, %swap3A_2298], %add3A_2296 {strides = array<i32>} : memref<16000x128xf32, #tpu.memory_space<vmem>>, vector<128x128xf32>,
    %get3A_2300 = arith.constant 0 : index
    %get3A_2301 = arith.constant 0 : index
    %get3A_2302 = arith.constant 82 : index
    %get3A_2303 = vector.load %arg1[%get3A_2300, %get3A_2301, %get3A_2302] : memref<1x128x125xf32, #tpu.memory_space<vmem>>, vector<1x128x1xf32>
    %get3A_2304 = vector.shape_cast %get3A_2303 : vector<1x128x1xf32> to vector<128x1xf32>
    %mul3A_2305 = vector.broadcast %get3A_2304 : vector<128x1xf32> to vector<128x64xf32>
    %mul3A_2306 = vector.broadcast %get3A_1 : vector<1x64xf32> to vector<128x64xf32>
    %mul3A_2307 = arith.mulf %mul3A_2305, %mul3A_2306 : vector<128x64xf32>
    %add3A_2308 = vector.broadcast %get3A_4 : vector<1x64xf32> to vector<128x64xf32>
    %add3A_2309 = arith.addf %mul3A_2307, %add3A_2308 : vector<128x64xf32>
    %neg3A_2310 = arith.constant 0.000000e+00 : f32
    %neg3A_2311 = vector.broadcast %neg3A_2310 : f32 to vector<128x64xf32>
    %neg3A_2312 = arith.subf %neg3A_2311, %add3A_2309 : vector<128x64xf32>
    %exp3A_2313 = math.exp %neg3A_2312 : vector<128x64xf32>
    %add3A_2314 = arith.constant 1.000000e+00 : f32
    %add3A_2315 = vector.broadcast %add3A_2314 : f32 to vector<128x64xf32>
    %add3A_2316 = arith.addf %add3A_2315, %exp3A_2313 : vector<128x64xf32>
    %div3A_2317 = arith.constant 1.000000e+00 : f32
    %div3A_2318 = vector.broadcast %div3A_2317 : f32 to vector<128x64xf32>
    %div3A_2319 = arith.divf %div3A_2318, %add3A_2316 : vector<128x64xf32>
    %mul3A_2320 = arith.mulf %add3A_2309, %div3A_2319 : vector<128x64xf32>
    %dot_general3A_2321 = arith.constant dense<0.000000e+00> : vector<128x128xf32>
    %dot_general3A_2322 = tpu.matmul %mul3A_2320, %get3A_7, %dot_general3A_2321 {dimension_numbers = #tpu.dot_dimension_numbers<[1], [0], [0], [1], [0, 0, 1, 1], [], []>, transpose_lhs_hint = false} : vector<128x64xf32>, vector<64x128xf32>, vector<128x128xf32> -> vector<128x128xf32>
    %add3A_2323 = vector.broadcast %get3A_10 : vector<1x128xf32> to vector<128x128xf32>
    %add3A_2324 = arith.addf %dot_general3A_2322, %add3A_2323 : vector<128x128xf32>
    %swap3A_2325 = arith.constant 10496 : index
    %swap3A_2326 = arith.constant 0 : index
    %swap3A_2327 = vector.load %arg6[%swap3A_2325, %swap3A_2326] : memref<16000x128xf32, #tpu.memory_space<vmem>>, vector<128x128xf32>
    tpu.vector_store %arg6[%swap3A_2325, %swap3A_2326], %add3A_2324 {strides = array<i32>} : memref<16000x128xf32, #tpu.memory_space<vmem>>, vector<128x128xf32>,
    %get3A_2328 = arith.constant 0 : index
    %get3A_2329 = arith.constant 0 : index
    %get3A_2330 = arith.constant 83 : index
    %get3A_2331 = vector.load %arg1[%get3A_2328, %get3A_2329, %get3A_2330] : memref<1x128x125xf32, #tpu.memory_space<vmem>>, vector<1x128x1xf32>
    %get3A_2332 = vector.shape_cast %get3A_2331 : vector<1x128x1xf32> to vector<128x1xf32>
    %mul3A_2333 = vector.broadcast %get3A_2332 : vector<128x1xf32> to vector<128x64xf32>
    %mul3A_2334 = vector.broadcast %get3A_1 : vector<1x64xf32> to vector<128x64xf32>
    %mul3A_2335 = arith.mulf %mul3A_2333, %mul3A_2334 : vector<128x64xf32>
    %add3A_2336 = vector.broadcast %get3A_4 : vector<1x64xf32> to vector<128x64xf32>
    %add3A_2337 = arith.addf %mul3A_2335, %add3A_2336 : vector<128x64xf32>
    %neg3A_2338 = arith.constant 0.000000e+00 : f32
    %neg3A_2339 = vector.broadcast %neg3A_2338 : f32 to vector<128x64xf32>
    %neg3A_2340 = arith.subf %neg3A_2339, %add3A_2337 : vector<128x64xf32>
    %exp3A_2341 = math.exp %neg3A_2340 : vector<128x64xf32>
    %add3A_2342 = arith.constant 1.000000e+00 : f32
    %add3A_2343 = vector.broadcast %add3A_2342 : f32 to vector<128x64xf32>
    %add3A_2344 = arith.addf %add3A_2343, %exp3A_2341 : vector<128x64xf32>
    %div3A_2345 = arith.constant 1.000000e+00 : f32
    %div3A_2346 = vector.broadcast %div3A_2345 : f32 to vector<128x64xf32>
    %div3A_2347 = arith.divf %div3A_2346, %add3A_2344 : vector<128x64xf32>
    %mul3A_2348 = arith.mulf %add3A_2337, %div3A_2347 : vector<128x64xf32>
    %dot_general3A_2349 = arith.constant dense<0.000000e+00> : vector<128x128xf32>
    %dot_general3A_2350 = tpu.matmul %mul3A_2348, %get3A_7, %dot_general3A_2349 {dimension_numbers = #tpu.dot_dimension_numbers<[1], [0], [0], [1], [0, 0, 1, 1], [], []>, transpose_lhs_hint = false} : vector<128x64xf32>, vector<64x128xf32>, vector<128x128xf32> -> vector<128x128xf32>
    %add3A_2351 = vector.broadcast %get3A_10 : vector<1x128xf32> to vector<128x128xf32>
    %add3A_2352 = arith.addf %dot_general3A_2350, %add3A_2351 : vector<128x128xf32>
    %swap3A_2353 = arith.constant 10624 : index
    %swap3A_2354 = arith.constant 0 : index
    %swap3A_2355 = vector.load %arg6[%swap3A_2353, %swap3A_2354] : memref<16000x128xf32, #tpu.memory_space<vmem>>, vector<128x128xf32>
    tpu.vector_store %arg6[%swap3A_2353, %swap3A_2354], %add3A_2352 {strides = array<i32>} : memref<16000x128xf32, #tpu.memory_space<vmem>>, vector<128x128xf32>,
    %get3A_2356 = arith.constant 0 : index
    %get3A_2357 = arith.constant 0 : index
    %get3A_2358 = arith.constant 84 : index
    %get3A_2359 = vector.load %arg1[%get3A_2356, %get3A_2357, %get3A_2358] : memref<1x128x125xf32, #tpu.memory_space<vmem>>, vector<1x128x1xf32>
    %get3A_2360 = vector.shape_cast %get3A_2359 : vector<1x128x1xf32> to vector<128x1xf32>
    %mul3A_2361 = vector.broadcast %get3A_2360 : vector<128x1xf32> to vector<128x64xf32>
    %mul3A_2362 = vector.broadcast %get3A_1 : vector<1x64xf32> to vector<128x64xf32>
    %mul3A_2363 = arith.mulf %mul3A_2361, %mul3A_2362 : vector<128x64xf32>
    %add3A_2364 = vector.broadcast %get3A_4 : vector<1x64xf32> to vector<128x64xf32>
    %add3A_2365 = arith.addf %mul3A_2363, %add3A_2364 : vector<128x64xf32>
    %neg3A_2366 = arith.constant 0.000000e+00 : f32
    %neg3A_2367 = vector.broadcast %neg3A_2366 : f32 to vector<128x64xf32>
    %neg3A_2368 = arith.subf %neg3A_2367, %add3A_2365 : vector<128x64xf32>
    %exp3A_2369 = math.exp %neg3A_2368 : vector<128x64xf32>
    %add3A_2370 = arith.constant 1.000000e+00 : f32
    %add3A_2371 = vector.broadcast %add3A_2370 : f32 to vector<128x64xf32>
    %add3A_2372 = arith.addf %add3A_2371, %exp3A_2369 : vector<128x64xf32>
    %div3A_2373 = arith.constant 1.000000e+00 : f32
    %div3A_2374 = vector.broadcast %div3A_2373 : f32 to vector<128x64xf32>
    %div3A_2375 = arith.divf %div3A_2374, %add3A_2372 : vector<128x64xf32>
    %mul3A_2376 = arith.mulf %add3A_2365, %div3A_2375 : vector<128x64xf32>
    %dot_general3A_2377 = arith.constant dense<0.000000e+00> : vector<128x128xf32>
    %dot_general3A_2378 = tpu.matmul %mul3A_2376, %get3A_7, %dot_general3A_2377 {dimension_numbers = #tpu.dot_dimension_numbers<[1], [0], [0], [1], [0, 0, 1, 1], [], []>, transpose_lhs_hint = false} : vector<128x64xf32>, vector<64x128xf32>, vector<128x128xf32> -> vector<128x128xf32>
    %add3A_2379 = vector.broadcast %get3A_10 : vector<1x128xf32> to vector<128x128xf32>
    %add3A_2380 = arith.addf %dot_general3A_2378, %add3A_2379 : vector<128x128xf32>
    %swap3A_2381 = arith.constant 10752 : index
    %swap3A_2382 = arith.constant 0 : index
    %swap3A_2383 = vector.load %arg6[%swap3A_2381, %swap3A_2382] : memref<16000x128xf32, #tpu.memory_space<vmem>>, vector<128x128xf32>
    tpu.vector_store %arg6[%swap3A_2381, %swap3A_2382], %add3A_2380 {strides = array<i32>} : memref<16000x128xf32, #tpu.memory_space<vmem>>, vector<128x128xf32>,
    %get3A_2384 = arith.constant 0 : index
    %get3A_2385 = arith.constant 0 : index
    %get3A_2386 = arith.constant 85 : index
    %get3A_2387 = vector.load %arg1[%get3A_2384, %get3A_2385, %get3A_2386] : memref<1x128x125xf32, #tpu.memory_space<vmem>>, vector<1x128x1xf32>
    %get3A_2388 = vector.shape_cast %get3A_2387 : vector<1x128x1xf32> to vector<128x1xf32>
    %mul3A_2389 = vector.broadcast %get3A_2388 : vector<128x1xf32> to vector<128x64xf32>
    %mul3A_2390 = vector.broadcast %get3A_1 : vector<1x64xf32> to vector<128x64xf32>
    %mul3A_2391 = arith.mulf %mul3A_2389, %mul3A_2390 : vector<128x64xf32>
    %add3A_2392 = vector.broadcast %get3A_4 : vector<1x64xf32> to vector<128x64xf32>
    %add3A_2393 = arith.addf %mul3A_2391, %add3A_2392 : vector<128x64xf32>
    %neg3A_2394 = arith.constant 0.000000e+00 : f32
    %neg3A_2395 = vector.broadcast %neg3A_2394 : f32 to vector<128x64xf32>
    %neg3A_2396 = arith.subf %neg3A_2395, %add3A_2393 : vector<128x64xf32>
    %exp3A_2397 = math.exp %neg3A_2396 : vector<128x64xf32>
    %add3A_2398 = arith.constant 1.000000e+00 : f32
    %add3A_2399 = vector.broadcast %add3A_2398 : f32 to vector<128x64xf32>
    %add3A_2400 = arith.addf %add3A_2399, %exp3A_2397 : vector<128x64xf32>
    %div3A_2401 = arith.constant 1.000000e+00 : f32
    %div3A_2402 = vector.broadcast %div3A_2401 : f32 to vector<128x64xf32>
    %div3A_2403 = arith.divf %div3A_2402, %add3A_2400 : vector<128x64xf32>
    %mul3A_2404 = arith.mulf %add3A_2393, %div3A_2403 : vector<128x64xf32>
    %dot_general3A_2405 = arith.constant dense<0.000000e+00> : vector<128x128xf32>
    %dot_general3A_2406 = tpu.matmul %mul3A_2404, %get3A_7, %dot_general3A_2405 {dimension_numbers = #tpu.dot_dimension_numbers<[1], [0], [0], [1], [0, 0, 1, 1], [], []>, transpose_lhs_hint = false} : vector<128x64xf32>, vector<64x128xf32>, vector<128x128xf32> -> vector<128x128xf32>
    %add3A_2407 = vector.broadcast %get3A_10 : vector<1x128xf32> to vector<128x128xf32>
    %add3A_2408 = arith.addf %dot_general3A_2406, %add3A_2407 : vector<128x128xf32>
    %swap3A_2409 = arith.constant 10880 : index
    %swap3A_2410 = arith.constant 0 : index
    %swap3A_2411 = vector.load %arg6[%swap3A_2409, %swap3A_2410] : memref<16000x128xf32, #tpu.memory_space<vmem>>, vector<128x128xf32>
    tpu.vector_store %arg6[%swap3A_2409, %swap3A_2410], %add3A_2408 {strides = array<i32>} : memref<16000x128xf32, #tpu.memory_space<vmem>>, vector<128x128xf32>,
    %get3A_2412 = arith.constant 0 : index
    %get3A_2413 = arith.constant 0 : index
    %get3A_2414 = arith.constant 86 : index
    %get3A_2415 = vector.load %arg1[%get3A_2412, %get3A_2413, %get3A_2414] : memref<1x128x125xf32, #tpu.memory_space<vmem>>, vector<1x128x1xf32>
    %get3A_2416 = vector.shape_cast %get3A_2415 : vector<1x128x1xf32> to vector<128x1xf32>
    %mul3A_2417 = vector.broadcast %get3A_2416 : vector<128x1xf32> to vector<128x64xf32>
    %mul3A_2418 = vector.broadcast %get3A_1 : vector<1x64xf32> to vector<128x64xf32>
    %mul3A_2419 = arith.mulf %mul3A_2417, %mul3A_2418 : vector<128x64xf32>
    %add3A_2420 = vector.broadcast %get3A_4 : vector<1x64xf32> to vector<128x64xf32>
    %add3A_2421 = arith.addf %mul3A_2419, %add3A_2420 : vector<128x64xf32>
    %neg3A_2422 = arith.constant 0.000000e+00 : f32
    %neg3A_2423 = vector.broadcast %neg3A_2422 : f32 to vector<128x64xf32>
    %neg3A_2424 = arith.subf %neg3A_2423, %add3A_2421 : vector<128x64xf32>
    %exp3A_2425 = math.exp %neg3A_2424 : vector<128x64xf32>
    %add3A_2426 = arith.constant 1.000000e+00 : f32
    %add3A_2427 = vector.broadcast %add3A_2426 : f32 to vector<128x64xf32>
    %add3A_2428 = arith.addf %add3A_2427, %exp3A_2425 : vector<128x64xf32>
    %div3A_2429 = arith.constant 1.000000e+00 : f32
    %div3A_2430 = vector.broadcast %div3A_2429 : f32 to vector<128x64xf32>
    %div3A_2431 = arith.divf %div3A_2430, %add3A_2428 : vector<128x64xf32>
    %mul3A_2432 = arith.mulf %add3A_2421, %div3A_2431 : vector<128x64xf32>
    %dot_general3A_2433 = arith.constant dense<0.000000e+00> : vector<128x128xf32>
    %dot_general3A_2434 = tpu.matmul %mul3A_2432, %get3A_7, %dot_general3A_2433 {dimension_numbers = #tpu.dot_dimension_numbers<[1], [0], [0], [1], [0, 0, 1, 1], [], []>, transpose_lhs_hint = false} : vector<128x64xf32>, vector<64x128xf32>, vector<128x128xf32> -> vector<128x128xf32>
    %add3A_2435 = vector.broadcast %get3A_10 : vector<1x128xf32> to vector<128x128xf32>
    %add3A_2436 = arith.addf %dot_general3A_2434, %add3A_2435 : vector<128x128xf32>
    %swap3A_2437 = arith.constant 11008 : index
    %swap3A_2438 = arith.constant 0 : index
    %swap3A_2439 = vector.load %arg6[%swap3A_2437, %swap3A_2438] : memref<16000x128xf32, #tpu.memory_space<vmem>>, vector<128x128xf32>
    tpu.vector_store %arg6[%swap3A_2437, %swap3A_2438], %add3A_2436 {strides = array<i32>} : memref<16000x128xf32, #tpu.memory_space<vmem>>, vector<128x128xf32>,
    %get3A_2440 = arith.constant 0 : index
    %get3A_2441 = arith.constant 0 : index
    %get3A_2442 = arith.constant 87 : index
    %get3A_2443 = vector.load %arg1[%get3A_2440, %get3A_2441, %get3A_2442] : memref<1x128x125xf32, #tpu.memory_space<vmem>>, vector<1x128x1xf32>
    %get3A_2444 = vector.shape_cast %get3A_2443 : vector<1x128x1xf32> to vector<128x1xf32>
    %mul3A_2445 = vector.broadcast %get3A_2444 : vector<128x1xf32> to vector<128x64xf32>
    %mul3A_2446 = vector.broadcast %get3A_1 : vector<1x64xf32> to vector<128x64xf32>
    %mul3A_2447 = arith.mulf %mul3A_2445, %mul3A_2446 : vector<128x64xf32>
    %add3A_2448 = vector.broadcast %get3A_4 : vector<1x64xf32> to vector<128x64xf32>
    %add3A_2449 = arith.addf %mul3A_2447, %add3A_2448 : vector<128x64xf32>
    %neg3A_2450 = arith.constant 0.000000e+00 : f32
    %neg3A_2451 = vector.broadcast %neg3A_2450 : f32 to vector<128x64xf32>
    %neg3A_2452 = arith.subf %neg3A_2451, %add3A_2449 : vector<128x64xf32>
    %exp3A_2453 = math.exp %neg3A_2452 : vector<128x64xf32>
    %add3A_2454 = arith.constant 1.000000e+00 : f32
    %add3A_2455 = vector.broadcast %add3A_2454 : f32 to vector<128x64xf32>
    %add3A_2456 = arith.addf %add3A_2455, %exp3A_2453 : vector<128x64xf32>
    %div3A_2457 = arith.constant 1.000000e+00 : f32
    %div3A_2458 = vector.broadcast %div3A_2457 : f32 to vector<128x64xf32>
    %div3A_2459 = arith.divf %div3A_2458, %add3A_2456 : vector<128x64xf32>
    %mul3A_2460 = arith.mulf %add3A_2449, %div3A_2459 : vector<128x64xf32>
    %dot_general3A_2461 = arith.constant dense<0.000000e+00> : vector<128x128xf32>
    %dot_general3A_2462 = tpu.matmul %mul3A_2460, %get3A_7, %dot_general3A_2461 {dimension_numbers = #tpu.dot_dimension_numbers<[1], [0], [0], [1], [0, 0, 1, 1], [], []>, transpose_lhs_hint = false} : vector<128x64xf32>, vector<64x128xf32>, vector<128x128xf32> -> vector<128x128xf32>
    %add3A_2463 = vector.broadcast %get3A_10 : vector<1x128xf32> to vector<128x128xf32>
    %add3A_2464 = arith.addf %dot_general3A_2462, %add3A_2463 : vector<128x128xf32>
    %swap3A_2465 = arith.constant 11136 : index
    %swap3A_2466 = arith.constant 0 : index
    %swap3A_2467 = vector.load %arg6[%swap3A_2465, %swap3A_2466] : memref<16000x128xf32, #tpu.memory_space<vmem>>, vector<128x128xf32>
    tpu.vector_store %arg6[%swap3A_2465, %swap3A_2466], %add3A_2464 {strides = array<i32>} : memref<16000x128xf32, #tpu.memory_space<vmem>>, vector<128x128xf32>,
    %get3A_2468 = arith.constant 0 : index
    %get3A_2469 = arith.constant 0 : index
    %get3A_2470 = arith.constant 88 : index
    %get3A_2471 = vector.load %arg1[%get3A_2468, %get3A_2469, %get3A_2470] : memref<1x128x125xf32, #tpu.memory_space<vmem>>, vector<1x128x1xf32>
    %get3A_2472 = vector.shape_cast %get3A_2471 : vector<1x128x1xf32> to vector<128x1xf32>
    %mul3A_2473 = vector.broadcast %get3A_2472 : vector<128x1xf32> to vector<128x64xf32>
    %mul3A_2474 = vector.broadcast %get3A_1 : vector<1x64xf32> to vector<128x64xf32>
    %mul3A_2475 = arith.mulf %mul3A_2473, %mul3A_2474 : vector<128x64xf32>
    %add3A_2476 = vector.broadcast %get3A_4 : vector<1x64xf32> to vector<128x64xf32>
    %add3A_2477 = arith.addf %mul3A_2475, %add3A_2476 : vector<128x64xf32>
    %neg3A_2478 = arith.constant 0.000000e+00 : f32
    %neg3A_2479 = vector.broadcast %neg3A_2478 : f32 to vector<128x64xf32>
    %neg3A_2480 = arith.subf %neg3A_2479, %add3A_2477 : vector<128x64xf32>
    %exp3A_2481 = math.exp %neg3A_2480 : vector<128x64xf32>
    %add3A_2482 = arith.constant 1.000000e+00 : f32
    %add3A_2483 = vector.broadcast %add3A_2482 : f32 to vector<128x64xf32>
    %add3A_2484 = arith.addf %add3A_2483, %exp3A_2481 : vector<128x64xf32>
    %div3A_2485 = arith.constant 1.000000e+00 : f32
    %div3A_2486 = vector.broadcast %div3A_2485 : f32 to vector<128x64xf32>
    %div3A_2487 = arith.divf %div3A_2486, %add3A_2484 : vector<128x64xf32>
    %mul3A_2488 = arith.mulf %add3A_2477, %div3A_2487 : vector<128x64xf32>
    %dot_general3A_2489 = arith.constant dense<0.000000e+00> : vector<128x128xf32>
    %dot_general3A_2490 = tpu.matmul %mul3A_2488, %get3A_7, %dot_general3A_2489 {dimension_numbers = #tpu.dot_dimension_numbers<[1], [0], [0], [1], [0, 0, 1, 1], [], []>, transpose_lhs_hint = false} : vector<128x64xf32>, vector<64x128xf32>, vector<128x128xf32> -> vector<128x128xf32>
    %add3A_2491 = vector.broadcast %get3A_10 : vector<1x128xf32> to vector<128x128xf32>
    %add3A_2492 = arith.addf %dot_general3A_2490, %add3A_2491 : vector<128x128xf32>
    %swap3A_2493 = arith.constant 11264 : index
    %swap3A_2494 = arith.constant 0 : index
    %swap3A_2495 = vector.load %arg6[%swap3A_2493, %swap3A_2494] : memref<16000x128xf32, #tpu.memory_space<vmem>>, vector<128x128xf32>
    tpu.vector_store %arg6[%swap3A_2493, %swap3A_2494], %add3A_2492 {strides = array<i32>} : memref<16000x128xf32, #tpu.memory_space<vmem>>, vector<128x128xf32>,
    %get3A_2496 = arith.constant 0 : index
    %get3A_2497 = arith.constant 0 : index
    %get3A_2498 = arith.constant 89 : index
    %get3A_2499 = vector.load %arg1[%get3A_2496, %get3A_2497, %get3A_2498] : memref<1x128x125xf32, #tpu.memory_space<vmem>>, vector<1x128x1xf32>
    %get3A_2500 = vector.shape_cast %get3A_2499 : vector<1x128x1xf32> to vector<128x1xf32>
    %mul3A_2501 = vector.broadcast %get3A_2500 : vector<128x1xf32> to vector<128x64xf32>
    %mul3A_2502 = vector.broadcast %get3A_1 : vector<1x64xf32> to vector<128x64xf32>
    %mul3A_2503 = arith.mulf %mul3A_2501, %mul3A_2502 : vector<128x64xf32>
    %add3A_2504 = vector.broadcast %get3A_4 : vector<1x64xf32> to vector<128x64xf32>
    %add3A_2505 = arith.addf %mul3A_2503, %add3A_2504 : vector<128x64xf32>
    %neg3A_2506 = arith.constant 0.000000e+00 : f32
    %neg3A_2507 = vector.broadcast %neg3A_2506 : f32 to vector<128x64xf32>
    %neg3A_2508 = arith.subf %neg3A_2507, %add3A_2505 : vector<128x64xf32>
    %exp3A_2509 = math.exp %neg3A_2508 : vector<128x64xf32>
    %add3A_2510 = arith.constant 1.000000e+00 : f32
    %add3A_2511 = vector.broadcast %add3A_2510 : f32 to vector<128x64xf32>
    %add3A_2512 = arith.addf %add3A_2511, %exp3A_2509 : vector<128x64xf32>
    %div3A_2513 = arith.constant 1.000000e+00 : f32
    %div3A_2514 = vector.broadcast %div3A_2513 : f32 to vector<128x64xf32>
    %div3A_2515 = arith.divf %div3A_2514, %add3A_2512 : vector<128x64xf32>
    %mul3A_2516 = arith.mulf %add3A_2505, %div3A_2515 : vector<128x64xf32>
    %dot_general3A_2517 = arith.constant dense<0.000000e+00> : vector<128x128xf32>
    %dot_general3A_2518 = tpu.matmul %mul3A_2516, %get3A_7, %dot_general3A_2517 {dimension_numbers = #tpu.dot_dimension_numbers<[1], [0], [0], [1], [0, 0, 1, 1], [], []>, transpose_lhs_hint = false} : vector<128x64xf32>, vector<64x128xf32>, vector<128x128xf32> -> vector<128x128xf32>
    %add3A_2519 = vector.broadcast %get3A_10 : vector<1x128xf32> to vector<128x128xf32>
    %add3A_2520 = arith.addf %dot_general3A_2518, %add3A_2519 : vector<128x128xf32>
    %swap3A_2521 = arith.constant 11392 : index
    %swap3A_2522 = arith.constant 0 : index
    %swap3A_2523 = vector.load %arg6[%swap3A_2521, %swap3A_2522] : memref<16000x128xf32, #tpu.memory_space<vmem>>, vector<128x128xf32>
    tpu.vector_store %arg6[%swap3A_2521, %swap3A_2522], %add3A_2520 {strides = array<i32>} : memref<16000x128xf32, #tpu.memory_space<vmem>>, vector<128x128xf32>,
    %get3A_2524 = arith.constant 0 : index
    %get3A_2525 = arith.constant 0 : index
    %get3A_2526 = arith.constant 90 : index
    %get3A_2527 = vector.load %arg1[%get3A_2524, %get3A_2525, %get3A_2526] : memref<1x128x125xf32, #tpu.memory_space<vmem>>, vector<1x128x1xf32>
    %get3A_2528 = vector.shape_cast %get3A_2527 : vector<1x128x1xf32> to vector<128x1xf32>
    %mul3A_2529 = vector.broadcast %get3A_2528 : vector<128x1xf32> to vector<128x64xf32>
    %mul3A_2530 = vector.broadcast %get3A_1 : vector<1x64xf32> to vector<128x64xf32>
    %mul3A_2531 = arith.mulf %mul3A_2529, %mul3A_2530 : vector<128x64xf32>
    %add3A_2532 = vector.broadcast %get3A_4 : vector<1x64xf32> to vector<128x64xf32>
    %add3A_2533 = arith.addf %mul3A_2531, %add3A_2532 : vector<128x64xf32>
    %neg3A_2534 = arith.constant 0.000000e+00 : f32
    %neg3A_2535 = vector.broadcast %neg3A_2534 : f32 to vector<128x64xf32>
    %neg3A_2536 = arith.subf %neg3A_2535, %add3A_2533 : vector<128x64xf32>
    %exp3A_2537 = math.exp %neg3A_2536 : vector<128x64xf32>
    %add3A_2538 = arith.constant 1.000000e+00 : f32
    %add3A_2539 = vector.broadcast %add3A_2538 : f32 to vector<128x64xf32>
    %add3A_2540 = arith.addf %add3A_2539, %exp3A_2537 : vector<128x64xf32>
    %div3A_2541 = arith.constant 1.000000e+00 : f32
    %div3A_2542 = vector.broadcast %div3A_2541 : f32 to vector<128x64xf32>
    %div3A_2543 = arith.divf %div3A_2542, %add3A_2540 : vector<128x64xf32>
    %mul3A_2544 = arith.mulf %add3A_2533, %div3A_2543 : vector<128x64xf32>
    %dot_general3A_2545 = arith.constant dense<0.000000e+00> : vector<128x128xf32>
    %dot_general3A_2546 = tpu.matmul %mul3A_2544, %get3A_7, %dot_general3A_2545 {dimension_numbers = #tpu.dot_dimension_numbers<[1], [0], [0], [1], [0, 0, 1, 1], [], []>, transpose_lhs_hint = false} : vector<128x64xf32>, vector<64x128xf32>, vector<128x128xf32> -> vector<128x128xf32>
    %add3A_2547 = vector.broadcast %get3A_10 : vector<1x128xf32> to vector<128x128xf32>
    %add3A_2548 = arith.addf %dot_general3A_2546, %add3A_2547 : vector<128x128xf32>
    %swap3A_2549 = arith.constant 11520 : index
    %swap3A_2550 = arith.constant 0 : index
    %swap3A_2551 = vector.load %arg6[%swap3A_2549, %swap3A_2550] : memref<16000x128xf32, #tpu.memory_space<vmem>>, vector<128x128xf32>
    tpu.vector_store %arg6[%swap3A_2549, %swap3A_2550], %add3A_2548 {strides = array<i32>} : memref<16000x128xf32, #tpu.memory_space<vmem>>, vector<128x128xf32>,
    %get3A_2552 = arith.constant 0 : index
    %get3A_2553 = arith.constant 0 : index
    %get3A_2554 = arith.constant 91 : index
    %get3A_2555 = vector.load %arg1[%get3A_2552, %get3A_2553, %get3A_2554] : memref<1x128x125xf32, #tpu.memory_space<vmem>>, vector<1x128x1xf32>
    %get3A_2556 = vector.shape_cast %get3A_2555 : vector<1x128x1xf32> to vector<128x1xf32>
    %mul3A_2557 = vector.broadcast %get3A_2556 : vector<128x1xf32> to vector<128x64xf32>
    %mul3A_2558 = vector.broadcast %get3A_1 : vector<1x64xf32> to vector<128x64xf32>
    %mul3A_2559 = arith.mulf %mul3A_2557, %mul3A_2558 : vector<128x64xf32>
    %add3A_2560 = vector.broadcast %get3A_4 : vector<1x64xf32> to vector<128x64xf32>
    %add3A_2561 = arith.addf %mul3A_2559, %add3A_2560 : vector<128x64xf32>
    %neg3A_2562 = arith.constant 0.000000e+00 : f32
    %neg3A_2563 = vector.broadcast %neg3A_2562 : f32 to vector<128x64xf32>
    %neg3A_2564 = arith.subf %neg3A_2563, %add3A_2561 : vector<128x64xf32>
    %exp3A_2565 = math.exp %neg3A_2564 : vector<128x64xf32>
    %add3A_2566 = arith.constant 1.000000e+00 : f32
    %add3A_2567 = vector.broadcast %add3A_2566 : f32 to vector<128x64xf32>
    %add3A_2568 = arith.addf %add3A_2567, %exp3A_2565 : vector<128x64xf32>
    %div3A_2569 = arith.constant 1.000000e+00 : f32
    %div3A_2570 = vector.broadcast %div3A_2569 : f32 to vector<128x64xf32>
    %div3A_2571 = arith.divf %div3A_2570, %add3A_2568 : vector<128x64xf32>
    %mul3A_2572 = arith.mulf %add3A_2561, %div3A_2571 : vector<128x64xf32>
    %dot_general3A_2573 = arith.constant dense<0.000000e+00> : vector<128x128xf32>
    %dot_general3A_2574 = tpu.matmul %mul3A_2572, %get3A_7, %dot_general3A_2573 {dimension_numbers = #tpu.dot_dimension_numbers<[1], [0], [0], [1], [0, 0, 1, 1], [], []>, transpose_lhs_hint = false} : vector<128x64xf32>, vector<64x128xf32>, vector<128x128xf32> -> vector<128x128xf32>
    %add3A_2575 = vector.broadcast %get3A_10 : vector<1x128xf32> to vector<128x128xf32>
    %add3A_2576 = arith.addf %dot_general3A_2574, %add3A_2575 : vector<128x128xf32>
    %swap3A_2577 = arith.constant 11648 : index
    %swap3A_2578 = arith.constant 0 : index
    %swap3A_2579 = vector.load %arg6[%swap3A_2577, %swap3A_2578] : memref<16000x128xf32, #tpu.memory_space<vmem>>, vector<128x128xf32>
    tpu.vector_store %arg6[%swap3A_2577, %swap3A_2578], %add3A_2576 {strides = array<i32>} : memref<16000x128xf32, #tpu.memory_space<vmem>>, vector<128x128xf32>,
    %get3A_2580 = arith.constant 0 : index
    %get3A_2581 = arith.constant 0 : index
    %get3A_2582 = arith.constant 92 : index
    %get3A_2583 = vector.load %arg1[%get3A_2580, %get3A_2581, %get3A_2582] : memref<1x128x125xf32, #tpu.memory_space<vmem>>, vector<1x128x1xf32>
    %get3A_2584 = vector.shape_cast %get3A_2583 : vector<1x128x1xf32> to vector<128x1xf32>
    %mul3A_2585 = vector.broadcast %get3A_2584 : vector<128x1xf32> to vector<128x64xf32>
    %mul3A_2586 = vector.broadcast %get3A_1 : vector<1x64xf32> to vector<128x64xf32>
    %mul3A_2587 = arith.mulf %mul3A_2585, %mul3A_2586 : vector<128x64xf32>
    %add3A_2588 = vector.broadcast %get3A_4 : vector<1x64xf32> to vector<128x64xf32>
    %add3A_2589 = arith.addf %mul3A_2587, %add3A_2588 : vector<128x64xf32>
    %neg3A_2590 = arith.constant 0.000000e+00 : f32
    %neg3A_2591 = vector.broadcast %neg3A_2590 : f32 to vector<128x64xf32>
    %neg3A_2592 = arith.subf %neg3A_2591, %add3A_2589 : vector<128x64xf32>
    %exp3A_2593 = math.exp %neg3A_2592 : vector<128x64xf32>
    %add3A_2594 = arith.constant 1.000000e+00 : f32
    %add3A_2595 = vector.broadcast %add3A_2594 : f32 to vector<128x64xf32>
    %add3A_2596 = arith.addf %add3A_2595, %exp3A_2593 : vector<128x64xf32>
    %div3A_2597 = arith.constant 1.000000e+00 : f32
    %div3A_2598 = vector.broadcast %div3A_2597 : f32 to vector<128x64xf32>
    %div3A_2599 = arith.divf %div3A_2598, %add3A_2596 : vector<128x64xf32>
    %mul3A_2600 = arith.mulf %add3A_2589, %div3A_2599 : vector<128x64xf32>
    %dot_general3A_2601 = arith.constant dense<0.000000e+00> : vector<128x128xf32>
    %dot_general3A_2602 = tpu.matmul %mul3A_2600, %get3A_7, %dot_general3A_2601 {dimension_numbers = #tpu.dot_dimension_numbers<[1], [0], [0], [1], [0, 0, 1, 1], [], []>, transpose_lhs_hint = false} : vector<128x64xf32>, vector<64x128xf32>, vector<128x128xf32> -> vector<128x128xf32>
    %add3A_2603 = vector.broadcast %get3A_10 : vector<1x128xf32> to vector<128x128xf32>
    %add3A_2604 = arith.addf %dot_general3A_2602, %add3A_2603 : vector<128x128xf32>
    %swap3A_2605 = arith.constant 11776 : index
    %swap3A_2606 = arith.constant 0 : index
    %swap3A_2607 = vector.load %arg6[%swap3A_2605, %swap3A_2606] : memref<16000x128xf32, #tpu.memory_space<vmem>>, vector<128x128xf32>
    tpu.vector_store %arg6[%swap3A_2605, %swap3A_2606], %add3A_2604 {strides = array<i32>} : memref<16000x128xf32, #tpu.memory_space<vmem>>, vector<128x128xf32>,
    %get3A_2608 = arith.constant 0 : index
    %get3A_2609 = arith.constant 0 : index
    %get3A_2610 = arith.constant 93 : index
    %get3A_2611 = vector.load %arg1[%get3A_2608, %get3A_2609, %get3A_2610] : memref<1x128x125xf32, #tpu.memory_space<vmem>>, vector<1x128x1xf32>
    %get3A_2612 = vector.shape_cast %get3A_2611 : vector<1x128x1xf32> to vector<128x1xf32>
    %mul3A_2613 = vector.broadcast %get3A_2612 : vector<128x1xf32> to vector<128x64xf32>
    %mul3A_2614 = vector.broadcast %get3A_1 : vector<1x64xf32> to vector<128x64xf32>
    %mul3A_2615 = arith.mulf %mul3A_2613, %mul3A_2614 : vector<128x64xf32>
    %add3A_2616 = vector.broadcast %get3A_4 : vector<1x64xf32> to vector<128x64xf32>
    %add3A_2617 = arith.addf %mul3A_2615, %add3A_2616 : vector<128x64xf32>
    %neg3A_2618 = arith.constant 0.000000e+00 : f32
    %neg3A_2619 = vector.broadcast %neg3A_2618 : f32 to vector<128x64xf32>
    %neg3A_2620 = arith.subf %neg3A_2619, %add3A_2617 : vector<128x64xf32>
    %exp3A_2621 = math.exp %neg3A_2620 : vector<128x64xf32>
    %add3A_2622 = arith.constant 1.000000e+00 : f32
    %add3A_2623 = vector.broadcast %add3A_2622 : f32 to vector<128x64xf32>
    %add3A_2624 = arith.addf %add3A_2623, %exp3A_2621 : vector<128x64xf32>
    %div3A_2625 = arith.constant 1.000000e+00 : f32
    %div3A_2626 = vector.broadcast %div3A_2625 : f32 to vector<128x64xf32>
    %div3A_2627 = arith.divf %div3A_2626, %add3A_2624 : vector<128x64xf32>
    %mul3A_2628 = arith.mulf %add3A_2617, %div3A_2627 : vector<128x64xf32>
    %dot_general3A_2629 = arith.constant dense<0.000000e+00> : vector<128x128xf32>
    %dot_general3A_2630 = tpu.matmul %mul3A_2628, %get3A_7, %dot_general3A_2629 {dimension_numbers = #tpu.dot_dimension_numbers<[1], [0], [0], [1], [0, 0, 1, 1], [], []>, transpose_lhs_hint = false} : vector<128x64xf32>, vector<64x128xf32>, vector<128x128xf32> -> vector<128x128xf32>
    %add3A_2631 = vector.broadcast %get3A_10 : vector<1x128xf32> to vector<128x128xf32>
    %add3A_2632 = arith.addf %dot_general3A_2630, %add3A_2631 : vector<128x128xf32>
    %swap3A_2633 = arith.constant 11904 : index
    %swap3A_2634 = arith.constant 0 : index
    %swap3A_2635 = vector.load %arg6[%swap3A_2633, %swap3A_2634] : memref<16000x128xf32, #tpu.memory_space<vmem>>, vector<128x128xf32>
    tpu.vector_store %arg6[%swap3A_2633, %swap3A_2634], %add3A_2632 {strides = array<i32>} : memref<16000x128xf32, #tpu.memory_space<vmem>>, vector<128x128xf32>,
    %get3A_2636 = arith.constant 0 : index
    %get3A_2637 = arith.constant 0 : index
    %get3A_2638 = arith.constant 94 : index
    %get3A_2639 = vector.load %arg1[%get3A_2636, %get3A_2637, %get3A_2638] : memref<1x128x125xf32, #tpu.memory_space<vmem>>, vector<1x128x1xf32>
    %get3A_2640 = vector.shape_cast %get3A_2639 : vector<1x128x1xf32> to vector<128x1xf32>
    %mul3A_2641 = vector.broadcast %get3A_2640 : vector<128x1xf32> to vector<128x64xf32>
    %mul3A_2642 = vector.broadcast %get3A_1 : vector<1x64xf32> to vector<128x64xf32>
    %mul3A_2643 = arith.mulf %mul3A_2641, %mul3A_2642 : vector<128x64xf32>
    %add3A_2644 = vector.broadcast %get3A_4 : vector<1x64xf32> to vector<128x64xf32>
    %add3A_2645 = arith.addf %mul3A_2643, %add3A_2644 : vector<128x64xf32>
    %neg3A_2646 = arith.constant 0.000000e+00 : f32
    %neg3A_2647 = vector.broadcast %neg3A_2646 : f32 to vector<128x64xf32>
    %neg3A_2648 = arith.subf %neg3A_2647, %add3A_2645 : vector<128x64xf32>
    %exp3A_2649 = math.exp %neg3A_2648 : vector<128x64xf32>
    %add3A_2650 = arith.constant 1.000000e+00 : f32
    %add3A_2651 = vector.broadcast %add3A_2650 : f32 to vector<128x64xf32>
    %add3A_2652 = arith.addf %add3A_2651, %exp3A_2649 : vector<128x64xf32>
    %div3A_2653 = arith.constant 1.000000e+00 : f32
    %div3A_2654 = vector.broadcast %div3A_2653 : f32 to vector<128x64xf32>
    %div3A_2655 = arith.divf %div3A_2654, %add3A_2652 : vector<128x64xf32>
    %mul3A_2656 = arith.mulf %add3A_2645, %div3A_2655 : vector<128x64xf32>
    %dot_general3A_2657 = arith.constant dense<0.000000e+00> : vector<128x128xf32>
    %dot_general3A_2658 = tpu.matmul %mul3A_2656, %get3A_7, %dot_general3A_2657 {dimension_numbers = #tpu.dot_dimension_numbers<[1], [0], [0], [1], [0, 0, 1, 1], [], []>, transpose_lhs_hint = false} : vector<128x64xf32>, vector<64x128xf32>, vector<128x128xf32> -> vector<128x128xf32>
    %add3A_2659 = vector.broadcast %get3A_10 : vector<1x128xf32> to vector<128x128xf32>
    %add3A_2660 = arith.addf %dot_general3A_2658, %add3A_2659 : vector<128x128xf32>
    %swap3A_2661 = arith.constant 12032 : index
    %swap3A_2662 = arith.constant 0 : index
    %swap3A_2663 = vector.load %arg6[%swap3A_2661, %swap3A_2662] : memref<16000x128xf32, #tpu.memory_space<vmem>>, vector<128x128xf32>
    tpu.vector_store %arg6[%swap3A_2661, %swap3A_2662], %add3A_2660 {strides = array<i32>} : memref<16000x128xf32, #tpu.memory_space<vmem>>, vector<128x128xf32>,
    %get3A_2664 = arith.constant 0 : index
    %get3A_2665 = arith.constant 0 : index
    %get3A_2666 = arith.constant 95 : index
    %get3A_2667 = vector.load %arg1[%get3A_2664, %get3A_2665, %get3A_2666] : memref<1x128x125xf32, #tpu.memory_space<vmem>>, vector<1x128x1xf32>
    %get3A_2668 = vector.shape_cast %get3A_2667 : vector<1x128x1xf32> to vector<128x1xf32>
    %mul3A_2669 = vector.broadcast %get3A_2668 : vector<128x1xf32> to vector<128x64xf32>
    %mul3A_2670 = vector.broadcast %get3A_1 : vector<1x64xf32> to vector<128x64xf32>
    %mul3A_2671 = arith.mulf %mul3A_2669, %mul3A_2670 : vector<128x64xf32>
    %add3A_2672 = vector.broadcast %get3A_4 : vector<1x64xf32> to vector<128x64xf32>
    %add3A_2673 = arith.addf %mul3A_2671, %add3A_2672 : vector<128x64xf32>
    %neg3A_2674 = arith.constant 0.000000e+00 : f32
    %neg3A_2675 = vector.broadcast %neg3A_2674 : f32 to vector<128x64xf32>
    %neg3A_2676 = arith.subf %neg3A_2675, %add3A_2673 : vector<128x64xf32>
    %exp3A_2677 = math.exp %neg3A_2676 : vector<128x64xf32>
    %add3A_2678 = arith.constant 1.000000e+00 : f32
    %add3A_2679 = vector.broadcast %add3A_2678 : f32 to vector<128x64xf32>
    %add3A_2680 = arith.addf %add3A_2679, %exp3A_2677 : vector<128x64xf32>
    %div3A_2681 = arith.constant 1.000000e+00 : f32
    %div3A_2682 = vector.broadcast %div3A_2681 : f32 to vector<128x64xf32>
    %div3A_2683 = arith.divf %div3A_2682, %add3A_2680 : vector<128x64xf32>
    %mul3A_2684 = arith.mulf %add3A_2673, %div3A_2683 : vector<128x64xf32>
    %dot_general3A_2685 = arith.constant dense<0.000000e+00> : vector<128x128xf32>
    %dot_general3A_2686 = tpu.matmul %mul3A_2684, %get3A_7, %dot_general3A_2685 {dimension_numbers = #tpu.dot_dimension_numbers<[1], [0], [0], [1], [0, 0, 1, 1], [], []>, transpose_lhs_hint = false} : vector<128x64xf32>, vector<64x128xf32>, vector<128x128xf32> -> vector<128x128xf32>
    %add3A_2687 = vector.broadcast %get3A_10 : vector<1x128xf32> to vector<128x128xf32>
    %add3A_2688 = arith.addf %dot_general3A_2686, %add3A_2687 : vector<128x128xf32>
    %swap3A_2689 = arith.constant 12160 : index
    %swap3A_2690 = arith.constant 0 : index
    %swap3A_2691 = vector.load %arg6[%swap3A_2689, %swap3A_2690] : memref<16000x128xf32, #tpu.memory_space<vmem>>, vector<128x128xf32>
    tpu.vector_store %arg6[%swap3A_2689, %swap3A_2690], %add3A_2688 {strides = array<i32>} : memref<16000x128xf32, #tpu.memory_space<vmem>>, vector<128x128xf32>,
    %get3A_2692 = arith.constant 0 : index
    %get3A_2693 = arith.constant 0 : index
    %get3A_2694 = arith.constant 96 : index
    %get3A_2695 = vector.load %arg1[%get3A_2692, %get3A_2693, %get3A_2694] : memref<1x128x125xf32, #tpu.memory_space<vmem>>, vector<1x128x1xf32>
    %get3A_2696 = vector.shape_cast %get3A_2695 : vector<1x128x1xf32> to vector<128x1xf32>
    %mul3A_2697 = vector.broadcast %get3A_2696 : vector<128x1xf32> to vector<128x64xf32>
    %mul3A_2698 = vector.broadcast %get3A_1 : vector<1x64xf32> to vector<128x64xf32>
    %mul3A_2699 = arith.mulf %mul3A_2697, %mul3A_2698 : vector<128x64xf32>
    %add3A_2700 = vector.broadcast %get3A_4 : vector<1x64xf32> to vector<128x64xf32>
    %add3A_2701 = arith.addf %mul3A_2699, %add3A_2700 : vector<128x64xf32>
    %neg3A_2702 = arith.constant 0.000000e+00 : f32
    %neg3A_2703 = vector.broadcast %neg3A_2702 : f32 to vector<128x64xf32>
    %neg3A_2704 = arith.subf %neg3A_2703, %add3A_2701 : vector<128x64xf32>
    %exp3A_2705 = math.exp %neg3A_2704 : vector<128x64xf32>
    %add3A_2706 = arith.constant 1.000000e+00 : f32
    %add3A_2707 = vector.broadcast %add3A_2706 : f32 to vector<128x64xf32>
    %add3A_2708 = arith.addf %add3A_2707, %exp3A_2705 : vector<128x64xf32>
    %div3A_2709 = arith.constant 1.000000e+00 : f32
    %div3A_2710 = vector.broadcast %div3A_2709 : f32 to vector<128x64xf32>
    %div3A_2711 = arith.divf %div3A_2710, %add3A_2708 : vector<128x64xf32>
    %mul3A_2712 = arith.mulf %add3A_2701, %div3A_2711 : vector<128x64xf32>
    %dot_general3A_2713 = arith.constant dense<0.000000e+00> : vector<128x128xf32>
    %dot_general3A_2714 = tpu.matmul %mul3A_2712, %get3A_7, %dot_general3A_2713 {dimension_numbers = #tpu.dot_dimension_numbers<[1], [0], [0], [1], [0, 0, 1, 1], [], []>, transpose_lhs_hint = false} : vector<128x64xf32>, vector<64x128xf32>, vector<128x128xf32> -> vector<128x128xf32>
    %add3A_2715 = vector.broadcast %get3A_10 : vector<1x128xf32> to vector<128x128xf32>
    %add3A_2716 = arith.addf %dot_general3A_2714, %add3A_2715 : vector<128x128xf32>
    %swap3A_2717 = arith.constant 12288 : index
    %swap3A_2718 = arith.constant 0 : index
    %swap3A_2719 = vector.load %arg6[%swap3A_2717, %swap3A_2718] : memref<16000x128xf32, #tpu.memory_space<vmem>>, vector<128x128xf32>
    tpu.vector_store %arg6[%swap3A_2717, %swap3A_2718], %add3A_2716 {strides = array<i32>} : memref<16000x128xf32, #tpu.memory_space<vmem>>, vector<128x128xf32>,
    %get3A_2720 = arith.constant 0 : index
    %get3A_2721 = arith.constant 0 : index
    %get3A_2722 = arith.constant 97 : index
    %get3A_2723 = vector.load %arg1[%get3A_2720, %get3A_2721, %get3A_2722] : memref<1x128x125xf32, #tpu.memory_space<vmem>>, vector<1x128x1xf32>
    %get3A_2724 = vector.shape_cast %get3A_2723 : vector<1x128x1xf32> to vector<128x1xf32>
    %mul3A_2725 = vector.broadcast %get3A_2724 : vector<128x1xf32> to vector<128x64xf32>
    %mul3A_2726 = vector.broadcast %get3A_1 : vector<1x64xf32> to vector<128x64xf32>
    %mul3A_2727 = arith.mulf %mul3A_2725, %mul3A_2726 : vector<128x64xf32>
    %add3A_2728 = vector.broadcast %get3A_4 : vector<1x64xf32> to vector<128x64xf32>
    %add3A_2729 = arith.addf %mul3A_2727, %add3A_2728 : vector<128x64xf32>
    %neg3A_2730 = arith.constant 0.000000e+00 : f32
    %neg3A_2731 = vector.broadcast %neg3A_2730 : f32 to vector<128x64xf32>
    %neg3A_2732 = arith.subf %neg3A_2731, %add3A_2729 : vector<128x64xf32>
    %exp3A_2733 = math.exp %neg3A_2732 : vector<128x64xf32>
    %add3A_2734 = arith.constant 1.000000e+00 : f32
    %add3A_2735 = vector.broadcast %add3A_2734 : f32 to vector<128x64xf32>
    %add3A_2736 = arith.addf %add3A_2735, %exp3A_2733 : vector<128x64xf32>
    %div3A_2737 = arith.constant 1.000000e+00 : f32
    %div3A_2738 = vector.broadcast %div3A_2737 : f32 to vector<128x64xf32>
    %div3A_2739 = arith.divf %div3A_2738, %add3A_2736 : vector<128x64xf32>
    %mul3A_2740 = arith.mulf %add3A_2729, %div3A_2739 : vector<128x64xf32>
    %dot_general3A_2741 = arith.constant dense<0.000000e+00> : vector<128x128xf32>
    %dot_general3A_2742 = tpu.matmul %mul3A_2740, %get3A_7, %dot_general3A_2741 {dimension_numbers = #tpu.dot_dimension_numbers<[1], [0], [0], [1], [0, 0, 1, 1], [], []>, transpose_lhs_hint = false} : vector<128x64xf32>, vector<64x128xf32>, vector<128x128xf32> -> vector<128x128xf32>
    %add3A_2743 = vector.broadcast %get3A_10 : vector<1x128xf32> to vector<128x128xf32>
    %add3A_2744 = arith.addf %dot_general3A_2742, %add3A_2743 : vector<128x128xf32>
    %swap3A_2745 = arith.constant 12416 : index
    %swap3A_2746 = arith.constant 0 : index
    %swap3A_2747 = vector.load %arg6[%swap3A_2745, %swap3A_2746] : memref<16000x128xf32, #tpu.memory_space<vmem>>, vector<128x128xf32>
    tpu.vector_store %arg6[%swap3A_2745, %swap3A_2746], %add3A_2744 {strides = array<i32>} : memref<16000x128xf32, #tpu.memory_space<vmem>>, vector<128x128xf32>,
    %get3A_2748 = arith.constant 0 : index
    %get3A_2749 = arith.constant 0 : index
    %get3A_2750 = arith.constant 98 : index
    %get3A_2751 = vector.load %arg1[%get3A_2748, %get3A_2749, %get3A_2750] : memref<1x128x125xf32, #tpu.memory_space<vmem>>, vector<1x128x1xf32>
    %get3A_2752 = vector.shape_cast %get3A_2751 : vector<1x128x1xf32> to vector<128x1xf32>
    %mul3A_2753 = vector.broadcast %get3A_2752 : vector<128x1xf32> to vector<128x64xf32>
    %mul3A_2754 = vector.broadcast %get3A_1 : vector<1x64xf32> to vector<128x64xf32>
    %mul3A_2755 = arith.mulf %mul3A_2753, %mul3A_2754 : vector<128x64xf32>
    %add3A_2756 = vector.broadcast %get3A_4 : vector<1x64xf32> to vector<128x64xf32>
    %add3A_2757 = arith.addf %mul3A_2755, %add3A_2756 : vector<128x64xf32>
    %neg3A_2758 = arith.constant 0.000000e+00 : f32
    %neg3A_2759 = vector.broadcast %neg3A_2758 : f32 to vector<128x64xf32>
    %neg3A_2760 = arith.subf %neg3A_2759, %add3A_2757 : vector<128x64xf32>
    %exp3A_2761 = math.exp %neg3A_2760 : vector<128x64xf32>
    %add3A_2762 = arith.constant 1.000000e+00 : f32
    %add3A_2763 = vector.broadcast %add3A_2762 : f32 to vector<128x64xf32>
    %add3A_2764 = arith.addf %add3A_2763, %exp3A_2761 : vector<128x64xf32>
    %div3A_2765 = arith.constant 1.000000e+00 : f32
    %div3A_2766 = vector.broadcast %div3A_2765 : f32 to vector<128x64xf32>
    %div3A_2767 = arith.divf %div3A_2766, %add3A_2764 : vector<128x64xf32>
    %mul3A_2768 = arith.mulf %add3A_2757, %div3A_2767 : vector<128x64xf32>
    %dot_general3A_2769 = arith.constant dense<0.000000e+00> : vector<128x128xf32>
    %dot_general3A_2770 = tpu.matmul %mul3A_2768, %get3A_7, %dot_general3A_2769 {dimension_numbers = #tpu.dot_dimension_numbers<[1], [0], [0], [1], [0, 0, 1, 1], [], []>, transpose_lhs_hint = false} : vector<128x64xf32>, vector<64x128xf32>, vector<128x128xf32> -> vector<128x128xf32>
    %add3A_2771 = vector.broadcast %get3A_10 : vector<1x128xf32> to vector<128x128xf32>
    %add3A_2772 = arith.addf %dot_general3A_2770, %add3A_2771 : vector<128x128xf32>
    %swap3A_2773 = arith.constant 12544 : index
    %swap3A_2774 = arith.constant 0 : index
    %swap3A_2775 = vector.load %arg6[%swap3A_2773, %swap3A_2774] : memref<16000x128xf32, #tpu.memory_space<vmem>>, vector<128x128xf32>
    tpu.vector_store %arg6[%swap3A_2773, %swap3A_2774], %add3A_2772 {strides = array<i32>} : memref<16000x128xf32, #tpu.memory_space<vmem>>, vector<128x128xf32>,
    %get3A_2776 = arith.constant 0 : index
    %get3A_2777 = arith.constant 0 : index
    %get3A_2778 = arith.constant 99 : index
    %get3A_2779 = vector.load %arg1[%get3A_2776, %get3A_2777, %get3A_2778] : memref<1x128x125xf32, #tpu.memory_space<vmem>>, vector<1x128x1xf32>
    %get3A_2780 = vector.shape_cast %get3A_2779 : vector<1x128x1xf32> to vector<128x1xf32>
    %mul3A_2781 = vector.broadcast %get3A_2780 : vector<128x1xf32> to vector<128x64xf32>
    %mul3A_2782 = vector.broadcast %get3A_1 : vector<1x64xf32> to vector<128x64xf32>
    %mul3A_2783 = arith.mulf %mul3A_2781, %mul3A_2782 : vector<128x64xf32>
    %add3A_2784 = vector.broadcast %get3A_4 : vector<1x64xf32> to vector<128x64xf32>
    %add3A_2785 = arith.addf %mul3A_2783, %add3A_2784 : vector<128x64xf32>
    %neg3A_2786 = arith.constant 0.000000e+00 : f32
    %neg3A_2787 = vector.broadcast %neg3A_2786 : f32 to vector<128x64xf32>
    %neg3A_2788 = arith.subf %neg3A_2787, %add3A_2785 : vector<128x64xf32>
    %exp3A_2789 = math.exp %neg3A_2788 : vector<128x64xf32>
    %add3A_2790 = arith.constant 1.000000e+00 : f32
    %add3A_2791 = vector.broadcast %add3A_2790 : f32 to vector<128x64xf32>
    %add3A_2792 = arith.addf %add3A_2791, %exp3A_2789 : vector<128x64xf32>
    %div3A_2793 = arith.constant 1.000000e+00 : f32
    %div3A_2794 = vector.broadcast %div3A_2793 : f32 to vector<128x64xf32>
    %div3A_2795 = arith.divf %div3A_2794, %add3A_2792 : vector<128x64xf32>
    %mul3A_2796 = arith.mulf %add3A_2785, %div3A_2795 : vector<128x64xf32>
    %dot_general3A_2797 = arith.constant dense<0.000000e+00> : vector<128x128xf32>
    %dot_general3A_2798 = tpu.matmul %mul3A_2796, %get3A_7, %dot_general3A_2797 {dimension_numbers = #tpu.dot_dimension_numbers<[1], [0], [0], [1], [0, 0, 1, 1], [], []>, transpose_lhs_hint = false} : vector<128x64xf32>, vector<64x128xf32>, vector<128x128xf32> -> vector<128x128xf32>
    %add3A_2799 = vector.broadcast %get3A_10 : vector<1x128xf32> to vector<128x128xf32>
    %add3A_2800 = arith.addf %dot_general3A_2798, %add3A_2799 : vector<128x128xf32>
    %swap3A_2801 = arith.constant 12672 : index
    %swap3A_2802 = arith.constant 0 : index
    %swap3A_2803 = vector.load %arg6[%swap3A_2801, %swap3A_2802] : memref<16000x128xf32, #tpu.memory_space<vmem>>, vector<128x128xf32>
    tpu.vector_store %arg6[%swap3A_2801, %swap3A_2802], %add3A_2800 {strides = array<i32>} : memref<16000x128xf32, #tpu.memory_space<vmem>>, vector<128x128xf32>,
    %get3A_2804 = arith.constant 0 : index
    %get3A_2805 = arith.constant 0 : index
    %get3A_2806 = arith.constant 100 : index
    %get3A_2807 = vector.load %arg1[%get3A_2804, %get3A_2805, %get3A_2806] : memref<1x128x125xf32, #tpu.memory_space<vmem>>, vector<1x128x1xf32>
    %get3A_2808 = vector.shape_cast %get3A_2807 : vector<1x128x1xf32> to vector<128x1xf32>
    %mul3A_2809 = vector.broadcast %get3A_2808 : vector<128x1xf32> to vector<128x64xf32>
    %mul3A_2810 = vector.broadcast %get3A_1 : vector<1x64xf32> to vector<128x64xf32>
    %mul3A_2811 = arith.mulf %mul3A_2809, %mul3A_2810 : vector<128x64xf32>
    %add3A_2812 = vector.broadcast %get3A_4 : vector<1x64xf32> to vector<128x64xf32>
    %add3A_2813 = arith.addf %mul3A_2811, %add3A_2812 : vector<128x64xf32>
    %neg3A_2814 = arith.constant 0.000000e+00 : f32
    %neg3A_2815 = vector.broadcast %neg3A_2814 : f32 to vector<128x64xf32>
    %neg3A_2816 = arith.subf %neg3A_2815, %add3A_2813 : vector<128x64xf32>
    %exp3A_2817 = math.exp %neg3A_2816 : vector<128x64xf32>
    %add3A_2818 = arith.constant 1.000000e+00 : f32
    %add3A_2819 = vector.broadcast %add3A_2818 : f32 to vector<128x64xf32>
    %add3A_2820 = arith.addf %add3A_2819, %exp3A_2817 : vector<128x64xf32>
    %div3A_2821 = arith.constant 1.000000e+00 : f32
    %div3A_2822 = vector.broadcast %div3A_2821 : f32 to vector<128x64xf32>
    %div3A_2823 = arith.divf %div3A_2822, %add3A_2820 : vector<128x64xf32>
    %mul3A_2824 = arith.mulf %add3A_2813, %div3A_2823 : vector<128x64xf32>
    %dot_general3A_2825 = arith.constant dense<0.000000e+00> : vector<128x128xf32>
    %dot_general3A_2826 = tpu.matmul %mul3A_2824, %get3A_7, %dot_general3A_2825 {dimension_numbers = #tpu.dot_dimension_numbers<[1], [0], [0], [1], [0, 0, 1, 1], [], []>, transpose_lhs_hint = false} : vector<128x64xf32>, vector<64x128xf32>, vector<128x128xf32> -> vector<128x128xf32>
    %add3A_2827 = vector.broadcast %get3A_10 : vector<1x128xf32> to vector<128x128xf32>
    %add3A_2828 = arith.addf %dot_general3A_2826, %add3A_2827 : vector<128x128xf32>
    %swap3A_2829 = arith.constant 12800 : index
    %swap3A_2830 = arith.constant 0 : index
    %swap3A_2831 = vector.load %arg6[%swap3A_2829, %swap3A_2830] : memref<16000x128xf32, #tpu.memory_space<vmem>>, vector<128x128xf32>
    tpu.vector_store %arg6[%swap3A_2829, %swap3A_2830], %add3A_2828 {strides = array<i32>} : memref<16000x128xf32, #tpu.memory_space<vmem>>, vector<128x128xf32>,
    %get3A_2832 = arith.constant 0 : index
    %get3A_2833 = arith.constant 0 : index
    %get3A_2834 = arith.constant 101 : index
    %get3A_2835 = vector.load %arg1[%get3A_2832, %get3A_2833, %get3A_2834] : memref<1x128x125xf32, #tpu.memory_space<vmem>>, vector<1x128x1xf32>
    %get3A_2836 = vector.shape_cast %get3A_2835 : vector<1x128x1xf32> to vector<128x1xf32>
    %mul3A_2837 = vector.broadcast %get3A_2836 : vector<128x1xf32> to vector<128x64xf32>
    %mul3A_2838 = vector.broadcast %get3A_1 : vector<1x64xf32> to vector<128x64xf32>
    %mul3A_2839 = arith.mulf %mul3A_2837, %mul3A_2838 : vector<128x64xf32>
    %add3A_2840 = vector.broadcast %get3A_4 : vector<1x64xf32> to vector<128x64xf32>
    %add3A_2841 = arith.addf %mul3A_2839, %add3A_2840 : vector<128x64xf32>
    %neg3A_2842 = arith.constant 0.000000e+00 : f32
    %neg3A_2843 = vector.broadcast %neg3A_2842 : f32 to vector<128x64xf32>
    %neg3A_2844 = arith.subf %neg3A_2843, %add3A_2841 : vector<128x64xf32>
    %exp3A_2845 = math.exp %neg3A_2844 : vector<128x64xf32>
    %add3A_2846 = arith.constant 1.000000e+00 : f32
    %add3A_2847 = vector.broadcast %add3A_2846 : f32 to vector<128x64xf32>
    %add3A_2848 = arith.addf %add3A_2847, %exp3A_2845 : vector<128x64xf32>
    %div3A_2849 = arith.constant 1.000000e+00 : f32
    %div3A_2850 = vector.broadcast %div3A_2849 : f32 to vector<128x64xf32>
    %div3A_2851 = arith.divf %div3A_2850, %add3A_2848 : vector<128x64xf32>
    %mul3A_2852 = arith.mulf %add3A_2841, %div3A_2851 : vector<128x64xf32>
    %dot_general3A_2853 = arith.constant dense<0.000000e+00> : vector<128x128xf32>
    %dot_general3A_2854 = tpu.matmul %mul3A_2852, %get3A_7, %dot_general3A_2853 {dimension_numbers = #tpu.dot_dimension_numbers<[1], [0], [0], [1], [0, 0, 1, 1], [], []>, transpose_lhs_hint = false} : vector<128x64xf32>, vector<64x128xf32>, vector<128x128xf32> -> vector<128x128xf32>
    %add3A_2855 = vector.broadcast %get3A_10 : vector<1x128xf32> to vector<128x128xf32>
    %add3A_2856 = arith.addf %dot_general3A_2854, %add3A_2855 : vector<128x128xf32>
    %swap3A_2857 = arith.constant 12928 : index
    %swap3A_2858 = arith.constant 0 : index
    %swap3A_2859 = vector.load %arg6[%swap3A_2857, %swap3A_2858] : memref<16000x128xf32, #tpu.memory_space<vmem>>, vector<128x128xf32>
    tpu.vector_store %arg6[%swap3A_2857, %swap3A_2858], %add3A_2856 {strides = array<i32>} : memref<16000x128xf32, #tpu.memory_space<vmem>>, vector<128x128xf32>,
    %get3A_2860 = arith.constant 0 : index
    %get3A_2861 = arith.constant 0 : index
    %get3A_2862 = arith.constant 102 : index
    %get3A_2863 = vector.load %arg1[%get3A_2860, %get3A_2861, %get3A_2862] : memref<1x128x125xf32, #tpu.memory_space<vmem>>, vector<1x128x1xf32>
    %get3A_2864 = vector.shape_cast %get3A_2863 : vector<1x128x1xf32> to vector<128x1xf32>
    %mul3A_2865 = vector.broadcast %get3A_2864 : vector<128x1xf32> to vector<128x64xf32>
    %mul3A_2866 = vector.broadcast %get3A_1 : vector<1x64xf32> to vector<128x64xf32>
    %mul3A_2867 = arith.mulf %mul3A_2865, %mul3A_2866 : vector<128x64xf32>
    %add3A_2868 = vector.broadcast %get3A_4 : vector<1x64xf32> to vector<128x64xf32>
    %add3A_2869 = arith.addf %mul3A_2867, %add3A_2868 : vector<128x64xf32>
    %neg3A_2870 = arith.constant 0.000000e+00 : f32
    %neg3A_2871 = vector.broadcast %neg3A_2870 : f32 to vector<128x64xf32>
    %neg3A_2872 = arith.subf %neg3A_2871, %add3A_2869 : vector<128x64xf32>
    %exp3A_2873 = math.exp %neg3A_2872 : vector<128x64xf32>
    %add3A_2874 = arith.constant 1.000000e+00 : f32
    %add3A_2875 = vector.broadcast %add3A_2874 : f32 to vector<128x64xf32>
    %add3A_2876 = arith.addf %add3A_2875, %exp3A_2873 : vector<128x64xf32>
    %div3A_2877 = arith.constant 1.000000e+00 : f32
    %div3A_2878 = vector.broadcast %div3A_2877 : f32 to vector<128x64xf32>
    %div3A_2879 = arith.divf %div3A_2878, %add3A_2876 : vector<128x64xf32>
    %mul3A_2880 = arith.mulf %add3A_2869, %div3A_2879 : vector<128x64xf32>
    %dot_general3A_2881 = arith.constant dense<0.000000e+00> : vector<128x128xf32>
    %dot_general3A_2882 = tpu.matmul %mul3A_2880, %get3A_7, %dot_general3A_2881 {dimension_numbers = #tpu.dot_dimension_numbers<[1], [0], [0], [1], [0, 0, 1, 1], [], []>, transpose_lhs_hint = false} : vector<128x64xf32>, vector<64x128xf32>, vector<128x128xf32> -> vector<128x128xf32>
    %add3A_2883 = vector.broadcast %get3A_10 : vector<1x128xf32> to vector<128x128xf32>
    %add3A_2884 = arith.addf %dot_general3A_2882, %add3A_2883 : vector<128x128xf32>
    %swap3A_2885 = arith.constant 13056 : index
    %swap3A_2886 = arith.constant 0 : index
    %swap3A_2887 = vector.load %arg6[%swap3A_2885, %swap3A_2886] : memref<16000x128xf32, #tpu.memory_space<vmem>>, vector<128x128xf32>
    tpu.vector_store %arg6[%swap3A_2885, %swap3A_2886], %add3A_2884 {strides = array<i32>} : memref<16000x128xf32, #tpu.memory_space<vmem>>, vector<128x128xf32>,
    %get3A_2888 = arith.constant 0 : index
    %get3A_2889 = arith.constant 0 : index
    %get3A_2890 = arith.constant 103 : index
    %get3A_2891 = vector.load %arg1[%get3A_2888, %get3A_2889, %get3A_2890] : memref<1x128x125xf32, #tpu.memory_space<vmem>>, vector<1x128x1xf32>
    %get3A_2892 = vector.shape_cast %get3A_2891 : vector<1x128x1xf32> to vector<128x1xf32>
    %mul3A_2893 = vector.broadcast %get3A_2892 : vector<128x1xf32> to vector<128x64xf32>
    %mul3A_2894 = vector.broadcast %get3A_1 : vector<1x64xf32> to vector<128x64xf32>
    %mul3A_2895 = arith.mulf %mul3A_2893, %mul3A_2894 : vector<128x64xf32>
    %add3A_2896 = vector.broadcast %get3A_4 : vector<1x64xf32> to vector<128x64xf32>
    %add3A_2897 = arith.addf %mul3A_2895, %add3A_2896 : vector<128x64xf32>
    %neg3A_2898 = arith.constant 0.000000e+00 : f32
    %neg3A_2899 = vector.broadcast %neg3A_2898 : f32 to vector<128x64xf32>
    %neg3A_2900 = arith.subf %neg3A_2899, %add3A_2897 : vector<128x64xf32>
    %exp3A_2901 = math.exp %neg3A_2900 : vector<128x64xf32>
    %add3A_2902 = arith.constant 1.000000e+00 : f32
    %add3A_2903 = vector.broadcast %add3A_2902 : f32 to vector<128x64xf32>
    %add3A_2904 = arith.addf %add3A_2903, %exp3A_2901 : vector<128x64xf32>
    %div3A_2905 = arith.constant 1.000000e+00 : f32
    %div3A_2906 = vector.broadcast %div3A_2905 : f32 to vector<128x64xf32>
    %div3A_2907 = arith.divf %div3A_2906, %add3A_2904 : vector<128x64xf32>
    %mul3A_2908 = arith.mulf %add3A_2897, %div3A_2907 : vector<128x64xf32>
    %dot_general3A_2909 = arith.constant dense<0.000000e+00> : vector<128x128xf32>
    %dot_general3A_2910 = tpu.matmul %mul3A_2908, %get3A_7, %dot_general3A_2909 {dimension_numbers = #tpu.dot_dimension_numbers<[1], [0], [0], [1], [0, 0, 1, 1], [], []>, transpose_lhs_hint = false} : vector<128x64xf32>, vector<64x128xf32>, vector<128x128xf32> -> vector<128x128xf32>
    %add3A_2911 = vector.broadcast %get3A_10 : vector<1x128xf32> to vector<128x128xf32>
    %add3A_2912 = arith.addf %dot_general3A_2910, %add3A_2911 : vector<128x128xf32>
    %swap3A_2913 = arith.constant 13184 : index
    %swap3A_2914 = arith.constant 0 : index
    %swap3A_2915 = vector.load %arg6[%swap3A_2913, %swap3A_2914] : memref<16000x128xf32, #tpu.memory_space<vmem>>, vector<128x128xf32>
    tpu.vector_store %arg6[%swap3A_2913, %swap3A_2914], %add3A_2912 {strides = array<i32>} : memref<16000x128xf32, #tpu.memory_space<vmem>>, vector<128x128xf32>,
    %get3A_2916 = arith.constant 0 : index
    %get3A_2917 = arith.constant 0 : index
    %get3A_2918 = arith.constant 104 : index
    %get3A_2919 = vector.load %arg1[%get3A_2916, %get3A_2917, %get3A_2918] : memref<1x128x125xf32, #tpu.memory_space<vmem>>, vector<1x128x1xf32>
    %get3A_2920 = vector.shape_cast %get3A_2919 : vector<1x128x1xf32> to vector<128x1xf32>
    %mul3A_2921 = vector.broadcast %get3A_2920 : vector<128x1xf32> to vector<128x64xf32>
    %mul3A_2922 = vector.broadcast %get3A_1 : vector<1x64xf32> to vector<128x64xf32>
    %mul3A_2923 = arith.mulf %mul3A_2921, %mul3A_2922 : vector<128x64xf32>
    %add3A_2924 = vector.broadcast %get3A_4 : vector<1x64xf32> to vector<128x64xf32>
    %add3A_2925 = arith.addf %mul3A_2923, %add3A_2924 : vector<128x64xf32>
    %neg3A_2926 = arith.constant 0.000000e+00 : f32
    %neg3A_2927 = vector.broadcast %neg3A_2926 : f32 to vector<128x64xf32>
    %neg3A_2928 = arith.subf %neg3A_2927, %add3A_2925 : vector<128x64xf32>
    %exp3A_2929 = math.exp %neg3A_2928 : vector<128x64xf32>
    %add3A_2930 = arith.constant 1.000000e+00 : f32
    %add3A_2931 = vector.broadcast %add3A_2930 : f32 to vector<128x64xf32>
    %add3A_2932 = arith.addf %add3A_2931, %exp3A_2929 : vector<128x64xf32>
    %div3A_2933 = arith.constant 1.000000e+00 : f32
    %div3A_2934 = vector.broadcast %div3A_2933 : f32 to vector<128x64xf32>
    %div3A_2935 = arith.divf %div3A_2934, %add3A_2932 : vector<128x64xf32>
    %mul3A_2936 = arith.mulf %add3A_2925, %div3A_2935 : vector<128x64xf32>
    %dot_general3A_2937 = arith.constant dense<0.000000e+00> : vector<128x128xf32>
    %dot_general3A_2938 = tpu.matmul %mul3A_2936, %get3A_7, %dot_general3A_2937 {dimension_numbers = #tpu.dot_dimension_numbers<[1], [0], [0], [1], [0, 0, 1, 1], [], []>, transpose_lhs_hint = false} : vector<128x64xf32>, vector<64x128xf32>, vector<128x128xf32> -> vector<128x128xf32>
    %add3A_2939 = vector.broadcast %get3A_10 : vector<1x128xf32> to vector<128x128xf32>
    %add3A_2940 = arith.addf %dot_general3A_2938, %add3A_2939 : vector<128x128xf32>
    %swap3A_2941 = arith.constant 13312 : index
    %swap3A_2942 = arith.constant 0 : index
    %swap3A_2943 = vector.load %arg6[%swap3A_2941, %swap3A_2942] : memref<16000x128xf32, #tpu.memory_space<vmem>>, vector<128x128xf32>
    tpu.vector_store %arg6[%swap3A_2941, %swap3A_2942], %add3A_2940 {strides = array<i32>} : memref<16000x128xf32, #tpu.memory_space<vmem>>, vector<128x128xf32>,
    %get3A_2944 = arith.constant 0 : index
    %get3A_2945 = arith.constant 0 : index
    %get3A_2946 = arith.constant 105 : index
    %get3A_2947 = vector.load %arg1[%get3A_2944, %get3A_2945, %get3A_2946] : memref<1x128x125xf32, #tpu.memory_space<vmem>>, vector<1x128x1xf32>
    %get3A_2948 = vector.shape_cast %get3A_2947 : vector<1x128x1xf32> to vector<128x1xf32>
    %mul3A_2949 = vector.broadcast %get3A_2948 : vector<128x1xf32> to vector<128x64xf32>
    %mul3A_2950 = vector.broadcast %get3A_1 : vector<1x64xf32> to vector<128x64xf32>
    %mul3A_2951 = arith.mulf %mul3A_2949, %mul3A_2950 : vector<128x64xf32>
    %add3A_2952 = vector.broadcast %get3A_4 : vector<1x64xf32> to vector<128x64xf32>
    %add3A_2953 = arith.addf %mul3A_2951, %add3A_2952 : vector<128x64xf32>
    %neg3A_2954 = arith.constant 0.000000e+00 : f32
    %neg3A_2955 = vector.broadcast %neg3A_2954 : f32 to vector<128x64xf32>
    %neg3A_2956 = arith.subf %neg3A_2955, %add3A_2953 : vector<128x64xf32>
    %exp3A_2957 = math.exp %neg3A_2956 : vector<128x64xf32>
    %add3A_2958 = arith.constant 1.000000e+00 : f32
    %add3A_2959 = vector.broadcast %add3A_2958 : f32 to vector<128x64xf32>
    %add3A_2960 = arith.addf %add3A_2959, %exp3A_2957 : vector<128x64xf32>
    %div3A_2961 = arith.constant 1.000000e+00 : f32
    %div3A_2962 = vector.broadcast %div3A_2961 : f32 to vector<128x64xf32>
    %div3A_2963 = arith.divf %div3A_2962, %add3A_2960 : vector<128x64xf32>
    %mul3A_2964 = arith.mulf %add3A_2953, %div3A_2963 : vector<128x64xf32>
    %dot_general3A_2965 = arith.constant dense<0.000000e+00> : vector<128x128xf32>
    %dot_general3A_2966 = tpu.matmul %mul3A_2964, %get3A_7, %dot_general3A_2965 {dimension_numbers = #tpu.dot_dimension_numbers<[1], [0], [0], [1], [0, 0, 1, 1], [], []>, transpose_lhs_hint = false} : vector<128x64xf32>, vector<64x128xf32>, vector<128x128xf32> -> vector<128x128xf32>
    %add3A_2967 = vector.broadcast %get3A_10 : vector<1x128xf32> to vector<128x128xf32>
    %add3A_2968 = arith.addf %dot_general3A_2966, %add3A_2967 : vector<128x128xf32>
    %swap3A_2969 = arith.constant 13440 : index
    %swap3A_2970 = arith.constant 0 : index
    %swap3A_2971 = vector.load %arg6[%swap3A_2969, %swap3A_2970] : memref<16000x128xf32, #tpu.memory_space<vmem>>, vector<128x128xf32>
    tpu.vector_store %arg6[%swap3A_2969, %swap3A_2970], %add3A_2968 {strides = array<i32>} : memref<16000x128xf32, #tpu.memory_space<vmem>>, vector<128x128xf32>,
    %get3A_2972 = arith.constant 0 : index
    %get3A_2973 = arith.constant 0 : index
    %get3A_2974 = arith.constant 106 : index
    %get3A_2975 = vector.load %arg1[%get3A_2972, %get3A_2973, %get3A_2974] : memref<1x128x125xf32, #tpu.memory_space<vmem>>, vector<1x128x1xf32>
    %get3A_2976 = vector.shape_cast %get3A_2975 : vector<1x128x1xf32> to vector<128x1xf32>
    %mul3A_2977 = vector.broadcast %get3A_2976 : vector<128x1xf32> to vector<128x64xf32>
    %mul3A_2978 = vector.broadcast %get3A_1 : vector<1x64xf32> to vector<128x64xf32>
    %mul3A_2979 = arith.mulf %mul3A_2977, %mul3A_2978 : vector<128x64xf32>
    %add3A_2980 = vector.broadcast %get3A_4 : vector<1x64xf32> to vector<128x64xf32>
    %add3A_2981 = arith.addf %mul3A_2979, %add3A_2980 : vector<128x64xf32>
    %neg3A_2982 = arith.constant 0.000000e+00 : f32
    %neg3A_2983 = vector.broadcast %neg3A_2982 : f32 to vector<128x64xf32>
    %neg3A_2984 = arith.subf %neg3A_2983, %add3A_2981 : vector<128x64xf32>
    %exp3A_2985 = math.exp %neg3A_2984 : vector<128x64xf32>
    %add3A_2986 = arith.constant 1.000000e+00 : f32
    %add3A_2987 = vector.broadcast %add3A_2986 : f32 to vector<128x64xf32>
    %add3A_2988 = arith.addf %add3A_2987, %exp3A_2985 : vector<128x64xf32>
    %div3A_2989 = arith.constant 1.000000e+00 : f32
    %div3A_2990 = vector.broadcast %div3A_2989 : f32 to vector<128x64xf32>
    %div3A_2991 = arith.divf %div3A_2990, %add3A_2988 : vector<128x64xf32>
    %mul3A_2992 = arith.mulf %add3A_2981, %div3A_2991 : vector<128x64xf32>
    %dot_general3A_2993 = arith.constant dense<0.000000e+00> : vector<128x128xf32>
    %dot_general3A_2994 = tpu.matmul %mul3A_2992, %get3A_7, %dot_general3A_2993 {dimension_numbers = #tpu.dot_dimension_numbers<[1], [0], [0], [1], [0, 0, 1, 1], [], []>, transpose_lhs_hint = false} : vector<128x64xf32>, vector<64x128xf32>, vector<128x128xf32> -> vector<128x128xf32>
    %add3A_2995 = vector.broadcast %get3A_10 : vector<1x128xf32> to vector<128x128xf32>
    %add3A_2996 = arith.addf %dot_general3A_2994, %add3A_2995 : vector<128x128xf32>
    %swap3A_2997 = arith.constant 13568 : index
    %swap3A_2998 = arith.constant 0 : index
    %swap3A_2999 = vector.load %arg6[%swap3A_2997, %swap3A_2998] : memref<16000x128xf32, #tpu.memory_space<vmem>>, vector<128x128xf32>
    tpu.vector_store %arg6[%swap3A_2997, %swap3A_2998], %add3A_2996 {strides = array<i32>} : memref<16000x128xf32, #tpu.memory_space<vmem>>, vector<128x128xf32>,
    %get3A_3000 = arith.constant 0 : index
    %get3A_3001 = arith.constant 0 : index
    %get3A_3002 = arith.constant 107 : index
    %get3A_3003 = vector.load %arg1[%get3A_3000, %get3A_3001, %get3A_3002] : memref<1x128x125xf32, #tpu.memory_space<vmem>>, vector<1x128x1xf32>
    %get3A_3004 = vector.shape_cast %get3A_3003 : vector<1x128x1xf32> to vector<128x1xf32>
    %mul3A_3005 = vector.broadcast %get3A_3004 : vector<128x1xf32> to vector<128x64xf32>
    %mul3A_3006 = vector.broadcast %get3A_1 : vector<1x64xf32> to vector<128x64xf32>
    %mul3A_3007 = arith.mulf %mul3A_3005, %mul3A_3006 : vector<128x64xf32>
    %add3A_3008 = vector.broadcast %get3A_4 : vector<1x64xf32> to vector<128x64xf32>
    %add3A_3009 = arith.addf %mul3A_3007, %add3A_3008 : vector<128x64xf32>
    %neg3A_3010 = arith.constant 0.000000e+00 : f32
    %neg3A_3011 = vector.broadcast %neg3A_3010 : f32 to vector<128x64xf32>
    %neg3A_3012 = arith.subf %neg3A_3011, %add3A_3009 : vector<128x64xf32>
    %exp3A_3013 = math.exp %neg3A_3012 : vector<128x64xf32>
    %add3A_3014 = arith.constant 1.000000e+00 : f32
    %add3A_3015 = vector.broadcast %add3A_3014 : f32 to vector<128x64xf32>
    %add3A_3016 = arith.addf %add3A_3015, %exp3A_3013 : vector<128x64xf32>
    %div3A_3017 = arith.constant 1.000000e+00 : f32
    %div3A_3018 = vector.broadcast %div3A_3017 : f32 to vector<128x64xf32>
    %div3A_3019 = arith.divf %div3A_3018, %add3A_3016 : vector<128x64xf32>
    %mul3A_3020 = arith.mulf %add3A_3009, %div3A_3019 : vector<128x64xf32>
    %dot_general3A_3021 = arith.constant dense<0.000000e+00> : vector<128x128xf32>
    %dot_general3A_3022 = tpu.matmul %mul3A_3020, %get3A_7, %dot_general3A_3021 {dimension_numbers = #tpu.dot_dimension_numbers<[1], [0], [0], [1], [0, 0, 1, 1], [], []>, transpose_lhs_hint = false} : vector<128x64xf32>, vector<64x128xf32>, vector<128x128xf32> -> vector<128x128xf32>
    %add3A_3023 = vector.broadcast %get3A_10 : vector<1x128xf32> to vector<128x128xf32>
    %add3A_3024 = arith.addf %dot_general3A_3022, %add3A_3023 : vector<128x128xf32>
    %swap3A_3025 = arith.constant 13696 : index
    %swap3A_3026 = arith.constant 0 : index
    %swap3A_3027 = vector.load %arg6[%swap3A_3025, %swap3A_3026] : memref<16000x128xf32, #tpu.memory_space<vmem>>, vector<128x128xf32>
    tpu.vector_store %arg6[%swap3A_3025, %swap3A_3026], %add3A_3024 {strides = array<i32>} : memref<16000x128xf32, #tpu.memory_space<vmem>>, vector<128x128xf32>,
    %get3A_3028 = arith.constant 0 : index
    %get3A_3029 = arith.constant 0 : index
    %get3A_3030 = arith.constant 108 : index
    %get3A_3031 = vector.load %arg1[%get3A_3028, %get3A_3029, %get3A_3030] : memref<1x128x125xf32, #tpu.memory_space<vmem>>, vector<1x128x1xf32>
    %get3A_3032 = vector.shape_cast %get3A_3031 : vector<1x128x1xf32> to vector<128x1xf32>
    %mul3A_3033 = vector.broadcast %get3A_3032 : vector<128x1xf32> to vector<128x64xf32>
    %mul3A_3034 = vector.broadcast %get3A_1 : vector<1x64xf32> to vector<128x64xf32>
    %mul3A_3035 = arith.mulf %mul3A_3033, %mul3A_3034 : vector<128x64xf32>
    %add3A_3036 = vector.broadcast %get3A_4 : vector<1x64xf32> to vector<128x64xf32>
    %add3A_3037 = arith.addf %mul3A_3035, %add3A_3036 : vector<128x64xf32>
    %neg3A_3038 = arith.constant 0.000000e+00 : f32
    %neg3A_3039 = vector.broadcast %neg3A_3038 : f32 to vector<128x64xf32>
    %neg3A_3040 = arith.subf %neg3A_3039, %add3A_3037 : vector<128x64xf32>
    %exp3A_3041 = math.exp %neg3A_3040 : vector<128x64xf32>
    %add3A_3042 = arith.constant 1.000000e+00 : f32
    %add3A_3043 = vector.broadcast %add3A_3042 : f32 to vector<128x64xf32>
    %add3A_3044 = arith.addf %add3A_3043, %exp3A_3041 : vector<128x64xf32>
    %div3A_3045 = arith.constant 1.000000e+00 : f32
    %div3A_3046 = vector.broadcast %div3A_3045 : f32 to vector<128x64xf32>
    %div3A_3047 = arith.divf %div3A_3046, %add3A_3044 : vector<128x64xf32>
    %mul3A_3048 = arith.mulf %add3A_3037, %div3A_3047 : vector<128x64xf32>
    %dot_general3A_3049 = arith.constant dense<0.000000e+00> : vector<128x128xf32>
    %dot_general3A_3050 = tpu.matmul %mul3A_3048, %get3A_7, %dot_general3A_3049 {dimension_numbers = #tpu.dot_dimension_numbers<[1], [0], [0], [1], [0, 0, 1, 1], [], []>, transpose_lhs_hint = false} : vector<128x64xf32>, vector<64x128xf32>, vector<128x128xf32> -> vector<128x128xf32>
    %add3A_3051 = vector.broadcast %get3A_10 : vector<1x128xf32> to vector<128x128xf32>
    %add3A_3052 = arith.addf %dot_general3A_3050, %add3A_3051 : vector<128x128xf32>
    %swap3A_3053 = arith.constant 13824 : index
    %swap3A_3054 = arith.constant 0 : index
    %swap3A_3055 = vector.load %arg6[%swap3A_3053, %swap3A_3054] : memref<16000x128xf32, #tpu.memory_space<vmem>>, vector<128x128xf32>
    tpu.vector_store %arg6[%swap3A_3053, %swap3A_3054], %add3A_3052 {strides = array<i32>} : memref<16000x128xf32, #tpu.memory_space<vmem>>, vector<128x128xf32>,
    %get3A_3056 = arith.constant 0 : index
    %get3A_3057 = arith.constant 0 : index
    %get3A_3058 = arith.constant 109 : index
    %get3A_3059 = vector.load %arg1[%get3A_3056, %get3A_3057, %get3A_3058] : memref<1x128x125xf32, #tpu.memory_space<vmem>>, vector<1x128x1xf32>
    %get3A_3060 = vector.shape_cast %get3A_3059 : vector<1x128x1xf32> to vector<128x1xf32>
    %mul3A_3061 = vector.broadcast %get3A_3060 : vector<128x1xf32> to vector<128x64xf32>
    %mul3A_3062 = vector.broadcast %get3A_1 : vector<1x64xf32> to vector<128x64xf32>
    %mul3A_3063 = arith.mulf %mul3A_3061, %mul3A_3062 : vector<128x64xf32>
    %add3A_3064 = vector.broadcast %get3A_4 : vector<1x64xf32> to vector<128x64xf32>
    %add3A_3065 = arith.addf %mul3A_3063, %add3A_3064 : vector<128x64xf32>
    %neg3A_3066 = arith.constant 0.000000e+00 : f32
    %neg3A_3067 = vector.broadcast %neg3A_3066 : f32 to vector<128x64xf32>
    %neg3A_3068 = arith.subf %neg3A_3067, %add3A_3065 : vector<128x64xf32>
    %exp3A_3069 = math.exp %neg3A_3068 : vector<128x64xf32>
    %add3A_3070 = arith.constant 1.000000e+00 : f32
    %add3A_3071 = vector.broadcast %add3A_3070 : f32 to vector<128x64xf32>
    %add3A_3072 = arith.addf %add3A_3071, %exp3A_3069 : vector<128x64xf32>
    %div3A_3073 = arith.constant 1.000000e+00 : f32
    %div3A_3074 = vector.broadcast %div3A_3073 : f32 to vector<128x64xf32>
    %div3A_3075 = arith.divf %div3A_3074, %add3A_3072 : vector<128x64xf32>
    %mul3A_3076 = arith.mulf %add3A_3065, %div3A_3075 : vector<128x64xf32>
    %dot_general3A_3077 = arith.constant dense<0.000000e+00> : vector<128x128xf32>
    %dot_general3A_3078 = tpu.matmul %mul3A_3076, %get3A_7, %dot_general3A_3077 {dimension_numbers = #tpu.dot_dimension_numbers<[1], [0], [0], [1], [0, 0, 1, 1], [], []>, transpose_lhs_hint = false} : vector<128x64xf32>, vector<64x128xf32>, vector<128x128xf32> -> vector<128x128xf32>
    %add3A_3079 = vector.broadcast %get3A_10 : vector<1x128xf32> to vector<128x128xf32>
    %add3A_3080 = arith.addf %dot_general3A_3078, %add3A_3079 : vector<128x128xf32>
    %swap3A_3081 = arith.constant 13952 : index
    %swap3A_3082 = arith.constant 0 : index
    %swap3A_3083 = vector.load %arg6[%swap3A_3081, %swap3A_3082] : memref<16000x128xf32, #tpu.memory_space<vmem>>, vector<128x128xf32>
    tpu.vector_store %arg6[%swap3A_3081, %swap3A_3082], %add3A_3080 {strides = array<i32>} : memref<16000x128xf32, #tpu.memory_space<vmem>>, vector<128x128xf32>,
    %get3A_3084 = arith.constant 0 : index
    %get3A_3085 = arith.constant 0 : index
    %get3A_3086 = arith.constant 110 : index
    %get3A_3087 = vector.load %arg1[%get3A_3084, %get3A_3085, %get3A_3086] : memref<1x128x125xf32, #tpu.memory_space<vmem>>, vector<1x128x1xf32>
    %get3A_3088 = vector.shape_cast %get3A_3087 : vector<1x128x1xf32> to vector<128x1xf32>
    %mul3A_3089 = vector.broadcast %get3A_3088 : vector<128x1xf32> to vector<128x64xf32>
    %mul3A_3090 = vector.broadcast %get3A_1 : vector<1x64xf32> to vector<128x64xf32>
    %mul3A_3091 = arith.mulf %mul3A_3089, %mul3A_3090 : vector<128x64xf32>
    %add3A_3092 = vector.broadcast %get3A_4 : vector<1x64xf32> to vector<128x64xf32>
    %add3A_3093 = arith.addf %mul3A_3091, %add3A_3092 : vector<128x64xf32>
    %neg3A_3094 = arith.constant 0.000000e+00 : f32
    %neg3A_3095 = vector.broadcast %neg3A_3094 : f32 to vector<128x64xf32>
    %neg3A_3096 = arith.subf %neg3A_3095, %add3A_3093 : vector<128x64xf32>
    %exp3A_3097 = math.exp %neg3A_3096 : vector<128x64xf32>
    %add3A_3098 = arith.constant 1.000000e+00 : f32
    %add3A_3099 = vector.broadcast %add3A_3098 : f32 to vector<128x64xf32>
    %add3A_3100 = arith.addf %add3A_3099, %exp3A_3097 : vector<128x64xf32>
    %div3A_3101 = arith.constant 1.000000e+00 : f32
    %div3A_3102 = vector.broadcast %div3A_3101 : f32 to vector<128x64xf32>
    %div3A_3103 = arith.divf %div3A_3102, %add3A_3100 : vector<128x64xf32>
    %mul3A_3104 = arith.mulf %add3A_3093, %div3A_3103 : vector<128x64xf32>
    %dot_general3A_3105 = arith.constant dense<0.000000e+00> : vector<128x128xf32>
    %dot_general3A_3106 = tpu.matmul %mul3A_3104, %get3A_7, %dot_general3A_3105 {dimension_numbers = #tpu.dot_dimension_numbers<[1], [0], [0], [1], [0, 0, 1, 1], [], []>, transpose_lhs_hint = false} : vector<128x64xf32>, vector<64x128xf32>, vector<128x128xf32> -> vector<128x128xf32>
    %add3A_3107 = vector.broadcast %get3A_10 : vector<1x128xf32> to vector<128x128xf32>
    %add3A_3108 = arith.addf %dot_general3A_3106, %add3A_3107 : vector<128x128xf32>
    %swap3A_3109 = arith.constant 14080 : index
    %swap3A_3110 = arith.constant 0 : index
    %swap3A_3111 = vector.load %arg6[%swap3A_3109, %swap3A_3110] : memref<16000x128xf32, #tpu.memory_space<vmem>>, vector<128x128xf32>
    tpu.vector_store %arg6[%swap3A_3109, %swap3A_3110], %add3A_3108 {strides = array<i32>} : memref<16000x128xf32, #tpu.memory_space<vmem>>, vector<128x128xf32>,
    %get3A_3112 = arith.constant 0 : index
    %get3A_3113 = arith.constant 0 : index
    %get3A_3114 = arith.constant 111 : index
    %get3A_3115 = vector.load %arg1[%get3A_3112, %get3A_3113, %get3A_3114] : memref<1x128x125xf32, #tpu.memory_space<vmem>>, vector<1x128x1xf32>
    %get3A_3116 = vector.shape_cast %get3A_3115 : vector<1x128x1xf32> to vector<128x1xf32>
    %mul3A_3117 = vector.broadcast %get3A_3116 : vector<128x1xf32> to vector<128x64xf32>
    %mul3A_3118 = vector.broadcast %get3A_1 : vector<1x64xf32> to vector<128x64xf32>
    %mul3A_3119 = arith.mulf %mul3A_3117, %mul3A_3118 : vector<128x64xf32>
    %add3A_3120 = vector.broadcast %get3A_4 : vector<1x64xf32> to vector<128x64xf32>
    %add3A_3121 = arith.addf %mul3A_3119, %add3A_3120 : vector<128x64xf32>
    %neg3A_3122 = arith.constant 0.000000e+00 : f32
    %neg3A_3123 = vector.broadcast %neg3A_3122 : f32 to vector<128x64xf32>
    %neg3A_3124 = arith.subf %neg3A_3123, %add3A_3121 : vector<128x64xf32>
    %exp3A_3125 = math.exp %neg3A_3124 : vector<128x64xf32>
    %add3A_3126 = arith.constant 1.000000e+00 : f32
    %add3A_3127 = vector.broadcast %add3A_3126 : f32 to vector<128x64xf32>
    %add3A_3128 = arith.addf %add3A_3127, %exp3A_3125 : vector<128x64xf32>
    %div3A_3129 = arith.constant 1.000000e+00 : f32
    %div3A_3130 = vector.broadcast %div3A_3129 : f32 to vector<128x64xf32>
    %div3A_3131 = arith.divf %div3A_3130, %add3A_3128 : vector<128x64xf32>
    %mul3A_3132 = arith.mulf %add3A_3121, %div3A_3131 : vector<128x64xf32>
    %dot_general3A_3133 = arith.constant dense<0.000000e+00> : vector<128x128xf32>
    %dot_general3A_3134 = tpu.matmul %mul3A_3132, %get3A_7, %dot_general3A_3133 {dimension_numbers = #tpu.dot_dimension_numbers<[1], [0], [0], [1], [0, 0, 1, 1], [], []>, transpose_lhs_hint = false} : vector<128x64xf32>, vector<64x128xf32>, vector<128x128xf32> -> vector<128x128xf32>
    %add3A_3135 = vector.broadcast %get3A_10 : vector<1x128xf32> to vector<128x128xf32>
    %add3A_3136 = arith.addf %dot_general3A_3134, %add3A_3135 : vector<128x128xf32>
    %swap3A_3137 = arith.constant 14208 : index
    %swap3A_3138 = arith.constant 0 : index
    %swap3A_3139 = vector.load %arg6[%swap3A_3137, %swap3A_3138] : memref<16000x128xf32, #tpu.memory_space<vmem>>, vector<128x128xf32>
    tpu.vector_store %arg6[%swap3A_3137, %swap3A_3138], %add3A_3136 {strides = array<i32>} : memref<16000x128xf32, #tpu.memory_space<vmem>>, vector<128x128xf32>,
    %get3A_3140 = arith.constant 0 : index
    %get3A_3141 = arith.constant 0 : index
    %get3A_3142 = arith.constant 112 : index
    %get3A_3143 = vector.load %arg1[%get3A_3140, %get3A_3141, %get3A_3142] : memref<1x128x125xf32, #tpu.memory_space<vmem>>, vector<1x128x1xf32>
    %get3A_3144 = vector.shape_cast %get3A_3143 : vector<1x128x1xf32> to vector<128x1xf32>
    %mul3A_3145 = vector.broadcast %get3A_3144 : vector<128x1xf32> to vector<128x64xf32>
    %mul3A_3146 = vector.broadcast %get3A_1 : vector<1x64xf32> to vector<128x64xf32>
    %mul3A_3147 = arith.mulf %mul3A_3145, %mul3A_3146 : vector<128x64xf32>
    %add3A_3148 = vector.broadcast %get3A_4 : vector<1x64xf32> to vector<128x64xf32>
    %add3A_3149 = arith.addf %mul3A_3147, %add3A_3148 : vector<128x64xf32>
    %neg3A_3150 = arith.constant 0.000000e+00 : f32
    %neg3A_3151 = vector.broadcast %neg3A_3150 : f32 to vector<128x64xf32>
    %neg3A_3152 = arith.subf %neg3A_3151, %add3A_3149 : vector<128x64xf32>
    %exp3A_3153 = math.exp %neg3A_3152 : vector<128x64xf32>
    %add3A_3154 = arith.constant 1.000000e+00 : f32
    %add3A_3155 = vector.broadcast %add3A_3154 : f32 to vector<128x64xf32>
    %add3A_3156 = arith.addf %add3A_3155, %exp3A_3153 : vector<128x64xf32>
    %div3A_3157 = arith.constant 1.000000e+00 : f32
    %div3A_3158 = vector.broadcast %div3A_3157 : f32 to vector<128x64xf32>
    %div3A_3159 = arith.divf %div3A_3158, %add3A_3156 : vector<128x64xf32>
    %mul3A_3160 = arith.mulf %add3A_3149, %div3A_3159 : vector<128x64xf32>
    %dot_general3A_3161 = arith.constant dense<0.000000e+00> : vector<128x128xf32>
    %dot_general3A_3162 = tpu.matmul %mul3A_3160, %get3A_7, %dot_general3A_3161 {dimension_numbers = #tpu.dot_dimension_numbers<[1], [0], [0], [1], [0, 0, 1, 1], [], []>, transpose_lhs_hint = false} : vector<128x64xf32>, vector<64x128xf32>, vector<128x128xf32> -> vector<128x128xf32>
    %add3A_3163 = vector.broadcast %get3A_10 : vector<1x128xf32> to vector<128x128xf32>
    %add3A_3164 = arith.addf %dot_general3A_3162, %add3A_3163 : vector<128x128xf32>
    %swap3A_3165 = arith.constant 14336 : index
    %swap3A_3166 = arith.constant 0 : index
    %swap3A_3167 = vector.load %arg6[%swap3A_3165, %swap3A_3166] : memref<16000x128xf32, #tpu.memory_space<vmem>>, vector<128x128xf32>
    tpu.vector_store %arg6[%swap3A_3165, %swap3A_3166], %add3A_3164 {strides = array<i32>} : memref<16000x128xf32, #tpu.memory_space<vmem>>, vector<128x128xf32>,
    %get3A_3168 = arith.constant 0 : index
    %get3A_3169 = arith.constant 0 : index
    %get3A_3170 = arith.constant 113 : index
    %get3A_3171 = vector.load %arg1[%get3A_3168, %get3A_3169, %get3A_3170] : memref<1x128x125xf32, #tpu.memory_space<vmem>>, vector<1x128x1xf32>
    %get3A_3172 = vector.shape_cast %get3A_3171 : vector<1x128x1xf32> to vector<128x1xf32>
    %mul3A_3173 = vector.broadcast %get3A_3172 : vector<128x1xf32> to vector<128x64xf32>
    %mul3A_3174 = vector.broadcast %get3A_1 : vector<1x64xf32> to vector<128x64xf32>
    %mul3A_3175 = arith.mulf %mul3A_3173, %mul3A_3174 : vector<128x64xf32>
    %add3A_3176 = vector.broadcast %get3A_4 : vector<1x64xf32> to vector<128x64xf32>
    %add3A_3177 = arith.addf %mul3A_3175, %add3A_3176 : vector<128x64xf32>
    %neg3A_3178 = arith.constant 0.000000e+00 : f32
    %neg3A_3179 = vector.broadcast %neg3A_3178 : f32 to vector<128x64xf32>
    %neg3A_3180 = arith.subf %neg3A_3179, %add3A_3177 : vector<128x64xf32>
    %exp3A_3181 = math.exp %neg3A_3180 : vector<128x64xf32>
    %add3A_3182 = arith.constant 1.000000e+00 : f32
    %add3A_3183 = vector.broadcast %add3A_3182 : f32 to vector<128x64xf32>
    %add3A_3184 = arith.addf %add3A_3183, %exp3A_3181 : vector<128x64xf32>
    %div3A_3185 = arith.constant 1.000000e+00 : f32
    %div3A_3186 = vector.broadcast %div3A_3185 : f32 to vector<128x64xf32>
    %div3A_3187 = arith.divf %div3A_3186, %add3A_3184 : vector<128x64xf32>
    %mul3A_3188 = arith.mulf %add3A_3177, %div3A_3187 : vector<128x64xf32>
    %dot_general3A_3189 = arith.constant dense<0.000000e+00> : vector<128x128xf32>
    %dot_general3A_3190 = tpu.matmul %mul3A_3188, %get3A_7, %dot_general3A_3189 {dimension_numbers = #tpu.dot_dimension_numbers<[1], [0], [0], [1], [0, 0, 1, 1], [], []>, transpose_lhs_hint = false} : vector<128x64xf32>, vector<64x128xf32>, vector<128x128xf32> -> vector<128x128xf32>
    %add3A_3191 = vector.broadcast %get3A_10 : vector<1x128xf32> to vector<128x128xf32>
    %add3A_3192 = arith.addf %dot_general3A_3190, %add3A_3191 : vector<128x128xf32>
    %swap3A_3193 = arith.constant 14464 : index
    %swap3A_3194 = arith.constant 0 : index
    %swap3A_3195 = vector.load %arg6[%swap3A_3193, %swap3A_3194] : memref<16000x128xf32, #tpu.memory_space<vmem>>, vector<128x128xf32>
    tpu.vector_store %arg6[%swap3A_3193, %swap3A_3194], %add3A_3192 {strides = array<i32>} : memref<16000x128xf32, #tpu.memory_space<vmem>>, vector<128x128xf32>,
    %get3A_3196 = arith.constant 0 : index
    %get3A_3197 = arith.constant 0 : index
    %get3A_3198 = arith.constant 114 : index
    %get3A_3199 = vector.load %arg1[%get3A_3196, %get3A_3197, %get3A_3198] : memref<1x128x125xf32, #tpu.memory_space<vmem>>, vector<1x128x1xf32>
    %get3A_3200 = vector.shape_cast %get3A_3199 : vector<1x128x1xf32> to vector<128x1xf32>
    %mul3A_3201 = vector.broadcast %get3A_3200 : vector<128x1xf32> to vector<128x64xf32>
    %mul3A_3202 = vector.broadcast %get3A_1 : vector<1x64xf32> to vector<128x64xf32>
    %mul3A_3203 = arith.mulf %mul3A_3201, %mul3A_3202 : vector<128x64xf32>
    %add3A_3204 = vector.broadcast %get3A_4 : vector<1x64xf32> to vector<128x64xf32>
    %add3A_3205 = arith.addf %mul3A_3203, %add3A_3204 : vector<128x64xf32>
    %neg3A_3206 = arith.constant 0.000000e+00 : f32
    %neg3A_3207 = vector.broadcast %neg3A_3206 : f32 to vector<128x64xf32>
    %neg3A_3208 = arith.subf %neg3A_3207, %add3A_3205 : vector<128x64xf32>
    %exp3A_3209 = math.exp %neg3A_3208 : vector<128x64xf32>
    %add3A_3210 = arith.constant 1.000000e+00 : f32
    %add3A_3211 = vector.broadcast %add3A_3210 : f32 to vector<128x64xf32>
    %add3A_3212 = arith.addf %add3A_3211, %exp3A_3209 : vector<128x64xf32>
    %div3A_3213 = arith.constant 1.000000e+00 : f32
    %div3A_3214 = vector.broadcast %div3A_3213 : f32 to vector<128x64xf32>
    %div3A_3215 = arith.divf %div3A_3214, %add3A_3212 : vector<128x64xf32>
    %mul3A_3216 = arith.mulf %add3A_3205, %div3A_3215 : vector<128x64xf32>
    %dot_general3A_3217 = arith.constant dense<0.000000e+00> : vector<128x128xf32>
    %dot_general3A_3218 = tpu.matmul %mul3A_3216, %get3A_7, %dot_general3A_3217 {dimension_numbers = #tpu.dot_dimension_numbers<[1], [0], [0], [1], [0, 0, 1, 1], [], []>, transpose_lhs_hint = false} : vector<128x64xf32>, vector<64x128xf32>, vector<128x128xf32> -> vector<128x128xf32>
    %add3A_3219 = vector.broadcast %get3A_10 : vector<1x128xf32> to vector<128x128xf32>
    %add3A_3220 = arith.addf %dot_general3A_3218, %add3A_3219 : vector<128x128xf32>
    %swap3A_3221 = arith.constant 14592 : index
    %swap3A_3222 = arith.constant 0 : index
    %swap3A_3223 = vector.load %arg6[%swap3A_3221, %swap3A_3222] : memref<16000x128xf32, #tpu.memory_space<vmem>>, vector<128x128xf32>
    tpu.vector_store %arg6[%swap3A_3221, %swap3A_3222], %add3A_3220 {strides = array<i32>} : memref<16000x128xf32, #tpu.memory_space<vmem>>, vector<128x128xf32>,
    %get3A_3224 = arith.constant 0 : index
    %get3A_3225 = arith.constant 0 : index
    %get3A_3226 = arith.constant 115 : index
    %get3A_3227 = vector.load %arg1[%get3A_3224, %get3A_3225, %get3A_3226] : memref<1x128x125xf32, #tpu.memory_space<vmem>>, vector<1x128x1xf32>
    %get3A_3228 = vector.shape_cast %get3A_3227 : vector<1x128x1xf32> to vector<128x1xf32>
    %mul3A_3229 = vector.broadcast %get3A_3228 : vector<128x1xf32> to vector<128x64xf32>
    %mul3A_3230 = vector.broadcast %get3A_1 : vector<1x64xf32> to vector<128x64xf32>
    %mul3A_3231 = arith.mulf %mul3A_3229, %mul3A_3230 : vector<128x64xf32>
    %add3A_3232 = vector.broadcast %get3A_4 : vector<1x64xf32> to vector<128x64xf32>
    %add3A_3233 = arith.addf %mul3A_3231, %add3A_3232 : vector<128x64xf32>
    %neg3A_3234 = arith.constant 0.000000e+00 : f32
    %neg3A_3235 = vector.broadcast %neg3A_3234 : f32 to vector<128x64xf32>
    %neg3A_3236 = arith.subf %neg3A_3235, %add3A_3233 : vector<128x64xf32>
    %exp3A_3237 = math.exp %neg3A_3236 : vector<128x64xf32>
    %add3A_3238 = arith.constant 1.000000e+00 : f32
    %add3A_3239 = vector.broadcast %add3A_3238 : f32 to vector<128x64xf32>
    %add3A_3240 = arith.addf %add3A_3239, %exp3A_3237 : vector<128x64xf32>
    %div3A_3241 = arith.constant 1.000000e+00 : f32
    %div3A_3242 = vector.broadcast %div3A_3241 : f32 to vector<128x64xf32>
    %div3A_3243 = arith.divf %div3A_3242, %add3A_3240 : vector<128x64xf32>
    %mul3A_3244 = arith.mulf %add3A_3233, %div3A_3243 : vector<128x64xf32>
    %dot_general3A_3245 = arith.constant dense<0.000000e+00> : vector<128x128xf32>
    %dot_general3A_3246 = tpu.matmul %mul3A_3244, %get3A_7, %dot_general3A_3245 {dimension_numbers = #tpu.dot_dimension_numbers<[1], [0], [0], [1], [0, 0, 1, 1], [], []>, transpose_lhs_hint = false} : vector<128x64xf32>, vector<64x128xf32>, vector<128x128xf32> -> vector<128x128xf32>
    %add3A_3247 = vector.broadcast %get3A_10 : vector<1x128xf32> to vector<128x128xf32>
    %add3A_3248 = arith.addf %dot_general3A_3246, %add3A_3247 : vector<128x128xf32>
    %swap3A_3249 = arith.constant 14720 : index
    %swap3A_3250 = arith.constant 0 : index
    %swap3A_3251 = vector.load %arg6[%swap3A_3249, %swap3A_3250] : memref<16000x128xf32, #tpu.memory_space<vmem>>, vector<128x128xf32>
    tpu.vector_store %arg6[%swap3A_3249, %swap3A_3250], %add3A_3248 {strides = array<i32>} : memref<16000x128xf32, #tpu.memory_space<vmem>>, vector<128x128xf32>,
    %get3A_3252 = arith.constant 0 : index
    %get3A_3253 = arith.constant 0 : index
    %get3A_3254 = arith.constant 116 : index
    %get3A_3255 = vector.load %arg1[%get3A_3252, %get3A_3253, %get3A_3254] : memref<1x128x125xf32, #tpu.memory_space<vmem>>, vector<1x128x1xf32>
    %get3A_3256 = vector.shape_cast %get3A_3255 : vector<1x128x1xf32> to vector<128x1xf32>
    %mul3A_3257 = vector.broadcast %get3A_3256 : vector<128x1xf32> to vector<128x64xf32>
    %mul3A_3258 = vector.broadcast %get3A_1 : vector<1x64xf32> to vector<128x64xf32>
    %mul3A_3259 = arith.mulf %mul3A_3257, %mul3A_3258 : vector<128x64xf32>
    %add3A_3260 = vector.broadcast %get3A_4 : vector<1x64xf32> to vector<128x64xf32>
    %add3A_3261 = arith.addf %mul3A_3259, %add3A_3260 : vector<128x64xf32>
    %neg3A_3262 = arith.constant 0.000000e+00 : f32
    %neg3A_3263 = vector.broadcast %neg3A_3262 : f32 to vector<128x64xf32>
    %neg3A_3264 = arith.subf %neg3A_3263, %add3A_3261 : vector<128x64xf32>
    %exp3A_3265 = math.exp %neg3A_3264 : vector<128x64xf32>
    %add3A_3266 = arith.constant 1.000000e+00 : f32
    %add3A_3267 = vector.broadcast %add3A_3266 : f32 to vector<128x64xf32>
    %add3A_3268 = arith.addf %add3A_3267, %exp3A_3265 : vector<128x64xf32>
    %div3A_3269 = arith.constant 1.000000e+00 : f32
    %div3A_3270 = vector.broadcast %div3A_3269 : f32 to vector<128x64xf32>
    %div3A_3271 = arith.divf %div3A_3270, %add3A_3268 : vector<128x64xf32>
    %mul3A_3272 = arith.mulf %add3A_3261, %div3A_3271 : vector<128x64xf32>
    %dot_general3A_3273 = arith.constant dense<0.000000e+00> : vector<128x128xf32>
    %dot_general3A_3274 = tpu.matmul %mul3A_3272, %get3A_7, %dot_general3A_3273 {dimension_numbers = #tpu.dot_dimension_numbers<[1], [0], [0], [1], [0, 0, 1, 1], [], []>, transpose_lhs_hint = false} : vector<128x64xf32>, vector<64x128xf32>, vector<128x128xf32> -> vector<128x128xf32>
    %add3A_3275 = vector.broadcast %get3A_10 : vector<1x128xf32> to vector<128x128xf32>
    %add3A_3276 = arith.addf %dot_general3A_3274, %add3A_3275 : vector<128x128xf32>
    %swap3A_3277 = arith.constant 14848 : index
    %swap3A_3278 = arith.constant 0 : index
    %swap3A_3279 = vector.load %arg6[%swap3A_3277, %swap3A_3278] : memref<16000x128xf32, #tpu.memory_space<vmem>>, vector<128x128xf32>
    tpu.vector_store %arg6[%swap3A_3277, %swap3A_3278], %add3A_3276 {strides = array<i32>} : memref<16000x128xf32, #tpu.memory_space<vmem>>, vector<128x128xf32>,
    %get3A_3280 = arith.constant 0 : index
    %get3A_3281 = arith.constant 0 : index
    %get3A_3282 = arith.constant 117 : index
    %get3A_3283 = vector.load %arg1[%get3A_3280, %get3A_3281, %get3A_3282] : memref<1x128x125xf32, #tpu.memory_space<vmem>>, vector<1x128x1xf32>
    %get3A_3284 = vector.shape_cast %get3A_3283 : vector<1x128x1xf32> to vector<128x1xf32>
    %mul3A_3285 = vector.broadcast %get3A_3284 : vector<128x1xf32> to vector<128x64xf32>
    %mul3A_3286 = vector.broadcast %get3A_1 : vector<1x64xf32> to vector<128x64xf32>
    %mul3A_3287 = arith.mulf %mul3A_3285, %mul3A_3286 : vector<128x64xf32>
    %add3A_3288 = vector.broadcast %get3A_4 : vector<1x64xf32> to vector<128x64xf32>
    %add3A_3289 = arith.addf %mul3A_3287, %add3A_3288 : vector<128x64xf32>
    %neg3A_3290 = arith.constant 0.000000e+00 : f32
    %neg3A_3291 = vector.broadcast %neg3A_3290 : f32 to vector<128x64xf32>
    %neg3A_3292 = arith.subf %neg3A_3291, %add3A_3289 : vector<128x64xf32>
    %exp3A_3293 = math.exp %neg3A_3292 : vector<128x64xf32>
    %add3A_3294 = arith.constant 1.000000e+00 : f32
    %add3A_3295 = vector.broadcast %add3A_3294 : f32 to vector<128x64xf32>
    %add3A_3296 = arith.addf %add3A_3295, %exp3A_3293 : vector<128x64xf32>
    %div3A_3297 = arith.constant 1.000000e+00 : f32
    %div3A_3298 = vector.broadcast %div3A_3297 : f32 to vector<128x64xf32>
    %div3A_3299 = arith.divf %div3A_3298, %add3A_3296 : vector<128x64xf32>
    %mul3A_3300 = arith.mulf %add3A_3289, %div3A_3299 : vector<128x64xf32>
    %dot_general3A_3301 = arith.constant dense<0.000000e+00> : vector<128x128xf32>
    %dot_general3A_3302 = tpu.matmul %mul3A_3300, %get3A_7, %dot_general3A_3301 {dimension_numbers = #tpu.dot_dimension_numbers<[1], [0], [0], [1], [0, 0, 1, 1], [], []>, transpose_lhs_hint = false} : vector<128x64xf32>, vector<64x128xf32>, vector<128x128xf32> -> vector<128x128xf32>
    %add3A_3303 = vector.broadcast %get3A_10 : vector<1x128xf32> to vector<128x128xf32>
    %add3A_3304 = arith.addf %dot_general3A_3302, %add3A_3303 : vector<128x128xf32>
    %swap3A_3305 = arith.constant 14976 : index
    %swap3A_3306 = arith.constant 0 : index
    %swap3A_3307 = vector.load %arg6[%swap3A_3305, %swap3A_3306] : memref<16000x128xf32, #tpu.memory_space<vmem>>, vector<128x128xf32>
    tpu.vector_store %arg6[%swap3A_3305, %swap3A_3306], %add3A_3304 {strides = array<i32>} : memref<16000x128xf32, #tpu.memory_space<vmem>>, vector<128x128xf32>,
    %get3A_3308 = arith.constant 0 : index
    %get3A_3309 = arith.constant 0 : index
    %get3A_3310 = arith.constant 118 : index
    %get3A_3311 = vector.load %arg1[%get3A_3308, %get3A_3309, %get3A_3310] : memref<1x128x125xf32, #tpu.memory_space<vmem>>, vector<1x128x1xf32>
    %get3A_3312 = vector.shape_cast %get3A_3311 : vector<1x128x1xf32> to vector<128x1xf32>
    %mul3A_3313 = vector.broadcast %get3A_3312 : vector<128x1xf32> to vector<128x64xf32>
    %mul3A_3314 = vector.broadcast %get3A_1 : vector<1x64xf32> to vector<128x64xf32>
    %mul3A_3315 = arith.mulf %mul3A_3313, %mul3A_3314 : vector<128x64xf32>
    %add3A_3316 = vector.broadcast %get3A_4 : vector<1x64xf32> to vector<128x64xf32>
    %add3A_3317 = arith.addf %mul3A_3315, %add3A_3316 : vector<128x64xf32>
    %neg3A_3318 = arith.constant 0.000000e+00 : f32
    %neg3A_3319 = vector.broadcast %neg3A_3318 : f32 to vector<128x64xf32>
    %neg3A_3320 = arith.subf %neg3A_3319, %add3A_3317 : vector<128x64xf32>
    %exp3A_3321 = math.exp %neg3A_3320 : vector<128x64xf32>
    %add3A_3322 = arith.constant 1.000000e+00 : f32
    %add3A_3323 = vector.broadcast %add3A_3322 : f32 to vector<128x64xf32>
    %add3A_3324 = arith.addf %add3A_3323, %exp3A_3321 : vector<128x64xf32>
    %div3A_3325 = arith.constant 1.000000e+00 : f32
    %div3A_3326 = vector.broadcast %div3A_3325 : f32 to vector<128x64xf32>
    %div3A_3327 = arith.divf %div3A_3326, %add3A_3324 : vector<128x64xf32>
    %mul3A_3328 = arith.mulf %add3A_3317, %div3A_3327 : vector<128x64xf32>
    %dot_general3A_3329 = arith.constant dense<0.000000e+00> : vector<128x128xf32>
    %dot_general3A_3330 = tpu.matmul %mul3A_3328, %get3A_7, %dot_general3A_3329 {dimension_numbers = #tpu.dot_dimension_numbers<[1], [0], [0], [1], [0, 0, 1, 1], [], []>, transpose_lhs_hint = false} : vector<128x64xf32>, vector<64x128xf32>, vector<128x128xf32> -> vector<128x128xf32>
    %add3A_3331 = vector.broadcast %get3A_10 : vector<1x128xf32> to vector<128x128xf32>
    %add3A_3332 = arith.addf %dot_general3A_3330, %add3A_3331 : vector<128x128xf32>
    %swap3A_3333 = arith.constant 15104 : index
    %swap3A_3334 = arith.constant 0 : index
    %swap3A_3335 = vector.load %arg6[%swap3A_3333, %swap3A_3334] : memref<16000x128xf32, #tpu.memory_space<vmem>>, vector<128x128xf32>
    tpu.vector_store %arg6[%swap3A_3333, %swap3A_3334], %add3A_3332 {strides = array<i32>} : memref<16000x128xf32, #tpu.memory_space<vmem>>, vector<128x128xf32>,
    %get3A_3336 = arith.constant 0 : index
    %get3A_3337 = arith.constant 0 : index
    %get3A_3338 = arith.constant 119 : index
    %get3A_3339 = vector.load %arg1[%get3A_3336, %get3A_3337, %get3A_3338] : memref<1x128x125xf32, #tpu.memory_space<vmem>>, vector<1x128x1xf32>
    %get3A_3340 = vector.shape_cast %get3A_3339 : vector<1x128x1xf32> to vector<128x1xf32>
    %mul3A_3341 = vector.broadcast %get3A_3340 : vector<128x1xf32> to vector<128x64xf32>
    %mul3A_3342 = vector.broadcast %get3A_1 : vector<1x64xf32> to vector<128x64xf32>
    %mul3A_3343 = arith.mulf %mul3A_3341, %mul3A_3342 : vector<128x64xf32>
    %add3A_3344 = vector.broadcast %get3A_4 : vector<1x64xf32> to vector<128x64xf32>
    %add3A_3345 = arith.addf %mul3A_3343, %add3A_3344 : vector<128x64xf32>
    %neg3A_3346 = arith.constant 0.000000e+00 : f32
    %neg3A_3347 = vector.broadcast %neg3A_3346 : f32 to vector<128x64xf32>
    %neg3A_3348 = arith.subf %neg3A_3347, %add3A_3345 : vector<128x64xf32>
    %exp3A_3349 = math.exp %neg3A_3348 : vector<128x64xf32>
    %add3A_3350 = arith.constant 1.000000e+00 : f32
    %add3A_3351 = vector.broadcast %add3A_3350 : f32 to vector<128x64xf32>
    %add3A_3352 = arith.addf %add3A_3351, %exp3A_3349 : vector<128x64xf32>
    %div3A_3353 = arith.constant 1.000000e+00 : f32
    %div3A_3354 = vector.broadcast %div3A_3353 : f32 to vector<128x64xf32>
    %div3A_3355 = arith.divf %div3A_3354, %add3A_3352 : vector<128x64xf32>
    %mul3A_3356 = arith.mulf %add3A_3345, %div3A_3355 : vector<128x64xf32>
    %dot_general3A_3357 = arith.constant dense<0.000000e+00> : vector<128x128xf32>
    %dot_general3A_3358 = tpu.matmul %mul3A_3356, %get3A_7, %dot_general3A_3357 {dimension_numbers = #tpu.dot_dimension_numbers<[1], [0], [0], [1], [0, 0, 1, 1], [], []>, transpose_lhs_hint = false} : vector<128x64xf32>, vector<64x128xf32>, vector<128x128xf32> -> vector<128x128xf32>
    %add3A_3359 = vector.broadcast %get3A_10 : vector<1x128xf32> to vector<128x128xf32>
    %add3A_3360 = arith.addf %dot_general3A_3358, %add3A_3359 : vector<128x128xf32>
    %swap3A_3361 = arith.constant 15232 : index
    %swap3A_3362 = arith.constant 0 : index
    %swap3A_3363 = vector.load %arg6[%swap3A_3361, %swap3A_3362] : memref<16000x128xf32, #tpu.memory_space<vmem>>, vector<128x128xf32>
    tpu.vector_store %arg6[%swap3A_3361, %swap3A_3362], %add3A_3360 {strides = array<i32>} : memref<16000x128xf32, #tpu.memory_space<vmem>>, vector<128x128xf32>,
    %get3A_3364 = arith.constant 0 : index
    %get3A_3365 = arith.constant 0 : index
    %get3A_3366 = arith.constant 120 : index
    %get3A_3367 = vector.load %arg1[%get3A_3364, %get3A_3365, %get3A_3366] : memref<1x128x125xf32, #tpu.memory_space<vmem>>, vector<1x128x1xf32>
    %get3A_3368 = vector.shape_cast %get3A_3367 : vector<1x128x1xf32> to vector<128x1xf32>
    %mul3A_3369 = vector.broadcast %get3A_3368 : vector<128x1xf32> to vector<128x64xf32>
    %mul3A_3370 = vector.broadcast %get3A_1 : vector<1x64xf32> to vector<128x64xf32>
    %mul3A_3371 = arith.mulf %mul3A_3369, %mul3A_3370 : vector<128x64xf32>
    %add3A_3372 = vector.broadcast %get3A_4 : vector<1x64xf32> to vector<128x64xf32>
    %add3A_3373 = arith.addf %mul3A_3371, %add3A_3372 : vector<128x64xf32>
    %neg3A_3374 = arith.constant 0.000000e+00 : f32
    %neg3A_3375 = vector.broadcast %neg3A_3374 : f32 to vector<128x64xf32>
    %neg3A_3376 = arith.subf %neg3A_3375, %add3A_3373 : vector<128x64xf32>
    %exp3A_3377 = math.exp %neg3A_3376 : vector<128x64xf32>
    %add3A_3378 = arith.constant 1.000000e+00 : f32
    %add3A_3379 = vector.broadcast %add3A_3378 : f32 to vector<128x64xf32>
    %add3A_3380 = arith.addf %add3A_3379, %exp3A_3377 : vector<128x64xf32>
    %div3A_3381 = arith.constant 1.000000e+00 : f32
    %div3A_3382 = vector.broadcast %div3A_3381 : f32 to vector<128x64xf32>
    %div3A_3383 = arith.divf %div3A_3382, %add3A_3380 : vector<128x64xf32>
    %mul3A_3384 = arith.mulf %add3A_3373, %div3A_3383 : vector<128x64xf32>
    %dot_general3A_3385 = arith.constant dense<0.000000e+00> : vector<128x128xf32>
    %dot_general3A_3386 = tpu.matmul %mul3A_3384, %get3A_7, %dot_general3A_3385 {dimension_numbers = #tpu.dot_dimension_numbers<[1], [0], [0], [1], [0, 0, 1, 1], [], []>, transpose_lhs_hint = false} : vector<128x64xf32>, vector<64x128xf32>, vector<128x128xf32> -> vector<128x128xf32>
    %add3A_3387 = vector.broadcast %get3A_10 : vector<1x128xf32> to vector<128x128xf32>
    %add3A_3388 = arith.addf %dot_general3A_3386, %add3A_3387 : vector<128x128xf32>
    %swap3A_3389 = arith.constant 15360 : index
    %swap3A_3390 = arith.constant 0 : index
    %swap3A_3391 = vector.load %arg6[%swap3A_3389, %swap3A_3390] : memref<16000x128xf32, #tpu.memory_space<vmem>>, vector<128x128xf32>
    tpu.vector_store %arg6[%swap3A_3389, %swap3A_3390], %add3A_3388 {strides = array<i32>} : memref<16000x128xf32, #tpu.memory_space<vmem>>, vector<128x128xf32>,
    %get3A_3392 = arith.constant 0 : index
    %get3A_3393 = arith.constant 0 : index
    %get3A_3394 = arith.constant 121 : index
    %get3A_3395 = vector.load %arg1[%get3A_3392, %get3A_3393, %get3A_3394] : memref<1x128x125xf32, #tpu.memory_space<vmem>>, vector<1x128x1xf32>
    %get3A_3396 = vector.shape_cast %get3A_3395 : vector<1x128x1xf32> to vector<128x1xf32>
    %mul3A_3397 = vector.broadcast %get3A_3396 : vector<128x1xf32> to vector<128x64xf32>
    %mul3A_3398 = vector.broadcast %get3A_1 : vector<1x64xf32> to vector<128x64xf32>
    %mul3A_3399 = arith.mulf %mul3A_3397, %mul3A_3398 : vector<128x64xf32>
    %add3A_3400 = vector.broadcast %get3A_4 : vector<1x64xf32> to vector<128x64xf32>
    %add3A_3401 = arith.addf %mul3A_3399, %add3A_3400 : vector<128x64xf32>
    %neg3A_3402 = arith.constant 0.000000e+00 : f32
    %neg3A_3403 = vector.broadcast %neg3A_3402 : f32 to vector<128x64xf32>
    %neg3A_3404 = arith.subf %neg3A_3403, %add3A_3401 : vector<128x64xf32>
    %exp3A_3405 = math.exp %neg3A_3404 : vector<128x64xf32>
    %add3A_3406 = arith.constant 1.000000e+00 : f32
    %add3A_3407 = vector.broadcast %add3A_3406 : f32 to vector<128x64xf32>
    %add3A_3408 = arith.addf %add3A_3407, %exp3A_3405 : vector<128x64xf32>
    %div3A_3409 = arith.constant 1.000000e+00 : f32
    %div3A_3410 = vector.broadcast %div3A_3409 : f32 to vector<128x64xf32>
    %div3A_3411 = arith.divf %div3A_3410, %add3A_3408 : vector<128x64xf32>
    %mul3A_3412 = arith.mulf %add3A_3401, %div3A_3411 : vector<128x64xf32>
    %dot_general3A_3413 = arith.constant dense<0.000000e+00> : vector<128x128xf32>
    %dot_general3A_3414 = tpu.matmul %mul3A_3412, %get3A_7, %dot_general3A_3413 {dimension_numbers = #tpu.dot_dimension_numbers<[1], [0], [0], [1], [0, 0, 1, 1], [], []>, transpose_lhs_hint = false} : vector<128x64xf32>, vector<64x128xf32>, vector<128x128xf32> -> vector<128x128xf32>
    %add3A_3415 = vector.broadcast %get3A_10 : vector<1x128xf32> to vector<128x128xf32>
    %add3A_3416 = arith.addf %dot_general3A_3414, %add3A_3415 : vector<128x128xf32>
    %swap3A_3417 = arith.constant 15488 : index
    %swap3A_3418 = arith.constant 0 : index
    %swap3A_3419 = vector.load %arg6[%swap3A_3417, %swap3A_3418] : memref<16000x128xf32, #tpu.memory_space<vmem>>, vector<128x128xf32>
    tpu.vector_store %arg6[%swap3A_3417, %swap3A_3418], %add3A_3416 {strides = array<i32>} : memref<16000x128xf32, #tpu.memory_space<vmem>>, vector<128x128xf32>,
    %get3A_3420 = arith.constant 0 : index
    %get3A_3421 = arith.constant 0 : index
    %get3A_3422 = arith.constant 122 : index
    %get3A_3423 = vector.load %arg1[%get3A_3420, %get3A_3421, %get3A_3422] : memref<1x128x125xf32, #tpu.memory_space<vmem>>, vector<1x128x1xf32>
    %get3A_3424 = vector.shape_cast %get3A_3423 : vector<1x128x1xf32> to vector<128x1xf32>
    %mul3A_3425 = vector.broadcast %get3A_3424 : vector<128x1xf32> to vector<128x64xf32>
    %mul3A_3426 = vector.broadcast %get3A_1 : vector<1x64xf32> to vector<128x64xf32>
    %mul3A_3427 = arith.mulf %mul3A_3425, %mul3A_3426 : vector<128x64xf32>
    %add3A_3428 = vector.broadcast %get3A_4 : vector<1x64xf32> to vector<128x64xf32>
    %add3A_3429 = arith.addf %mul3A_3427, %add3A_3428 : vector<128x64xf32>
    %neg3A_3430 = arith.constant 0.000000e+00 : f32
    %neg3A_3431 = vector.broadcast %neg3A_3430 : f32 to vector<128x64xf32>
    %neg3A_3432 = arith.subf %neg3A_3431, %add3A_3429 : vector<128x64xf32>
    %exp3A_3433 = math.exp %neg3A_3432 : vector<128x64xf32>
    %add3A_3434 = arith.constant 1.000000e+00 : f32
    %add3A_3435 = vector.broadcast %add3A_3434 : f32 to vector<128x64xf32>
    %add3A_3436 = arith.addf %add3A_3435, %exp3A_3433 : vector<128x64xf32>
    %div3A_3437 = arith.constant 1.000000e+00 : f32
    %div3A_3438 = vector.broadcast %div3A_3437 : f32 to vector<128x64xf32>
    %div3A_3439 = arith.divf %div3A_3438, %add3A_3436 : vector<128x64xf32>
    %mul3A_3440 = arith.mulf %add3A_3429, %div3A_3439 : vector<128x64xf32>
    %dot_general3A_3441 = arith.constant dense<0.000000e+00> : vector<128x128xf32>
    %dot_general3A_3442 = tpu.matmul %mul3A_3440, %get3A_7, %dot_general3A_3441 {dimension_numbers = #tpu.dot_dimension_numbers<[1], [0], [0], [1], [0, 0, 1, 1], [], []>, transpose_lhs_hint = false} : vector<128x64xf32>, vector<64x128xf32>, vector<128x128xf32> -> vector<128x128xf32>
    %add3A_3443 = vector.broadcast %get3A_10 : vector<1x128xf32> to vector<128x128xf32>
    %add3A_3444 = arith.addf %dot_general3A_3442, %add3A_3443 : vector<128x128xf32>
    %swap3A_3445 = arith.constant 15616 : index
    %swap3A_3446 = arith.constant 0 : index
    %swap3A_3447 = vector.load %arg6[%swap3A_3445, %swap3A_3446] : memref<16000x128xf32, #tpu.memory_space<vmem>>, vector<128x128xf32>
    tpu.vector_store %arg6[%swap3A_3445, %swap3A_3446], %add3A_3444 {strides = array<i32>} : memref<16000x128xf32, #tpu.memory_space<vmem>>, vector<128x128xf32>,
    %get3A_3448 = arith.constant 0 : index
    %get3A_3449 = arith.constant 0 : index
    %get3A_3450 = arith.constant 123 : index
    %get3A_3451 = vector.load %arg1[%get3A_3448, %get3A_3449, %get3A_3450] : memref<1x128x125xf32, #tpu.memory_space<vmem>>, vector<1x128x1xf32>
    %get3A_3452 = vector.shape_cast %get3A_3451 : vector<1x128x1xf32> to vector<128x1xf32>
    %mul3A_3453 = vector.broadcast %get3A_3452 : vector<128x1xf32> to vector<128x64xf32>
    %mul3A_3454 = vector.broadcast %get3A_1 : vector<1x64xf32> to vector<128x64xf32>
    %mul3A_3455 = arith.mulf %mul3A_3453, %mul3A_3454 : vector<128x64xf32>
    %add3A_3456 = vector.broadcast %get3A_4 : vector<1x64xf32> to vector<128x64xf32>
    %add3A_3457 = arith.addf %mul3A_3455, %add3A_3456 : vector<128x64xf32>
    %neg3A_3458 = arith.constant 0.000000e+00 : f32
    %neg3A_3459 = vector.broadcast %neg3A_3458 : f32 to vector<128x64xf32>
    %neg3A_3460 = arith.subf %neg3A_3459, %add3A_3457 : vector<128x64xf32>
    %exp3A_3461 = math.exp %neg3A_3460 : vector<128x64xf32>
    %add3A_3462 = arith.constant 1.000000e+00 : f32
    %add3A_3463 = vector.broadcast %add3A_3462 : f32 to vector<128x64xf32>
    %add3A_3464 = arith.addf %add3A_3463, %exp3A_3461 : vector<128x64xf32>
    %div3A_3465 = arith.constant 1.000000e+00 : f32
    %div3A_3466 = vector.broadcast %div3A_3465 : f32 to vector<128x64xf32>
    %div3A_3467 = arith.divf %div3A_3466, %add3A_3464 : vector<128x64xf32>
    %mul3A_3468 = arith.mulf %add3A_3457, %div3A_3467 : vector<128x64xf32>
    %dot_general3A_3469 = arith.constant dense<0.000000e+00> : vector<128x128xf32>
    %dot_general3A_3470 = tpu.matmul %mul3A_3468, %get3A_7, %dot_general3A_3469 {dimension_numbers = #tpu.dot_dimension_numbers<[1], [0], [0], [1], [0, 0, 1, 1], [], []>, transpose_lhs_hint = false} : vector<128x64xf32>, vector<64x128xf32>, vector<128x128xf32> -> vector<128x128xf32>
    %add3A_3471 = vector.broadcast %get3A_10 : vector<1x128xf32> to vector<128x128xf32>
    %add3A_3472 = arith.addf %dot_general3A_3470, %add3A_3471 : vector<128x128xf32>
    %swap3A_3473 = arith.constant 15744 : index
    %swap3A_3474 = arith.constant 0 : index
    %swap3A_3475 = vector.load %arg6[%swap3A_3473, %swap3A_3474] : memref<16000x128xf32, #tpu.memory_space<vmem>>, vector<128x128xf32>
    tpu.vector_store %arg6[%swap3A_3473, %swap3A_3474], %add3A_3472 {strides = array<i32>} : memref<16000x128xf32, #tpu.memory_space<vmem>>, vector<128x128xf32>,
    %get3A_3476 = arith.constant 0 : index
    %get3A_3477 = arith.constant 0 : index
    %get3A_3478 = arith.constant 124 : index
    %get3A_3479 = vector.load %arg1[%get3A_3476, %get3A_3477, %get3A_3478] : memref<1x128x125xf32, #tpu.memory_space<vmem>>, vector<1x128x1xf32>
    %get3A_3480 = vector.shape_cast %get3A_3479 : vector<1x128x1xf32> to vector<128x1xf32>
    %mul3A_3481 = vector.broadcast %get3A_3480 : vector<128x1xf32> to vector<128x64xf32>
    %mul3A_3482 = vector.broadcast %get3A_1 : vector<1x64xf32> to vector<128x64xf32>
    %mul3A_3483 = arith.mulf %mul3A_3481, %mul3A_3482 : vector<128x64xf32>
    %add3A_3484 = vector.broadcast %get3A_4 : vector<1x64xf32> to vector<128x64xf32>
    %add3A_3485 = arith.addf %mul3A_3483, %add3A_3484 : vector<128x64xf32>
    %neg3A_3486 = arith.constant 0.000000e+00 : f32
    %neg3A_3487 = vector.broadcast %neg3A_3486 : f32 to vector<128x64xf32>
    %neg3A_3488 = arith.subf %neg3A_3487, %add3A_3485 : vector<128x64xf32>
    %exp3A_3489 = math.exp %neg3A_3488 : vector<128x64xf32>
    %add3A_3490 = arith.constant 1.000000e+00 : f32
    %add3A_3491 = vector.broadcast %add3A_3490 : f32 to vector<128x64xf32>
    %add3A_3492 = arith.addf %add3A_3491, %exp3A_3489 : vector<128x64xf32>
    %div3A_3493 = arith.constant 1.000000e+00 : f32
    %div3A_3494 = vector.broadcast %div3A_3493 : f32 to vector<128x64xf32>
    %div3A_3495 = arith.divf %div3A_3494, %add3A_3492 : vector<128x64xf32>
    %mul3A_3496 = arith.mulf %add3A_3485, %div3A_3495 : vector<128x64xf32>
    %dot_general3A_3497 = arith.constant dense<0.000000e+00> : vector<128x128xf32>
    %dot_general3A_3498 = tpu.matmul %mul3A_3496, %get3A_7, %dot_general3A_3497 {dimension_numbers = #tpu.dot_dimension_numbers<[1], [0], [0], [1], [0, 0, 1, 1], [], []>, transpose_lhs_hint = false} : vector<128x64xf32>, vector<64x128xf32>, vector<128x128xf32> -> vector<128x128xf32>
    %add3A_3499 = vector.broadcast %get3A_10 : vector<1x128xf32> to vector<128x128xf32>
    %add3A_3500 = arith.addf %dot_general3A_3498, %add3A_3499 : vector<128x128xf32>
    %swap3A_3501 = arith.constant 15872 : index
    %swap3A_3502 = arith.constant 0 : index
    %swap3A_3503 = vector.load %arg6[%swap3A_3501, %swap3A_3502] : memref<16000x128xf32, #tpu.memory_space<vmem>>, vector<128x128xf32>
    tpu.vector_store %arg6[%swap3A_3501, %swap3A_3502], %add3A_3500 {strides = array<i32>} : memref<16000x128xf32, #tpu.memory_space<vmem>>, vector<128x128xf32>,
    return
  }
  func.func @transform_0(%arg0: i32) -> (i32, i32, i32) {
    %c0_i32 = arith.constant 0 : i32
    %c0_i32_0 = arith.constant 0 : i32
    %c0_i32_1 = arith.constant 0 : i32
    return %arg0, %c0_i32, %c0_i32_0 : i32, i32, i32
  }
  func.func @transform_1(%arg0: i32) -> (i32, i32) {
    %c0_i32 = arith.constant 0 : i32
    %c0_i32_0 = arith.constant 0 : i32
    %c0_i32_1 = arith.constant 0 : i32
    return %c0_i32, %c0_i32_0 : i32, i32
  }
  func.func @transform_2(%arg0: i32) -> (i32, i32) {
    %c0_i32 = arith.constant 0 : i32
    %c0_i32_0 = arith.constant 0 : i32
    %c0_i32_1 = arith.constant 0 : i32
    return %c0_i32, %c0_i32_0 : i32, i32
  }
  func.func @transform_3(%arg0: i32) -> (i32, i32) {
    %c0_i32 = arith.constant 0 : i32
    %c0_i32_0 = arith.constant 0 : i32
    %c0_i32_1 = arith.constant 0 : i32
    return %c0_i32, %c0_i32_0 : i32, i32
  }
  func.func @transform_4(%arg0: i32) -> (i32, i32) {
    %c0_i32 = arith.constant 0 : i32
    %c0_i32_0 = arith.constant 0 : i32
    %c0_i32_1 = arith.constant 0 : i32
    return %c0_i32, %c0_i32_0 : i32, i32
  }
  func.func @transform_5(%arg0: i32) -> (i32, i32) {
    %c0_i32 = arith.constant 0 : i32
    %c0_i32_0 = arith.constant 0 : i32
    return %arg0, %c0_i32 : i32, i32
  }
}

</mosaic_0001>

<sc_bundles>
// kernel: kernel.4.cloned.1.call-start
scs
__scs_entry_jumppad:
0x0: {  	(pc) =	sbr.rel $0x88, $3  }
0x1: {  	(tag) =	ssettag $0x0;
	lr =	simm.s32 $0x1  }
0x2: {  	[smem:$0x3F9B] =	sst lr;
	_ =	strace $0xD0000000  }
0x3: {  	_ = 	snop  }
0x4: {  	_ = 	snop  }
0x5: {  	_ = 	snop  }
0x6: {  	_ = 	snop  }
0x7: {  	_ = 	snop  }
__scs_overlays_trampoline_lowered:
0x8: {  	[smem:$0x3FAA] =	sst s0  }
0x9: {  	[smem:$0x3FAB] =	sst s1  }
0xa: {  	[smem:$0x3FAC] =	sst s2  }
0xb: {  	[smem:$0x3FAD] =	sst s3  }
0xc: {  	[smem:$0x3FAE] =	sst s4  }
0xd: {  	[smem:$0x3FAF] =	sst s5  }
0xe: {  	[smem:$0x3FB0] =	sst s6  }
0xf: {  	[smem:$0x3FB1] =	sst s7  }
0x10: {  	[smem:$0x3FB2] =	sst s8  }
0x11: {  	[smem:$0x3FB3] =	sst s9;
	s0 =	simm.s32 @!p0 $0x0  }
0x12: {  	s1 =	sld [smem:$0x3F99];
	s0 =	simm.s32 @p0 $0x1  }
0x13: {  	[smem:$0x3FB4] =	sst s0;
	s0 =	simm.s32 @!p1 $0x0  }
0x14: {  	s2 =	sld [smem:$0x3F98];
	s0 =	simm.s32 @p1 $0x1  }
0x15: {  	[smem:$0x3FB5] =	sst s0;
	s0 =	simm.s32 @!p2 $0x0  }
0x16: {  	s3 =	sld [smem:$0x3FDB];
	s0 =	simm.s32 @p2 $0x1  }
0x17: {  	s4 =	simm.s32 $0x1BF5;
	[smem:$0x3FB7] =	sst s0  }
0x18: {  	s0 =	sld [smem:$0x3F9A];
	_ =	swait.ge [sflag:s4], $0x0  }
0x19: {  	s7 =	sld [smem:$0x3F9B]  }
0x1a: {  	s8 =	sadd.s32 $0xFFFFE003, lr  }
0x1b: {  	s9 =	sadd.s32 $0xFFFFFEF7, lr;
	s5 =	simm.s32 $0xFFFFFFFF;
	p2 =	slt.u32 s8, $0xFFFFF086  }
0x1c: {  	p1 =	slt.u32 s9, $0xF7A;
	s5 =	simm.s32 @!p2 $0x0  }
0x1d: {  	s5 =	simm.s32 @p1 $0x1;
	p0 =	seq.s32 s7, s2  }
0x1e: {  	s7 =	smul.u32 @!p0 $0xF7A, s2;
	p2 =	seq.s32 @!p0 s5, $0x0  }
0x1f: {  	s9 =	smul.u32 $0xF7A, s1;
	s8 =	simm.s32 @!p0 $0x1BF5;
	p2 =	por !p2, p0  }
0x20: {  	[sflag:s8] =	ssyncset.s32 @!p0 $0xFFFFF086;
	s6 =	sadd.s32 @!p0 s3, s7;
	s7 =	simm.s32 @!p0 $0x108  }
0x21: {  	s3 =	sadd.s32 s3, s9;
	s6 =	sadd.s32 @!p0 $0x88, s6;
	s7 =	simm.s32 @p2 $0x1082  }
0x22: {  	[simem:s7], [sflag:s8] =	dma.local @!p0 [hbm:s6], $0xF7A  }
0x23: {  	s9 =	sor.u32 $0xD0000000, s2;
	s6 =	simm.s32 $0x108;
	_ =	swait.ge @!p0 [sflag:s8], $0x0  }
0x24: {  	s3 =	sadd.s32 $0x88, s3;
	s6 =	simm.s32 @!p1 $0x1082;
	[sflag:s4] =	ssyncset.s32 $0xFFFFF086  }
0x25: {  	[simem:s6], [sflag:s4] =	dma.local [hbm:s3], $0xF7A  }
0x26: {  	[smem:$0x3F9B] =	sst s1;
	(tag) =	ssettag s2;
	_ =	strace s9  }
0x27: {  	s1 =	sld [smem:$0x3FAB]  }
0x28: {  	s2 =	sld [smem:$0x3FAC]  }
0x29: {  	s4 =	sld [smem:$0x3FAE]  }
0x2a: {  	p0 =	seq.s32 s5, $0x0;
	s5 =	sld [smem:$0x3FAF]  }
0x2b: {  	s6 =	sld [smem:$0x3FB0]  }
0x2c: {  	s7 =	sld [smem:$0x3FB1]  }
0x2d: {  	s3 =	simm.s32 $0x108;
	s8 =	sld [smem:$0x3FB2]  }
0x2e: {  	s3 =	simm.s32 @!p0 $0x1082;
	s9 =	sld [smem:$0x3FB3]  }
0x2f: {  	lr =	sadd.s32 s0, s3;
	s0 =	sld [smem:$0x3FAA]  }
0x30: {  	s3 =	sld [smem:$0x3FAD]  }
0x31: {  	[smem:$0x3FB6] =	sst s10  }
0x32: {  	s10 =	sld [smem:$0x3FB4];
	_ =	sdelay $0x3  }
0x33: {  	p0 =	seq.s32 s10, $0x1;
	s10 =	sld [smem:$0x3FB6];
	_ =	sdelay $0x3  }
0x34: {  	[smem:$0x3FB6] =	sst s10  }
0x35: {  	s10 =	sld [smem:$0x3FB5];
	_ =	sdelay $0x3  }
0x36: {  	p1 =	seq.s32 s10, $0x1;
	s10 =	sld [smem:$0x3FB6];
	_ =	sdelay $0x3  }
0x37: {  	[smem:$0x3FB6] =	sst s10  }
0x38: {  	s10 =	sld [smem:$0x3FB7]  }
0x39: {  	_ = 	snop;
	(pc) =	sbr.ind lr, $3  }
0x3a: {  	_ = 	snop  }
0x3b: {  	_ = 	snop  }
0x3c: {  	p2 =	seq.s32 s10, $0x1;
	s10 =	sld [smem:$0x3FB6]  }
0x3d: {  	_ =	shalt  }
0x3e: {  	_ =	shalt  }
0x3f: {  	_ =	shalt  }
0x40: {  	_ =	shalt  }
0x41: {  	_ =	shalt  }
0x42: {  	_ =	shalt  }
0x43: {  	_ =	shalt  }
0x44: {  	_ =	shalt  }
0x45: {  	_ =	shalt  }
0x46: {  	_ =	shalt  }
0x47: {  	_ =	shalt  }
0x48: {  	_ =	shalt  }
0x49: {  	_ =	shalt  }
0x4a: {  	_ =	shalt  }
0x4b: {  	_ =	shalt  }
0x4c: {  	_ =	shalt  }
0x4d: {  	_ =	shalt  }
0x4e: {  	_ =	shalt  }
0x4f: {  	_ =	shalt  }
0x50: {  	_ =	shalt  }
0x51: {  	_ =	shalt  }
0x52: {  	_ =	shalt  }
0x53: {  	_ =	shalt  }
0x54: {  	_ =	shalt  }
0x55: {  	_ =	shalt  }
0x56: {  	_ =	shalt  }
0x57: {  	_ =	shalt  }
0x58: {  	_ =	shalt  }
0x59: {  	_ =	shalt  }
0x5a: {  	_ =	shalt  }
0x5b: {  	_ =	shalt  }
0x5c: {  	_ =	shalt  }
0x5d: {  	_ =	shalt  }
0x5e: {  	_ =	shalt  }
0x5f: {  	_ =	shalt  }
0x60: {  	_ =	shalt  }
0x61: {  	_ =	shalt  }
0x62: {  	_ =	shalt  }
0x63: {  	_ =	shalt  }
0x64: {  	_ =	shalt  }
0x65: {  	_ =	shalt  }
0x66: {  	_ =	shalt  }
0x67: {  	_ =	shalt  }
0x68: {  	_ =	shalt  }
0x69: {  	_ =	shalt  }
0x6a: {  	_ =	shalt  }
0x6b: {  	_ =	shalt  }
0x6c: {  	_ =	shalt  }
0x6d: {  	_ =	shalt  }
0x6e: {  	_ =	shalt  }
0x6f: {  	_ =	shalt  }
0x70: {  	_ =	shalt  }
0x71: {  	_ =	shalt  }
0x72: {  	_ =	shalt  }
0x73: {  	_ =	shalt  }
0x74: {  	_ =	shalt  }
0x75: {  	_ =	shalt  }
0x76: {  	_ =	shalt  }
0x77: {  	_ =	shalt  }
0x78: {  	_ =	shalt  }
0x79: {  	_ =	shalt  }
0x7a: {  	_ =	shalt  }
0x7b: {  	_ =	shalt  }
0x7c: {  	_ =	shalt  }
0x7d: {  	_ =	shalt  }
0x7e: {  	_ =	shalt  }
0x7f: {  	_ =	shalt  }
0x80: {  	_ =	shalt  }
0x81: {  	_ =	shalt  }
0x82: {  	_ =	shalt  }
0x83: {  	_ =	shalt  }
0x84: {  	_ =	shalt  }
0x85: {  	_ =	shalt  }
0x86: {  	_ =	shalt  }
0x87: {  	_ =	shalt  }
.Lfunc_end0:
.L_simem_size_0:
called_computation_lowered:
.L_overlay_start_0:
0x88: {  	s2 =	sld [smem:$0x3FD9]  }
0x89: {  	s3 =	sld [smem:$0x3FFE];
	_ =	sdelay $0x1  }
0x8a: {  	s1 =	srdreg.scid  }
0x8b: {  	s0 =	sand.u32 $0x1, s1  }
0x8c: {  	s17 =	sshll.u32 s0, $0xA;
	s2 =	sadd.s32 s3, s2  }
0x8d: {  	s2 =	sadd.s32 s2, s17  }
0x8e: {  	[smem:$0x3FC2] =	sst s2  }
0x8f: {  	_ = 	snop  }
0x90: {  	s2 =	sld [smem:$0x3FD0];
	(tm) =	ssettm $0x1  }
0x91: {  	s18 =	sld [smem:$0x3FFB];
	_ =	sdelay $0x3  }
0x92: {  	_ =	strace s18  }
0x93: {  	s3 =	sld [smem:$0x3FFC];
	_ =	sdelay $0x3  }
0x94: {  	_ =	strace s3  }
0x95: {  	s3 =	sld [smem:$0x3FFD];
	_ =	sdelay $0x3  }
0x96: {  	_ =	strace s3  }
0x97: {  	_ =	strace $0x8FFFFFFF  }
0x98: {  	s19 =	sld [smem:$0x3FDB];
	_ =	sdelay $0x1  }
0x99: {  	s4 =	simm.s32 $_scs_section_size  }
0x9a: {  	s5 =	simm.s32 $_size__tile_overlayer_lowered;
	s6 =	simm.s32 $_tile_overlayer_lowered  }
0x9b: {  	s22 =	simm.s32 $0x1BFF;
	s21 =	sshll.u32 s6, $0x1;
	s3 =	sadd.s32 s4, s19  }
0x9c: {  	s7 =	simm.s32 $0x0;
	s20 =	sshll.u32 s5, $0x1;
	s5 =	sadd.s32 s21, s3  }
0x9d: {  	[timem:s7], [sflag:s22] =	dma.local [hbm:s5], s20  }
0x9e: {  	_ =	swait.ge [sflag:s22], s20  }
0x9f: {  	s4 =	ssub.s32 $0x0, s20;
	[sflag:s22] =	ssyncset.done $0x0  }
0xa0: {  	[sflag:s22] =	ssyncadd.s32 s4;
	_ =	sdelay $0x1  }
0xa1: {  	s23 =	simm.s32 $0x1B8B  }
0xa2: {  	_ =	swait.ge [sflag:s23], $0x1  }
0xa3: {  	[sflag:s23] =	ssyncset.done $0x0  }
0xa4: {  	s25 =	simm.s32 $0x1B8E;
	s24 =	sld [smem:$0x3FFE];
	[sflag:s23] =	ssyncadd.s32 $0xFFFFFFFF  }
0xa5: {  	s26 =	simm.s32 $execute0_lowered;
	[smem:$0x3FD2] =	sst s25  }
0xa6: {  	s5 =	sshll.u32 s26, $0x1;
	_ =	strace $0x80000046;
	[dreg:$0x1] =	wrdreg $0xFFFFFFFF  }
0xa7: {  	s28 =	simm.s32 $_size_execute0_lowered;
	s3 =	sadd.s32 s3, s5;
	[dreg:$0x0] =	wrdreg $0x0  }
0xa8: {  	s5 =	sshll.u32 s28, $0x1;
	[dreg:$0x2] =	wrdreg s3  }
0xa9: {  	[dreg:$0x3] =	wrdreg s5  }
0xaa: {  	[dreg:$0x4] =	wrdreg $0xC0  }
0xab: {  	_ =	task [dreg:s7], $0x5FFFF  }
0xac: {  	[dreg:$0x1] =	wrdreg $0xFFFFFFFF  }
0xad: {  	[dreg:$0x0] =	wrdreg $0x60  }
0xae: {  	[dreg:$0x2] =	wrdreg s2  }
0xaf: {  	[dreg:$0x3] =	wrdreg s24  }
0xb0: {  	[dreg:$0x4] =	wrdreg $0x9  }
0xb1: {  	_ =	task.clear_ibuf [dreg:s7], $0x5FFFF;
	_ =	strace $0x90000046  }
0xb2: {  	s29 =	simm.s32 $0x9;
	_ =	strace $0x80000048  }
0xb3: {  	_ =	swait.ge [sflag:s29], $0x1  }
0xb4: {  	[sflag:s29] =	ssyncadd.s32 $0xFFFFFFFF  }
0xb5: {  	_ =	strace $0x90000048  }
0xb6: {  	_ =	sfence  }
0xb7: {  	s30 =	sld [smem:$0x0];
	_ =	sdelay $0x2  }
0xb8: {  	s31 =	sshll.u32 s1, $0xD;
	s1 =	sshrl.u32 s1, $0x2  }
0xb9: {  	s3 =	sand.u32 $0x4000, s31;
	s1 =	sadd.s32 s1, s30  }
0xba: {  	s0 =	sor.u32 s3, s0;
	s1 =	sshll.u32 s1, $0x11  }
0xbb: {  	s0 =	sor.u32 s1, s0  }
0xbc: {  	s0 =	sadd.s32 $0x8F2B, s0  }
0xbd: {  	[sflag:s0] =	ssyncadd.remote.s32 $0x1  }
0xbe: {  	_ =	sfence.sel $0xFFFF  }
0xbf: {  	[dreg:$0x0] =	wrdreg $0xFFFFFFFF;
	(pc) =	sbr.abs _section_cstart, $3  }
0xc0: {  	[dreg:$0x1] =	wrdreg $0xFFFFFFFF  }
0xc1: {  	_ =	task.clear_ibuf [dreg:s7], $0x2FFFF;
	_ =	strace $0x9FFFFFFF  }
0xc2: {  	(tm) =	ssettm $0x7FFFFFFF  }
0xc3: {  	_ =	shalt  }
tec
execute0_lowered:
.L_overlay_start_1:
0x0: {  	(tag) =	ssettag $0x1  }
0x1: {  	s4 =	rddreg [dreg:$0x0]  }
0x2: {  	s1 =	srdreg.scid;
	s0 =	stileid.u32  }
0x3: {  	s5 =	rddreg [dreg:$0x1];
	s2 =	simm.s32 $0x0;
	s9 =	simm.s32 $0x2710  }
0x4: {  	s10 =	simm.s32 $0x4E20;
	s6 =	sand.u32 $0x1, s1;
	s3 =	sshll.u32 s0, $0x1  }
0x5: {  	s11 =	simm.s32 $0x7530;
	s12 =	simm.s32 $0x0;
	s3 =	sor.u32 s6, s3  }
0x6: {  	[smem:$0x7FF] =	sst s2;
	s6 =	ssub.s32 $0x2, s6;
	s7 =	smul.u32 $0x2710, s3  }
0x7: {  	s1 =	rddreg [dreg:$0x2];
	_ =	strace $0x80000047;
	s30 =	sshrl.u32 s6, $0x1  }
0x8: {  	s3 =	sadd.s32 $0xA00, s5;
	s31 =	ssub.s32 s6, s30;
	s7 =	sshrl.u32 s7, $0x3  }
0x9: {  	s8 =	sadd.s32 s7, s5;
	s4 =	sadd.s32 s4, s7;
	s7 =	smax.u32 s31, $0x1  }
0xa: {  	s5 =	sadd.s32 $0x9C40, s4;
	s6 =	sadd.s32 $0x1000, s8;
	s8 =	simm.s32 $0x1  }
.LBB2_1:
0xb: {  	[tilespmem:s2], [sflag:$0x1] =	stream.linear.gather [hbm4b:s3+s2], $0x2710, $0x38;
	[tilespmem:$0x9C40] =	vst v63  }
0xc: {  	_ =	swait.ge [sflag:s8], $0x2710  }
0xd: {  	[sflag:s8] =	ssyncset.done $0x0  }
0xe: {  	[sflag:s8] =	ssyncadd.s32 $0xFFFFD8F0  }
0xf: {  	[tilespmem:s9], [sflag:$0x1] =	stream.linear.gather [hbm4b:s4+s2], $0x2710, $0x38;
	[tilespmem:$0x9C40] =	vst v63  }
0x10: {  	_ =	swait.ge [sflag:s8], $0x2710  }
0x11: {  	[sflag:s8] =	ssyncset.done $0x0  }
0x12: {  	[sflag:s8] =	ssyncadd.s32 $0xFFFFD8F0  }
0x13: {  	[tilespmem:s10], [sflag:$0x1] =	stream.linear.gather [hbm4b:s5+s2], $0x2710, $0x38;
	[tilespmem:$0x9C40] =	vst v63  }
0x14: {  	_ =	swait.ge [sflag:s8], $0x2710  }
0x15: {  	[sflag:s8] =	ssyncset.done $0x0  }
0x16: {  	s14 =	simm.s32 $0x2790;
	[sflag:s8] =	ssyncadd.s32 $0xFFFFD8F0  }
0x17: {  	s13 =	simm.s32 $0x4EA0;
	v0 =	vld [tilespmem:s14+$0x70]  }
0x18: {  	v1 =	vld [tilespmem:s13+$0x70]  }
0x19: {  	v2 =	vld [tilespmem:s13+$0xFFFFFF80]  }
0x1a: {  	v3 =	vld [tilespmem:s14+$0xFFFFFF90]  }
0x1b: {  	v4 =	vld [tilespmem:s13+$0xFFFFFF90]  }
0x1c: {  	v5 =	vld [tilespmem:s14+$0xFFFFFFA0]  }
0x1d: {  	v6 =	vld [tilespmem:s13+$0xFFFFFFA0]  }
0x1e: {  	v7 =	vld [tilespmem:s14+$0xFFFFFFB0]  }
0x1f: {  	v10 =	vld [tilespmem:s13+$0xFFFFFFB0]  }
0x20: {  	v11 =	vld [tilespmem:s14+$0xFFFFFFC0]  }
0x21: {  	v12 =	vld [tilespmem:s13+$0xFFFFFFC0]  }
0x22: {  	v13 =	vld [tilespmem:s14+$0xFFFFFFD0]  }
0x23: {  	v14 =	vld [tilespmem:s13+$0xFFFFFFD0]  }
0x24: {  	v15 =	vld [tilespmem:s14+$0xFFFFFFE0]  }
0x25: {  	v16 =	vld [tilespmem:s13+$0xFFFFFFE0]  }
0x26: {  	v17 =	vld [tilespmem:s14+$0xFFFFFFF0]  }
0x27: {  	v18 =	vld [tilespmem:s13+$0xFFFFFFF0]  }
0x28: {  	v19 =	vld [tilespmem:s14+$0x0]  }
0x29: {  	v20 =	vld [tilespmem:s13+$0x0]  }
0x2a: {  	v21 =	vld [tilespmem:s14+$0x10]  }
0x2b: {  	v22 =	vld [tilespmem:s13+$0x10]  }
0x2c: {  	v23 =	vld [tilespmem:s14+$0x20]  }
0x2d: {  	v24 =	vld [tilespmem:s13+$0x20]  }
0x2e: {  	v25 =	vld [tilespmem:s14+$0x30]  }
0x2f: {  	v26 =	vld [tilespmem:s13+$0x30]  }
0x30: {  	v27 =	vld [tilespmem:s14+$0x40]  }
0x31: {  	v28 =	vld [tilespmem:s13+$0x40]  }
0x32: {  	v29 =	vld [tilespmem:s14+$0x50]  }
0x33: {  	v30 =	vld [tilespmem:s13+$0x50]  }
0x34: {  	v31 =	vld [tilespmem:s14+$0x60]  }
0x35: {  	v32 =	vld [tilespmem:s13+$0x60]  }
0x36: {  	v33 =	vld [tilespmem:s14+$0xFFFFFF80]  }
0x37: {  	v8 =	vld.idx.msk [tilespmem:v0+s2+$0x0], $0xffff  }
0x38: {  	v9 =	vld.idx.msk [tilespmem:v1+s2+$0x0], $0xffff  }
0x39: {  	v34 =	vld.idx.msk [tilespmem:v2+s2+$0x0], $0xffff  }
0x3a: {  	v35 =	vld.idx.msk [tilespmem:v3+s2+$0x0], $0xffff  }
0x3b: {  	v36 =	vld.idx.msk [tilespmem:v4+s2+$0x0], $0xffff  }
0x3c: {  	v37 =	vld.idx.msk [tilespmem:v5+s2+$0x0], $0xffff  }
0x3d: {  	v38 =	vld.idx.msk [tilespmem:v6+s2+$0x0], $0xffff  }
0x3e: {  	v39 =	vld.idx.msk [tilespmem:v7+s2+$0x0], $0xffff  }
0x3f: {  	v40 =	vld.idx.msk [tilespmem:v10+s2+$0x0], $0xffff  }
0x40: {  	v41 =	vld.idx.msk [tilespmem:v33+s2+$0x0], $0xffff  }
0x41: {  	v42 =	vld.idx.msk [tilespmem:v11+s2+$0x0], $0xffff  }
0x42: {  	v43 =	vld.idx.msk [tilespmem:v12+s2+$0x0], $0xffff  }
0x43: {  	v54 =	vsub.s32 v15, v16;
	v3 =	vsub.s32 v3, v4;
	v4 =	vld.idx.msk [tilespmem:v13+s2+$0x0], $0xffff  }
0x44: {  	v56 =	vsub.s32 v17, v18;
	v57 =	vsub.s32 v19, v20;
	v0 =	vsub.s32 v0, v1;
	v1 =	vld.idx.msk [tilespmem:v14+s2+$0x0], $0xffff  }
0x45: {  	v60 =	vsub.s32 v21, v22;
	v5 =	vsub.s32 v5, v6;
	v6 =	vsub.s32 v7, v10;
	v7 =	vld.idx.msk [tilespmem:v15+s2+$0x0], $0xffff  }
0x46: {  	v10 =	vsub.s32 v13, v14;
	v55 =	vld.idx.msk [tilespmem:v18+s2+$0x0], $0xffff;
	v14 =	vcvt.s32.f32 v56;
	v15 =	vcvt.s32.f32 v57  }
0x47: {  	v58 =	vld.idx.msk [tilespmem:v19+s2+$0x0], $0xffff;
	v18 =	vcvt.s32.f32 v60;
	v3 =	vcvt.s32.f32 v3  }
0x48: {  	v59 =	vld.idx.msk [tilespmem:v20+s2+$0x0], $0xffff;
	v0 =	vcvt.s32.f32 v0;
	v5 =	vcvt.s32.f32 v5  }
0x49: {  	v61 =	vld.idx.msk [tilespmem:v23+s2+$0x0], $0xffff;
	v6 =	vcvt.s32.f32 v6;
	v10 =	vcvt.s32.f32 v10;
	vm0 =	veq.s32 v8, v9  }
0x4a: {  	s14 =	simm.s32 $0x75B0;
	v8 =	vld.idx.msk [tilespmem:v16+s2+$0x0], $0xffff;
	v9 =	vsub.s32 v11, v12;
	v0 =	vnsel vm0, $0x47C35000, v0;
	vm0 =	veq.s32 v35, v36  }
0x4b: {  	v11 =	vld.idx.msk [tilespmem:v17+s2+$0x0], $0xffff;
	[tilespmem:s14+$0x70] =	vst v0;
	v0 =	vsub.s32 v33, v2;
	v2 =	vnsel vm0, $0x47C35000, v3;
	vm0 =	veq.s32 v37, v38  }
0x4c: {  	v3 =	vld.idx.msk [tilespmem:v21+s2+$0x0], $0xffff;
	v0 =	vcvt.s32.f32 v0;
	[tilespmem:s14+$0xFFFFFF90] =	vst v2;
	v2 =	vnsel vm0, $0x47C35000, v5;
	vm0 =	veq.s32 v39, v40  }
0x4d: {  	vm1 =	veq.s32 v41, v34;
	v9 =	vcvt.s32.f32 v9;
	v5 =	vld.idx.msk [tilespmem:v22+s2+$0x0], $0xffff;
	[tilespmem:s14+$0xFFFFFFA0] =	vst v2;
	v2 =	vnsel vm0, $0x47C35000, v6  }
0x4e: {  	v12 =	vcvt.s32.f32 v54;
	vm0 =	veq.s32 v42, v43;
	v0 =	vnsel vm1, $0x47C35000, v0;
	[tilespmem:s14+$0xFFFFFFB0] =	vst v2;
	v2 =	vld.idx.msk [tilespmem:v24+s2+$0x0], $0xffff  }
0x4f: {  	v6 =	vsub.s32 v23, v24;
	[tilespmem:s14+$0xFFFFFF80] =	vst v0;
	v0 =	vnsel vm0, $0x47C35000, v9;
	vm0 =	veq.s32 v4, v1;
	v9 =	vld.idx.msk [tilespmem:v25+s2+$0x0], $0xffff  }
0x50: {  	v62 =	vcvt.s32.f32 v6;
	v4 =	vld.idx.msk [tilespmem:v27+s2+$0x0], $0xffff;
	[tilespmem:s14+$0xFFFFFFC0] =	vst v0;
	v0 =	vnsel vm0, $0x47C35000, v10;
	vm0 =	veq.s32 v7, v8  }
0x51: {  	v1 =	vsub.s32 v25, v26;
	v10 =	vld.idx.msk [tilespmem:v26+s2+$0x0], $0xffff;
	[tilespmem:s14+$0xFFFFFFD0] =	vst v0;
	v6 =	vnsel vm0, $0x47C35000, v12;
	vm0 =	veq.s32 v11, v55  }
0x52: {  	v0 =	vcvt.s32.f32 v1;
	[tilespmem:s14+$0xFFFFFFE0] =	vst v6;
	v1 =	vnsel vm0, $0x47C35000, v14;
	vm0 =	veq.s32 v58, v59;
	v6 =	vld.idx.msk [tilespmem:v28+s2+$0x0], $0xffff  }
0x53: {  	v7 =	vsub.s32 v27, v28;
	[tilespmem:s14+$0xFFFFFFF0] =	vst v1;
	v8 =	vnsel vm0, $0x47C35000, v15;
	vm0 =	veq.s32 v3, v5;
	v5 =	vld.idx.msk [tilespmem:v29+s2+$0x0], $0xffff  }
0x54: {  	v1 =	vcvt.s32.f32 v7;
	v7 =	vld.idx.msk [tilespmem:v31+s2+$0x0], $0xffff;
	[tilespmem:s14+$0x0] =	vst v8;
	v3 =	vnsel vm0, $0x47C35000, v18;
	vm0 =	veq.s32 v61, v2  }
0x55: {  	v11 =	vsub.s32 v31, v32;
	v8 =	vld.idx.msk [tilespmem:v30+s2+$0x0], $0xffff;
	v2 =	vsub.s32 v29, v30;
	[tilespmem:s14+$0x10] =	vst v3;
	v63 =	vnsel vm0, $0x47C35000, v62  }
0x56: {  	s15 =	simm.s32 $0x0;
	s16 =	simm.s32 $0x2890;
	v3 =	vcvt.s32.f32 v2;
	v2 =	vcvt.s32.f32 v11;
	vm0 =	veq.s32 v9, v10;
	v9 =	vld.idx.msk [tilespmem:v32+s2+$0x0], $0xffff;
	[tilespmem:s14+$0x20] =	vst v63  }
.LBB2_2:
0x57: {  	v10 =	vld [tilespmem:s16+$0x70];
	v0 =	vnsel vm0, $0x47C35000, v0;
	s13 =	sadd.s32 $0x100, s13  }
0x58: {  	s15 =	sadd.s32 $0x10, s15;
	vm0 =	veq.s32 v4, v6;
	v11 =	vld [tilespmem:s13+$0x70];
	[tilespmem:s14+$0x30] =	vst v0  }
0x59: {  	p0 =	slt.u32 s15, $0x260;
	v0 =	vnsel vm0, $0x47C35000, v1;
	v4 =	vld [tilespmem:s13+$0xFFFFFF80]  }
0x5a: {  	vm0 =	veq.s32 v5, v8;
	v6 =	vld [tilespmem:s16+$0xFFFFFF90];
	[tilespmem:s14+$0x40] =	vst v0  }
0x5b: {  	v0 =	vnsel vm0, $0x47C35000, v3;
	v5 =	vld [tilespmem:s13+$0xFFFFFF90]  }
0x5c: {  	vm0 =	veq.s32 v7, v9;
	v8 =	vld [tilespmem:s16+$0xFFFFFFA0];
	[tilespmem:s14+$0x50] =	vst v0  }
0x5d: {  	v0 =	vnsel vm0, $0x47C35000, v2;
	v7 =	vld [tilespmem:s13+$0xFFFFFFA0]  }
0x5e: {  	v9 =	vld [tilespmem:s16+$0xFFFFFFB0];
	[tilespmem:s14+$0x60] =	vst v0  }
0x5f: {  	v0 =	vld.idx.msk [tilespmem:v10+s2+$0x0], $0xffff  }
0x60: {  	v1 =	vsub.s32 v6, v5;
	v2 =	vld.idx.msk [tilespmem:v11+s2+$0x0], $0xffff  }
0x61: {  	v12 =	vcvt.s32.f32 v1;
	v13 =	vld [tilespmem:s13+$0xFFFFFFB0]  }
0x62: {  	v1 =	vsub.s32 v8, v7;
	v14 =	vld [tilespmem:s16+$0xFFFFFFC0]  }
0x63: {  	v15 =	vcvt.s32.f32 v1;
	v16 =	vld [tilespmem:s13+$0xFFFFFFC0]  }
0x64: {  	v1 =	vsub.s32 v10, v11;
	v17 =	vld [tilespmem:s16+$0xFFFFFFD0]  }
0x65: {  	v1 =	vcvt.s32.f32 v1;
	v10 =	vld [tilespmem:s13+$0xFFFFFFD0]  }
0x66: {  	vm0 =	veq.s32 v0, v2;
	v3 =	vsub.s32 v9, v13;
	v11 =	vld [tilespmem:s16+$0xFFFFFFE0]  }
0x67: {  	s14 =	sadd.s32 $0x100, s14;
	v0 =	vnsel vm0, $0x47C35000, v1;
	v18 =	vcvt.s32.f32 v3;
	v19 =	vld [tilespmem:s13+$0xFFFFFFE0]  }
0x68: {  	v1 =	vsub.s32 v14, v16;
	v20 =	vld [tilespmem:s16+$0xFFFFFFF0];
	[tilespmem:s14+$0x70] =	vst v0  }
0x69: {  	v21 =	vcvt.s32.f32 v1;
	v22 =	vld [tilespmem:s13+$0xFFFFFFF0]  }
0x6a: {  	v0 =	vsub.s32 v17, v10;
	v23 =	vld [tilespmem:s16+$0x0]  }
0x6b: {  	v24 =	vcvt.s32.f32 v0;
	v25 =	vld [tilespmem:s13+$0x0]  }
0x6c: {  	v0 =	vsub.s32 v11, v19;
	v26 =	vld [tilespmem:s16+$0x10]  }
0x6d: {  	v27 =	vcvt.s32.f32 v0;
	v28 =	vld [tilespmem:s13+$0x10]  }
0x6e: {  	v0 =	vsub.s32 v20, v22;
	v29 =	vld [tilespmem:s16+$0x20]  }
0x6f: {  	v30 =	vcvt.s32.f32 v0;
	v31 =	vld [tilespmem:s13+$0x20]  }
0x70: {  	v0 =	vsub.s32 v23, v25;
	v32 =	vld [tilespmem:s16+$0x30]  }
0x71: {  	v33 =	vcvt.s32.f32 v0;
	v34 =	vld [tilespmem:s13+$0x30]  }
0x72: {  	v0 =	vsub.s32 v26, v28;
	v35 =	vld [tilespmem:s16+$0x40]  }
0x73: {  	v36 =	vcvt.s32.f32 v0;
	v37 =	vld [tilespmem:s13+$0x40]  }
0x74: {  	v0 =	vsub.s32 v29, v31;
	v38 =	vld [tilespmem:s16+$0x50]  }
0x75: {  	v39 =	vcvt.s32.f32 v0;
	v40 =	vld [tilespmem:s13+$0x50]  }
0x76: {  	v0 =	vsub.s32 v32, v34;
	v41 =	vld [tilespmem:s16+$0x60]  }
0x77: {  	v0 =	vcvt.s32.f32 v0;
	v42 =	vld [tilespmem:s13+$0x60]  }
0x78: {  	v43 =	vld [tilespmem:s16+$0xFFFFFF80];
	v1 =	vsub.s32 v35, v37  }
0x79: {  	v44 =	vld.idx.msk [tilespmem:v4+s2+$0x0], $0xffff;
	v1 =	vcvt.s32.f32 v1  }
0x7a: {  	v6 =	vld.idx.msk [tilespmem:v6+s2+$0x0], $0xffff;
	v2 =	vsub.s32 v38, v40  }
0x7b: {  	v5 =	vld.idx.msk [tilespmem:v5+s2+$0x0], $0xffff;
	v3 =	vcvt.s32.f32 v2  }
0x7c: {  	v8 =	vld.idx.msk [tilespmem:v8+s2+$0x0], $0xffff;
	v2 =	vsub.s32 v41, v42  }
0x7d: {  	v4 =	vsub.s32 v43, v4;
	v7 =	vld.idx.msk [tilespmem:v7+s2+$0x0], $0xffff;
	v2 =	vcvt.s32.f32 v2  }
0x7e: {  	v4 =	vcvt.s32.f32 v4;
	v9 =	vld.idx.msk [tilespmem:v9+s2+$0x0], $0xffff  }
0x7f: {  	v13 =	vld.idx.msk [tilespmem:v13+s2+$0x0], $0xffff  }
0x80: {  	v43 =	vld.idx.msk [tilespmem:v43+s2+$0x0], $0xffff  }
0x81: {  	vm0 =	veq.s32 v6, v5;
	v5 =	vld.idx.msk [tilespmem:v14+s2+$0x0], $0xffff  }
0x82: {  	v6 =	vnsel vm0, $0x47C35000, v12;
	v12 =	vld.idx.msk [tilespmem:v16+s2+$0x0], $0xffff  }
0x83: {  	vm0 =	veq.s32 v8, v7;
	[tilespmem:s14+$0xFFFFFF90] =	vst v6;
	v6 =	vld.idx.msk [tilespmem:v17+s2+$0x0], $0xffff  }
0x84: {  	v7 =	vnsel vm0, $0x47C35000, v15;
	v8 =	vld.idx.msk [tilespmem:v10+s2+$0x0], $0xffff  }
0x85: {  	vm0 =	veq.s32 v9, v13;
	[tilespmem:s14+$0xFFFFFFA0] =	vst v7;
	v7 =	vld.idx.msk [tilespmem:v11+s2+$0x0], $0xffff  }
0x86: {  	vm1 =	veq.s32 v43, v44;
	v9 =	vnsel vm0, $0x47C35000, v18;
	v10 =	vld.idx.msk [tilespmem:v19+s2+$0x0], $0xffff  }
0x87: {  	v4 =	vnsel vm1, $0x47C35000, v4;
	[tilespmem:s14+$0xFFFFFFB0] =	vst v9;
	v9 =	vld.idx.msk [tilespmem:v20+s2+$0x0], $0xffff  }
0x88: {  	vm0 =	veq.s32 v5, v12;
	[tilespmem:s14+$0xFFFFFF80] =	vst v4;
	v4 =	vld.idx.msk [tilespmem:v22+s2+$0x0], $0xffff  }
0x89: {  	v5 =	vnsel vm0, $0x47C35000, v21;
	v11 =	vld.idx.msk [tilespmem:v23+s2+$0x0], $0xffff  }
0x8a: {  	vm0 =	veq.s32 v6, v8;
	[tilespmem:s14+$0xFFFFFFC0] =	vst v5;
	v5 =	vld.idx.msk [tilespmem:v25+s2+$0x0], $0xffff  }
0x8b: {  	v6 =	vnsel vm0, $0x47C35000, v24;
	v8 =	vld.idx.msk [tilespmem:v26+s2+$0x0], $0xffff  }
0x8c: {  	vm0 =	veq.s32 v7, v10;
	[tilespmem:s14+$0xFFFFFFD0] =	vst v6;
	v6 =	vld.idx.msk [tilespmem:v28+s2+$0x0], $0xffff  }
0x8d: {  	v7 =	vnsel vm0, $0x47C35000, v27;
	v10 =	vld.idx.msk [tilespmem:v29+s2+$0x0], $0xffff  }
0x8e: {  	vm0 =	veq.s32 v9, v4;
	[tilespmem:s14+$0xFFFFFFE0] =	vst v7;
	v7 =	vld.idx.msk [tilespmem:v31+s2+$0x0], $0xffff  }
0x8f: {  	v4 =	vnsel vm0, $0x47C35000, v30;
	v9 =	vld.idx.msk [tilespmem:v32+s2+$0x0], $0xffff  }
0x90: {  	vm0 =	veq.s32 v11, v5;
	[tilespmem:s14+$0xFFFFFFF0] =	vst v4;
	v11 =	vld.idx.msk [tilespmem:v34+s2+$0x0], $0xffff  }
0x91: {  	v5 =	vnsel vm0, $0x47C35000, v33;
	v4 =	vld.idx.msk [tilespmem:v35+s2+$0x0], $0xffff  }
.Ltmp0:
0x92: {  	vm0 =	veq.s32 v8, v6;
	[tilespmem:s14+$0x0] =	vst v5;
	v6 =	vld.idx.msk [tilespmem:v37+s2+$0x0], $0xffff;
	(pc) =	sbr.rel @p0 .LBB2_2-.Ltmp0, $4  }
0x93: {  	v8 =	vnsel vm0, $0x47C35000, v36;
	v5 =	vld.idx.msk [tilespmem:v38+s2+$0x0], $0xffff  }
0x94: {  	vm0 =	veq.s32 v10, v7;
	[tilespmem:s14+$0x10] =	vst v8;
	v8 =	vld.idx.msk [tilespmem:v40+s2+$0x0], $0xffff  }
0x95: {  	v10 =	vnsel vm0, $0x47C35000, v39;
	v7 =	vld.idx.msk [tilespmem:v41+s2+$0x0], $0xffff  }
0x96: {  	s16 =	sadd.s32 $0x100, s16;
	vm0 =	veq.s32 v9, v11;
	[tilespmem:s14+$0x20] =	vst v10;
	v9 =	vld.idx.msk [tilespmem:v42+s2+$0x0], $0xffff  }
0x97: {  	_ =	sdelay $0x1  }
0x98: {  	v0 =	vnsel vm0, $0x47C35000, v0;
	vm12 =	veq.s32 v4, v6  }
0x99: {  	[tilespmem:s14+$0x30] =	vst v0;
	v58 =	vnsel vm12, $0x47C35000, v1;
	vm13 =	veq.s32 v5, v8  }
0x9a: {  	[tilespmem:s14+$0x40] =	vst v58;
	v59 =	vnsel vm13, $0x47C35000, v3;
	vm14 =	veq.s32 v7, v9  }
0x9b: {  	[tilespmem:s14+$0x50] =	vst v59;
	v60 =	vnsel vm14, $0x47C35000, v2  }
0x9c: {  	[tilespmem:s14+$0x60] =	vst v60  }
0x9d: {  	v0 =	vld [tilespmem:$0x4E10]  }
0x9e: {  	v61 =	vld [tilespmem:$0x7520];
	_ =	sdelay $0x6  }
0x9f: {  	v62 =	vld.idx.msk [tilespmem:v0+s2+$0x0], $0xffff  }
0xa0: {  	v63 =	vld.idx.msk [tilespmem:v61+s2+$0x0], $0xffff;
	_ =	sdelay $0x2  }
0xa1: {  	v0 =	vsub.s32 v0, v61  }
0xa2: {  	v0 =	vcvt.s32.f32 v0  }
0xa3: {  	s12 =	sadd.s32 $0x1, s12;
	vm15 =	veq.s32 v62, v63  }
0xa4: {  	p0 =	sne.s32 s12, s7;
	v0 =	vnsel vm15, $0x47C35000, v0  }
.Ltmp1:
0xa5: {  	[tilespmem:$0x9C30] =	vst v0;
	(pc) =	sbr.rel @p0 .LBB2_1-.Ltmp1, $4  }
0xa6: {  	[hbm4b:s6+s2] =	stream.linear.scatter [tilespmem:s11], [sflag:$0x1], $0x2710, $0x38;
	[tilespmem:$0x9C40] =	vst v63  }
0xa7: {  	_ =	swait.ge [sflag:s8], $0x2710  }
0xa8: {  	[sflag:s8] =	ssyncset.done $0x0  }
0xa9: {  	[sflag:s8] =	ssyncadd.s32 $0xFFFFD8F0  }
0xaa: {  	_ =	sfence.sel $0x180000  }
0xab: {  	[bflag:$0x0] =	sbarrier.arrive $0xFFFF  }
0xac: {  	p0 =	sne.s32 s0, $0x0;
	_ =	strace $0x90000047  }
0xad: {  	s0 =	sadd.s32 @!p0 $0x100000, s1;
	[bflag:$0x2] =	sbarrier.arrive $0xFFFF  }
0xae: {  	[sflag:s0] =	ssyncadd.tile.s32 @!p0 $0x1;
	_ =	shalt  }
.Lfunc_end2:
_tile_overlayer_lowered:
.L_overlay_start_2:
0xaf: {  	(tag) =	ssettag $0x2  }
0xb0: {  	s0 =	rddreg [dreg:$0x0];
	s2 =	stileid.u32  }
0xb1: {  	s1 =	rddreg [dreg:$0x1];
	p0 =	sne.s32 s2, $0x0  }
0xb2: {  	s3 =	rddreg [dreg:$0x2];
	[bflag:$0x3] =	sbarrier.arrive $0xFFFF;
	s2 =	simm.s32 @!p0 $0x1C01  }
0xb3: {  	[timem:s3], [sflag:s2] =	dma.local @!p0 [hbm:s0], s1  }
0xb4: {  	s0 =	simm.s32 @!p0 $0x1  }
0xb5: {  	_ =	swait.ge @!p0 [sflag:s0], s1  }
0xb6: {  	s1 =	ssub.s32 @!p0 $0x0, s1;
	[sflag:s0] =	ssyncset.done @!p0 $0x0  }
0xb7: {  	[sflag:s0] =	ssyncadd.s32 @!p0 s1  }
0xb8: {  	[bflag:$0x3] =	sbarrier.arrive $0xFFFF  }
0xb9: {  	_ =	shalt  }

</sc_bundles>
